<compile_context>
chip_gen: v7x
topology: tpu7x:2x2x1
jax: 0.10.2.dev20260603
libtpu: 0.0.44.dev20260713+nightly
codegen_flags: <defaults>
</compile_context>

<pallas_src>
import functools

import jax
import jax.numpy as jnp
from jax import lax
from jax.experimental import pallas as pl
from jax.experimental.pallas import tpu as pltpu
from jax.experimental.pallas import tpu_sc as plsc

N_R, D = 100000, 128
NC, NS = 2, 16
NW = NC * NS
CH = 128
NCH0 = 36
NCH1 = 14
NCHS = NS * NCH0
NCHT = NS * (NCH0 + NCH1)
N_PAD = NCHT * CH
NB = 7


@functools.lru_cache(maxsize=2)
def _make_gather(nch0, nch1):
    nchs = NS * nch0
    n_pad = NS * (nch0 + nch1) * CH
    mesh = plsc.VectorSubcoreMesh(
        core_axis_name="c", subcore_axis_name="s", num_cores=NC, num_subcores=NS)

    @functools.partial(
        pl.kernel,
        out_type=(jax.ShapeDtypeStruct((n_pad, D), jnp.float32),
                  jax.ShapeDtypeStruct((n_pad, D), jnp.float32)),
        mesh=mesh,
        scratch_types=(
            [pltpu.VMEM((nch0, CH), jnp.int32)] * 2
            + [pltpu.VMEM((CH, D), jnp.float32)] * NB
            + [pltpu.SemaphoreType.DMA] * (2 * NB)
        ),
    )
    def gather_k(tab_u, tab_i, idx_u, idx_i, out_u, out_i, *rest):
        iv_u, iv_i = rest[0], rest[1]
        bufs = rest[2:2 + NB]
        gs = rest[2 + NB:2 + 2 * NB]
        ss = rest[2 + 2 * NB:2 + 3 * NB]
        c = lax.axis_index("c")
        s = lax.axis_index("s")
        wid = c * NS + s
        pltpu.sync_copy(idx_u.at[wid], iv_u)
        pltpu.sync_copy(idx_i.at[wid], iv_i)
        tabs, ivs, outs = (tab_u, tab_i), (iv_u, iv_i), (out_u, out_i)

        def run(nch, base_chunk):
            base = base_chunk * CH
            NT = 2 * nch

            def win(w):
                t, j = w & 1, w >> 1
                return tabs[t], ivs[t], outs[t], pl.multiple_of(base + j * CH, CH)

            gcp, scp = {}, {}
            waited = set()
            for w in range(min(NB - 1, NT)):
                tab, iv, out, row0 = win(w)
                gcp[w] = pltpu.async_copy(
                    tab.at[iv.at[w >> 1]], bufs[w % NB], gs[w % NB])
            for w in range(NT):
                b = w % NB
                tab, iv, out, row0 = win(w)
                gcp[w].wait()
                scp[w] = pltpu.async_copy(bufs[b], out.at[pl.ds(row0, CH)], ss[b])
                nw = w + NB - 1
                if nw < NT:
                    if w >= 1:
                        scp[w - 1].wait()
                        waited.add(w - 1)
                    ntab, niv, nout, _ = win(nw)
                    gcp[nw] = pltpu.async_copy(
                        ntab.at[niv.at[nw >> 1]], bufs[nw % NB], gs[nw % NB])
            for w in range(NT):
                if w not in waited:
                    scp[w].wait()

        @pl.when(c == 0)
        def _():
            run(nch0, s * nch0)

        @pl.when(c == 1)
        def _():
            run(nch1, nchs + s * nch1)

    return gather_k


BR = 800
H_ROWS = N_PAD // 2
H_BLOCKS = H_ROWS // BR
H2_BLOCKS = (N_R - H_ROWS) // BR


def _mm_body(r_ref, u_ref, i_ref, w_ref, o_ref):
    acc = jnp.dot(r_ref[...], w_ref[0:D, :], preferred_element_type=jnp.float32)
    acc += jnp.dot(u_ref[...], w_ref[D:2 * D, :], preferred_element_type=jnp.float32)
    acc += jnp.dot(i_ref[...], w_ref[2 * D:3 * D, :], preferred_element_type=jnp.float32)
    o_ref[...] = jnp.maximum(acc, 0.0)


def _mm_body2(r_ref, u_ref, i_ref, w_ref, prev_ref, o_ref):
    _mm_body(r_ref, u_ref, i_ref, w_ref, o_ref)


def _matmul_relu_h1(review, ru, ri, w):
    return pl.pallas_call(
        _mm_body,
        grid=(H_BLOCKS,),
        in_specs=[
            pl.BlockSpec((BR, D), lambda i: (i, 0)),
            pl.BlockSpec((BR, D), lambda i: (i, 0)),
            pl.BlockSpec((BR, D), lambda i: (i, 0)),
            pl.BlockSpec((3 * D, D), lambda i: (0, 0)),
        ],
        out_specs=pl.BlockSpec((BR, D), lambda i: (i, 0)),
        out_shape=jax.ShapeDtypeStruct((N_R, D), jnp.float32),
    )(review, ru, ri, w)


def _matmul_relu_h2(review, ru, ri, w, prev):
    return pl.pallas_call(
        _mm_body2,
        grid=(H2_BLOCKS,),
        in_specs=[
            pl.BlockSpec((BR, D), lambda i: (i + H_BLOCKS, 0)),
            pl.BlockSpec((BR, D), lambda i: (i, 0)),
            pl.BlockSpec((BR, D), lambda i: (i, 0)),
            pl.BlockSpec((3 * D, D), lambda i: (0, 0)),
            pl.BlockSpec(memory_space=pl.ANY),
        ],
        out_specs=pl.BlockSpec((BR, D), lambda i: (i + H_BLOCKS, 0)),
        out_shape=jax.ShapeDtypeStruct((N_R, D), jnp.float32),
        input_output_aliases={4: 0},
    )(review, ru, ri, w, prev)


def kernel(review_vecs, user_vecs, item_vecs, review_item_adj, review_user_adj, con_agg_weights):
    perm_i = jax.random.permutation(jax.random.key(1), D)
    perm_u = jax.random.permutation(jax.random.key(2), D)
    wr = con_agg_weights[:D]
    wu = con_agg_weights[D:2 * D][jnp.argsort(perm_u)]
    wi = con_agg_weights[2 * D:][jnp.argsort(perm_i)]
    w = jnp.concatenate([wr, wu, wi], axis=0)

    h1_split = (18, 7)
    h2_split = (18, 7)
    ncht_h = 400

    def pad_idx(a):
        f = jnp.zeros((N_PAD,), jnp.int32).at[:N_R].set(a).reshape(NCHT, CH)

        def half(fh, nch0, nch1):
            nchs = NS * nch0
            big = jnp.zeros((NW, nch0, CH), jnp.int32)
            big = big.at[:NS].set(fh[:nchs].reshape(NS, nch0, CH))
            big = big.at[NS:, :nch1].set(fh[nchs:].reshape(NS, nch1, CH))
            return big

        return (half(f[:ncht_h], *h1_split), half(f[ncht_h:], *h2_split))

    iu1, iu2 = pad_idx(review_user_adj)
    ii1, ii2 = pad_idx(review_item_adj)
    ru1, ri1 = _make_gather(*h1_split)(user_vecs, item_vecs, iu1, ii1)
    ru2, ri2 = _make_gather(*h2_split)(user_vecs, item_vecs, iu2, ii2)
    out = _matmul_relu_h1(review_vecs, ru1, ri1, w)
    return _matmul_relu_h2(review_vecs, ru2, ri2, w, out)

# --- scband reference (transcript-rebuilt; emitter-appended) ---
"""Pipeline reference for scband-concatenation-aggregator-65575560675685 (READ-ONLY COPY).

The authoritative reference and input builder live on the scoring server;
editing this copy changes nothing except your own understanding.
"""

import jax, jax.numpy as jnp
import numpy as np

N_R, N_U, N_I, D, OUT_DIM = 100000, 100000, 100000, 128, 128


def setup_inputs(seed: int = 0) -> dict:
    key = jax.random.key(seed)
    ks = jax.random.split(key, 6)
    review_vecs = jax.random.normal(ks[0], (N_R, D), dtype=jnp.float32)
    user_vecs = jax.random.normal(ks[1], (N_U, D), dtype=jnp.float32)
    item_vecs = jax.random.normal(ks[2], (N_I, D), dtype=jnp.float32)
    review_item_adj = jax.random.randint(ks[3], (N_R,), 0, N_I, dtype=jnp.int32)
    review_user_adj = jax.random.randint(ks[4], (N_R,), 0, N_U, dtype=jnp.int32)
    # glorot init for con_agg_weights [input_dim=3*D, output_dim]
    in_dim = 3 * D
    lim = np.sqrt(6.0 / (in_dim + OUT_DIM))
    con_agg_weights = jax.random.uniform(ks[5], (in_dim, OUT_DIM), minval=-lim, maxval=lim, dtype=jnp.float32)
    return {
        'review_vecs': review_vecs,
        'user_vecs': user_vecs,
        'item_vecs': item_vecs,
        'review_item_adj': review_item_adj,
        'review_user_adj': review_user_adj,
        'con_agg_weights': con_agg_weights,
    }


def reference(review_vecs, user_vecs, item_vecs, review_item_adj, review_user_adj, con_agg_weights):
    # dropout = 0.0 -> identity (tf.nn.dropout with keep_prob=1)
    d = item_vecs.shape[1]
    # tf.transpose(tf.random_shuffle(tf.transpose(x))) shuffles the feature (column) axis;
    # we use a fixed permutation for determinism.
    perm_i = jax.random.permutation(jax.random.key(1), d)
    perm_u = jax.random.permutation(jax.random.key(2), d)
    ri = jnp.take(item_vecs, review_item_adj, axis=0)  # gather / embedding_lookup
    ri = ri[:, perm_i]
    ru = jnp.take(user_vecs, review_user_adj, axis=0)
    ru = ru[:, perm_u]
    concate_vecs = jnp.concatenate([review_vecs, ru, ri], axis=1)
    output = concate_vecs @ con_agg_weights
    return jax.nn.relu(output)

if __name__ == "__main__":
    import jax
    _d = setup_inputs()
    print(jax.jit(kernel)(*tuple(_d.values())))

</pallas_src>

<mosaic_0001>
#map = affine_map<(d0, d1) -> (0, 0)>
#map1 = affine_map<(d0, d1) -> (0, 0, 0)>
module attributes {stable_mosaic.version = 14 : i64} {
  func.func @gather_k(%arg0: i32, %arg1: i32, %arg2: memref<100000x128xf32, #tpu.memory_space<hbm>>, %arg3: memref<100000x128xf32, #tpu.memory_space<hbm>>, %arg4: memref<32x18x128xi32, #tpu.memory_space<hbm>>, %arg5: memref<32x18x128xi32, #tpu.memory_space<hbm>>, %arg6: memref<51200x128xf32, #tpu.memory_space<hbm>>, %arg7: memref<51200x128xf32, #tpu.memory_space<hbm>>, %arg8: memref<18x128xi32, #tpu.memory_space<vmem>>, %arg9: memref<18x128xi32, #tpu.memory_space<vmem>>, %arg10: memref<128x128xf32, #tpu.memory_space<vmem>>, %arg11: memref<128x128xf32, #tpu.memory_space<vmem>>, %arg12: memref<128x128xf32, #tpu.memory_space<vmem>>, %arg13: memref<128x128xf32, #tpu.memory_space<vmem>>, %arg14: memref<128x128xf32, #tpu.memory_space<vmem>>, %arg15: memref<128x128xf32, #tpu.memory_space<vmem>>, %arg16: memref<128x128xf32, #tpu.memory_space<vmem>>, %arg17: memref<!tpu.dma_semaphore, #tpu.memory_space<semaphore_mem>>, %arg18: memref<!tpu.dma_semaphore, #tpu.memory_space<semaphore_mem>>, %arg19: memref<!tpu.dma_semaphore, #tpu.memory_space<semaphore_mem>>, %arg20: memref<!tpu.dma_semaphore, #tpu.memory_space<semaphore_mem>>, %arg21: memref<!tpu.dma_semaphore, #tpu.memory_space<semaphore_mem>>, %arg22: memref<!tpu.dma_semaphore, #tpu.memory_space<semaphore_mem>>, %arg23: memref<!tpu.dma_semaphore, #tpu.memory_space<semaphore_mem>>, %arg24: memref<!tpu.dma_semaphore, #tpu.memory_space<semaphore_mem>>, %arg25: memref<!tpu.dma_semaphore, #tpu.memory_space<semaphore_mem>>, %arg26: memref<!tpu.dma_semaphore, #tpu.memory_space<semaphore_mem>>, %arg27: memref<!tpu.dma_semaphore, #tpu.memory_space<semaphore_mem>>, %arg28: memref<!tpu.dma_semaphore, #tpu.memory_space<semaphore_mem>>, %arg29: memref<!tpu.dma_semaphore, #tpu.memory_space<semaphore_mem>>, %arg30: memref<!tpu.dma_semaphore, #tpu.memory_space<semaphore_mem>>) attributes {dimension_semantics = [#tpu.dimension_semantics<core_parallel>, #tpu.dimension_semantics<subcore_parallel>], iteration_bounds = array<i64: 2, 16>, scalar_prefetch = 0 : i64, scratch_operands = 23 : i64, tpu.core_type = #tpu.core_type<sc_vector_subcore>, window_params = [{transform_indices = #map}, {transform_indices = #map}, {transform_indices = #map1}, {transform_indices = #map1}, {transform_indices = #map}, {transform_indices = #map}]} {
    %mul3A = arith.constant 16 : i32
    %mul3A_0 = arith.muli %arg0, %mul3A : i32
    %add3A = arith.addi %mul3A_0, %arg1 : i32
    "tpu.region"() ({
      %run_scoped3A = tpu.sem_alloc : memref<!tpu.dma_semaphore, #tpu.memory_space<semaphore_mem>>
      %dma_start3A = arith.constant 0 : i32
      %dma_start3A_8 = arith.constant 0 : i32
      %dma_start3A_9 = tpu.memref_slice %arg4[%add3A, %dma_start3A, %dma_start3A_8] : memref<32x18x128xi32, #tpu.memory_space<hbm>> -> memref<1x18x128xi32, #tpu.memory_space<hbm>>
      %dma_start3A_10 = tpu.memref_squeeze %dma_start3A_9 : memref<1x18x128xi32, #tpu.memory_space<hbm>> -> memref<18x128xi32, #tpu.memory_space<hbm>>
      %dma_start3A_11 = arith.constant 0 : i32
      %dma_start3A_12 = arith.constant 0 : i32
      %dma_start3A_13 = tpu.memref_slice %arg4[%add3A, %dma_start3A_11, %dma_start3A_12] : memref<32x18x128xi32, #tpu.memory_space<hbm>> -> memref<1x18x128xi32, #tpu.memory_space<hbm>>
      %dma_start3A_14 = tpu.memref_squeeze %dma_start3A_13 : memref<1x18x128xi32, #tpu.memory_space<hbm>> -> memref<18x128xi32, #tpu.memory_space<hbm>>
      tpu.enqueue_dma source(%dma_start3A_14 : memref<18x128xi32, #tpu.memory_space<hbm>>) target(%arg8 : memref<18x128xi32, #tpu.memory_space<vmem>>) target_semaphore(%run_scoped3A : memref<!tpu.dma_semaphore, #tpu.memory_space<semaphore_mem>>)
      %dma_wait3A = arith.constant 0 : i32
      %dma_wait3A_15 = arith.constant 0 : i32
      %dma_wait3A_16 = tpu.memref_slice %arg4[%add3A, %dma_wait3A, %dma_wait3A_15] : memref<32x18x128xi32, #tpu.memory_space<hbm>> -> memref<1x18x128xi32, #tpu.memory_space<hbm>>
      %dma_wait3A_17 = tpu.memref_squeeze %dma_wait3A_16 : memref<1x18x128xi32, #tpu.memory_space<hbm>> -> memref<18x128xi32, #tpu.memory_space<hbm>>
      %dma_wait3A_18 = arith.constant 0 : i32
      %dma_wait3A_19 = arith.constant 0 : i32
      %dma_wait3A_20 = tpu.memref_slice %arg4[%add3A, %dma_wait3A_18, %dma_wait3A_19] : memref<32x18x128xi32, #tpu.memory_space<hbm>> -> memref<1x18x128xi32, #tpu.memory_space<hbm>>
      %dma_wait3A_21 = tpu.memref_squeeze %dma_wait3A_20 : memref<1x18x128xi32, #tpu.memory_space<hbm>> -> memref<18x128xi32, #tpu.memory_space<hbm>>
      tpu.wait_dma2 semaphore(%run_scoped3A : memref<!tpu.dma_semaphore, #tpu.memory_space<semaphore_mem>>) src(%dma_wait3A_21 : memref<18x128xi32, #tpu.memory_space<hbm>>) dst(%arg8 : memref<18x128xi32, #tpu.memory_space<vmem>>)
      tpu.yield
    }) : () -> ()
    "tpu.region"() ({
      %run_scoped3A = tpu.sem_alloc : memref<!tpu.dma_semaphore, #tpu.memory_space<semaphore_mem>>
      %dma_start3A = arith.constant 0 : i32
      %dma_start3A_8 = arith.constant 0 : i32
      %dma_start3A_9 = tpu.memref_slice %arg5[%add3A, %dma_start3A, %dma_start3A_8] : memref<32x18x128xi32, #tpu.memory_space<hbm>> -> memref<1x18x128xi32, #tpu.memory_space<hbm>>
      %dma_start3A_10 = tpu.memref_squeeze %dma_start3A_9 : memref<1x18x128xi32, #tpu.memory_space<hbm>> -> memref<18x128xi32, #tpu.memory_space<hbm>>
      %dma_start3A_11 = arith.constant 0 : i32
      %dma_start3A_12 = arith.constant 0 : i32
      %dma_start3A_13 = tpu.memref_slice %arg5[%add3A, %dma_start3A_11, %dma_start3A_12] : memref<32x18x128xi32, #tpu.memory_space<hbm>> -> memref<1x18x128xi32, #tpu.memory_space<hbm>>
      %dma_start3A_14 = tpu.memref_squeeze %dma_start3A_13 : memref<1x18x128xi32, #tpu.memory_space<hbm>> -> memref<18x128xi32, #tpu.memory_space<hbm>>
      tpu.enqueue_dma source(%dma_start3A_14 : memref<18x128xi32, #tpu.memory_space<hbm>>) target(%arg9 : memref<18x128xi32, #tpu.memory_space<vmem>>) target_semaphore(%run_scoped3A : memref<!tpu.dma_semaphore, #tpu.memory_space<semaphore_mem>>)
      %dma_wait3A = arith.constant 0 : i32
      %dma_wait3A_15 = arith.constant 0 : i32
      %dma_wait3A_16 = tpu.memref_slice %arg5[%add3A, %dma_wait3A, %dma_wait3A_15] : memref<32x18x128xi32, #tpu.memory_space<hbm>> -> memref<1x18x128xi32, #tpu.memory_space<hbm>>
      %dma_wait3A_17 = tpu.memref_squeeze %dma_wait3A_16 : memref<1x18x128xi32, #tpu.memory_space<hbm>> -> memref<18x128xi32, #tpu.memory_space<hbm>>
      %dma_wait3A_18 = arith.constant 0 : i32
      %dma_wait3A_19 = arith.constant 0 : i32
      %dma_wait3A_20 = tpu.memref_slice %arg5[%add3A, %dma_wait3A_18, %dma_wait3A_19] : memref<32x18x128xi32, #tpu.memory_space<hbm>> -> memref<1x18x128xi32, #tpu.memory_space<hbm>>
      %dma_wait3A_21 = tpu.memref_squeeze %dma_wait3A_20 : memref<1x18x128xi32, #tpu.memory_space<hbm>> -> memref<18x128xi32, #tpu.memory_space<hbm>>
      tpu.wait_dma2 semaphore(%run_scoped3A : memref<!tpu.dma_semaphore, #tpu.memory_space<semaphore_mem>>) src(%dma_wait3A_21 : memref<18x128xi32, #tpu.memory_space<hbm>>) dst(%arg9 : memref<18x128xi32, #tpu.memory_space<vmem>>)
      tpu.yield
    }) : () -> ()
    %eq3A = arith.constant 0 : i32
    %eq3A_1 = arith.cmpi eq, %arg0, %eq3A : i32
    %convert_element_type3A = arith.extui %eq3A_1 : i1 to i32
    %cond3A = arith.constant 0 : i32
    %cond3A_2 = arith.cmpi ne, %convert_element_type3A, %cond3A : i32
    scf.if %cond3A_2 {
      %mul3A_8 = arith.constant 18 : i32
      %mul3A_9 = arith.muli %arg1, %mul3A_8 : i32
      %mul3A_10 = arith.constant 128 : i32
      %mul3A_11 = arith.muli %mul3A_9, %mul3A_10 : i32
      %add3A_12 = arith.constant 0 : i32
      %add3A_13 = arith.addi %mul3A_11, %add3A_12 : i32
      %multiple_of3A = tpu.assume_multiple %add3A_13, 128 : i32
      %dma_start3A = arith.constant 0 : i32
      %dma_start3A_14 = arith.constant 0 : i32
      %dma_start3A_15 = tpu.memref_slice %arg8[%dma_start3A, %dma_start3A_14] : memref<18x128xi32, #tpu.memory_space<vmem>> -> memref<1x128xi32, #tpu.memory_space<vmem>>
      %dma_start3A_16 = tpu.memref_squeeze %dma_start3A_15 : memref<1x128xi32, #tpu.memory_space<vmem>> -> memref<128xi32, #tpu.memory_space<vmem>>
      %dma_start3A_17 = arith.constant 0 : i32
      %dma_start3A_18 = arith.constant 0 : i32
      %dma_start3A_19 = tpu.memref_slice %arg2[%dma_start3A_17, %dma_start3A_18] : memref<100000x128xf32, #tpu.memory_space<hbm>> -> memref<100000x128xf32, #tpu.memory_space<hbm>>
      tpu.enqueue_indirect_dma source(%dma_start3A_19 : memref<100000x128xf32, #tpu.memory_space<hbm>>) target(%arg10 : memref<128x128xf32, #tpu.memory_space<vmem>>) offsets(%dma_start3A_16 : memref<128xi32, #tpu.memory_space<vmem>>) semaphore(%arg17 : memref<!tpu.dma_semaphore, #tpu.memory_space<semaphore_mem>>)
      %add3A_20 = arith.constant 0 : i32
      %add3A_21 = arith.addi %mul3A_11, %add3A_20 : i32
      %multiple_of3A_22 = tpu.assume_multiple %add3A_21, 128 : i32
      %dma_start3A_23 = arith.constant 0 : i32
      %dma_start3A_24 = arith.constant 0 : i32
      %dma_start3A_25 = tpu.memref_slice %arg9[%dma_start3A_23, %dma_start3A_24] : memref<18x128xi32, #tpu.memory_space<vmem>> -> memref<1x128xi32, #tpu.memory_space<vmem>>
      %dma_start3A_26 = tpu.memref_squeeze %dma_start3A_25 : memref<1x128xi32, #tpu.memory_space<vmem>> -> memref<128xi32, #tpu.memory_space<vmem>>
      %dma_start3A_27 = arith.constant 0 : i32
      %dma_start3A_28 = arith.constant 0 : i32
      %dma_start3A_29 = tpu.memref_slice %arg3[%dma_start3A_27, %dma_start3A_28] : memref<100000x128xf32, #tpu.memory_space<hbm>> -> memref<100000x128xf32, #tpu.memory_space<hbm>>
      tpu.enqueue_indirect_dma source(%dma_start3A_29 : memref<100000x128xf32, #tpu.memory_space<hbm>>) target(%arg11 : memref<128x128xf32, #tpu.memory_space<vmem>>) offsets(%dma_start3A_26 : memref<128xi32, #tpu.memory_space<vmem>>) semaphore(%arg18 : memref<!tpu.dma_semaphore, #tpu.memory_space<semaphore_mem>>)
      %add3A_30 = arith.constant 128 : i32
      %add3A_31 = arith.addi %mul3A_11, %add3A_30 : i32
      %multiple_of3A_32 = tpu.assume_multiple %add3A_31, 128 : i32
      %dma_start3A_33 = arith.constant 1 : i32
      %dma_start3A_34 = arith.constant 0 : i32
      %dma_start3A_35 = tpu.memref_slice %arg8[%dma_start3A_33, %dma_start3A_34] : memref<18x128xi32, #tpu.memory_space<vmem>> -> memref<1x128xi32, #tpu.memory_space<vmem>>
      %dma_start3A_36 = tpu.memref_squeeze %dma_start3A_35 : memref<1x128xi32, #tpu.memory_space<vmem>> -> memref<128xi32, #tpu.memory_space<vmem>>
      %dma_start3A_37 = arith.constant 0 : i32
      %dma_start3A_38 = arith.constant 0 : i32
      %dma_start3A_39 = tpu.memref_slice %arg2[%dma_start3A_37, %dma_start3A_38] : memref<100000x128xf32, #tpu.memory_space<hbm>> -> memref<100000x128xf32, #tpu.memory_space<hbm>>
      tpu.enqueue_indirect_dma source(%dma_start3A_39 : memref<100000x128xf32, #tpu.memory_space<hbm>>) target(%arg12 : memref<128x128xf32, #tpu.memory_space<vmem>>) offsets(%dma_start3A_36 : memref<128xi32, #tpu.memory_space<vmem>>) semaphore(%arg19 : memref<!tpu.dma_semaphore, #tpu.memory_space<semaphore_mem>>)
      %add3A_40 = arith.constant 128 : i32
      %add3A_41 = arith.addi %mul3A_11, %add3A_40 : i32
      %multiple_of3A_42 = tpu.assume_multiple %add3A_41, 128 : i32
      %dma_start3A_43 = arith.constant 1 : i32
      %dma_start3A_44 = arith.constant 0 : i32
      %dma_start3A_45 = tpu.memref_slice %arg9[%dma_start3A_43, %dma_start3A_44] : memref<18x128xi32, #tpu.memory_space<vmem>> -> memref<1x128xi32, #tpu.memory_space<vmem>>
      %dma_start3A_46 = tpu.memref_squeeze %dma_start3A_45 : memref<1x128xi32, #tpu.memory_space<vmem>> -> memref<128xi32, #tpu.memory_space<vmem>>
      %dma_start3A_47 = arith.constant 0 : i32
      %dma_start3A_48 = arith.constant 0 : i32
      %dma_start3A_49 = tpu.memref_slice %arg3[%dma_start3A_47, %dma_start3A_48] : memref<100000x128xf32, #tpu.memory_space<hbm>> -> memref<100000x128xf32, #tpu.memory_space<hbm>>
      tpu.enqueue_indirect_dma source(%dma_start3A_49 : memref<100000x128xf32, #tpu.memory_space<hbm>>) target(%arg13 : memref<128x128xf32, #tpu.memory_space<vmem>>) offsets(%dma_start3A_46 : memref<128xi32, #tpu.memory_space<vmem>>) semaphore(%arg20 : memref<!tpu.dma_semaphore, #tpu.memory_space<semaphore_mem>>)
      %add3A_50 = arith.constant 256 : i32
      %add3A_51 = arith.addi %mul3A_11, %add3A_50 : i32
      %multiple_of3A_52 = tpu.assume_multiple %add3A_51, 128 : i32
      %dma_start3A_53 = arith.constant 2 : i32
      %dma_start3A_54 = arith.constant 0 : i32
      %dma_start3A_55 = tpu.memref_slice %arg8[%dma_start3A_53, %dma_start3A_54] : memref<18x128xi32, #tpu.memory_space<vmem>> -> memref<1x128xi32, #tpu.memory_space<vmem>>
      %dma_start3A_56 = tpu.memref_squeeze %dma_start3A_55 : memref<1x128xi32, #tpu.memory_space<vmem>> -> memref<128xi32, #tpu.memory_space<vmem>>
      %dma_start3A_57 = arith.constant 0 : i32
      %dma_start3A_58 = arith.constant 0 : i32
      %dma_start3A_59 = tpu.memref_slice %arg2[%dma_start3A_57, %dma_start3A_58] : memref<100000x128xf32, #tpu.memory_space<hbm>> -> memref<100000x128xf32, #tpu.memory_space<hbm>>
      tpu.enqueue_indirect_dma source(%dma_start3A_59 : memref<100000x128xf32, #tpu.memory_space<hbm>>) target(%arg14 : memref<128x128xf32, #tpu.memory_space<vmem>>) offsets(%dma_start3A_56 : memref<128xi32, #tpu.memory_space<vmem>>) semaphore(%arg21 : memref<!tpu.dma_semaphore, #tpu.memory_space<semaphore_mem>>)
      %add3A_60 = arith.constant 256 : i32
      %add3A_61 = arith.addi %mul3A_11, %add3A_60 : i32
      %multiple_of3A_62 = tpu.assume_multiple %add3A_61, 128 : i32
      %dma_start3A_63 = arith.constant 2 : i32
      %dma_start3A_64 = arith.constant 0 : i32
      %dma_start3A_65 = tpu.memref_slice %arg9[%dma_start3A_63, %dma_start3A_64] : memref<18x128xi32, #tpu.memory_space<vmem>> -> memref<1x128xi32, #tpu.memory_space<vmem>>
      %dma_start3A_66 = tpu.memref_squeeze %dma_start3A_65 : memref<1x128xi32, #tpu.memory_space<vmem>> -> memref<128xi32, #tpu.memory_space<vmem>>
      %dma_start3A_67 = arith.constant 0 : i32
      %dma_start3A_68 = arith.constant 0 : i32
      %dma_start3A_69 = tpu.memref_slice %arg3[%dma_start3A_67, %dma_start3A_68] : memref<100000x128xf32, #tpu.memory_space<hbm>> -> memref<100000x128xf32, #tpu.memory_space<hbm>>
      tpu.enqueue_indirect_dma source(%dma_start3A_69 : memref<100000x128xf32, #tpu.memory_space<hbm>>) target(%arg15 : memref<128x128xf32, #tpu.memory_space<vmem>>) offsets(%dma_start3A_66 : memref<128xi32, #tpu.memory_space<vmem>>) semaphore(%arg22 : memref<!tpu.dma_semaphore, #tpu.memory_space<semaphore_mem>>)
      %add3A_70 = arith.constant 0 : i32
      %add3A_71 = arith.addi %mul3A_11, %add3A_70 : i32
      %multiple_of3A_72 = tpu.assume_multiple %add3A_71, 128 : i32
      %dma_wait3A = arith.constant 0 : i32
      %dma_wait3A_73 = arith.constant 0 : i32
      %dma_wait3A_74 = tpu.memref_slice %arg8[%dma_wait3A, %dma_wait3A_73] : memref<18x128xi32, #tpu.memory_space<vmem>> -> memref<1x128xi32, #tpu.memory_space<vmem>>
      %dma_wait3A_75 = tpu.memref_squeeze %dma_wait3A_74 : memref<1x128xi32, #tpu.memory_space<vmem>> -> memref<128xi32, #tpu.memory_space<vmem>>
      %dma_wait3A_76 = arith.constant 0 : i32
      %dma_wait3A_77 = arith.constant 0 : i32
      %dma_wait3A_78 = tpu.memref_slice %arg2[%dma_wait3A_76, %dma_wait3A_77] : memref<100000x128xf32, #tpu.memory_space<hbm>> -> memref<100000x128xf32, #tpu.memory_space<hbm>>
      tpu.wait_indirect_dma semaphore(%arg17 : memref<!tpu.dma_semaphore, #tpu.memory_space<semaphore_mem>>) src(%dma_wait3A_78 : memref<100000x128xf32, #tpu.memory_space<hbm>>) dst(%arg10 : memref<128x128xf32, #tpu.memory_space<vmem>>)
      %dma_start3A_79 = arith.constant 0 : i32
      %dma_start3A_80 = tpu.memref_slice %arg6[%multiple_of3A_72, %dma_start3A_79] : memref<51200x128xf32, #tpu.memory_space<hbm>> -> memref<128x128xf32, #tpu.memory_space<hbm>>
      %dma_start3A_81 = arith.constant 0 : i32
      %dma_start3A_82 = tpu.memref_slice %arg6[%multiple_of3A_72, %dma_start3A_81] : memref<51200x128xf32, #tpu.memory_space<hbm>> -> memref<128x128xf32, #tpu.memory_space<hbm>>
      tpu.enqueue_dma source(%arg10 : memref<128x128xf32, #tpu.memory_space<vmem>>) target(%dma_start3A_82 : memref<128x128xf32, #tpu.memory_space<hbm>>) target_semaphore(%arg24 : memref<!tpu.dma_semaphore, #tpu.memory_space<semaphore_mem>>)
      %add3A_83 = arith.constant 384 : i32
      %add3A_84 = arith.addi %mul3A_11, %add3A_83 : i32
      %multiple_of3A_85 = tpu.assume_multiple %add3A_84, 128 : i32
      %dma_start3A_86 = arith.constant 3 : i32
      %dma_start3A_87 = arith.constant 0 : i32
      %dma_start3A_88 = tpu.memref_slice %arg8[%dma_start3A_86, %dma_start3A_87] : memref<18x128xi32, #tpu.memory_space<vmem>> -> memref<1x128xi32, #tpu.memory_space<vmem>>
      %dma_start3A_89 = tpu.memref_squeeze %dma_start3A_88 : memref<1x128xi32, #tpu.memory_space<vmem>> -> memref<128xi32, #tpu.memory_space<vmem>>
      %dma_start3A_90 = arith.constant 0 : i32
      %dma_start3A_91 = arith.constant 0 : i32
      %dma_start3A_92 = tpu.memref_slice %arg2[%dma_start3A_90, %dma_start3A_91] : memref<100000x128xf32, #tpu.memory_space<hbm>> -> memref<100000x128xf32, #tpu.memory_space<hbm>>
      tpu.enqueue_indirect_dma source(%dma_start3A_92 : memref<100000x128xf32, #tpu.memory_space<hbm>>) target(%arg16 : memref<128x128xf32, #tpu.memory_space<vmem>>) offsets(%dma_start3A_89 : memref<128xi32, #tpu.memory_space<vmem>>) semaphore(%arg23 : memref<!tpu.dma_semaphore, #tpu.memory_space<semaphore_mem>>)
      %add3A_93 = arith.constant 0 : i32
      %add3A_94 = arith.addi %mul3A_11, %add3A_93 : i32
      %multiple_of3A_95 = tpu.assume_multiple %add3A_94, 128 : i32
      %dma_wait3A_96 = arith.constant 0 : i32
      %dma_wait3A_97 = arith.constant 0 : i32
      %dma_wait3A_98 = tpu.memref_slice %arg9[%dma_wait3A_96, %dma_wait3A_97] : memref<18x128xi32, #tpu.memory_space<vmem>> -> memref<1x128xi32, #tpu.memory_space<vmem>>
      %dma_wait3A_99 = tpu.memref_squeeze %dma_wait3A_98 : memref<1x128xi32, #tpu.memory_space<vmem>> -> memref<128xi32, #tpu.memory_space<vmem>>
      %dma_wait3A_100 = arith.constant 0 : i32
      %dma_wait3A_101 = arith.constant 0 : i32
      %dma_wait3A_102 = tpu.memref_slice %arg3[%dma_wait3A_100, %dma_wait3A_101] : memref<100000x128xf32, #tpu.memory_space<hbm>> -> memref<100000x128xf32, #tpu.memory_space<hbm>>
      tpu.wait_indirect_dma semaphore(%arg18 : memref<!tpu.dma_semaphore, #tpu.memory_space<semaphore_mem>>) src(%dma_wait3A_102 : memref<100000x128xf32, #tpu.memory_space<hbm>>) dst(%arg11 : memref<128x128xf32, #tpu.memory_space<vmem>>)
      %dma_start3A_103 = arith.constant 0 : i32
      %dma_start3A_104 = tpu.memref_slice %arg7[%multiple_of3A_95, %dma_start3A_103] : memref<51200x128xf32, #tpu.memory_space<hbm>> -> memref<128x128xf32, #tpu.memory_space<hbm>>
      %dma_start3A_105 = arith.constant 0 : i32
      %dma_start3A_106 = tpu.memref_slice %arg7[%multiple_of3A_95, %dma_start3A_105] : memref<51200x128xf32, #tpu.memory_space<hbm>> -> memref<128x128xf32, #tpu.memory_space<hbm>>
      tpu.enqueue_dma source(%arg11 : memref<128x128xf32, #tpu.memory_space<vmem>>) target(%dma_start3A_106 : memref<128x128xf32, #tpu.memory_space<hbm>>) target_semaphore(%arg25 : memref<!tpu.dma_semaphore, #tpu.memory_space<semaphore_mem>>)
      %dma_wait3A_107 = arith.constant 0 : i32
      %dma_wait3A_108 = tpu.memref_slice %arg6[%multiple_of3A_72, %dma_wait3A_107] : memref<51200x128xf32, #tpu.memory_space<hbm>> -> memref<128x128xf32, #tpu.memory_space<hbm>>
      %dma_wait3A_109 = arith.constant 0 : i32
      %dma_wait3A_110 = tpu.memref_slice %arg6[%multiple_of3A_72, %dma_wait3A_109] : memref<51200x128xf32, #tpu.memory_space<hbm>> -> memref<128x128xf32, #tpu.memory_space<hbm>>
      tpu.wait_dma2 semaphore(%arg24 : memref<!tpu.dma_semaphore, #tpu.memory_space<semaphore_mem>>) src(%arg10 : memref<128x128xf32, #tpu.memory_space<vmem>>) dst(%dma_wait3A_110 : memref<128x128xf32, #tpu.memory_space<hbm>>)
      %add3A_111 = arith.constant 384 : i32
      %add3A_112 = arith.addi %mul3A_11, %add3A_111 : i32
      %multiple_of3A_113 = tpu.assume_multiple %add3A_112, 128 : i32
      %dma_start3A_114 = arith.constant 3 : i32
      %dma_start3A_115 = arith.constant 0 : i32
      %dma_start3A_116 = tpu.memref_slice %arg9[%dma_start3A_114, %dma_start3A_115] : memref<18x128xi32, #tpu.memory_space<vmem>> -> memref<1x128xi32, #tpu.memory_space<vmem>>
      %dma_start3A_117 = tpu.memref_squeeze %dma_start3A_116 : memref<1x128xi32, #tpu.memory_space<vmem>> -> memref<128xi32, #tpu.memory_space<vmem>>
      %dma_start3A_118 = arith.constant 0 : i32
      %dma_start3A_119 = arith.constant 0 : i32
      %dma_start3A_120 = tpu.memref_slice %arg3[%dma_start3A_118, %dma_start3A_119] : memref<100000x128xf32, #tpu.memory_space<hbm>> -> memref<100000x128xf32, #tpu.memory_space<hbm>>
      tpu.enqueue_indirect_dma source(%dma_start3A_120 : memref<100000x128xf32, #tpu.memory_space<hbm>>) target(%arg10 : memref<128x128xf32, #tpu.memory_space<vmem>>) offsets(%dma_start3A_117 : memref<128xi32, #tpu.memory_space<vmem>>) semaphore(%arg17 : memref<!tpu.dma_semaphore, #tpu.memory_space<semaphore_mem>>)
      %add3A_121 = arith.constant 128 : i32
      %add3A_122 = arith.addi %mul3A_11, %add3A_121 : i32
      %multiple_of3A_123 = tpu.assume_multiple %add3A_122, 128 : i32
      %dma_wait3A_124 = arith.constant 1 : i32
      %dma_wait3A_125 = arith.constant 0 : i32
      %dma_wait3A_126 = tpu.memref_slice %arg8[%dma_wait3A_124, %dma_wait3A_125] : memref<18x128xi32, #tpu.memory_space<vmem>> -> memref<1x128xi32, #tpu.memory_space<vmem>>
      %dma_wait3A_127 = tpu.memref_squeeze %dma_wait3A_126 : memref<1x128xi32, #tpu.memory_space<vmem>> -> memref<128xi32, #tpu.memory_space<vmem>>
      %dma_wait3A_128 = arith.constant 0 : i32
      %dma_wait3A_129 = arith.constant 0 : i32
      %dma_wait3A_130 = tpu.memref_slice %arg2[%dma_wait3A_128, %dma_wait3A_129] : memref<100000x128xf32, #tpu.memory_space<hbm>> -> memref<100000x128xf32, #tpu.memory_space<hbm>>
      tpu.wait_indirect_dma semaphore(%arg19 : memref<!tpu.dma_semaphore, #tpu.memory_space<semaphore_mem>>) src(%dma_wait3A_130 : memref<100000x128xf32, #tpu.memory_space<hbm>>) dst(%arg12 : memref<128x128xf32, #tpu.memory_space<vmem>>)
      %dma_start3A_131 = arith.constant 0 : i32
      %dma_start3A_132 = tpu.memref_slice %arg6[%multiple_of3A_123, %dma_start3A_131] : memref<51200x128xf32, #tpu.memory_space<hbm>> -> memref<128x128xf32, #tpu.memory_space<hbm>>
      %dma_start3A_133 = arith.constant 0 : i32
      %dma_start3A_134 = tpu.memref_slice %arg6[%multiple_of3A_123, %dma_start3A_133] : memref<51200x128xf32, #tpu.memory_space<hbm>> -> memref<128x128xf32, #tpu.memory_space<hbm>>
      tpu.enqueue_dma source(%arg12 : memref<128x128xf32, #tpu.memory_space<vmem>>) target(%dma_start3A_134 : memref<128x128xf32, #tpu.memory_space<hbm>>) target_semaphore(%arg26 : memref<!tpu.dma_semaphore, #tpu.memory_space<semaphore_mem>>)
      %dma_wait3A_135 = arith.constant 0 : i32
      %dma_wait3A_136 = tpu.memref_slice %arg7[%multiple_of3A_95, %dma_wait3A_135] : memref<51200x128xf32, #tpu.memory_space<hbm>> -> memref<128x128xf32, #tpu.memory_space<hbm>>
      %dma_wait3A_137 = arith.constant 0 : i32
      %dma_wait3A_138 = tpu.memref_slice %arg7[%multiple_of3A_95, %dma_wait3A_137] : memref<51200x128xf32, #tpu.memory_space<hbm>> -> memref<128x128xf32, #tpu.memory_space<hbm>>
      tpu.wait_dma2 semaphore(%arg25 : memref<!tpu.dma_semaphore, #tpu.memory_space<semaphore_mem>>) src(%arg11 : memref<128x128xf32, #tpu.memory_space<vmem>>) dst(%dma_wait3A_138 : memref<128x128xf32, #tpu.memory_space<hbm>>)
      %add3A_139 = arith.constant 512 : i32
      %add3A_140 = arith.addi %mul3A_11, %add3A_139 : i32
      %multiple_of3A_141 = tpu.assume_multiple %add3A_140, 128 : i32
      %dma_start3A_142 = arith.constant 4 : i32
      %dma_start3A_143 = arith.constant 0 : i32
      %dma_start3A_144 = tpu.memref_slice %arg8[%dma_start3A_142, %dma_start3A_143] : memref<18x128xi32, #tpu.memory_space<vmem>> -> memref<1x128xi32, #tpu.memory_space<vmem>>
      %dma_start3A_145 = tpu.memref_squeeze %dma_start3A_144 : memref<1x128xi32, #tpu.memory_space<vmem>> -> memref<128xi32, #tpu.memory_space<vmem>>
      %dma_start3A_146 = arith.constant 0 : i32
      %dma_start3A_147 = arith.constant 0 : i32
      %dma_start3A_148 = tpu.memref_slice %arg2[%dma_start3A_146, %dma_start3A_147] : memref<100000x128xf32, #tpu.memory_space<hbm>> -> memref<100000x128xf32, #tpu.memory_space<hbm>>
      tpu.enqueue_indirect_dma source(%dma_start3A_148 : memref<100000x128xf32, #tpu.memory_space<hbm>>) target(%arg11 : memref<128x128xf32, #tpu.memory_space<vmem>>) offsets(%dma_start3A_145 : memref<128xi32, #tpu.memory_space<vmem>>) semaphore(%arg18 : memref<!tpu.dma_semaphore, #tpu.memory_space<semaphore_mem>>)
      %add3A_149 = arith.constant 128 : i32
      %add3A_150 = arith.addi %mul3A_11, %add3A_149 : i32
      %multiple_of3A_151 = tpu.assume_multiple %add3A_150, 128 : i32
      %dma_wait3A_152 = arith.constant 1 : i32
      %dma_wait3A_153 = arith.constant 0 : i32
      %dma_wait3A_154 = tpu.memref_slice %arg9[%dma_wait3A_152, %dma_wait3A_153] : memref<18x128xi32, #tpu.memory_space<vmem>> -> memref<1x128xi32, #tpu.memory_space<vmem>>
      %dma_wait3A_155 = tpu.memref_squeeze %dma_wait3A_154 : memref<1x128xi32, #tpu.memory_space<vmem>> -> memref<128xi32, #tpu.memory_space<vmem>>
      %dma_wait3A_156 = arith.constant 0 : i32
      %dma_wait3A_157 = arith.constant 0 : i32
      %dma_wait3A_158 = tpu.memref_slice %arg3[%dma_wait3A_156, %dma_wait3A_157] : memref<100000x128xf32, #tpu.memory_space<hbm>> -> memref<100000x128xf32, #tpu.memory_space<hbm>>
      tpu.wait_indirect_dma semaphore(%arg20 : memref<!tpu.dma_semaphore, #tpu.memory_space<semaphore_mem>>) src(%dma_wait3A_158 : memref<100000x128xf32, #tpu.memory_space<hbm>>) dst(%arg13 : memref<128x128xf32, #tpu.memory_space<vmem>>)
      %dma_start3A_159 = arith.constant 0 : i32
      %dma_start3A_160 = tpu.memref_slice %arg7[%multiple_of3A_151, %dma_start3A_159] : memref<51200x128xf32, #tpu.memory_space<hbm>> -> memref<128x128xf32, #tpu.memory_space<hbm>>
      %dma_start3A_161 = arith.constant 0 : i32
      %dma_start3A_162 = tpu.memref_slice %arg7[%multiple_of3A_151, %dma_start3A_161] : memref<51200x128xf32, #tpu.memory_space<hbm>> -> memref<128x128xf32, #tpu.memory_space<hbm>>
      tpu.enqueue_dma source(%arg13 : memref<128x128xf32, #tpu.memory_space<vmem>>) target(%dma_start3A_162 : memref<128x128xf32, #tpu.memory_space<hbm>>) target_semaphore(%arg27 : memref<!tpu.dma_semaphore, #tpu.memory_space<semaphore_mem>>)
      %dma_wait3A_163 = arith.constant 0 : i32
      %dma_wait3A_164 = tpu.memref_slice %arg6[%multiple_of3A_123, %dma_wait3A_163] : memref<51200x128xf32, #tpu.memory_space<hbm>> -> memref<128x128xf32, #tpu.memory_space<hbm>>
      %dma_wait3A_165 = arith.constant 0 : i32
      %dma_wait3A_166 = tpu.memref_slice %arg6[%multiple_of3A_123, %dma_wait3A_165] : memref<51200x128xf32, #tpu.memory_space<hbm>> -> memref<128x128xf32, #tpu.memory_space<hbm>>
      tpu.wait_dma2 semaphore(%arg26 : memref<!tpu.dma_semaphore, #tpu.memory_space<semaphore_mem>>) src(%arg12 : memref<128x128xf32, #tpu.memory_space<vmem>>) dst(%dma_wait3A_166 : memref<128x128xf32, #tpu.memory_space<hbm>>)
      %add3A_167 = arith.constant 512 : i32
      %add3A_168 = arith.addi %mul3A_11, %add3A_167 : i32
      %multiple_of3A_169 = tpu.assume_multiple %add3A_168, 128 : i32
      %dma_start3A_170 = arith.constant 4 : i32
      %dma_start3A_171 = arith.constant 0 : i32
      %dma_start3A_172 = tpu.memref_slice %arg9[%dma_start3A_170, %dma_start3A_171] : memref<18x128xi32, #tpu.memory_space<vmem>> -> memref<1x128xi32, #tpu.memory_space<vmem>>
      %dma_start3A_173 = tpu.memref_squeeze %dma_start3A_172 : memref<1x128xi32, #tpu.memory_space<vmem>> -> memref<128xi32, #tpu.memory_space<vmem>>
      %dma_start3A_174 = arith.constant 0 : i32
      %dma_start3A_175 = arith.constant 0 : i32
      %dma_start3A_176 = tpu.memref_slice %arg3[%dma_start3A_174, %dma_start3A_175] : memref<100000x128xf32, #tpu.memory_space<hbm>> -> memref<100000x128xf32, #tpu.memory_space<hbm>>
      tpu.enqueue_indirect_dma source(%dma_start3A_176 : memref<100000x128xf32, #tpu.memory_space<hbm>>) target(%arg12 : memref<128x128xf32, #tpu.memory_space<vmem>>) offsets(%dma_start3A_173 : memref<128xi32, #tpu.memory_space<vmem>>) semaphore(%arg19 : memref<!tpu.dma_semaphore, #tpu.memory_space<semaphore_mem>>)
      %add3A_177 = arith.constant 256 : i32
      %add3A_178 = arith.addi %mul3A_11, %add3A_177 : i32
      %multiple_of3A_179 = tpu.assume_multiple %add3A_178, 128 : i32
      %dma_wait3A_180 = arith.constant 2 : i32
      %dma_wait3A_181 = arith.constant 0 : i32
      %dma_wait3A_182 = tpu.memref_slice %arg8[%dma_wait3A_180, %dma_wait3A_181] : memref<18x128xi32, #tpu.memory_space<vmem>> -> memref<1x128xi32, #tpu.memory_space<vmem>>
      %dma_wait3A_183 = tpu.memref_squeeze %dma_wait3A_182 : memref<1x128xi32, #tpu.memory_space<vmem>> -> memref<128xi32, #tpu.memory_space<vmem>>
      %dma_wait3A_184 = arith.constant 0 : i32
      %dma_wait3A_185 = arith.constant 0 : i32
      %dma_wait3A_186 = tpu.memref_slice %arg2[%dma_wait3A_184, %dma_wait3A_185] : memref<100000x128xf32, #tpu.memory_space<hbm>> -> memref<100000x128xf32, #tpu.memory_space<hbm>>
      tpu.wait_indirect_dma semaphore(%arg21 : memref<!tpu.dma_semaphore, #tpu.memory_space<semaphore_mem>>) src(%dma_wait3A_186 : memref<100000x128xf32, #tpu.memory_space<hbm>>) dst(%arg14 : memref<128x128xf32, #tpu.memory_space<vmem>>)
      %dma_start3A_187 = arith.constant 0 : i32
      %dma_start3A_188 = tpu.memref_slice %arg6[%multiple_of3A_179, %dma_start3A_187] : memref<51200x128xf32, #tpu.memory_space<hbm>> -> memref<128x128xf32, #tpu.memory_space<hbm>>
      %dma_start3A_189 = arith.constant 0 : i32
      %dma_start3A_190 = tpu.memref_slice %arg6[%multiple_of3A_179, %dma_start3A_189] : memref<51200x128xf32, #tpu.memory_space<hbm>> -> memref<128x128xf32, #tpu.memory_space<hbm>>
      tpu.enqueue_dma source(%arg14 : memref<128x128xf32, #tpu.memory_space<vmem>>) target(%dma_start3A_190 : memref<128x128xf32, #tpu.memory_space<hbm>>) target_semaphore(%arg28 : memref<!tpu.dma_semaphore, #tpu.memory_space<semaphore_mem>>)
      %dma_wait3A_191 = arith.constant 0 : i32
      %dma_wait3A_192 = tpu.memref_slice %arg7[%multiple_of3A_151, %dma_wait3A_191] : memref<51200x128xf32, #tpu.memory_space<hbm>> -> memref<128x128xf32, #tpu.memory_space<hbm>>
      %dma_wait3A_193 = arith.constant 0 : i32
      %dma_wait3A_194 = tpu.memref_slice %arg7[%multiple_of3A_151, %dma_wait3A_193] : memref<51200x128xf32, #tpu.memory_space<hbm>> -> memref<128x128xf32, #tpu.memory_space<hbm>>
      tpu.wait_dma2 semaphore(%arg27 : memref<!tpu.dma_semaphore, #tpu.memory_space<semaphore_mem>>) src(%arg13 : memref<128x128xf32, #tpu.memory_space<vmem>>) dst(%dma_wait3A_194 : memref<128x128xf32, #tpu.memory_space<hbm>>)
      %add3A_195 = arith.constant 640 : i32
      %add3A_196 = arith.addi %mul3A_11, %add3A_195 : i32
      %multiple_of3A_197 = tpu.assume_multiple %add3A_196, 128 : i32
      %dma_start3A_198 = arith.constant 5 : i32
      %dma_start3A_199 = arith.constant 0 : i32
      %dma_start3A_200 = tpu.memref_slice %arg8[%dma_start3A_198, %dma_start3A_199] : memref<18x128xi32, #tpu.memory_space<vmem>> -> memref<1x128xi32, #tpu.memory_space<vmem>>
      %dma_start3A_201 = tpu.memref_squeeze %dma_start3A_200 : memref<1x128xi32, #tpu.memory_space<vmem>> -> memref<128xi32, #tpu.memory_space<vmem>>
      %dma_start3A_202 = arith.constant 0 : i32
      %dma_start3A_203 = arith.constant 0 : i32
      %dma_start3A_204 = tpu.memref_slice %arg2[%dma_start3A_202, %dma_start3A_203] : memref<100000x128xf32, #tpu.memory_space<hbm>> -> memref<100000x128xf32, #tpu.memory_space<hbm>>
      tpu.enqueue_indirect_dma source(%dma_start3A_204 : memref<100000x128xf32, #tpu.memory_space<hbm>>) target(%arg13 : memref<128x128xf32, #tpu.memory_space<vmem>>) offsets(%dma_start3A_201 : memref<128xi32, #tpu.memory_space<vmem>>) semaphore(%arg20 : memref<!tpu.dma_semaphore, #tpu.memory_space<semaphore_mem>>)
      %add3A_205 = arith.constant 256 : i32
      %add3A_206 = arith.addi %mul3A_11, %add3A_205 : i32
      %multiple_of3A_207 = tpu.assume_multiple %add3A_206, 128 : i32
      %dma_wait3A_208 = arith.constant 2 : i32
      %dma_wait3A_209 = arith.constant 0 : i32
      %dma_wait3A_210 = tpu.memref_slice %arg9[%dma_wait3A_208, %dma_wait3A_209] : memref<18x128xi32, #tpu.memory_space<vmem>> -> memref<1x128xi32, #tpu.memory_space<vmem>>
      %dma_wait3A_211 = tpu.memref_squeeze %dma_wait3A_210 : memref<1x128xi32, #tpu.memory_space<vmem>> -> memref<128xi32, #tpu.memory_space<vmem>>
      %dma_wait3A_212 = arith.constant 0 : i32
      %dma_wait3A_213 = arith.constant 0 : i32
      %dma_wait3A_214 = tpu.memref_slice %arg3[%dma_wait3A_212, %dma_wait3A_213] : memref<100000x128xf32, #tpu.memory_space<hbm>> -> memref<100000x128xf32, #tpu.memory_space<hbm>>
      tpu.wait_indirect_dma semaphore(%arg22 : memref<!tpu.dma_semaphore, #tpu.memory_space<semaphore_mem>>) src(%dma_wait3A_214 : memref<100000x128xf32, #tpu.memory_space<hbm>>) dst(%arg15 : memref<128x128xf32, #tpu.memory_space<vmem>>)
      %dma_start3A_215 = arith.constant 0 : i32
      %dma_start3A_216 = tpu.memref_slice %arg7[%multiple_of3A_207, %dma_start3A_215] : memref<51200x128xf32, #tpu.memory_space<hbm>> -> memref<128x128xf32, #tpu.memory_space<hbm>>
      %dma_start3A_217 = arith.constant 0 : i32
      %dma_start3A_218 = tpu.memref_slice %arg7[%multiple_of3A_207, %dma_start3A_217] : memref<51200x128xf32, #tpu.memory_space<hbm>> -> memref<128x128xf32, #tpu.memory_space<hbm>>
      tpu.enqueue_dma source(%arg15 : memref<128x128xf32, #tpu.memory_space<vmem>>) target(%dma_start3A_218 : memref<128x128xf32, #tpu.memory_space<hbm>>) target_semaphore(%arg29 : memref<!tpu.dma_semaphore, #tpu.memory_space<semaphore_mem>>)
      %dma_wait3A_219 = arith.constant 0 : i32
      %dma_wait3A_220 = tpu.memref_slice %arg6[%multiple_of3A_179, %dma_wait3A_219] : memref<51200x128xf32, #tpu.memory_space<hbm>> -> memref<128x128xf32, #tpu.memory_space<hbm>>
      %dma_wait3A_221 = arith.constant 0 : i32
      %dma_wait3A_222 = tpu.memref_slice %arg6[%multiple_of3A_179, %dma_wait3A_221] : memref<51200x128xf32, #tpu.memory_space<hbm>> -> memref<128x128xf32, #tpu.memory_space<hbm>>
      tpu.wait_dma2 semaphore(%arg28 : memref<!tpu.dma_semaphore, #tpu.memory_space<semaphore_mem>>) src(%arg14 : memref<128x128xf32, #tpu.memory_space<vmem>>) dst(%dma_wait3A_222 : memref<128x128xf32, #tpu.memory_space<hbm>>)
      %add3A_223 = arith.constant 640 : i32
      %add3A_224 = arith.addi %mul3A_11, %add3A_223 : i32
      %multiple_of3A_225 = tpu.assume_multiple %add3A_224, 128 : i32
      %dma_start3A_226 = arith.constant 5 : i32
      %dma_start3A_227 = arith.constant 0 : i32
      %dma_start3A_228 = tpu.memref_slice %arg9[%dma_start3A_226, %dma_start3A_227] : memref<18x128xi32, #tpu.memory_space<vmem>> -> memref<1x128xi32, #tpu.memory_space<vmem>>
      %dma_start3A_229 = tpu.memref_squeeze %dma_start3A_228 : memref<1x128xi32, #tpu.memory_space<vmem>> -> memref<128xi32, #tpu.memory_space<vmem>>
      %dma_start3A_230 = arith.constant 0 : i32
      %dma_start3A_231 = arith.constant 0 : i32
      %dma_start3A_232 = tpu.memref_slice %arg3[%dma_start3A_230, %dma_start3A_231] : memref<100000x128xf32, #tpu.memory_space<hbm>> -> memref<100000x128xf32, #tpu.memory_space<hbm>>
      tpu.enqueue_indirect_dma source(%dma_start3A_232 : memref<100000x128xf32, #tpu.memory_space<hbm>>) target(%arg14 : memref<128x128xf32, #tpu.memory_space<vmem>>) offsets(%dma_start3A_229 : memref<128xi32, #tpu.memory_space<vmem>>) semaphore(%arg21 : memref<!tpu.dma_semaphore, #tpu.memory_space<semaphore_mem>>)
      %add3A_233 = arith.constant 384 : i32
      %add3A_234 = arith.addi %mul3A_11, %add3A_233 : i32
      %multiple_of3A_235 = tpu.assume_multiple %add3A_234, 128 : i32
      %dma_wait3A_236 = arith.constant 3 : i32
      %dma_wait3A_237 = arith.constant 0 : i32
      %dma_wait3A_238 = tpu.memref_slice %arg8[%dma_wait3A_236, %dma_wait3A_237] : memref<18x128xi32, #tpu.memory_space<vmem>> -> memref<1x128xi32, #tpu.memory_space<vmem>>
      %dma_wait3A_239 = tpu.memref_squeeze %dma_wait3A_238 : memref<1x128xi32, #tpu.memory_space<vmem>> -> memref<128xi32, #tpu.memory_space<vmem>>
      %dma_wait3A_240 = arith.constant 0 : i32
      %dma_wait3A_241 = arith.constant 0 : i32
      %dma_wait3A_242 = tpu.memref_slice %arg2[%dma_wait3A_240, %dma_wait3A_241] : memref<100000x128xf32, #tpu.memory_space<hbm>> -> memref<100000x128xf32, #tpu.memory_space<hbm>>
      tpu.wait_indirect_dma semaphore(%arg23 : memref<!tpu.dma_semaphore, #tpu.memory_space<semaphore_mem>>) src(%dma_wait3A_242 : memref<100000x128xf32, #tpu.memory_space<hbm>>) dst(%arg16 : memref<128x128xf32, #tpu.memory_space<vmem>>)
      %dma_start3A_243 = arith.constant 0 : i32
      %dma_start3A_244 = tpu.memref_slice %arg6[%multiple_of3A_235, %dma_start3A_243] : memref<51200x128xf32, #tpu.memory_space<hbm>> -> memref<128x128xf32, #tpu.memory_space<hbm>>
      %dma_start3A_245 = arith.constant 0 : i32
      %dma_start3A_246 = tpu.memref_slice %arg6[%multiple_of3A_235, %dma_start3A_245] : memref<51200x128xf32, #tpu.memory_space<hbm>> -> memref<128x128xf32, #tpu.memory_space<hbm>>
      tpu.enqueue_dma source(%arg16 : memref<128x128xf32, #tpu.memory_space<vmem>>) target(%dma_start3A_246 : memref<128x128xf32, #tpu.memory_space<hbm>>) target_semaphore(%arg30 : memref<!tpu.dma_semaphore, #tpu.memory_space<semaphore_mem>>)
      %dma_wait3A_247 = arith.constant 0 : i32
      %dma_wait3A_248 = tpu.memref_slice %arg7[%multiple_of3A_207, %dma_wait3A_247] : memref<51200x128xf32, #tpu.memory_space<hbm>> -> memref<128x128xf32, #tpu.memory_space<hbm>>
      %dma_wait3A_249 = arith.constant 0 : i32
      %dma_wait3A_250 = tpu.memref_slice %arg7[%multiple_of3A_207, %dma_wait3A_249] : memref<51200x128xf32, #tpu.memory_space<hbm>> -> memref<128x128xf32, #tpu.memory_space<hbm>>
      tpu.wait_dma2 semaphore(%arg29 : memref<!tpu.dma_semaphore, #tpu.memory_space<semaphore_mem>>) src(%arg15 : memref<128x128xf32, #tpu.memory_space<vmem>>) dst(%dma_wait3A_250 : memref<128x128xf32, #tpu.memory_space<hbm>>)
      %add3A_251 = arith.constant 768 : i32
      %add3A_252 = arith.addi %mul3A_11, %add3A_251 : i32
      %multiple_of3A_253 = tpu.assume_multiple %add3A_252, 128 : i32
      %dma_start3A_254 = arith.constant 6 : i32
      %dma_start3A_255 = arith.constant 0 : i32
      %dma_start3A_256 = tpu.memref_slice %arg8[%dma_start3A_254, %dma_start3A_255] : memref<18x128xi32, #tpu.memory_space<vmem>> -> memref<1x128xi32, #tpu.memory_space<vmem>>
      %dma_start3A_257 = tpu.memref_squeeze %dma_start3A_256 : memref<1x128xi32, #tpu.memory_space<vmem>> -> memref<128xi32, #tpu.memory_space<vmem>>
      %dma_start3A_258 = arith.constant 0 : i32
      %dma_start3A_259 = arith.constant 0 : i32
      %dma_start3A_260 = tpu.memref_slice %arg2[%dma_start3A_258, %dma_start3A_259] : memref<100000x128xf32, #tpu.memory_space<hbm>> -> memref<100000x128xf32, #tpu.memory_space<hbm>>
      tpu.enqueue_indirect_dma source(%dma_start3A_260 : memref<100000x128xf32, #tpu.memory_space<hbm>>) target(%arg15 : memref<128x128xf32, #tpu.memory_space<vmem>>) offsets(%dma_start3A_257 : memref<128xi32, #tpu.memory_space<vmem>>) semaphore(%arg22 : memref<!tpu.dma_semaphore, #tpu.memory_space<semaphore_mem>>)
      %add3A_261 = arith.constant 384 : i32
      %add3A_262 = arith.addi %mul3A_11, %add3A_261 : i32
      %multiple_of3A_263 = tpu.assume_multiple %add3A_262, 128 : i32
      %dma_wait3A_264 = arith.constant 3 : i32
      %dma_wait3A_265 = arith.constant 0 : i32
      %dma_wait3A_266 = tpu.memref_slice %arg9[%dma_wait3A_264, %dma_wait3A_265] : memref<18x128xi32, #tpu.memory_space<vmem>> -> memref<1x128xi32, #tpu.memory_space<vmem>>
      %dma_wait3A_267 = tpu.memref_squeeze %dma_wait3A_266 : memref<1x128xi32, #tpu.memory_space<vmem>> -> memref<128xi32, #tpu.memory_space<vmem>>
      %dma_wait3A_268 = arith.constant 0 : i32
      %dma_wait3A_269 = arith.constant 0 : i32
      %dma_wait3A_270 = tpu.memref_slice %arg3[%dma_wait3A_268, %dma_wait3A_269] : memref<100000x128xf32, #tpu.memory_space<hbm>> -> memref<100000x128xf32, #tpu.memory_space<hbm>>
      tpu.wait_indirect_dma semaphore(%arg17 : memref<!tpu.dma_semaphore, #tpu.memory_space<semaphore_mem>>) src(%dma_wait3A_270 : memref<100000x128xf32, #tpu.memory_space<hbm>>) dst(%arg10 : memref<128x128xf32, #tpu.memory_space<vmem>>)
      %dma_start3A_271 = arith.constant 0 : i32
      %dma_start3A_272 = tpu.memref_slice %arg7[%multiple_of3A_263, %dma_start3A_271] : memref<51200x128xf32, #tpu.memory_space<hbm>> -> memref<128x128xf32, #tpu.memory_space<hbm>>
      %dma_start3A_273 = arith.constant 0 : i32
      %dma_start3A_274 = tpu.memref_slice %arg7[%multiple_of3A_263, %dma_start3A_273] : memref<51200x128xf32, #tpu.memory_space<hbm>> -> memref<128x128xf32, #tpu.memory_space<hbm>>
      tpu.enqueue_dma source(%arg10 : memref<128x128xf32, #tpu.memory_space<vmem>>) target(%dma_start3A_274 : memref<128x128xf32, #tpu.memory_space<hbm>>) target_semaphore(%arg24 : memref<!tpu.dma_semaphore, #tpu.memory_space<semaphore_mem>>)
      %dma_wait3A_275 = arith.constant 0 : i32
      %dma_wait3A_276 = tpu.memref_slice %arg6[%multiple_of3A_235, %dma_wait3A_275] : memref<51200x128xf32, #tpu.memory_space<hbm>> -> memref<128x128xf32, #tpu.memory_space<hbm>>
      %dma_wait3A_277 = arith.constant 0 : i32
      %dma_wait3A_278 = tpu.memref_slice %arg6[%multiple_of3A_235, %dma_wait3A_277] : memref<51200x128xf32, #tpu.memory_space<hbm>> -> memref<128x128xf32, #tpu.memory_space<hbm>>
      tpu.wait_dma2 semaphore(%arg30 : memref<!tpu.dma_semaphore, #tpu.memory_space<semaphore_mem>>) src(%arg16 : memref<128x128xf32, #tpu.memory_space<vmem>>) dst(%dma_wait3A_278 : memref<128x128xf32, #tpu.memory_space<hbm>>)
      %add3A_279 = arith.constant 768 : i32
      %add3A_280 = arith.addi %mul3A_11, %add3A_279 : i32
      %multiple_of3A_281 = tpu.assume_multiple %add3A_280, 128 : i32
      %dma_start3A_282 = arith.constant 6 : i32
      %dma_start3A_283 = arith.constant 0 : i32
      %dma_start3A_284 = tpu.memref_slice %arg9[%dma_start3A_282, %dma_start3A_283] : memref<18x128xi32, #tpu.memory_space<vmem>> -> memref<1x128xi32, #tpu.memory_space<vmem>>
      %dma_start3A_285 = tpu.memref_squeeze %dma_start3A_284 : memref<1x128xi32, #tpu.memory_space<vmem>> -> memref<128xi32, #tpu.memory_space<vmem>>
      %dma_start3A_286 = arith.constant 0 : i32
      %dma_start3A_287 = arith.constant 0 : i32
      %dma_start3A_288 = tpu.memref_slice %arg3[%dma_start3A_286, %dma_start3A_287] : memref<100000x128xf32, #tpu.memory_space<hbm>> -> memref<100000x128xf32, #tpu.memory_space<hbm>>
      tpu.enqueue_indirect_dma source(%dma_start3A_288 : memref<100000x128xf32, #tpu.memory_space<hbm>>) target(%arg16 : memref<128x128xf32, #tpu.memory_space<vmem>>) offsets(%dma_start3A_285 : memref<128xi32, #tpu.memory_space<vmem>>) semaphore(%arg23 : memref<!tpu.dma_semaphore, #tpu.memory_space<semaphore_mem>>)
      %add3A_289 = arith.constant 512 : i32
      %add3A_290 = arith.addi %mul3A_11, %add3A_289 : i32
      %multiple_of3A_291 = tpu.assume_multiple %add3A_290, 128 : i32
      %dma_wait3A_292 = arith.constant 4 : i32
      %dma_wait3A_293 = arith.constant 0 : i32
      %dma_wait3A_294 = tpu.memref_slice %arg8[%dma_wait3A_292, %dma_wait3A_293] : memref<18x128xi32, #tpu.memory_space<vmem>> -> memref<1x128xi32, #tpu.memory_space<vmem>>
      %dma_wait3A_295 = tpu.memref_squeeze %dma_wait3A_294 : memref<1x128xi32, #tpu.memory_space<vmem>> -> memref<128xi32, #tpu.memory_space<vmem>>
      %dma_wait3A_296 = arith.constant 0 : i32
      %dma_wait3A_297 = arith.constant 0 : i32
      %dma_wait3A_298 = tpu.memref_slice %arg2[%dma_wait3A_296, %dma_wait3A_297] : memref<100000x128xf32, #tpu.memory_space<hbm>> -> memref<100000x128xf32, #tpu.memory_space<hbm>>
      tpu.wait_indirect_dma semaphore(%arg18 : memref<!tpu.dma_semaphore, #tpu.memory_space<semaphore_mem>>) src(%dma_wait3A_298 : memref<100000x128xf32, #tpu.memory_space<hbm>>) dst(%arg11 : memref<128x128xf32, #tpu.memory_space<vmem>>)
      %dma_start3A_299 = arith.constant 0 : i32
      %dma_start3A_300 = tpu.memref_slice %arg6[%multiple_of3A_291, %dma_start3A_299] : memref<51200x128xf32, #tpu.memory_space<hbm>> -> memref<128x128xf32, #tpu.memory_space<hbm>>
      %dma_start3A_301 = arith.constant 0 : i32
      %dma_start3A_302 = tpu.memref_slice %arg6[%multiple_of3A_291, %dma_start3A_301] : memref<51200x128xf32, #tpu.memory_space<hbm>> -> memref<128x128xf32, #tpu.memory_space<hbm>>
      tpu.enqueue_dma source(%arg11 : memref<128x128xf32, #tpu.memory_space<vmem>>) target(%dma_start3A_302 : memref<128x128xf32, #tpu.memory_space<hbm>>) target_semaphore(%arg25 : memref<!tpu.dma_semaphore, #tpu.memory_space<semaphore_mem>>)
      %dma_wait3A_303 = arith.constant 0 : i32
      %dma_wait3A_304 = tpu.memref_slice %arg7[%multiple_of3A_263, %dma_wait3A_303] : memref<51200x128xf32, #tpu.memory_space<hbm>> -> memref<128x128xf32, #tpu.memory_space<hbm>>
      %dma_wait3A_305 = arith.constant 0 : i32
      %dma_wait3A_306 = tpu.memref_slice %arg7[%multiple_of3A_263, %dma_wait3A_305] : memref<51200x128xf32, #tpu.memory_space<hbm>> -> memref<128x128xf32, #tpu.memory_space<hbm>>
      tpu.wait_dma2 semaphore(%arg24 : memref<!tpu.dma_semaphore, #tpu.memory_space<semaphore_mem>>) src(%arg10 : memref<128x128xf32, #tpu.memory_space<vmem>>) dst(%dma_wait3A_306 : memref<128x128xf32, #tpu.memory_space<hbm>>)
      %add3A_307 = arith.constant 896 : i32
      %add3A_308 = arith.addi %mul3A_11, %add3A_307 : i32
      %multiple_of3A_309 = tpu.assume_multiple %add3A_308, 128 : i32
      %dma_start3A_310 = arith.constant 7 : i32
      %dma_start3A_311 = arith.constant 0 : i32
      %dma_start3A_312 = tpu.memref_slice %arg8[%dma_start3A_310, %dma_start3A_311] : memref<18x128xi32, #tpu.memory_space<vmem>> -> memref<1x128xi32, #tpu.memory_space<vmem>>
      %dma_start3A_313 = tpu.memref_squeeze %dma_start3A_312 : memref<1x128xi32, #tpu.memory_space<vmem>> -> memref<128xi32, #tpu.memory_space<vmem>>
      %dma_start3A_314 = arith.constant 0 : i32
      %dma_start3A_315 = arith.constant 0 : i32
      %dma_start3A_316 = tpu.memref_slice %arg2[%dma_start3A_314, %dma_start3A_315] : memref<100000x128xf32, #tpu.memory_space<hbm>> -> memref<100000x128xf32, #tpu.memory_space<hbm>>
      tpu.enqueue_indirect_dma source(%dma_start3A_316 : memref<100000x128xf32, #tpu.memory_space<hbm>>) target(%arg10 : memref<128x128xf32, #tpu.memory_space<vmem>>) offsets(%dma_start3A_313 : memref<128xi32, #tpu.memory_space<vmem>>) semaphore(%arg17 : memref<!tpu.dma_semaphore, #tpu.memory_space<semaphore_mem>>)
      %add3A_317 = arith.constant 512 : i32
      %add3A_318 = arith.addi %mul3A_11, %add3A_317 : i32
      %multiple_of3A_319 = tpu.assume_multiple %add3A_318, 128 : i32
      %dma_wait3A_320 = arith.constant 4 : i32
      %dma_wait3A_321 = arith.constant 0 : i32
      %dma_wait3A_322 = tpu.memref_slice %arg9[%dma_wait3A_320, %dma_wait3A_321] : memref<18x128xi32, #tpu.memory_space<vmem>> -> memref<1x128xi32, #tpu.memory_space<vmem>>
      %dma_wait3A_323 = tpu.memref_squeeze %dma_wait3A_322 : memref<1x128xi32, #tpu.memory_space<vmem>> -> memref<128xi32, #tpu.memory_space<vmem>>
      %dma_wait3A_324 = arith.constant 0 : i32
      %dma_wait3A_325 = arith.constant 0 : i32
      %dma_wait3A_326 = tpu.memref_slice %arg3[%dma_wait3A_324, %dma_wait3A_325] : memref<100000x128xf32, #tpu.memory_space<hbm>> -> memref<100000x128xf32, #tpu.memory_space<hbm>>
      tpu.wait_indirect_dma semaphore(%arg19 : memref<!tpu.dma_semaphore, #tpu.memory_space<semaphore_mem>>) src(%dma_wait3A_326 : memref<100000x128xf32, #tpu.memory_space<hbm>>) dst(%arg12 : memref<128x128xf32, #tpu.memory_space<vmem>>)
      %dma_start3A_327 = arith.constant 0 : i32
      %dma_start3A_328 = tpu.memref_slice %arg7[%multiple_of3A_319, %dma_start3A_327] : memref<51200x128xf32, #tpu.memory_space<hbm>> -> memref<128x128xf32, #tpu.memory_space<hbm>>
      %dma_start3A_329 = arith.constant 0 : i32
      %dma_start3A_330 = tpu.memref_slice %arg7[%multiple_of3A_319, %dma_start3A_329] : memref<51200x128xf32, #tpu.memory_space<hbm>> -> memref<128x128xf32, #tpu.memory_space<hbm>>
      tpu.enqueue_dma source(%arg12 : memref<128x128xf32, #tpu.memory_space<vmem>>) target(%dma_start3A_330 : memref<128x128xf32, #tpu.memory_space<hbm>>) target_semaphore(%arg26 : memref<!tpu.dma_semaphore, #tpu.memory_space<semaphore_mem>>)
      %dma_wait3A_331 = arith.constant 0 : i32
      %dma_wait3A_332 = tpu.memref_slice %arg6[%multiple_of3A_291, %dma_wait3A_331] : memref<51200x128xf32, #tpu.memory_space<hbm>> -> memref<128x128xf32, #tpu.memory_space<hbm>>
      %dma_wait3A_333 = arith.constant 0 : i32
      %dma_wait3A_334 = tpu.memref_slice %arg6[%multiple_of3A_291, %dma_wait3A_333] : memref<51200x128xf32, #tpu.memory_space<hbm>> -> memref<128x128xf32, #tpu.memory_space<hbm>>
      tpu.wait_dma2 semaphore(%arg25 : memref<!tpu.dma_semaphore, #tpu.memory_space<semaphore_mem>>) src(%arg11 : memref<128x128xf32, #tpu.memory_space<vmem>>) dst(%dma_wait3A_334 : memref<128x128xf32, #tpu.memory_space<hbm>>)
      %add3A_335 = arith.constant 896 : i32
      %add3A_336 = arith.addi %mul3A_11, %add3A_335 : i32
      %multiple_of3A_337 = tpu.assume_multiple %add3A_336, 128 : i32
      %dma_start3A_338 = arith.constant 7 : i32
      %dma_start3A_339 = arith.constant 0 : i32
      %dma_start3A_340 = tpu.memref_slice %arg9[%dma_start3A_338, %dma_start3A_339] : memref<18x128xi32, #tpu.memory_space<vmem>> -> memref<1x128xi32, #tpu.memory_space<vmem>>
      %dma_start3A_341 = tpu.memref_squeeze %dma_start3A_340 : memref<1x128xi32, #tpu.memory_space<vmem>> -> memref<128xi32, #tpu.memory_space<vmem>>
      %dma_start3A_342 = arith.constant 0 : i32
      %dma_start3A_343 = arith.constant 0 : i32
      %dma_start3A_344 = tpu.memref_slice %arg3[%dma_start3A_342, %dma_start3A_343] : memref<100000x128xf32, #tpu.memory_space<hbm>> -> memref<100000x128xf32, #tpu.memory_space<hbm>>
      tpu.enqueue_indirect_dma source(%dma_start3A_344 : memref<100000x128xf32, #tpu.memory_space<hbm>>) target(%arg11 : memref<128x128xf32, #tpu.memory_space<vmem>>) offsets(%dma_start3A_341 : memref<128xi32, #tpu.memory_space<vmem>>) semaphore(%arg18 : memref<!tpu.dma_semaphore, #tpu.memory_space<semaphore_mem>>)
      %add3A_345 = arith.constant 640 : i32
      %add3A_346 = arith.addi %mul3A_11, %add3A_345 : i32
      %multiple_of3A_347 = tpu.assume_multiple %add3A_346, 128 : i32
      %dma_wait3A_348 = arith.constant 5 : i32
      %dma_wait3A_349 = arith.constant 0 : i32
      %dma_wait3A_350 = tpu.memref_slice %arg8[%dma_wait3A_348, %dma_wait3A_349] : memref<18x128xi32, #tpu.memory_space<vmem>> -> memref<1x128xi32, #tpu.memory_space<vmem>>
      %dma_wait3A_351 = tpu.memref_squeeze %dma_wait3A_350 : memref<1x128xi32, #tpu.memory_space<vmem>> -> memref<128xi32, #tpu.memory_space<vmem>>
      %dma_wait3A_352 = arith.constant 0 : i32
      %dma_wait3A_353 = arith.constant 0 : i32
      %dma_wait3A_354 = tpu.memref_slice %arg2[%dma_wait3A_352, %dma_wait3A_353] : memref<100000x128xf32, #tpu.memory_space<hbm>> -> memref<100000x128xf32, #tpu.memory_space<hbm>>
      tpu.wait_indirect_dma semaphore(%arg20 : memref<!tpu.dma_semaphore, #tpu.memory_space<semaphore_mem>>) src(%dma_wait3A_354 : memref<100000x128xf32, #tpu.memory_space<hbm>>) dst(%arg13 : memref<128x128xf32, #tpu.memory_space<vmem>>)
      %dma_start3A_355 = arith.constant 0 : i32
      %dma_start3A_356 = tpu.memref_slice %arg6[%multiple_of3A_347, %dma_start3A_355] : memref<51200x128xf32, #tpu.memory_space<hbm>> -> memref<128x128xf32, #tpu.memory_space<hbm>>
      %dma_start3A_357 = arith.constant 0 : i32
      %dma_start3A_358 = tpu.memref_slice %arg6[%multiple_of3A_347, %dma_start3A_357] : memref<51200x128xf32, #tpu.memory_space<hbm>> -> memref<128x128xf32, #tpu.memory_space<hbm>>
      tpu.enqueue_dma source(%arg13 : memref<128x128xf32, #tpu.memory_space<vmem>>) target(%dma_start3A_358 : memref<128x128xf32, #tpu.memory_space<hbm>>) target_semaphore(%arg27 : memref<!tpu.dma_semaphore, #tpu.memory_space<semaphore_mem>>)
      %dma_wait3A_359 = arith.constant 0 : i32
      %dma_wait3A_360 = tpu.memref_slice %arg7[%multiple_of3A_319, %dma_wait3A_359] : memref<51200x128xf32, #tpu.memory_space<hbm>> -> memref<128x128xf32, #tpu.memory_space<hbm>>
      %dma_wait3A_361 = arith.constant 0 : i32
      %dma_wait3A_362 = tpu.memref_slice %arg7[%multiple_of3A_319, %dma_wait3A_361] : memref<51200x128xf32, #tpu.memory_space<hbm>> -> memref<128x128xf32, #tpu.memory_space<hbm>>
      tpu.wait_dma2 semaphore(%arg26 : memref<!tpu.dma_semaphore, #tpu.memory_space<semaphore_mem>>) src(%arg12 : memref<128x128xf32, #tpu.memory_space<vmem>>) dst(%dma_wait3A_362 : memref<128x128xf32, #tpu.memory_space<hbm>>)
      %add3A_363 = arith.constant 1024 : i32
      %add3A_364 = arith.addi %mul3A_11, %add3A_363 : i32
      %multiple_of3A_365 = tpu.assume_multiple %add3A_364, 128 : i32
      %dma_start3A_366 = arith.constant 8 : i32
      %dma_start3A_367 = arith.constant 0 : i32
      %dma_start3A_368 = tpu.memref_slice %arg8[%dma_start3A_366, %dma_start3A_367] : memref<18x128xi32, #tpu.memory_space<vmem>> -> memref<1x128xi32, #tpu.memory_space<vmem>>
      %dma_start3A_369 = tpu.memref_squeeze %dma_start3A_368 : memref<1x128xi32, #tpu.memory_space<vmem>> -> memref<128xi32, #tpu.memory_space<vmem>>
      %dma_start3A_370 = arith.constant 0 : i32
      %dma_start3A_371 = arith.constant 0 : i32
      %dma_start3A_372 = tpu.memref_slice %arg2[%dma_start3A_370, %dma_start3A_371] : memref<100000x128xf32, #tpu.memory_space<hbm>> -> memref<100000x128xf32, #tpu.memory_space<hbm>>
      tpu.enqueue_indirect_dma source(%dma_start3A_372 : memref<100000x128xf32, #tpu.memory_space<hbm>>) target(%arg12 : memref<128x128xf32, #tpu.memory_space<vmem>>) offsets(%dma_start3A_369 : memref<128xi32, #tpu.memory_space<vmem>>) semaphore(%arg19 : memref<!tpu.dma_semaphore, #tpu.memory_space<semaphore_mem>>)
      %add3A_373 = arith.constant 640 : i32
      %add3A_374 = arith.addi %mul3A_11, %add3A_373 : i32
      %multiple_of3A_375 = tpu.assume_multiple %add3A_374, 128 : i32
      %dma_wait3A_376 = arith.constant 5 : i32
      %dma_wait3A_377 = arith.constant 0 : i32
      %dma_wait3A_378 = tpu.memref_slice %arg9[%dma_wait3A_376, %dma_wait3A_377] : memref<18x128xi32, #tpu.memory_space<vmem>> -> memref<1x128xi32, #tpu.memory_space<vmem>>
      %dma_wait3A_379 = tpu.memref_squeeze %dma_wait3A_378 : memref<1x128xi32, #tpu.memory_space<vmem>> -> memref<128xi32, #tpu.memory_space<vmem>>
      %dma_wait3A_380 = arith.constant 0 : i32
      %dma_wait3A_381 = arith.constant 0 : i32
      %dma_wait3A_382 = tpu.memref_slice %arg3[%dma_wait3A_380, %dma_wait3A_381] : memref<100000x128xf32, #tpu.memory_space<hbm>> -> memref<100000x128xf32, #tpu.memory_space<hbm>>
      tpu.wait_indirect_dma semaphore(%arg21 : memref<!tpu.dma_semaphore, #tpu.memory_space<semaphore_mem>>) src(%dma_wait3A_382 : memref<100000x128xf32, #tpu.memory_space<hbm>>) dst(%arg14 : memref<128x128xf32, #tpu.memory_space<vmem>>)
      %dma_start3A_383 = arith.constant 0 : i32
      %dma_start3A_384 = tpu.memref_slice %arg7[%multiple_of3A_375, %dma_start3A_383] : memref<51200x128xf32, #tpu.memory_space<hbm>> -> memref<128x128xf32, #tpu.memory_space<hbm>>
      %dma_start3A_385 = arith.constant 0 : i32
      %dma_start3A_386 = tpu.memref_slice %arg7[%multiple_of3A_375, %dma_start3A_385] : memref<51200x128xf32, #tpu.memory_space<hbm>> -> memref<128x128xf32, #tpu.memory_space<hbm>>
      tpu.enqueue_dma source(%arg14 : memref<128x128xf32, #tpu.memory_space<vmem>>) target(%dma_start3A_386 : memref<128x128xf32, #tpu.memory_space<hbm>>) target_semaphore(%arg28 : memref<!tpu.dma_semaphore, #tpu.memory_space<semaphore_mem>>)
      %dma_wait3A_387 = arith.constant 0 : i32
      %dma_wait3A_388 = tpu.memref_slice %arg6[%multiple_of3A_347, %dma_wait3A_387] : memref<51200x128xf32, #tpu.memory_space<hbm>> -> memref<128x128xf32, #tpu.memory_space<hbm>>
      %dma_wait3A_389 = arith.constant 0 : i32
      %dma_wait3A_390 = tpu.memref_slice %arg6[%multiple_of3A_347, %dma_wait3A_389] : memref<51200x128xf32, #tpu.memory_space<hbm>> -> memref<128x128xf32, #tpu.memory_space<hbm>>
      tpu.wait_dma2 semaphore(%arg27 : memref<!tpu.dma_semaphore, #tpu.memory_space<semaphore_mem>>) src(%arg13 : memref<128x128xf32, #tpu.memory_space<vmem>>) dst(%dma_wait3A_390 : memref<128x128xf32, #tpu.memory_space<hbm>>)
      %add3A_391 = arith.constant 1024 : i32
      %add3A_392 = arith.addi %mul3A_11, %add3A_391 : i32
      %multiple_of3A_393 = tpu.assume_multiple %add3A_392, 128 : i32
      %dma_start3A_394 = arith.constant 8 : i32
      %dma_start3A_395 = arith.constant 0 : i32
      %dma_start3A_396 = tpu.memref_slice %arg9[%dma_start3A_394, %dma_start3A_395] : memref<18x128xi32, #tpu.memory_space<vmem>> -> memref<1x128xi32, #tpu.memory_space<vmem>>
      %dma_start3A_397 = tpu.memref_squeeze %dma_start3A_396 : memref<1x128xi32, #tpu.memory_space<vmem>> -> memref<128xi32, #tpu.memory_space<vmem>>
      %dma_start3A_398 = arith.constant 0 : i32
      %dma_start3A_399 = arith.constant 0 : i32
      %dma_start3A_400 = tpu.memref_slice %arg3[%dma_start3A_398, %dma_start3A_399] : memref<100000x128xf32, #tpu.memory_space<hbm>> -> memref<100000x128xf32, #tpu.memory_space<hbm>>
      tpu.enqueue_indirect_dma source(%dma_start3A_400 : memref<100000x128xf32, #tpu.memory_space<hbm>>) target(%arg13 : memref<128x128xf32, #tpu.memory_space<vmem>>) offsets(%dma_start3A_397 : memref<128xi32, #tpu.memory_space<vmem>>) semaphore(%arg20 : memref<!tpu.dma_semaphore, #tpu.memory_space<semaphore_mem>>)
      %add3A_401 = arith.constant 768 : i32
      %add3A_402 = arith.addi %mul3A_11, %add3A_401 : i32
      %multiple_of3A_403 = tpu.assume_multiple %add3A_402, 128 : i32
      %dma_wait3A_404 = arith.constant 6 : i32
      %dma_wait3A_405 = arith.constant 0 : i32
      %dma_wait3A_406 = tpu.memref_slice %arg8[%dma_wait3A_404, %dma_wait3A_405] : memref<18x128xi32, #tpu.memory_space<vmem>> -> memref<1x128xi32, #tpu.memory_space<vmem>>
      %dma_wait3A_407 = tpu.memref_squeeze %dma_wait3A_406 : memref<1x128xi32, #tpu.memory_space<vmem>> -> memref<128xi32, #tpu.memory_space<vmem>>
      %dma_wait3A_408 = arith.constant 0 : i32
      %dma_wait3A_409 = arith.constant 0 : i32
      %dma_wait3A_410 = tpu.memref_slice %arg2[%dma_wait3A_408, %dma_wait3A_409] : memref<100000x128xf32, #tpu.memory_space<hbm>> -> memref<100000x128xf32, #tpu.memory_space<hbm>>
      tpu.wait_indirect_dma semaphore(%arg22 : memref<!tpu.dma_semaphore, #tpu.memory_space<semaphore_mem>>) src(%dma_wait3A_410 : memref<100000x128xf32, #tpu.memory_space<hbm>>) dst(%arg15 : memref<128x128xf32, #tpu.memory_space<vmem>>)
      %dma_start3A_411 = arith.constant 0 : i32
      %dma_start3A_412 = tpu.memref_slice %arg6[%multiple_of3A_403, %dma_start3A_411] : memref<51200x128xf32, #tpu.memory_space<hbm>> -> memref<128x128xf32, #tpu.memory_space<hbm>>
      %dma_start3A_413 = arith.constant 0 : i32
      %dma_start3A_414 = tpu.memref_slice %arg6[%multiple_of3A_403, %dma_start3A_413] : memref<51200x128xf32, #tpu.memory_space<hbm>> -> memref<128x128xf32, #tpu.memory_space<hbm>>
      tpu.enqueue_dma source(%arg15 : memref<128x128xf32, #tpu.memory_space<vmem>>) target(%dma_start3A_414 : memref<128x128xf32, #tpu.memory_space<hbm>>) target_semaphore(%arg29 : memref<!tpu.dma_semaphore, #tpu.memory_space<semaphore_mem>>)
      %dma_wait3A_415 = arith.constant 0 : i32
      %dma_wait3A_416 = tpu.memref_slice %arg7[%multiple_of3A_375, %dma_wait3A_415] : memref<51200x128xf32, #tpu.memory_space<hbm>> -> memref<128x128xf32, #tpu.memory_space<hbm>>
      %dma_wait3A_417 = arith.constant 0 : i32
      %dma_wait3A_418 = tpu.memref_slice %arg7[%multiple_of3A_375, %dma_wait3A_417] : memref<51200x128xf32, #tpu.memory_space<hbm>> -> memref<128x128xf32, #tpu.memory_space<hbm>>
      tpu.wait_dma2 semaphore(%arg28 : memref<!tpu.dma_semaphore, #tpu.memory_space<semaphore_mem>>) src(%arg14 : memref<128x128xf32, #tpu.memory_space<vmem>>) dst(%dma_wait3A_418 : memref<128x128xf32, #tpu.memory_space<hbm>>)
      %add3A_419 = arith.constant 1152 : i32
      %add3A_420 = arith.addi %mul3A_11, %add3A_419 : i32
      %multiple_of3A_421 = tpu.assume_multiple %add3A_420, 128 : i32
      %dma_start3A_422 = arith.constant 9 : i32
      %dma_start3A_423 = arith.constant 0 : i32
      %dma_start3A_424 = tpu.memref_slice %arg8[%dma_start3A_422, %dma_start3A_423] : memref<18x128xi32, #tpu.memory_space<vmem>> -> memref<1x128xi32, #tpu.memory_space<vmem>>
      %dma_start3A_425 = tpu.memref_squeeze %dma_start3A_424 : memref<1x128xi32, #tpu.memory_space<vmem>> -> memref<128xi32, #tpu.memory_space<vmem>>
      %dma_start3A_426 = arith.constant 0 : i32
      %dma_start3A_427 = arith.constant 0 : i32
      %dma_start3A_428 = tpu.memref_slice %arg2[%dma_start3A_426, %dma_start3A_427] : memref<100000x128xf32, #tpu.memory_space<hbm>> -> memref<100000x128xf32, #tpu.memory_space<hbm>>
      tpu.enqueue_indirect_dma source(%dma_start3A_428 : memref<100000x128xf32, #tpu.memory_space<hbm>>) target(%arg14 : memref<128x128xf32, #tpu.memory_space<vmem>>) offsets(%dma_start3A_425 : memref<128xi32, #tpu.memory_space<vmem>>) semaphore(%arg21 : memref<!tpu.dma_semaphore, #tpu.memory_space<semaphore_mem>>)
      %add3A_429 = arith.constant 768 : i32
      %add3A_430 = arith.addi %mul3A_11, %add3A_429 : i32
      %multiple_of3A_431 = tpu.assume_multiple %add3A_430, 128 : i32
      %dma_wait3A_432 = arith.constant 6 : i32
      %dma_wait3A_433 = arith.constant 0 : i32
      %dma_wait3A_434 = tpu.memref_slice %arg9[%dma_wait3A_432, %dma_wait3A_433] : memref<18x128xi32, #tpu.memory_space<vmem>> -> memref<1x128xi32, #tpu.memory_space<vmem>>
      %dma_wait3A_435 = tpu.memref_squeeze %dma_wait3A_434 : memref<1x128xi32, #tpu.memory_space<vmem>> -> memref<128xi32, #tpu.memory_space<vmem>>
      %dma_wait3A_436 = arith.constant 0 : i32
      %dma_wait3A_437 = arith.constant 0 : i32
      %dma_wait3A_438 = tpu.memref_slice %arg3[%dma_wait3A_436, %dma_wait3A_437] : memref<100000x128xf32, #tpu.memory_space<hbm>> -> memref<100000x128xf32, #tpu.memory_space<hbm>>
      tpu.wait_indirect_dma semaphore(%arg23 : memref<!tpu.dma_semaphore, #tpu.memory_space<semaphore_mem>>) src(%dma_wait3A_438 : memref<100000x128xf32, #tpu.memory_space<hbm>>) dst(%arg16 : memref<128x128xf32, #tpu.memory_space<vmem>>)
      %dma_start3A_439 = arith.constant 0 : i32
      %dma_start3A_440 = tpu.memref_slice %arg7[%multiple_of3A_431, %dma_start3A_439] : memref<51200x128xf32, #tpu.memory_space<hbm>> -> memref<128x128xf32, #tpu.memory_space<hbm>>
      %dma_start3A_441 = arith.constant 0 : i32
      %dma_start3A_442 = tpu.memref_slice %arg7[%multiple_of3A_431, %dma_start3A_441] : memref<51200x128xf32, #tpu.memory_space<hbm>> -> memref<128x128xf32, #tpu.memory_space<hbm>>
      tpu.enqueue_dma source(%arg16 : memref<128x128xf32, #tpu.memory_space<vmem>>) target(%dma_start3A_442 : memref<128x128xf32, #tpu.memory_space<hbm>>) target_semaphore(%arg30 : memref<!tpu.dma_semaphore, #tpu.memory_space<semaphore_mem>>)
      %dma_wait3A_443 = arith.constant 0 : i32
      %dma_wait3A_444 = tpu.memref_slice %arg6[%multiple_of3A_403, %dma_wait3A_443] : memref<51200x128xf32, #tpu.memory_space<hbm>> -> memref<128x128xf32, #tpu.memory_space<hbm>>
      %dma_wait3A_445 = arith.constant 0 : i32
      %dma_wait3A_446 = tpu.memref_slice %arg6[%multiple_of3A_403, %dma_wait3A_445] : memref<51200x128xf32, #tpu.memory_space<hbm>> -> memref<128x128xf32, #tpu.memory_space<hbm>>
      tpu.wait_dma2 semaphore(%arg29 : memref<!tpu.dma_semaphore, #tpu.memory_space<semaphore_mem>>) src(%arg15 : memref<128x128xf32, #tpu.memory_space<vmem>>) dst(%dma_wait3A_446 : memref<128x128xf32, #tpu.memory_space<hbm>>)
      %add3A_447 = arith.constant 1152 : i32
      %add3A_448 = arith.addi %mul3A_11, %add3A_447 : i32
      %multiple_of3A_449 = tpu.assume_multiple %add3A_448, 128 : i32
      %dma_start3A_450 = arith.constant 9 : i32
      %dma_start3A_451 = arith.constant 0 : i32
      %dma_start3A_452 = tpu.memref_slice %arg9[%dma_start3A_450, %dma_start3A_451] : memref<18x128xi32, #tpu.memory_space<vmem>> -> memref<1x128xi32, #tpu.memory_space<vmem>>
      %dma_start3A_453 = tpu.memref_squeeze %dma_start3A_452 : memref<1x128xi32, #tpu.memory_space<vmem>> -> memref<128xi32, #tpu.memory_space<vmem>>
      %dma_start3A_454 = arith.constant 0 : i32
      %dma_start3A_455 = arith.constant 0 : i32
      %dma_start3A_456 = tpu.memref_slice %arg3[%dma_start3A_454, %dma_start3A_455] : memref<100000x128xf32, #tpu.memory_space<hbm>> -> memref<100000x128xf32, #tpu.memory_space<hbm>>
      tpu.enqueue_indirect_dma source(%dma_start3A_456 : memref<100000x128xf32, #tpu.memory_space<hbm>>) target(%arg15 : memref<128x128xf32, #tpu.memory_space<vmem>>) offsets(%dma_start3A_453 : memref<128xi32, #tpu.memory_space<vmem>>) semaphore(%arg22 : memref<!tpu.dma_semaphore, #tpu.memory_space<semaphore_mem>>)
      %add3A_457 = arith.constant 896 : i32
      %add3A_458 = arith.addi %mul3A_11, %add3A_457 : i32
      %multiple_of3A_459 = tpu.assume_multiple %add3A_458, 128 : i32
      %dma_wait3A_460 = arith.constant 7 : i32
      %dma_wait3A_461 = arith.constant 0 : i32
      %dma_wait3A_462 = tpu.memref_slice %arg8[%dma_wait3A_460, %dma_wait3A_461] : memref<18x128xi32, #tpu.memory_space<vmem>> -> memref<1x128xi32, #tpu.memory_space<vmem>>
      %dma_wait3A_463 = tpu.memref_squeeze %dma_wait3A_462 : memref<1x128xi32, #tpu.memory_space<vmem>> -> memref<128xi32, #tpu.memory_space<vmem>>
      %dma_wait3A_464 = arith.constant 0 : i32
      %dma_wait3A_465 = arith.constant 0 : i32
      %dma_wait3A_466 = tpu.memref_slice %arg2[%dma_wait3A_464, %dma_wait3A_465] : memref<100000x128xf32, #tpu.memory_space<hbm>> -> memref<100000x128xf32, #tpu.memory_space<hbm>>
      tpu.wait_indirect_dma semaphore(%arg17 : memref<!tpu.dma_semaphore, #tpu.memory_space<semaphore_mem>>) src(%dma_wait3A_466 : memref<100000x128xf32, #tpu.memory_space<hbm>>) dst(%arg10 : memref<128x128xf32, #tpu.memory_space<vmem>>)
      %dma_start3A_467 = arith.constant 0 : i32
      %dma_start3A_468 = tpu.memref_slice %arg6[%multiple_of3A_459, %dma_start3A_467] : memref<51200x128xf32, #tpu.memory_space<hbm>> -> memref<128x128xf32, #tpu.memory_space<hbm>>
      %dma_start3A_469 = arith.constant 0 : i32
      %dma_start3A_470 = tpu.memref_slice %arg6[%multiple_of3A_459, %dma_start3A_469] : memref<51200x128xf32, #tpu.memory_space<hbm>> -> memref<128x128xf32, #tpu.memory_space<hbm>>
      tpu.enqueue_dma source(%arg10 : memref<128x128xf32, #tpu.memory_space<vmem>>) target(%dma_start3A_470 : memref<128x128xf32, #tpu.memory_space<hbm>>) target_semaphore(%arg24 : memref<!tpu.dma_semaphore, #tpu.memory_space<semaphore_mem>>)
      %dma_wait3A_471 = arith.constant 0 : i32
      %dma_wait3A_472 = tpu.memref_slice %arg7[%multiple_of3A_431, %dma_wait3A_471] : memref<51200x128xf32, #tpu.memory_space<hbm>> -> memref<128x128xf32, #tpu.memory_space<hbm>>
      %dma_wait3A_473 = arith.constant 0 : i32
      %dma_wait3A_474 = tpu.memref_slice %arg7[%multiple_of3A_431, %dma_wait3A_473] : memref<51200x128xf32, #tpu.memory_space<hbm>> -> memref<128x128xf32, #tpu.memory_space<hbm>>
      tpu.wait_dma2 semaphore(%arg30 : memref<!tpu.dma_semaphore, #tpu.memory_space<semaphore_mem>>) src(%arg16 : memref<128x128xf32, #tpu.memory_space<vmem>>) dst(%dma_wait3A_474 : memref<128x128xf32, #tpu.memory_space<hbm>>)
      %add3A_475 = arith.constant 1280 : i32
      %add3A_476 = arith.addi %mul3A_11, %add3A_475 : i32
      %multiple_of3A_477 = tpu.assume_multiple %add3A_476, 128 : i32
      %dma_start3A_478 = arith.constant 10 : i32
      %dma_start3A_479 = arith.constant 0 : i32
      %dma_start3A_480 = tpu.memref_slice %arg8[%dma_start3A_478, %dma_start3A_479] : memref<18x128xi32, #tpu.memory_space<vmem>> -> memref<1x128xi32, #tpu.memory_space<vmem>>
      %dma_start3A_481 = tpu.memref_squeeze %dma_start3A_480 : memref<1x128xi32, #tpu.memory_space<vmem>> -> memref<128xi32, #tpu.memory_space<vmem>>
      %dma_start3A_482 = arith.constant 0 : i32
      %dma_start3A_483 = arith.constant 0 : i32
      %dma_start3A_484 = tpu.memref_slice %arg2[%dma_start3A_482, %dma_start3A_483] : memref<100000x128xf32, #tpu.memory_space<hbm>> -> memref<100000x128xf32, #tpu.memory_space<hbm>>
      tpu.enqueue_indirect_dma source(%dma_start3A_484 : memref<100000x128xf32, #tpu.memory_space<hbm>>) target(%arg16 : memref<128x128xf32, #tpu.memory_space<vmem>>) offsets(%dma_start3A_481 : memref<128xi32, #tpu.memory_space<vmem>>) semaphore(%arg23 : memref<!tpu.dma_semaphore, #tpu.memory_space<semaphore_mem>>)
      %add3A_485 = arith.constant 896 : i32
      %add3A_486 = arith.addi %mul3A_11, %add3A_485 : i32
      %multiple_of3A_487 = tpu.assume_multiple %add3A_486, 128 : i32
      %dma_wait3A_488 = arith.constant 7 : i32
      %dma_wait3A_489 = arith.constant 0 : i32
      %dma_wait3A_490 = tpu.memref_slice %arg9[%dma_wait3A_488, %dma_wait3A_489] : memref<18x128xi32, #tpu.memory_space<vmem>> -> memref<1x128xi32, #tpu.memory_space<vmem>>
      %dma_wait3A_491 = tpu.memref_squeeze %dma_wait3A_490 : memref<1x128xi32, #tpu.memory_space<vmem>> -> memref<128xi32, #tpu.memory_space<vmem>>
      %dma_wait3A_492 = arith.constant 0 : i32
      %dma_wait3A_493 = arith.constant 0 : i32
      %dma_wait3A_494 = tpu.memref_slice %arg3[%dma_wait3A_492, %dma_wait3A_493] : memref<100000x128xf32, #tpu.memory_space<hbm>> -> memref<100000x128xf32, #tpu.memory_space<hbm>>
      tpu.wait_indirect_dma semaphore(%arg18 : memref<!tpu.dma_semaphore, #tpu.memory_space<semaphore_mem>>) src(%dma_wait3A_494 : memref<100000x128xf32, #tpu.memory_space<hbm>>) dst(%arg11 : memref<128x128xf32, #tpu.memory_space<vmem>>)
      %dma_start3A_495 = arith.constant 0 : i32
      %dma_start3A_496 = tpu.memref_slice %arg7[%multiple_of3A_487, %dma_start3A_495] : memref<51200x128xf32, #tpu.memory_space<hbm>> -> memref<128x128xf32, #tpu.memory_space<hbm>>
      %dma_start3A_497 = arith.constant 0 : i32
      %dma_start3A_498 = tpu.memref_slice %arg7[%multiple_of3A_487, %dma_start3A_497] : memref<51200x128xf32, #tpu.memory_space<hbm>> -> memref<128x128xf32, #tpu.memory_space<hbm>>
      tpu.enqueue_dma source(%arg11 : memref<128x128xf32, #tpu.memory_space<vmem>>) target(%dma_start3A_498 : memref<128x128xf32, #tpu.memory_space<hbm>>) target_semaphore(%arg25 : memref<!tpu.dma_semaphore, #tpu.memory_space<semaphore_mem>>)
      %dma_wait3A_499 = arith.constant 0 : i32
      %dma_wait3A_500 = tpu.memref_slice %arg6[%multiple_of3A_459, %dma_wait3A_499] : memref<51200x128xf32, #tpu.memory_space<hbm>> -> memref<128x128xf32, #tpu.memory_space<hbm>>
      %dma_wait3A_501 = arith.constant 0 : i32
      %dma_wait3A_502 = tpu.memref_slice %arg6[%multiple_of3A_459, %dma_wait3A_501] : memref<51200x128xf32, #tpu.memory_space<hbm>> -> memref<128x128xf32, #tpu.memory_space<hbm>>
      tpu.wait_dma2 semaphore(%arg24 : memref<!tpu.dma_semaphore, #tpu.memory_space<semaphore_mem>>) src(%arg10 : memref<128x128xf32, #tpu.memory_space<vmem>>) dst(%dma_wait3A_502 : memref<128x128xf32, #tpu.memory_space<hbm>>)
      %add3A_503 = arith.constant 1280 : i32
      %add3A_504 = arith.addi %mul3A_11, %add3A_503 : i32
      %multiple_of3A_505 = tpu.assume_multiple %add3A_504, 128 : i32
      %dma_start3A_506 = arith.constant 10 : i32
      %dma_start3A_507 = arith.constant 0 : i32
      %dma_start3A_508 = tpu.memref_slice %arg9[%dma_start3A_506, %dma_start3A_507] : memref<18x128xi32, #tpu.memory_space<vmem>> -> memref<1x128xi32, #tpu.memory_space<vmem>>
      %dma_start3A_509 = tpu.memref_squeeze %dma_start3A_508 : memref<1x128xi32, #tpu.memory_space<vmem>> -> memref<128xi32, #tpu.memory_space<vmem>>
      %dma_start3A_510 = arith.constant 0 : i32
      %dma_start3A_511 = arith.constant 0 : i32
      %dma_start3A_512 = tpu.memref_slice %arg3[%dma_start3A_510, %dma_start3A_511] : memref<100000x128xf32, #tpu.memory_space<hbm>> -> memref<100000x128xf32, #tpu.memory_space<hbm>>
      tpu.enqueue_indirect_dma source(%dma_start3A_512 : memref<100000x128xf32, #tpu.memory_space<hbm>>) target(%arg10 : memref<128x128xf32, #tpu.memory_space<vmem>>) offsets(%dma_start3A_509 : memref<128xi32, #tpu.memory_space<vmem>>) semaphore(%arg17 : memref<!tpu.dma_semaphore, #tpu.memory_space<semaphore_mem>>)
      %add3A_513 = arith.constant 1024 : i32
      %add3A_514 = arith.addi %mul3A_11, %add3A_513 : i32
      %multiple_of3A_515 = tpu.assume_multiple %add3A_514, 128 : i32
      %dma_wait3A_516 = arith.constant 8 : i32
      %dma_wait3A_517 = arith.constant 0 : i32
      %dma_wait3A_518 = tpu.memref_slice %arg8[%dma_wait3A_516, %dma_wait3A_517] : memref<18x128xi32, #tpu.memory_space<vmem>> -> memref<1x128xi32, #tpu.memory_space<vmem>>
      %dma_wait3A_519 = tpu.memref_squeeze %dma_wait3A_518 : memref<1x128xi32, #tpu.memory_space<vmem>> -> memref<128xi32, #tpu.memory_space<vmem>>
      %dma_wait3A_520 = arith.constant 0 : i32
      %dma_wait3A_521 = arith.constant 0 : i32
      %dma_wait3A_522 = tpu.memref_slice %arg2[%dma_wait3A_520, %dma_wait3A_521] : memref<100000x128xf32, #tpu.memory_space<hbm>> -> memref<100000x128xf32, #tpu.memory_space<hbm>>
      tpu.wait_indirect_dma semaphore(%arg19 : memref<!tpu.dma_semaphore, #tpu.memory_space<semaphore_mem>>) src(%dma_wait3A_522 : memref<100000x128xf32, #tpu.memory_space<hbm>>) dst(%arg12 : memref<128x128xf32, #tpu.memory_space<vmem>>)
      %dma_start3A_523 = arith.constant 0 : i32
      %dma_start3A_524 = tpu.memref_slice %arg6[%multiple_of3A_515, %dma_start3A_523] : memref<51200x128xf32, #tpu.memory_space<hbm>> -> memref<128x128xf32, #tpu.memory_space<hbm>>
      %dma_start3A_525 = arith.constant 0 : i32
      %dma_start3A_526 = tpu.memref_slice %arg6[%multiple_of3A_515, %dma_start3A_525] : memref<51200x128xf32, #tpu.memory_space<hbm>> -> memref<128x128xf32, #tpu.memory_space<hbm>>
      tpu.enqueue_dma source(%arg12 : memref<128x128xf32, #tpu.memory_space<vmem>>) target(%dma_start3A_526 : memref<128x128xf32, #tpu.memory_space<hbm>>) target_semaphore(%arg26 : memref<!tpu.dma_semaphore, #tpu.memory_space<semaphore_mem>>)
      %dma_wait3A_527 = arith.constant 0 : i32
      %dma_wait3A_528 = tpu.memref_slice %arg7[%multiple_of3A_487, %dma_wait3A_527] : memref<51200x128xf32, #tpu.memory_space<hbm>> -> memref<128x128xf32, #tpu.memory_space<hbm>>
      %dma_wait3A_529 = arith.constant 0 : i32
      %dma_wait3A_530 = tpu.memref_slice %arg7[%multiple_of3A_487, %dma_wait3A_529] : memref<51200x128xf32, #tpu.memory_space<hbm>> -> memref<128x128xf32, #tpu.memory_space<hbm>>
      tpu.wait_dma2 semaphore(%arg25 : memref<!tpu.dma_semaphore, #tpu.memory_space<semaphore_mem>>) src(%arg11 : memref<128x128xf32, #tpu.memory_space<vmem>>) dst(%dma_wait3A_530 : memref<128x128xf32, #tpu.memory_space<hbm>>)
      %add3A_531 = arith.constant 1408 : i32
      %add3A_532 = arith.addi %mul3A_11, %add3A_531 : i32
      %multiple_of3A_533 = tpu.assume_multiple %add3A_532, 128 : i32
      %dma_start3A_534 = arith.constant 11 : i32
      %dma_start3A_535 = arith.constant 0 : i32
      %dma_start3A_536 = tpu.memref_slice %arg8[%dma_start3A_534, %dma_start3A_535] : memref<18x128xi32, #tpu.memory_space<vmem>> -> memref<1x128xi32, #tpu.memory_space<vmem>>
      %dma_start3A_537 = tpu.memref_squeeze %dma_start3A_536 : memref<1x128xi32, #tpu.memory_space<vmem>> -> memref<128xi32, #tpu.memory_space<vmem>>
      %dma_start3A_538 = arith.constant 0 : i32
      %dma_start3A_539 = arith.constant 0 : i32
      %dma_start3A_540 = tpu.memref_slice %arg2[%dma_start3A_538, %dma_start3A_539] : memref<100000x128xf32, #tpu.memory_space<hbm>> -> memref<100000x128xf32, #tpu.memory_space<hbm>>
      tpu.enqueue_indirect_dma source(%dma_start3A_540 : memref<100000x128xf32, #tpu.memory_space<hbm>>) target(%arg11 : memref<128x128xf32, #tpu.memory_space<vmem>>) offsets(%dma_start3A_537 : memref<128xi32, #tpu.memory_space<vmem>>) semaphore(%arg18 : memref<!tpu.dma_semaphore, #tpu.memory_space<semaphore_mem>>)
      %add3A_541 = arith.constant 1024 : i32
      %add3A_542 = arith.addi %mul3A_11, %add3A_541 : i32
      %multiple_of3A_543 = tpu.assume_multiple %add3A_542, 128 : i32
      %dma_wait3A_544 = arith.constant 8 : i32
      %dma_wait3A_545 = arith.constant 0 : i32
      %dma_wait3A_546 = tpu.memref_slice %arg9[%dma_wait3A_544, %dma_wait3A_545] : memref<18x128xi32, #tpu.memory_space<vmem>> -> memref<1x128xi32, #tpu.memory_space<vmem>>
      %dma_wait3A_547 = tpu.memref_squeeze %dma_wait3A_546 : memref<1x128xi32, #tpu.memory_space<vmem>> -> memref<128xi32, #tpu.memory_space<vmem>>
      %dma_wait3A_548 = arith.constant 0 : i32
      %dma_wait3A_549 = arith.constant 0 : i32
      %dma_wait3A_550 = tpu.memref_slice %arg3[%dma_wait3A_548, %dma_wait3A_549] : memref<100000x128xf32, #tpu.memory_space<hbm>> -> memref<100000x128xf32, #tpu.memory_space<hbm>>
      tpu.wait_indirect_dma semaphore(%arg20 : memref<!tpu.dma_semaphore, #tpu.memory_space<semaphore_mem>>) src(%dma_wait3A_550 : memref<100000x128xf32, #tpu.memory_space<hbm>>) dst(%arg13 : memref<128x128xf32, #tpu.memory_space<vmem>>)
      %dma_start3A_551 = arith.constant 0 : i32
      %dma_start3A_552 = tpu.memref_slice %arg7[%multiple_of3A_543, %dma_start3A_551] : memref<51200x128xf32, #tpu.memory_space<hbm>> -> memref<128x128xf32, #tpu.memory_space<hbm>>
      %dma_start3A_553 = arith.constant 0 : i32
      %dma_start3A_554 = tpu.memref_slice %arg7[%multiple_of3A_543, %dma_start3A_553] : memref<51200x128xf32, #tpu.memory_space<hbm>> -> memref<128x128xf32, #tpu.memory_space<hbm>>
      tpu.enqueue_dma source(%arg13 : memref<128x128xf32, #tpu.memory_space<vmem>>) target(%dma_start3A_554 : memref<128x128xf32, #tpu.memory_space<hbm>>) target_semaphore(%arg27 : memref<!tpu.dma_semaphore, #tpu.memory_space<semaphore_mem>>)
      %dma_wait3A_555 = arith.constant 0 : i32
      %dma_wait3A_556 = tpu.memref_slice %arg6[%multiple_of3A_515, %dma_wait3A_555] : memref<51200x128xf32, #tpu.memory_space<hbm>> -> memref<128x128xf32, #tpu.memory_space<hbm>>
      %dma_wait3A_557 = arith.constant 0 : i32
      %dma_wait3A_558 = tpu.memref_slice %arg6[%multiple_of3A_515, %dma_wait3A_557] : memref<51200x128xf32, #tpu.memory_space<hbm>> -> memref<128x128xf32, #tpu.memory_space<hbm>>
      tpu.wait_dma2 semaphore(%arg26 : memref<!tpu.dma_semaphore, #tpu.memory_space<semaphore_mem>>) src(%arg12 : memref<128x128xf32, #tpu.memory_space<vmem>>) dst(%dma_wait3A_558 : memref<128x128xf32, #tpu.memory_space<hbm>>)
      %add3A_559 = arith.constant 1408 : i32
      %add3A_560 = arith.addi %mul3A_11, %add3A_559 : i32
      %multiple_of3A_561 = tpu.assume_multiple %add3A_560, 128 : i32
      %dma_start3A_562 = arith.constant 11 : i32
      %dma_start3A_563 = arith.constant 0 : i32
      %dma_start3A_564 = tpu.memref_slice %arg9[%dma_start3A_562, %dma_start3A_563] : memref<18x128xi32, #tpu.memory_space<vmem>> -> memref<1x128xi32, #tpu.memory_space<vmem>>
      %dma_start3A_565 = tpu.memref_squeeze %dma_start3A_564 : memref<1x128xi32, #tpu.memory_space<vmem>> -> memref<128xi32, #tpu.memory_space<vmem>>
      %dma_start3A_566 = arith.constant 0 : i32
      %dma_start3A_567 = arith.constant 0 : i32
      %dma_start3A_568 = tpu.memref_slice %arg3[%dma_start3A_566, %dma_start3A_567] : memref<100000x128xf32, #tpu.memory_space<hbm>> -> memref<100000x128xf32, #tpu.memory_space<hbm>>
      tpu.enqueue_indirect_dma source(%dma_start3A_568 : memref<100000x128xf32, #tpu.memory_space<hbm>>) target(%arg12 : memref<128x128xf32, #tpu.memory_space<vmem>>) offsets(%dma_start3A_565 : memref<128xi32, #tpu.memory_space<vmem>>) semaphore(%arg19 : memref<!tpu.dma_semaphore, #tpu.memory_space<semaphore_mem>>)
      %add3A_569 = arith.constant 1152 : i32
      %add3A_570 = arith.addi %mul3A_11, %add3A_569 : i32
      %multiple_of3A_571 = tpu.assume_multiple %add3A_570, 128 : i32
      %dma_wait3A_572 = arith.constant 9 : i32
      %dma_wait3A_573 = arith.constant 0 : i32
      %dma_wait3A_574 = tpu.memref_slice %arg8[%dma_wait3A_572, %dma_wait3A_573] : memref<18x128xi32, #tpu.memory_space<vmem>> -> memref<1x128xi32, #tpu.memory_space<vmem>>
      %dma_wait3A_575 = tpu.memref_squeeze %dma_wait3A_574 : memref<1x128xi32, #tpu.memory_space<vmem>> -> memref<128xi32, #tpu.memory_space<vmem>>
      %dma_wait3A_576 = arith.constant 0 : i32
      %dma_wait3A_577 = arith.constant 0 : i32
      %dma_wait3A_578 = tpu.memref_slice %arg2[%dma_wait3A_576, %dma_wait3A_577] : memref<100000x128xf32, #tpu.memory_space<hbm>> -> memref<100000x128xf32, #tpu.memory_space<hbm>>
      tpu.wait_indirect_dma semaphore(%arg21 : memref<!tpu.dma_semaphore, #tpu.memory_space<semaphore_mem>>) src(%dma_wait3A_578 : memref<100000x128xf32, #tpu.memory_space<hbm>>) dst(%arg14 : memref<128x128xf32, #tpu.memory_space<vmem>>)
      %dma_start3A_579 = arith.constant 0 : i32
      %dma_start3A_580 = tpu.memref_slice %arg6[%multiple_of3A_571, %dma_start3A_579] : memref<51200x128xf32, #tpu.memory_space<hbm>> -> memref<128x128xf32, #tpu.memory_space<hbm>>
      %dma_start3A_581 = arith.constant 0 : i32
      %dma_start3A_582 = tpu.memref_slice %arg6[%multiple_of3A_571, %dma_start3A_581] : memref<51200x128xf32, #tpu.memory_space<hbm>> -> memref<128x128xf32, #tpu.memory_space<hbm>>
      tpu.enqueue_dma source(%arg14 : memref<128x128xf32, #tpu.memory_space<vmem>>) target(%dma_start3A_582 : memref<128x128xf32, #tpu.memory_space<hbm>>) target_semaphore(%arg28 : memref<!tpu.dma_semaphore, #tpu.memory_space<semaphore_mem>>)
      %dma_wait3A_583 = arith.constant 0 : i32
      %dma_wait3A_584 = tpu.memref_slice %arg7[%multiple_of3A_543, %dma_wait3A_583] : memref<51200x128xf32, #tpu.memory_space<hbm>> -> memref<128x128xf32, #tpu.memory_space<hbm>>
      %dma_wait3A_585 = arith.constant 0 : i32
      %dma_wait3A_586 = tpu.memref_slice %arg7[%multiple_of3A_543, %dma_wait3A_585] : memref<51200x128xf32, #tpu.memory_space<hbm>> -> memref<128x128xf32, #tpu.memory_space<hbm>>
      tpu.wait_dma2 semaphore(%arg27 : memref<!tpu.dma_semaphore, #tpu.memory_space<semaphore_mem>>) src(%arg13 : memref<128x128xf32, #tpu.memory_space<vmem>>) dst(%dma_wait3A_586 : memref<128x128xf32, #tpu.memory_space<hbm>>)
      %add3A_587 = arith.constant 1536 : i32
      %add3A_588 = arith.addi %mul3A_11, %add3A_587 : i32
      %multiple_of3A_589 = tpu.assume_multiple %add3A_588, 128 : i32
      %dma_start3A_590 = arith.constant 12 : i32
      %dma_start3A_591 = arith.constant 0 : i32
      %dma_start3A_592 = tpu.memref_slice %arg8[%dma_start3A_590, %dma_start3A_591] : memref<18x128xi32, #tpu.memory_space<vmem>> -> memref<1x128xi32, #tpu.memory_space<vmem>>
      %dma_start3A_593 = tpu.memref_squeeze %dma_start3A_592 : memref<1x128xi32, #tpu.memory_space<vmem>> -> memref<128xi32, #tpu.memory_space<vmem>>
      %dma_start3A_594 = arith.constant 0 : i32
      %dma_start3A_595 = arith.constant 0 : i32
      %dma_start3A_596 = tpu.memref_slice %arg2[%dma_start3A_594, %dma_start3A_595] : memref<100000x128xf32, #tpu.memory_space<hbm>> -> memref<100000x128xf32, #tpu.memory_space<hbm>>
      tpu.enqueue_indirect_dma source(%dma_start3A_596 : memref<100000x128xf32, #tpu.memory_space<hbm>>) target(%arg13 : memref<128x128xf32, #tpu.memory_space<vmem>>) offsets(%dma_start3A_593 : memref<128xi32, #tpu.memory_space<vmem>>) semaphore(%arg20 : memref<!tpu.dma_semaphore, #tpu.memory_space<semaphore_mem>>)
      %add3A_597 = arith.constant 1152 : i32
      %add3A_598 = arith.addi %mul3A_11, %add3A_597 : i32
      %multiple_of3A_599 = tpu.assume_multiple %add3A_598, 128 : i32
      %dma_wait3A_600 = arith.constant 9 : i32
      %dma_wait3A_601 = arith.constant 0 : i32
      %dma_wait3A_602 = tpu.memref_slice %arg9[%dma_wait3A_600, %dma_wait3A_601] : memref<18x128xi32, #tpu.memory_space<vmem>> -> memref<1x128xi32, #tpu.memory_space<vmem>>
      %dma_wait3A_603 = tpu.memref_squeeze %dma_wait3A_602 : memref<1x128xi32, #tpu.memory_space<vmem>> -> memref<128xi32, #tpu.memory_space<vmem>>
      %dma_wait3A_604 = arith.constant 0 : i32
      %dma_wait3A_605 = arith.constant 0 : i32
      %dma_wait3A_606 = tpu.memref_slice %arg3[%dma_wait3A_604, %dma_wait3A_605] : memref<100000x128xf32, #tpu.memory_space<hbm>> -> memref<100000x128xf32, #tpu.memory_space<hbm>>
      tpu.wait_indirect_dma semaphore(%arg22 : memref<!tpu.dma_semaphore, #tpu.memory_space<semaphore_mem>>) src(%dma_wait3A_606 : memref<100000x128xf32, #tpu.memory_space<hbm>>) dst(%arg15 : memref<128x128xf32, #tpu.memory_space<vmem>>)
      %dma_start3A_607 = arith.constant 0 : i32
      %dma_start3A_608 = tpu.memref_slice %arg7[%multiple_of3A_599, %dma_start3A_607] : memref<51200x128xf32, #tpu.memory_space<hbm>> -> memref<128x128xf32, #tpu.memory_space<hbm>>
      %dma_start3A_609 = arith.constant 0 : i32
      %dma_start3A_610 = tpu.memref_slice %arg7[%multiple_of3A_599, %dma_start3A_609] : memref<51200x128xf32, #tpu.memory_space<hbm>> -> memref<128x128xf32, #tpu.memory_space<hbm>>
      tpu.enqueue_dma source(%arg15 : memref<128x128xf32, #tpu.memory_space<vmem>>) target(%dma_start3A_610 : memref<128x128xf32, #tpu.memory_space<hbm>>) target_semaphore(%arg29 : memref<!tpu.dma_semaphore, #tpu.memory_space<semaphore_mem>>)
      %dma_wait3A_611 = arith.constant 0 : i32
      %dma_wait3A_612 = tpu.memref_slice %arg6[%multiple_of3A_571, %dma_wait3A_611] : memref<51200x128xf32, #tpu.memory_space<hbm>> -> memref<128x128xf32, #tpu.memory_space<hbm>>
      %dma_wait3A_613 = arith.constant 0 : i32
      %dma_wait3A_614 = tpu.memref_slice %arg6[%multiple_of3A_571, %dma_wait3A_613] : memref<51200x128xf32, #tpu.memory_space<hbm>> -> memref<128x128xf32, #tpu.memory_space<hbm>>
      tpu.wait_dma2 semaphore(%arg28 : memref<!tpu.dma_semaphore, #tpu.memory_space<semaphore_mem>>) src(%arg14 : memref<128x128xf32, #tpu.memory_space<vmem>>) dst(%dma_wait3A_614 : memref<128x128xf32, #tpu.memory_space<hbm>>)
      %add3A_615 = arith.constant 1536 : i32
      %add3A_616 = arith.addi %mul3A_11, %add3A_615 : i32
      %multiple_of3A_617 = tpu.assume_multiple %add3A_616, 128 : i32
      %dma_start3A_618 = arith.constant 12 : i32
      %dma_start3A_619 = arith.constant 0 : i32
      %dma_start3A_620 = tpu.memref_slice %arg9[%dma_start3A_618, %dma_start3A_619] : memref<18x128xi32, #tpu.memory_space<vmem>> -> memref<1x128xi32, #tpu.memory_space<vmem>>
      %dma_start3A_621 = tpu.memref_squeeze %dma_start3A_620 : memref<1x128xi32, #tpu.memory_space<vmem>> -> memref<128xi32, #tpu.memory_space<vmem>>
      %dma_start3A_622 = arith.constant 0 : i32
      %dma_start3A_623 = arith.constant 0 : i32
      %dma_start3A_624 = tpu.memref_slice %arg3[%dma_start3A_622, %dma_start3A_623] : memref<100000x128xf32, #tpu.memory_space<hbm>> -> memref<100000x128xf32, #tpu.memory_space<hbm>>
      tpu.enqueue_indirect_dma source(%dma_start3A_624 : memref<100000x128xf32, #tpu.memory_space<hbm>>) target(%arg14 : memref<128x128xf32, #tpu.memory_space<vmem>>) offsets(%dma_start3A_621 : memref<128xi32, #tpu.memory_space<vmem>>) semaphore(%arg21 : memref<!tpu.dma_semaphore, #tpu.memory_space<semaphore_mem>>)
      %add3A_625 = arith.constant 1280 : i32
      %add3A_626 = arith.addi %mul3A_11, %add3A_625 : i32
      %multiple_of3A_627 = tpu.assume_multiple %add3A_626, 128 : i32
      %dma_wait3A_628 = arith.constant 10 : i32
      %dma_wait3A_629 = arith.constant 0 : i32
      %dma_wait3A_630 = tpu.memref_slice %arg8[%dma_wait3A_628, %dma_wait3A_629] : memref<18x128xi32, #tpu.memory_space<vmem>> -> memref<1x128xi32, #tpu.memory_space<vmem>>
      %dma_wait3A_631 = tpu.memref_squeeze %dma_wait3A_630 : memref<1x128xi32, #tpu.memory_space<vmem>> -> memref<128xi32, #tpu.memory_space<vmem>>
      %dma_wait3A_632 = arith.constant 0 : i32
      %dma_wait3A_633 = arith.constant 0 : i32
      %dma_wait3A_634 = tpu.memref_slice %arg2[%dma_wait3A_632, %dma_wait3A_633] : memref<100000x128xf32, #tpu.memory_space<hbm>> -> memref<100000x128xf32, #tpu.memory_space<hbm>>
      tpu.wait_indirect_dma semaphore(%arg23 : memref<!tpu.dma_semaphore, #tpu.memory_space<semaphore_mem>>) src(%dma_wait3A_634 : memref<100000x128xf32, #tpu.memory_space<hbm>>) dst(%arg16 : memref<128x128xf32, #tpu.memory_space<vmem>>)
      %dma_start3A_635 = arith.constant 0 : i32
      %dma_start3A_636 = tpu.memref_slice %arg6[%multiple_of3A_627, %dma_start3A_635] : memref<51200x128xf32, #tpu.memory_space<hbm>> -> memref<128x128xf32, #tpu.memory_space<hbm>>
      %dma_start3A_637 = arith.constant 0 : i32
      %dma_start3A_638 = tpu.memref_slice %arg6[%multiple_of3A_627, %dma_start3A_637] : memref<51200x128xf32, #tpu.memory_space<hbm>> -> memref<128x128xf32, #tpu.memory_space<hbm>>
      tpu.enqueue_dma source(%arg16 : memref<128x128xf32, #tpu.memory_space<vmem>>) target(%dma_start3A_638 : memref<128x128xf32, #tpu.memory_space<hbm>>) target_semaphore(%arg30 : memref<!tpu.dma_semaphore, #tpu.memory_space<semaphore_mem>>)
      %dma_wait3A_639 = arith.constant 0 : i32
      %dma_wait3A_640 = tpu.memref_slice %arg7[%multiple_of3A_599, %dma_wait3A_639] : memref<51200x128xf32, #tpu.memory_space<hbm>> -> memref<128x128xf32, #tpu.memory_space<hbm>>
      %dma_wait3A_641 = arith.constant 0 : i32
      %dma_wait3A_642 = tpu.memref_slice %arg7[%multiple_of3A_599, %dma_wait3A_641] : memref<51200x128xf32, #tpu.memory_space<hbm>> -> memref<128x128xf32, #tpu.memory_space<hbm>>
      tpu.wait_dma2 semaphore(%arg29 : memref<!tpu.dma_semaphore, #tpu.memory_space<semaphore_mem>>) src(%arg15 : memref<128x128xf32, #tpu.memory_space<vmem>>) dst(%dma_wait3A_642 : memref<128x128xf32, #tpu.memory_space<hbm>>)
      %add3A_643 = arith.constant 1664 : i32
      %add3A_644 = arith.addi %mul3A_11, %add3A_643 : i32
      %multiple_of3A_645 = tpu.assume_multiple %add3A_644, 128 : i32
      %dma_start3A_646 = arith.constant 13 : i32
      %dma_start3A_647 = arith.constant 0 : i32
      %dma_start3A_648 = tpu.memref_slice %arg8[%dma_start3A_646, %dma_start3A_647] : memref<18x128xi32, #tpu.memory_space<vmem>> -> memref<1x128xi32, #tpu.memory_space<vmem>>
      %dma_start3A_649 = tpu.memref_squeeze %dma_start3A_648 : memref<1x128xi32, #tpu.memory_space<vmem>> -> memref<128xi32, #tpu.memory_space<vmem>>
      %dma_start3A_650 = arith.constant 0 : i32
      %dma_start3A_651 = arith.constant 0 : i32
      %dma_start3A_652 = tpu.memref_slice %arg2[%dma_start3A_650, %dma_start3A_651] : memref<100000x128xf32, #tpu.memory_space<hbm>> -> memref<100000x128xf32, #tpu.memory_space<hbm>>
      tpu.enqueue_indirect_dma source(%dma_start3A_652 : memref<100000x128xf32, #tpu.memory_space<hbm>>) target(%arg15 : memref<128x128xf32, #tpu.memory_space<vmem>>) offsets(%dma_start3A_649 : memref<128xi32, #tpu.memory_space<vmem>>) semaphore(%arg22 : memref<!tpu.dma_semaphore, #tpu.memory_space<semaphore_mem>>)
      %add3A_653 = arith.constant 1280 : i32
      %add3A_654 = arith.addi %mul3A_11, %add3A_653 : i32
      %multiple_of3A_655 = tpu.assume_multiple %add3A_654, 128 : i32
      %dma_wait3A_656 = arith.constant 10 : i32
      %dma_wait3A_657 = arith.constant 0 : i32
      %dma_wait3A_658 = tpu.memref_slice %arg9[%dma_wait3A_656, %dma_wait3A_657] : memref<18x128xi32, #tpu.memory_space<vmem>> -> memref<1x128xi32, #tpu.memory_space<vmem>>
      %dma_wait3A_659 = tpu.memref_squeeze %dma_wait3A_658 : memref<1x128xi32, #tpu.memory_space<vmem>> -> memref<128xi32, #tpu.memory_space<vmem>>
      %dma_wait3A_660 = arith.constant 0 : i32
      %dma_wait3A_661 = arith.constant 0 : i32
      %dma_wait3A_662 = tpu.memref_slice %arg3[%dma_wait3A_660, %dma_wait3A_661] : memref<100000x128xf32, #tpu.memory_space<hbm>> -> memref<100000x128xf32, #tpu.memory_space<hbm>>
      tpu.wait_indirect_dma semaphore(%arg17 : memref<!tpu.dma_semaphore, #tpu.memory_space<semaphore_mem>>) src(%dma_wait3A_662 : memref<100000x128xf32, #tpu.memory_space<hbm>>) dst(%arg10 : memref<128x128xf32, #tpu.memory_space<vmem>>)
      %dma_start3A_663 = arith.constant 0 : i32
      %dma_start3A_664 = tpu.memref_slice %arg7[%multiple_of3A_655, %dma_start3A_663] : memref<51200x128xf32, #tpu.memory_space<hbm>> -> memref<128x128xf32, #tpu.memory_space<hbm>>
      %dma_start3A_665 = arith.constant 0 : i32
      %dma_start3A_666 = tpu.memref_slice %arg7[%multiple_of3A_655, %dma_start3A_665] : memref<51200x128xf32, #tpu.memory_space<hbm>> -> memref<128x128xf32, #tpu.memory_space<hbm>>
      tpu.enqueue_dma source(%arg10 : memref<128x128xf32, #tpu.memory_space<vmem>>) target(%dma_start3A_666 : memref<128x128xf32, #tpu.memory_space<hbm>>) target_semaphore(%arg24 : memref<!tpu.dma_semaphore, #tpu.memory_space<semaphore_mem>>)
      %dma_wait3A_667 = arith.constant 0 : i32
      %dma_wait3A_668 = tpu.memref_slice %arg6[%multiple_of3A_627, %dma_wait3A_667] : memref<51200x128xf32, #tpu.memory_space<hbm>> -> memref<128x128xf32, #tpu.memory_space<hbm>>
      %dma_wait3A_669 = arith.constant 0 : i32
      %dma_wait3A_670 = tpu.memref_slice %arg6[%multiple_of3A_627, %dma_wait3A_669] : memref<51200x128xf32, #tpu.memory_space<hbm>> -> memref<128x128xf32, #tpu.memory_space<hbm>>
      tpu.wait_dma2 semaphore(%arg30 : memref<!tpu.dma_semaphore, #tpu.memory_space<semaphore_mem>>) src(%arg16 : memref<128x128xf32, #tpu.memory_space<vmem>>) dst(%dma_wait3A_670 : memref<128x128xf32, #tpu.memory_space<hbm>>)
      %add3A_671 = arith.constant 1664 : i32
      %add3A_672 = arith.addi %mul3A_11, %add3A_671 : i32
      %multiple_of3A_673 = tpu.assume_multiple %add3A_672, 128 : i32
      %dma_start3A_674 = arith.constant 13 : i32
      %dma_start3A_675 = arith.constant 0 : i32
      %dma_start3A_676 = tpu.memref_slice %arg9[%dma_start3A_674, %dma_start3A_675] : memref<18x128xi32, #tpu.memory_space<vmem>> -> memref<1x128xi32, #tpu.memory_space<vmem>>
      %dma_start3A_677 = tpu.memref_squeeze %dma_start3A_676 : memref<1x128xi32, #tpu.memory_space<vmem>> -> memref<128xi32, #tpu.memory_space<vmem>>
      %dma_start3A_678 = arith.constant 0 : i32
      %dma_start3A_679 = arith.constant 0 : i32
      %dma_start3A_680 = tpu.memref_slice %arg3[%dma_start3A_678, %dma_start3A_679] : memref<100000x128xf32, #tpu.memory_space<hbm>> -> memref<100000x128xf32, #tpu.memory_space<hbm>>
      tpu.enqueue_indirect_dma source(%dma_start3A_680 : memref<100000x128xf32, #tpu.memory_space<hbm>>) target(%arg16 : memref<128x128xf32, #tpu.memory_space<vmem>>) offsets(%dma_start3A_677 : memref<128xi32, #tpu.memory_space<vmem>>) semaphore(%arg23 : memref<!tpu.dma_semaphore, #tpu.memory_space<semaphore_mem>>)
      %add3A_681 = arith.constant 1408 : i32
      %add3A_682 = arith.addi %mul3A_11, %add3A_681 : i32
      %multiple_of3A_683 = tpu.assume_multiple %add3A_682, 128 : i32
      %dma_wait3A_684 = arith.constant 11 : i32
      %dma_wait3A_685 = arith.constant 0 : i32
      %dma_wait3A_686 = tpu.memref_slice %arg8[%dma_wait3A_684, %dma_wait3A_685] : memref<18x128xi32, #tpu.memory_space<vmem>> -> memref<1x128xi32, #tpu.memory_space<vmem>>
      %dma_wait3A_687 = tpu.memref_squeeze %dma_wait3A_686 : memref<1x128xi32, #tpu.memory_space<vmem>> -> memref<128xi32, #tpu.memory_space<vmem>>
      %dma_wait3A_688 = arith.constant 0 : i32
      %dma_wait3A_689 = arith.constant 0 : i32
      %dma_wait3A_690 = tpu.memref_slice %arg2[%dma_wait3A_688, %dma_wait3A_689] : memref<100000x128xf32, #tpu.memory_space<hbm>> -> memref<100000x128xf32, #tpu.memory_space<hbm>>
      tpu.wait_indirect_dma semaphore(%arg18 : memref<!tpu.dma_semaphore, #tpu.memory_space<semaphore_mem>>) src(%dma_wait3A_690 : memref<100000x128xf32, #tpu.memory_space<hbm>>) dst(%arg11 : memref<128x128xf32, #tpu.memory_space<vmem>>)
      %dma_start3A_691 = arith.constant 0 : i32
      %dma_start3A_692 = tpu.memref_slice %arg6[%multiple_of3A_683, %dma_start3A_691] : memref<51200x128xf32, #tpu.memory_space<hbm>> -> memref<128x128xf32, #tpu.memory_space<hbm>>
      %dma_start3A_693 = arith.constant 0 : i32
      %dma_start3A_694 = tpu.memref_slice %arg6[%multiple_of3A_683, %dma_start3A_693] : memref<51200x128xf32, #tpu.memory_space<hbm>> -> memref<128x128xf32, #tpu.memory_space<hbm>>
      tpu.enqueue_dma source(%arg11 : memref<128x128xf32, #tpu.memory_space<vmem>>) target(%dma_start3A_694 : memref<128x128xf32, #tpu.memory_space<hbm>>) target_semaphore(%arg25 : memref<!tpu.dma_semaphore, #tpu.memory_space<semaphore_mem>>)
      %dma_wait3A_695 = arith.constant 0 : i32
      %dma_wait3A_696 = tpu.memref_slice %arg7[%multiple_of3A_655, %dma_wait3A_695] : memref<51200x128xf32, #tpu.memory_space<hbm>> -> memref<128x128xf32, #tpu.memory_space<hbm>>
      %dma_wait3A_697 = arith.constant 0 : i32
      %dma_wait3A_698 = tpu.memref_slice %arg7[%multiple_of3A_655, %dma_wait3A_697] : memref<51200x128xf32, #tpu.memory_space<hbm>> -> memref<128x128xf32, #tpu.memory_space<hbm>>
      tpu.wait_dma2 semaphore(%arg24 : memref<!tpu.dma_semaphore, #tpu.memory_space<semaphore_mem>>) src(%arg10 : memref<128x128xf32, #tpu.memory_space<vmem>>) dst(%dma_wait3A_698 : memref<128x128xf32, #tpu.memory_space<hbm>>)
      %add3A_699 = arith.constant 1792 : i32
      %add3A_700 = arith.addi %mul3A_11, %add3A_699 : i32
      %multiple_of3A_701 = tpu.assume_multiple %add3A_700, 128 : i32
      %dma_start3A_702 = arith.constant 14 : i32
      %dma_start3A_703 = arith.constant 0 : i32
      %dma_start3A_704 = tpu.memref_slice %arg8[%dma_start3A_702, %dma_start3A_703] : memref<18x128xi32, #tpu.memory_space<vmem>> -> memref<1x128xi32, #tpu.memory_space<vmem>>
      %dma_start3A_705 = tpu.memref_squeeze %dma_start3A_704 : memref<1x128xi32, #tpu.memory_space<vmem>> -> memref<128xi32, #tpu.memory_space<vmem>>
      %dma_start3A_706 = arith.constant 0 : i32
      %dma_start3A_707 = arith.constant 0 : i32
      %dma_start3A_708 = tpu.memref_slice %arg2[%dma_start3A_706, %dma_start3A_707] : memref<100000x128xf32, #tpu.memory_space<hbm>> -> memref<100000x128xf32, #tpu.memory_space<hbm>>
      tpu.enqueue_indirect_dma source(%dma_start3A_708 : memref<100000x128xf32, #tpu.memory_space<hbm>>) target(%arg10 : memref<128x128xf32, #tpu.memory_space<vmem>>) offsets(%dma_start3A_705 : memref<128xi32, #tpu.memory_space<vmem>>) semaphore(%arg17 : memref<!tpu.dma_semaphore, #tpu.memory_space<semaphore_mem>>)
      %add3A_709 = arith.constant 1408 : i32
      %add3A_710 = arith.addi %mul3A_11, %add3A_709 : i32
      %multiple_of3A_711 = tpu.assume_multiple %add3A_710, 128 : i32
      %dma_wait3A_712 = arith.constant 11 : i32
      %dma_wait3A_713 = arith.constant 0 : i32
      %dma_wait3A_714 = tpu.memref_slice %arg9[%dma_wait3A_712, %dma_wait3A_713] : memref<18x128xi32, #tpu.memory_space<vmem>> -> memref<1x128xi32, #tpu.memory_space<vmem>>
      %dma_wait3A_715 = tpu.memref_squeeze %dma_wait3A_714 : memref<1x128xi32, #tpu.memory_space<vmem>> -> memref<128xi32, #tpu.memory_space<vmem>>
      %dma_wait3A_716 = arith.constant 0 : i32
      %dma_wait3A_717 = arith.constant 0 : i32
      %dma_wait3A_718 = tpu.memref_slice %arg3[%dma_wait3A_716, %dma_wait3A_717] : memref<100000x128xf32, #tpu.memory_space<hbm>> -> memref<100000x128xf32, #tpu.memory_space<hbm>>
      tpu.wait_indirect_dma semaphore(%arg19 : memref<!tpu.dma_semaphore, #tpu.memory_space<semaphore_mem>>) src(%dma_wait3A_718 : memref<100000x128xf32, #tpu.memory_space<hbm>>) dst(%arg12 : memref<128x128xf32, #tpu.memory_space<vmem>>)
      %dma_start3A_719 = arith.constant 0 : i32
      %dma_start3A_720 = tpu.memref_slice %arg7[%multiple_of3A_711, %dma_start3A_719] : memref<51200x128xf32, #tpu.memory_space<hbm>> -> memref<128x128xf32, #tpu.memory_space<hbm>>
      %dma_start3A_721 = arith.constant 0 : i32
      %dma_start3A_722 = tpu.memref_slice %arg7[%multiple_of3A_711, %dma_start3A_721] : memref<51200x128xf32, #tpu.memory_space<hbm>> -> memref<128x128xf32, #tpu.memory_space<hbm>>
      tpu.enqueue_dma source(%arg12 : memref<128x128xf32, #tpu.memory_space<vmem>>) target(%dma_start3A_722 : memref<128x128xf32, #tpu.memory_space<hbm>>) target_semaphore(%arg26 : memref<!tpu.dma_semaphore, #tpu.memory_space<semaphore_mem>>)
      %dma_wait3A_723 = arith.constant 0 : i32
      %dma_wait3A_724 = tpu.memref_slice %arg6[%multiple_of3A_683, %dma_wait3A_723] : memref<51200x128xf32, #tpu.memory_space<hbm>> -> memref<128x128xf32, #tpu.memory_space<hbm>>
      %dma_wait3A_725 = arith.constant 0 : i32
      %dma_wait3A_726 = tpu.memref_slice %arg6[%multiple_of3A_683, %dma_wait3A_725] : memref<51200x128xf32, #tpu.memory_space<hbm>> -> memref<128x128xf32, #tpu.memory_space<hbm>>
      tpu.wait_dma2 semaphore(%arg25 : memref<!tpu.dma_semaphore, #tpu.memory_space<semaphore_mem>>) src(%arg11 : memref<128x128xf32, #tpu.memory_space<vmem>>) dst(%dma_wait3A_726 : memref<128x128xf32, #tpu.memory_space<hbm>>)
      %add3A_727 = arith.constant 1792 : i32
      %add3A_728 = arith.addi %mul3A_11, %add3A_727 : i32
      %multiple_of3A_729 = tpu.assume_multiple %add3A_728, 128 : i32
      %dma_start3A_730 = arith.constant 14 : i32
      %dma_start3A_731 = arith.constant 0 : i32
      %dma_start3A_732 = tpu.memref_slice %arg9[%dma_start3A_730, %dma_start3A_731] : memref<18x128xi32, #tpu.memory_space<vmem>> -> memref<1x128xi32, #tpu.memory_space<vmem>>
      %dma_start3A_733 = tpu.memref_squeeze %dma_start3A_732 : memref<1x128xi32, #tpu.memory_space<vmem>> -> memref<128xi32, #tpu.memory_space<vmem>>
      %dma_start3A_734 = arith.constant 0 : i32
      %dma_start3A_735 = arith.constant 0 : i32
      %dma_start3A_736 = tpu.memref_slice %arg3[%dma_start3A_734, %dma_start3A_735] : memref<100000x128xf32, #tpu.memory_space<hbm>> -> memref<100000x128xf32, #tpu.memory_space<hbm>>
      tpu.enqueue_indirect_dma source(%dma_start3A_736 : memref<100000x128xf32, #tpu.memory_space<hbm>>) target(%arg11 : memref<128x128xf32, #tpu.memory_space<vmem>>) offsets(%dma_start3A_733 : memref<128xi32, #tpu.memory_space<vmem>>) semaphore(%arg18 : memref<!tpu.dma_semaphore, #tpu.memory_space<semaphore_mem>>)
      %add3A_737 = arith.constant 1536 : i32
      %add3A_738 = arith.addi %mul3A_11, %add3A_737 : i32
      %multiple_of3A_739 = tpu.assume_multiple %add3A_738, 128 : i32
      %dma_wait3A_740 = arith.constant 12 : i32
      %dma_wait3A_741 = arith.constant 0 : i32
      %dma_wait3A_742 = tpu.memref_slice %arg8[%dma_wait3A_740, %dma_wait3A_741] : memref<18x128xi32, #tpu.memory_space<vmem>> -> memref<1x128xi32, #tpu.memory_space<vmem>>
      %dma_wait3A_743 = tpu.memref_squeeze %dma_wait3A_742 : memref<1x128xi32, #tpu.memory_space<vmem>> -> memref<128xi32, #tpu.memory_space<vmem>>
      %dma_wait3A_744 = arith.constant 0 : i32
      %dma_wait3A_745 = arith.constant 0 : i32
      %dma_wait3A_746 = tpu.memref_slice %arg2[%dma_wait3A_744, %dma_wait3A_745] : memref<100000x128xf32, #tpu.memory_space<hbm>> -> memref<100000x128xf32, #tpu.memory_space<hbm>>
      tpu.wait_indirect_dma semaphore(%arg20 : memref<!tpu.dma_semaphore, #tpu.memory_space<semaphore_mem>>) src(%dma_wait3A_746 : memref<100000x128xf32, #tpu.memory_space<hbm>>) dst(%arg13 : memref<128x128xf32, #tpu.memory_space<vmem>>)
      %dma_start3A_747 = arith.constant 0 : i32
      %dma_start3A_748 = tpu.memref_slice %arg6[%multiple_of3A_739, %dma_start3A_747] : memref<51200x128xf32, #tpu.memory_space<hbm>> -> memref<128x128xf32, #tpu.memory_space<hbm>>
      %dma_start3A_749 = arith.constant 0 : i32
      %dma_start3A_750 = tpu.memref_slice %arg6[%multiple_of3A_739, %dma_start3A_749] : memref<51200x128xf32, #tpu.memory_space<hbm>> -> memref<128x128xf32, #tpu.memory_space<hbm>>
      tpu.enqueue_dma source(%arg13 : memref<128x128xf32, #tpu.memory_space<vmem>>) target(%dma_start3A_750 : memref<128x128xf32, #tpu.memory_space<hbm>>) target_semaphore(%arg27 : memref<!tpu.dma_semaphore, #tpu.memory_space<semaphore_mem>>)
      %dma_wait3A_751 = arith.constant 0 : i32
      %dma_wait3A_752 = tpu.memref_slice %arg7[%multiple_of3A_711, %dma_wait3A_751] : memref<51200x128xf32, #tpu.memory_space<hbm>> -> memref<128x128xf32, #tpu.memory_space<hbm>>
      %dma_wait3A_753 = arith.constant 0 : i32
      %dma_wait3A_754 = tpu.memref_slice %arg7[%multiple_of3A_711, %dma_wait3A_753] : memref<51200x128xf32, #tpu.memory_space<hbm>> -> memref<128x128xf32, #tpu.memory_space<hbm>>
      tpu.wait_dma2 semaphore(%arg26 : memref<!tpu.dma_semaphore, #tpu.memory_space<semaphore_mem>>) src(%arg12 : memref<128x128xf32, #tpu.memory_space<vmem>>) dst(%dma_wait3A_754 : memref<128x128xf32, #tpu.memory_space<hbm>>)
      %add3A_755 = arith.constant 1920 : i32
      %add3A_756 = arith.addi %mul3A_11, %add3A_755 : i32
      %multiple_of3A_757 = tpu.assume_multiple %add3A_756, 128 : i32
      %dma_start3A_758 = arith.constant 15 : i32
      %dma_start3A_759 = arith.constant 0 : i32
      %dma_start3A_760 = tpu.memref_slice %arg8[%dma_start3A_758, %dma_start3A_759] : memref<18x128xi32, #tpu.memory_space<vmem>> -> memref<1x128xi32, #tpu.memory_space<vmem>>
      %dma_start3A_761 = tpu.memref_squeeze %dma_start3A_760 : memref<1x128xi32, #tpu.memory_space<vmem>> -> memref<128xi32, #tpu.memory_space<vmem>>
      %dma_start3A_762 = arith.constant 0 : i32
      %dma_start3A_763 = arith.constant 0 : i32
      %dma_start3A_764 = tpu.memref_slice %arg2[%dma_start3A_762, %dma_start3A_763] : memref<100000x128xf32, #tpu.memory_space<hbm>> -> memref<100000x128xf32, #tpu.memory_space<hbm>>
      tpu.enqueue_indirect_dma source(%dma_start3A_764 : memref<100000x128xf32, #tpu.memory_space<hbm>>) target(%arg12 : memref<128x128xf32, #tpu.memory_space<vmem>>) offsets(%dma_start3A_761 : memref<128xi32, #tpu.memory_space<vmem>>) semaphore(%arg19 : memref<!tpu.dma_semaphore, #tpu.memory_space<semaphore_mem>>)
      %add3A_765 = arith.constant 1536 : i32
      %add3A_766 = arith.addi %mul3A_11, %add3A_765 : i32
      %multiple_of3A_767 = tpu.assume_multiple %add3A_766, 128 : i32
      %dma_wait3A_768 = arith.constant 12 : i32
      %dma_wait3A_769 = arith.constant 0 : i32
      %dma_wait3A_770 = tpu.memref_slice %arg9[%dma_wait3A_768, %dma_wait3A_769] : memref<18x128xi32, #tpu.memory_space<vmem>> -> memref<1x128xi32, #tpu.memory_space<vmem>>
      %dma_wait3A_771 = tpu.memref_squeeze %dma_wait3A_770 : memref<1x128xi32, #tpu.memory_space<vmem>> -> memref<128xi32, #tpu.memory_space<vmem>>
      %dma_wait3A_772 = arith.constant 0 : i32
      %dma_wait3A_773 = arith.constant 0 : i32
      %dma_wait3A_774 = tpu.memref_slice %arg3[%dma_wait3A_772, %dma_wait3A_773] : memref<100000x128xf32, #tpu.memory_space<hbm>> -> memref<100000x128xf32, #tpu.memory_space<hbm>>
      tpu.wait_indirect_dma semaphore(%arg21 : memref<!tpu.dma_semaphore, #tpu.memory_space<semaphore_mem>>) src(%dma_wait3A_774 : memref<100000x128xf32, #tpu.memory_space<hbm>>) dst(%arg14 : memref<128x128xf32, #tpu.memory_space<vmem>>)
      %dma_start3A_775 = arith.constant 0 : i32
      %dma_start3A_776 = tpu.memref_slice %arg7[%multiple_of3A_767, %dma_start3A_775] : memref<51200x128xf32, #tpu.memory_space<hbm>> -> memref<128x128xf32, #tpu.memory_space<hbm>>
      %dma_start3A_777 = arith.constant 0 : i32
      %dma_start3A_778 = tpu.memref_slice %arg7[%multiple_of3A_767, %dma_start3A_777] : memref<51200x128xf32, #tpu.memory_space<hbm>> -> memref<128x128xf32, #tpu.memory_space<hbm>>
      tpu.enqueue_dma source(%arg14 : memref<128x128xf32, #tpu.memory_space<vmem>>) target(%dma_start3A_778 : memref<128x128xf32, #tpu.memory_space<hbm>>) target_semaphore(%arg28 : memref<!tpu.dma_semaphore, #tpu.memory_space<semaphore_mem>>)
      %dma_wait3A_779 = arith.constant 0 : i32
      %dma_wait3A_780 = tpu.memref_slice %arg6[%multiple_of3A_739, %dma_wait3A_779] : memref<51200x128xf32, #tpu.memory_space<hbm>> -> memref<128x128xf32, #tpu.memory_space<hbm>>
      %dma_wait3A_781 = arith.constant 0 : i32
      %dma_wait3A_782 = tpu.memref_slice %arg6[%multiple_of3A_739, %dma_wait3A_781] : memref<51200x128xf32, #tpu.memory_space<hbm>> -> memref<128x128xf32, #tpu.memory_space<hbm>>
      tpu.wait_dma2 semaphore(%arg27 : memref<!tpu.dma_semaphore, #tpu.memory_space<semaphore_mem>>) src(%arg13 : memref<128x128xf32, #tpu.memory_space<vmem>>) dst(%dma_wait3A_782 : memref<128x128xf32, #tpu.memory_space<hbm>>)
      %add3A_783 = arith.constant 1920 : i32
      %add3A_784 = arith.addi %mul3A_11, %add3A_783 : i32
      %multiple_of3A_785 = tpu.assume_multiple %add3A_784, 128 : i32
      %dma_start3A_786 = arith.constant 15 : i32
      %dma_start3A_787 = arith.constant 0 : i32
      %dma_start3A_788 = tpu.memref_slice %arg9[%dma_start3A_786, %dma_start3A_787] : memref<18x128xi32, #tpu.memory_space<vmem>> -> memref<1x128xi32, #tpu.memory_space<vmem>>
      %dma_start3A_789 = tpu.memref_squeeze %dma_start3A_788 : memref<1x128xi32, #tpu.memory_space<vmem>> -> memref<128xi32, #tpu.memory_space<vmem>>
      %dma_start3A_790 = arith.constant 0 : i32
      %dma_start3A_791 = arith.constant 0 : i32
      %dma_start3A_792 = tpu.memref_slice %arg3[%dma_start3A_790, %dma_start3A_791] : memref<100000x128xf32, #tpu.memory_space<hbm>> -> memref<100000x128xf32, #tpu.memory_space<hbm>>
      tpu.enqueue_indirect_dma source(%dma_start3A_792 : memref<100000x128xf32, #tpu.memory_space<hbm>>) target(%arg13 : memref<128x128xf32, #tpu.memory_space<vmem>>) offsets(%dma_start3A_789 : memref<128xi32, #tpu.memory_space<vmem>>) semaphore(%arg20 : memref<!tpu.dma_semaphore, #tpu.memory_space<semaphore_mem>>)
      %add3A_793 = arith.constant 1664 : i32
      %add3A_794 = arith.addi %mul3A_11, %add3A_793 : i32
      %multiple_of3A_795 = tpu.assume_multiple %add3A_794, 128 : i32
      %dma_wait3A_796 = arith.constant 13 : i32
      %dma_wait3A_797 = arith.constant 0 : i32
      %dma_wait3A_798 = tpu.memref_slice %arg8[%dma_wait3A_796, %dma_wait3A_797] : memref<18x128xi32, #tpu.memory_space<vmem>> -> memref<1x128xi32, #tpu.memory_space<vmem>>
      %dma_wait3A_799 = tpu.memref_squeeze %dma_wait3A_798 : memref<1x128xi32, #tpu.memory_space<vmem>> -> memref<128xi32, #tpu.memory_space<vmem>>
      %dma_wait3A_800 = arith.constant 0 : i32
      %dma_wait3A_801 = arith.constant 0 : i32
      %dma_wait3A_802 = tpu.memref_slice %arg2[%dma_wait3A_800, %dma_wait3A_801] : memref<100000x128xf32, #tpu.memory_space<hbm>> -> memref<100000x128xf32, #tpu.memory_space<hbm>>
      tpu.wait_indirect_dma semaphore(%arg22 : memref<!tpu.dma_semaphore, #tpu.memory_space<semaphore_mem>>) src(%dma_wait3A_802 : memref<100000x128xf32, #tpu.memory_space<hbm>>) dst(%arg15 : memref<128x128xf32, #tpu.memory_space<vmem>>)
      %dma_start3A_803 = arith.constant 0 : i32
      %dma_start3A_804 = tpu.memref_slice %arg6[%multiple_of3A_795, %dma_start3A_803] : memref<51200x128xf32, #tpu.memory_space<hbm>> -> memref<128x128xf32, #tpu.memory_space<hbm>>
      %dma_start3A_805 = arith.constant 0 : i32
      %dma_start3A_806 = tpu.memref_slice %arg6[%multiple_of3A_795, %dma_start3A_805] : memref<51200x128xf32, #tpu.memory_space<hbm>> -> memref<128x128xf32, #tpu.memory_space<hbm>>
      tpu.enqueue_dma source(%arg15 : memref<128x128xf32, #tpu.memory_space<vmem>>) target(%dma_start3A_806 : memref<128x128xf32, #tpu.memory_space<hbm>>) target_semaphore(%arg29 : memref<!tpu.dma_semaphore, #tpu.memory_space<semaphore_mem>>)
      %dma_wait3A_807 = arith.constant 0 : i32
      %dma_wait3A_808 = tpu.memref_slice %arg7[%multiple_of3A_767, %dma_wait3A_807] : memref<51200x128xf32, #tpu.memory_space<hbm>> -> memref<128x128xf32, #tpu.memory_space<hbm>>
      %dma_wait3A_809 = arith.constant 0 : i32
      %dma_wait3A_810 = tpu.memref_slice %arg7[%multiple_of3A_767, %dma_wait3A_809] : memref<51200x128xf32, #tpu.memory_space<hbm>> -> memref<128x128xf32, #tpu.memory_space<hbm>>
      tpu.wait_dma2 semaphore(%arg28 : memref<!tpu.dma_semaphore, #tpu.memory_space<semaphore_mem>>) src(%arg14 : memref<128x128xf32, #tpu.memory_space<vmem>>) dst(%dma_wait3A_810 : memref<128x128xf32, #tpu.memory_space<hbm>>)
      %add3A_811 = arith.constant 2048 : i32
      %add3A_812 = arith.addi %mul3A_11, %add3A_811 : i32
      %multiple_of3A_813 = tpu.assume_multiple %add3A_812, 128 : i32
      %dma_start3A_814 = arith.constant 16 : i32
      %dma_start3A_815 = arith.constant 0 : i32
      %dma_start3A_816 = tpu.memref_slice %arg8[%dma_start3A_814, %dma_start3A_815] : memref<18x128xi32, #tpu.memory_space<vmem>> -> memref<1x128xi32, #tpu.memory_space<vmem>>
      %dma_start3A_817 = tpu.memref_squeeze %dma_start3A_816 : memref<1x128xi32, #tpu.memory_space<vmem>> -> memref<128xi32, #tpu.memory_space<vmem>>
      %dma_start3A_818 = arith.constant 0 : i32
      %dma_start3A_819 = arith.constant 0 : i32
      %dma_start3A_820 = tpu.memref_slice %arg2[%dma_start3A_818, %dma_start3A_819] : memref<100000x128xf32, #tpu.memory_space<hbm>> -> memref<100000x128xf32, #tpu.memory_space<hbm>>
      tpu.enqueue_indirect_dma source(%dma_start3A_820 : memref<100000x128xf32, #tpu.memory_space<hbm>>) target(%arg14 : memref<128x128xf32, #tpu.memory_space<vmem>>) offsets(%dma_start3A_817 : memref<128xi32, #tpu.memory_space<vmem>>) semaphore(%arg21 : memref<!tpu.dma_semaphore, #tpu.memory_space<semaphore_mem>>)
      %add3A_821 = arith.constant 1664 : i32
      %add3A_822 = arith.addi %mul3A_11, %add3A_821 : i32
      %multiple_of3A_823 = tpu.assume_multiple %add3A_822, 128 : i32
      %dma_wait3A_824 = arith.constant 13 : i32
      %dma_wait3A_825 = arith.constant 0 : i32
      %dma_wait3A_826 = tpu.memref_slice %arg9[%dma_wait3A_824, %dma_wait3A_825] : memref<18x128xi32, #tpu.memory_space<vmem>> -> memref<1x128xi32, #tpu.memory_space<vmem>>
      %dma_wait3A_827 = tpu.memref_squeeze %dma_wait3A_826 : memref<1x128xi32, #tpu.memory_space<vmem>> -> memref<128xi32, #tpu.memory_space<vmem>>
      %dma_wait3A_828 = arith.constant 0 : i32
      %dma_wait3A_829 = arith.constant 0 : i32
      %dma_wait3A_830 = tpu.memref_slice %arg3[%dma_wait3A_828, %dma_wait3A_829] : memref<100000x128xf32, #tpu.memory_space<hbm>> -> memref<100000x128xf32, #tpu.memory_space<hbm>>
      tpu.wait_indirect_dma semaphore(%arg23 : memref<!tpu.dma_semaphore, #tpu.memory_space<semaphore_mem>>) src(%dma_wait3A_830 : memref<100000x128xf32, #tpu.memory_space<hbm>>) dst(%arg16 : memref<128x128xf32, #tpu.memory_space<vmem>>)
      %dma_start3A_831 = arith.constant 0 : i32
      %dma_start3A_832 = tpu.memref_slice %arg7[%multiple_of3A_823, %dma_start3A_831] : memref<51200x128xf32, #tpu.memory_space<hbm>> -> memref<128x128xf32, #tpu.memory_space<hbm>>
      %dma_start3A_833 = arith.constant 0 : i32
      %dma_start3A_834 = tpu.memref_slice %arg7[%multiple_of3A_823, %dma_start3A_833] : memref<51200x128xf32, #tpu.memory_space<hbm>> -> memref<128x128xf32, #tpu.memory_space<hbm>>
      tpu.enqueue_dma source(%arg16 : memref<128x128xf32, #tpu.memory_space<vmem>>) target(%dma_start3A_834 : memref<128x128xf32, #tpu.memory_space<hbm>>) target_semaphore(%arg30 : memref<!tpu.dma_semaphore, #tpu.memory_space<semaphore_mem>>)
      %dma_wait3A_835 = arith.constant 0 : i32
      %dma_wait3A_836 = tpu.memref_slice %arg6[%multiple_of3A_795, %dma_wait3A_835] : memref<51200x128xf32, #tpu.memory_space<hbm>> -> memref<128x128xf32, #tpu.memory_space<hbm>>
      %dma_wait3A_837 = arith.constant 0 : i32
      %dma_wait3A_838 = tpu.memref_slice %arg6[%multiple_of3A_795, %dma_wait3A_837] : memref<51200x128xf32, #tpu.memory_space<hbm>> -> memref<128x128xf32, #tpu.memory_space<hbm>>
      tpu.wait_dma2 semaphore(%arg29 : memref<!tpu.dma_semaphore, #tpu.memory_space<semaphore_mem>>) src(%arg15 : memref<128x128xf32, #tpu.memory_space<vmem>>) dst(%dma_wait3A_838 : memref<128x128xf32, #tpu.memory_space<hbm>>)
      %add3A_839 = arith.constant 2048 : i32
      %add3A_840 = arith.addi %mul3A_11, %add3A_839 : i32
      %multiple_of3A_841 = tpu.assume_multiple %add3A_840, 128 : i32
      %dma_start3A_842 = arith.constant 16 : i32
      %dma_start3A_843 = arith.constant 0 : i32
      %dma_start3A_844 = tpu.memref_slice %arg9[%dma_start3A_842, %dma_start3A_843] : memref<18x128xi32, #tpu.memory_space<vmem>> -> memref<1x128xi32, #tpu.memory_space<vmem>>
      %dma_start3A_845 = tpu.memref_squeeze %dma_start3A_844 : memref<1x128xi32, #tpu.memory_space<vmem>> -> memref<128xi32, #tpu.memory_space<vmem>>
      %dma_start3A_846 = arith.constant 0 : i32
      %dma_start3A_847 = arith.constant 0 : i32
      %dma_start3A_848 = tpu.memref_slice %arg3[%dma_start3A_846, %dma_start3A_847] : memref<100000x128xf32, #tpu.memory_space<hbm>> -> memref<100000x128xf32, #tpu.memory_space<hbm>>
      tpu.enqueue_indirect_dma source(%dma_start3A_848 : memref<100000x128xf32, #tpu.memory_space<hbm>>) target(%arg15 : memref<128x128xf32, #tpu.memory_space<vmem>>) offsets(%dma_start3A_845 : memref<128xi32, #tpu.memory_space<vmem>>) semaphore(%arg22 : memref<!tpu.dma_semaphore, #tpu.memory_space<semaphore_mem>>)
      %add3A_849 = arith.constant 1792 : i32
      %add3A_850 = arith.addi %mul3A_11, %add3A_849 : i32
      %multiple_of3A_851 = tpu.assume_multiple %add3A_850, 128 : i32
      %dma_wait3A_852 = arith.constant 14 : i32
      %dma_wait3A_853 = arith.constant 0 : i32
      %dma_wait3A_854 = tpu.memref_slice %arg8[%dma_wait3A_852, %dma_wait3A_853] : memref<18x128xi32, #tpu.memory_space<vmem>> -> memref<1x128xi32, #tpu.memory_space<vmem>>
      %dma_wait3A_855 = tpu.memref_squeeze %dma_wait3A_854 : memref<1x128xi32, #tpu.memory_space<vmem>> -> memref<128xi32, #tpu.memory_space<vmem>>
      %dma_wait3A_856 = arith.constant 0 : i32
      %dma_wait3A_857 = arith.constant 0 : i32
      %dma_wait3A_858 = tpu.memref_slice %arg2[%dma_wait3A_856, %dma_wait3A_857] : memref<100000x128xf32, #tpu.memory_space<hbm>> -> memref<100000x128xf32, #tpu.memory_space<hbm>>
      tpu.wait_indirect_dma semaphore(%arg17 : memref<!tpu.dma_semaphore, #tpu.memory_space<semaphore_mem>>) src(%dma_wait3A_858 : memref<100000x128xf32, #tpu.memory_space<hbm>>) dst(%arg10 : memref<128x128xf32, #tpu.memory_space<vmem>>)
      %dma_start3A_859 = arith.constant 0 : i32
      %dma_start3A_860 = tpu.memref_slice %arg6[%multiple_of3A_851, %dma_start3A_859] : memref<51200x128xf32, #tpu.memory_space<hbm>> -> memref<128x128xf32, #tpu.memory_space<hbm>>
      %dma_start3A_861 = arith.constant 0 : i32
      %dma_start3A_862 = tpu.memref_slice %arg6[%multiple_of3A_851, %dma_start3A_861] : memref<51200x128xf32, #tpu.memory_space<hbm>> -> memref<128x128xf32, #tpu.memory_space<hbm>>
      tpu.enqueue_dma source(%arg10 : memref<128x128xf32, #tpu.memory_space<vmem>>) target(%dma_start3A_862 : memref<128x128xf32, #tpu.memory_space<hbm>>) target_semaphore(%arg24 : memref<!tpu.dma_semaphore, #tpu.memory_space<semaphore_mem>>)
      %dma_wait3A_863 = arith.constant 0 : i32
      %dma_wait3A_864 = tpu.memref_slice %arg7[%multiple_of3A_823, %dma_wait3A_863] : memref<51200x128xf32, #tpu.memory_space<hbm>> -> memref<128x128xf32, #tpu.memory_space<hbm>>
      %dma_wait3A_865 = arith.constant 0 : i32
      %dma_wait3A_866 = tpu.memref_slice %arg7[%multiple_of3A_823, %dma_wait3A_865] : memref<51200x128xf32, #tpu.memory_space<hbm>> -> memref<128x128xf32, #tpu.memory_space<hbm>>
      tpu.wait_dma2 semaphore(%arg30 : memref<!tpu.dma_semaphore, #tpu.memory_space<semaphore_mem>>) src(%arg16 : memref<128x128xf32, #tpu.memory_space<vmem>>) dst(%dma_wait3A_866 : memref<128x128xf32, #tpu.memory_space<hbm>>)
      %add3A_867 = arith.constant 2176 : i32
      %add3A_868 = arith.addi %mul3A_11, %add3A_867 : i32
      %multiple_of3A_869 = tpu.assume_multiple %add3A_868, 128 : i32
      %dma_start3A_870 = arith.constant 17 : i32
      %dma_start3A_871 = arith.constant 0 : i32
      %dma_start3A_872 = tpu.memref_slice %arg8[%dma_start3A_870, %dma_start3A_871] : memref<18x128xi32, #tpu.memory_space<vmem>> -> memref<1x128xi32, #tpu.memory_space<vmem>>
      %dma_start3A_873 = tpu.memref_squeeze %dma_start3A_872 : memref<1x128xi32, #tpu.memory_space<vmem>> -> memref<128xi32, #tpu.memory_space<vmem>>
      %dma_start3A_874 = arith.constant 0 : i32
      %dma_start3A_875 = arith.constant 0 : i32
      %dma_start3A_876 = tpu.memref_slice %arg2[%dma_start3A_874, %dma_start3A_875] : memref<100000x128xf32, #tpu.memory_space<hbm>> -> memref<100000x128xf32, #tpu.memory_space<hbm>>
      tpu.enqueue_indirect_dma source(%dma_start3A_876 : memref<100000x128xf32, #tpu.memory_space<hbm>>) target(%arg16 : memref<128x128xf32, #tpu.memory_space<vmem>>) offsets(%dma_start3A_873 : memref<128xi32, #tpu.memory_space<vmem>>) semaphore(%arg23 : memref<!tpu.dma_semaphore, #tpu.memory_space<semaphore_mem>>)
      %add3A_877 = arith.constant 1792 : i32
      %add3A_878 = arith.addi %mul3A_11, %add3A_877 : i32
      %multiple_of3A_879 = tpu.assume_multiple %add3A_878, 128 : i32
      %dma_wait3A_880 = arith.constant 14 : i32
      %dma_wait3A_881 = arith.constant 0 : i32
      %dma_wait3A_882 = tpu.memref_slice %arg9[%dma_wait3A_880, %dma_wait3A_881] : memref<18x128xi32, #tpu.memory_space<vmem>> -> memref<1x128xi32, #tpu.memory_space<vmem>>
      %dma_wait3A_883 = tpu.memref_squeeze %dma_wait3A_882 : memref<1x128xi32, #tpu.memory_space<vmem>> -> memref<128xi32, #tpu.memory_space<vmem>>
      %dma_wait3A_884 = arith.constant 0 : i32
      %dma_wait3A_885 = arith.constant 0 : i32
      %dma_wait3A_886 = tpu.memref_slice %arg3[%dma_wait3A_884, %dma_wait3A_885] : memref<100000x128xf32, #tpu.memory_space<hbm>> -> memref<100000x128xf32, #tpu.memory_space<hbm>>
      tpu.wait_indirect_dma semaphore(%arg18 : memref<!tpu.dma_semaphore, #tpu.memory_space<semaphore_mem>>) src(%dma_wait3A_886 : memref<100000x128xf32, #tpu.memory_space<hbm>>) dst(%arg11 : memref<128x128xf32, #tpu.memory_space<vmem>>)
      %dma_start3A_887 = arith.constant 0 : i32
      %dma_start3A_888 = tpu.memref_slice %arg7[%multiple_of3A_879, %dma_start3A_887] : memref<51200x128xf32, #tpu.memory_space<hbm>> -> memref<128x128xf32, #tpu.memory_space<hbm>>
      %dma_start3A_889 = arith.constant 0 : i32
      %dma_start3A_890 = tpu.memref_slice %arg7[%multiple_of3A_879, %dma_start3A_889] : memref<51200x128xf32, #tpu.memory_space<hbm>> -> memref<128x128xf32, #tpu.memory_space<hbm>>
      tpu.enqueue_dma source(%arg11 : memref<128x128xf32, #tpu.memory_space<vmem>>) target(%dma_start3A_890 : memref<128x128xf32, #tpu.memory_space<hbm>>) target_semaphore(%arg25 : memref<!tpu.dma_semaphore, #tpu.memory_space<semaphore_mem>>)
      %dma_wait3A_891 = arith.constant 0 : i32
      %dma_wait3A_892 = tpu.memref_slice %arg6[%multiple_of3A_851, %dma_wait3A_891] : memref<51200x128xf32, #tpu.memory_space<hbm>> -> memref<128x128xf32, #tpu.memory_space<hbm>>
      %dma_wait3A_893 = arith.constant 0 : i32
      %dma_wait3A_894 = tpu.memref_slice %arg6[%multiple_of3A_851, %dma_wait3A_893] : memref<51200x128xf32, #tpu.memory_space<hbm>> -> memref<128x128xf32, #tpu.memory_space<hbm>>
      tpu.wait_dma2 semaphore(%arg24 : memref<!tpu.dma_semaphore, #tpu.memory_space<semaphore_mem>>) src(%arg10 : memref<128x128xf32, #tpu.memory_space<vmem>>) dst(%dma_wait3A_894 : memref<128x128xf32, #tpu.memory_space<hbm>>)
      %add3A_895 = arith.constant 2176 : i32
      %add3A_896 = arith.addi %mul3A_11, %add3A_895 : i32
      %multiple_of3A_897 = tpu.assume_multiple %add3A_896, 128 : i32
      %dma_start3A_898 = arith.constant 17 : i32
      %dma_start3A_899 = arith.constant 0 : i32
      %dma_start3A_900 = tpu.memref_slice %arg9[%dma_start3A_898, %dma_start3A_899] : memref<18x128xi32, #tpu.memory_space<vmem>> -> memref<1x128xi32, #tpu.memory_space<vmem>>
      %dma_start3A_901 = tpu.memref_squeeze %dma_start3A_900 : memref<1x128xi32, #tpu.memory_space<vmem>> -> memref<128xi32, #tpu.memory_space<vmem>>
      %dma_start3A_902 = arith.constant 0 : i32
      %dma_start3A_903 = arith.constant 0 : i32
      %dma_start3A_904 = tpu.memref_slice %arg3[%dma_start3A_902, %dma_start3A_903] : memref<100000x128xf32, #tpu.memory_space<hbm>> -> memref<100000x128xf32, #tpu.memory_space<hbm>>
      tpu.enqueue_indirect_dma source(%dma_start3A_904 : memref<100000x128xf32, #tpu.memory_space<hbm>>) target(%arg10 : memref<128x128xf32, #tpu.memory_space<vmem>>) offsets(%dma_start3A_901 : memref<128xi32, #tpu.memory_space<vmem>>) semaphore(%arg17 : memref<!tpu.dma_semaphore, #tpu.memory_space<semaphore_mem>>)
      %add3A_905 = arith.constant 1920 : i32
      %add3A_906 = arith.addi %mul3A_11, %add3A_905 : i32
      %multiple_of3A_907 = tpu.assume_multiple %add3A_906, 128 : i32
      %dma_wait3A_908 = arith.constant 15 : i32
      %dma_wait3A_909 = arith.constant 0 : i32
      %dma_wait3A_910 = tpu.memref_slice %arg8[%dma_wait3A_908, %dma_wait3A_909] : memref<18x128xi32, #tpu.memory_space<vmem>> -> memref<1x128xi32, #tpu.memory_space<vmem>>
      %dma_wait3A_911 = tpu.memref_squeeze %dma_wait3A_910 : memref<1x128xi32, #tpu.memory_space<vmem>> -> memref<128xi32, #tpu.memory_space<vmem>>
      %dma_wait3A_912 = arith.constant 0 : i32
      %dma_wait3A_913 = arith.constant 0 : i32
      %dma_wait3A_914 = tpu.memref_slice %arg2[%dma_wait3A_912, %dma_wait3A_913] : memref<100000x128xf32, #tpu.memory_space<hbm>> -> memref<100000x128xf32, #tpu.memory_space<hbm>>
      tpu.wait_indirect_dma semaphore(%arg19 : memref<!tpu.dma_semaphore, #tpu.memory_space<semaphore_mem>>) src(%dma_wait3A_914 : memref<100000x128xf32, #tpu.memory_space<hbm>>) dst(%arg12 : memref<128x128xf32, #tpu.memory_space<vmem>>)
      %dma_start3A_915 = arith.constant 0 : i32
      %dma_start3A_916 = tpu.memref_slice %arg6[%multiple_of3A_907, %dma_start3A_915] : memref<51200x128xf32, #tpu.memory_space<hbm>> -> memref<128x128xf32, #tpu.memory_space<hbm>>
      %dma_start3A_917 = arith.constant 0 : i32
      %dma_start3A_918 = tpu.memref_slice %arg6[%multiple_of3A_907, %dma_start3A_917] : memref<51200x128xf32, #tpu.memory_space<hbm>> -> memref<128x128xf32, #tpu.memory_space<hbm>>
      tpu.enqueue_dma source(%arg12 : memref<128x128xf32, #tpu.memory_space<vmem>>) target(%dma_start3A_918 : memref<128x128xf32, #tpu.memory_space<hbm>>) target_semaphore(%arg26 : memref<!tpu.dma_semaphore, #tpu.memory_space<semaphore_mem>>)
      %add3A_919 = arith.constant 1920 : i32
      %add3A_920 = arith.addi %mul3A_11, %add3A_919 : i32
      %multiple_of3A_921 = tpu.assume_multiple %add3A_920, 128 : i32
      %dma_wait3A_922 = arith.constant 15 : i32
      %dma_wait3A_923 = arith.constant 0 : i32
      %dma_wait3A_924 = tpu.memref_slice %arg9[%dma_wait3A_922, %dma_wait3A_923] : memref<18x128xi32, #tpu.memory_space<vmem>> -> memref<1x128xi32, #tpu.memory_space<vmem>>
      %dma_wait3A_925 = tpu.memref_squeeze %dma_wait3A_924 : memref<1x128xi32, #tpu.memory_space<vmem>> -> memref<128xi32, #tpu.memory_space<vmem>>
      %dma_wait3A_926 = arith.constant 0 : i32
      %dma_wait3A_927 = arith.constant 0 : i32
      %dma_wait3A_928 = tpu.memref_slice %arg3[%dma_wait3A_926, %dma_wait3A_927] : memref<100000x128xf32, #tpu.memory_space<hbm>> -> memref<100000x128xf32, #tpu.memory_space<hbm>>
      tpu.wait_indirect_dma semaphore(%arg20 : memref<!tpu.dma_semaphore, #tpu.memory_space<semaphore_mem>>) src(%dma_wait3A_928 : memref<100000x128xf32, #tpu.memory_space<hbm>>) dst(%arg13 : memref<128x128xf32, #tpu.memory_space<vmem>>)
      %dma_start3A_929 = arith.constant 0 : i32
      %dma_start3A_930 = tpu.memref_slice %arg7[%multiple_of3A_921, %dma_start3A_929] : memref<51200x128xf32, #tpu.memory_space<hbm>> -> memref<128x128xf32, #tpu.memory_space<hbm>>
      %dma_start3A_931 = arith.constant 0 : i32
      %dma_start3A_932 = tpu.memref_slice %arg7[%multiple_of3A_921, %dma_start3A_931] : memref<51200x128xf32, #tpu.memory_space<hbm>> -> memref<128x128xf32, #tpu.memory_space<hbm>>
      tpu.enqueue_dma source(%arg13 : memref<128x128xf32, #tpu.memory_space<vmem>>) target(%dma_start3A_932 : memref<128x128xf32, #tpu.memory_space<hbm>>) target_semaphore(%arg27 : memref<!tpu.dma_semaphore, #tpu.memory_space<semaphore_mem>>)
      %add3A_933 = arith.constant 2048 : i32
      %add3A_934 = arith.addi %mul3A_11, %add3A_933 : i32
      %multiple_of3A_935 = tpu.assume_multiple %add3A_934, 128 : i32
      %dma_wait3A_936 = arith.constant 16 : i32
      %dma_wait3A_937 = arith.constant 0 : i32
      %dma_wait3A_938 = tpu.memref_slice %arg8[%dma_wait3A_936, %dma_wait3A_937] : memref<18x128xi32, #tpu.memory_space<vmem>> -> memref<1x128xi32, #tpu.memory_space<vmem>>
      %dma_wait3A_939 = tpu.memref_squeeze %dma_wait3A_938 : memref<1x128xi32, #tpu.memory_space<vmem>> -> memref<128xi32, #tpu.memory_space<vmem>>
      %dma_wait3A_940 = arith.constant 0 : i32
      %dma_wait3A_941 = arith.constant 0 : i32
      %dma_wait3A_942 = tpu.memref_slice %arg2[%dma_wait3A_940, %dma_wait3A_941] : memref<100000x128xf32, #tpu.memory_space<hbm>> -> memref<100000x128xf32, #tpu.memory_space<hbm>>
      tpu.wait_indirect_dma semaphore(%arg21 : memref<!tpu.dma_semaphore, #tpu.memory_space<semaphore_mem>>) src(%dma_wait3A_942 : memref<100000x128xf32, #tpu.memory_space<hbm>>) dst(%arg14 : memref<128x128xf32, #tpu.memory_space<vmem>>)
      %dma_start3A_943 = arith.constant 0 : i32
      %dma_start3A_944 = tpu.memref_slice %arg6[%multiple_of3A_935, %dma_start3A_943] : memref<51200x128xf32, #tpu.memory_space<hbm>> -> memref<128x128xf32, #tpu.memory_space<hbm>>
      %dma_start3A_945 = arith.constant 0 : i32
      %dma_start3A_946 = tpu.memref_slice %arg6[%multiple_of3A_935, %dma_start3A_945] : memref<51200x128xf32, #tpu.memory_space<hbm>> -> memref<128x128xf32, #tpu.memory_space<hbm>>
      tpu.enqueue_dma source(%arg14 : memref<128x128xf32, #tpu.memory_space<vmem>>) target(%dma_start3A_946 : memref<128x128xf32, #tpu.memory_space<hbm>>) target_semaphore(%arg28 : memref<!tpu.dma_semaphore, #tpu.memory_space<semaphore_mem>>)
      %add3A_947 = arith.constant 2048 : i32
      %add3A_948 = arith.addi %mul3A_11, %add3A_947 : i32
      %multiple_of3A_949 = tpu.assume_multiple %add3A_948, 128 : i32
      %dma_wait3A_950 = arith.constant 16 : i32
      %dma_wait3A_951 = arith.constant 0 : i32
      %dma_wait3A_952 = tpu.memref_slice %arg9[%dma_wait3A_950, %dma_wait3A_951] : memref<18x128xi32, #tpu.memory_space<vmem>> -> memref<1x128xi32, #tpu.memory_space<vmem>>
      %dma_wait3A_953 = tpu.memref_squeeze %dma_wait3A_952 : memref<1x128xi32, #tpu.memory_space<vmem>> -> memref<128xi32, #tpu.memory_space<vmem>>
      %dma_wait3A_954 = arith.constant 0 : i32
      %dma_wait3A_955 = arith.constant 0 : i32
      %dma_wait3A_956 = tpu.memref_slice %arg3[%dma_wait3A_954, %dma_wait3A_955] : memref<100000x128xf32, #tpu.memory_space<hbm>> -> memref<100000x128xf32, #tpu.memory_space<hbm>>
      tpu.wait_indirect_dma semaphore(%arg22 : memref<!tpu.dma_semaphore, #tpu.memory_space<semaphore_mem>>) src(%dma_wait3A_956 : memref<100000x128xf32, #tpu.memory_space<hbm>>) dst(%arg15 : memref<128x128xf32, #tpu.memory_space<vmem>>)
      %dma_start3A_957 = arith.constant 0 : i32
      %dma_start3A_958 = tpu.memref_slice %arg7[%multiple_of3A_949, %dma_start3A_957] : memref<51200x128xf32, #tpu.memory_space<hbm>> -> memref<128x128xf32, #tpu.memory_space<hbm>>
      %dma_start3A_959 = arith.constant 0 : i32
      %dma_start3A_960 = tpu.memref_slice %arg7[%multiple_of3A_949, %dma_start3A_959] : memref<51200x128xf32, #tpu.memory_space<hbm>> -> memref<128x128xf32, #tpu.memory_space<hbm>>
      tpu.enqueue_dma source(%arg15 : memref<128x128xf32, #tpu.memory_space<vmem>>) target(%dma_start3A_960 : memref<128x128xf32, #tpu.memory_space<hbm>>) target_semaphore(%arg29 : memref<!tpu.dma_semaphore, #tpu.memory_space<semaphore_mem>>)
      %add3A_961 = arith.constant 2176 : i32
      %add3A_962 = arith.addi %mul3A_11, %add3A_961 : i32
      %multiple_of3A_963 = tpu.assume_multiple %add3A_962, 128 : i32
      %dma_wait3A_964 = arith.constant 17 : i32
      %dma_wait3A_965 = arith.constant 0 : i32
      %dma_wait3A_966 = tpu.memref_slice %arg8[%dma_wait3A_964, %dma_wait3A_965] : memref<18x128xi32, #tpu.memory_space<vmem>> -> memref<1x128xi32, #tpu.memory_space<vmem>>
      %dma_wait3A_967 = tpu.memref_squeeze %dma_wait3A_966 : memref<1x128xi32, #tpu.memory_space<vmem>> -> memref<128xi32, #tpu.memory_space<vmem>>
      %dma_wait3A_968 = arith.constant 0 : i32
      %dma_wait3A_969 = arith.constant 0 : i32
      %dma_wait3A_970 = tpu.memref_slice %arg2[%dma_wait3A_968, %dma_wait3A_969] : memref<100000x128xf32, #tpu.memory_space<hbm>> -> memref<100000x128xf32, #tpu.memory_space<hbm>>
      tpu.wait_indirect_dma semaphore(%arg23 : memref<!tpu.dma_semaphore, #tpu.memory_space<semaphore_mem>>) src(%dma_wait3A_970 : memref<100000x128xf32, #tpu.memory_space<hbm>>) dst(%arg16 : memref<128x128xf32, #tpu.memory_space<vmem>>)
      %dma_start3A_971 = arith.constant 0 : i32
      %dma_start3A_972 = tpu.memref_slice %arg6[%multiple_of3A_963, %dma_start3A_971] : memref<51200x128xf32, #tpu.memory_space<hbm>> -> memref<128x128xf32, #tpu.memory_space<hbm>>
      %dma_start3A_973 = arith.constant 0 : i32
      %dma_start3A_974 = tpu.memref_slice %arg6[%multiple_of3A_963, %dma_start3A_973] : memref<51200x128xf32, #tpu.memory_space<hbm>> -> memref<128x128xf32, #tpu.memory_space<hbm>>
      tpu.enqueue_dma source(%arg16 : memref<128x128xf32, #tpu.memory_space<vmem>>) target(%dma_start3A_974 : memref<128x128xf32, #tpu.memory_space<hbm>>) target_semaphore(%arg30 : memref<!tpu.dma_semaphore, #tpu.memory_space<semaphore_mem>>)
      %add3A_975 = arith.constant 2176 : i32
      %add3A_976 = arith.addi %mul3A_11, %add3A_975 : i32
      %multiple_of3A_977 = tpu.assume_multiple %add3A_976, 128 : i32
      %dma_wait3A_978 = arith.constant 17 : i32
      %dma_wait3A_979 = arith.constant 0 : i32
      %dma_wait3A_980 = tpu.memref_slice %arg9[%dma_wait3A_978, %dma_wait3A_979] : memref<18x128xi32, #tpu.memory_space<vmem>> -> memref<1x128xi32, #tpu.memory_space<vmem>>
      %dma_wait3A_981 = tpu.memref_squeeze %dma_wait3A_980 : memref<1x128xi32, #tpu.memory_space<vmem>> -> memref<128xi32, #tpu.memory_space<vmem>>
      %dma_wait3A_982 = arith.constant 0 : i32
      %dma_wait3A_983 = arith.constant 0 : i32
      %dma_wait3A_984 = tpu.memref_slice %arg3[%dma_wait3A_982, %dma_wait3A_983] : memref<100000x128xf32, #tpu.memory_space<hbm>> -> memref<100000x128xf32, #tpu.memory_space<hbm>>
      tpu.wait_indirect_dma semaphore(%arg17 : memref<!tpu.dma_semaphore, #tpu.memory_space<semaphore_mem>>) src(%dma_wait3A_984 : memref<100000x128xf32, #tpu.memory_space<hbm>>) dst(%arg10 : memref<128x128xf32, #tpu.memory_space<vmem>>)
      %dma_start3A_985 = arith.constant 0 : i32
      %dma_start3A_986 = tpu.memref_slice %arg7[%multiple_of3A_977, %dma_start3A_985] : memref<51200x128xf32, #tpu.memory_space<hbm>> -> memref<128x128xf32, #tpu.memory_space<hbm>>
      %dma_start3A_987 = arith.constant 0 : i32
      %dma_start3A_988 = tpu.memref_slice %arg7[%multiple_of3A_977, %dma_start3A_987] : memref<51200x128xf32, #tpu.memory_space<hbm>> -> memref<128x128xf32, #tpu.memory_space<hbm>>
      tpu.enqueue_dma source(%arg10 : memref<128x128xf32, #tpu.memory_space<vmem>>) target(%dma_start3A_988 : memref<128x128xf32, #tpu.memory_space<hbm>>) target_semaphore(%arg24 : memref<!tpu.dma_semaphore, #tpu.memory_space<semaphore_mem>>)
      %dma_wait3A_989 = arith.constant 0 : i32
      %dma_wait3A_990 = tpu.memref_slice %arg7[%multiple_of3A_879, %dma_wait3A_989] : memref<51200x128xf32, #tpu.memory_space<hbm>> -> memref<128x128xf32, #tpu.memory_space<hbm>>
      %dma_wait3A_991 = arith.constant 0 : i32
      %dma_wait3A_992 = tpu.memref_slice %arg7[%multiple_of3A_879, %dma_wait3A_991] : memref<51200x128xf32, #tpu.memory_space<hbm>> -> memref<128x128xf32, #tpu.memory_space<hbm>>
      tpu.wait_dma2 semaphore(%arg25 : memref<!tpu.dma_semaphore, #tpu.memory_space<semaphore_mem>>) src(%arg11 : memref<128x128xf32, #tpu.memory_space<vmem>>) dst(%dma_wait3A_992 : memref<128x128xf32, #tpu.memory_space<hbm>>)
      %dma_wait3A_993 = arith.constant 0 : i32
      %dma_wait3A_994 = tpu.memref_slice %arg6[%multiple_of3A_907, %dma_wait3A_993] : memref<51200x128xf32, #tpu.memory_space<hbm>> -> memref<128x128xf32, #tpu.memory_space<hbm>>
      %dma_wait3A_995 = arith.constant 0 : i32
      %dma_wait3A_996 = tpu.memref_slice %arg6[%multiple_of3A_907, %dma_wait3A_995] : memref<51200x128xf32, #tpu.memory_space<hbm>> -> memref<128x128xf32, #tpu.memory_space<hbm>>
      tpu.wait_dma2 semaphore(%arg26 : memref<!tpu.dma_semaphore, #tpu.memory_space<semaphore_mem>>) src(%arg12 : memref<128x128xf32, #tpu.memory_space<vmem>>) dst(%dma_wait3A_996 : memref<128x128xf32, #tpu.memory_space<hbm>>)
      %dma_wait3A_997 = arith.constant 0 : i32
      %dma_wait3A_998 = tpu.memref_slice %arg7[%multiple_of3A_921, %dma_wait3A_997] : memref<51200x128xf32, #tpu.memory_space<hbm>> -> memref<128x128xf32, #tpu.memory_space<hbm>>
      %dma_wait3A_999 = arith.constant 0 : i32
      %dma_wait3A_1000 = tpu.memref_slice %arg7[%multiple_of3A_921, %dma_wait3A_999] : memref<51200x128xf32, #tpu.memory_space<hbm>> -> memref<128x128xf32, #tpu.memory_space<hbm>>
      tpu.wait_dma2 semaphore(%arg27 : memref<!tpu.dma_semaphore, #tpu.memory_space<semaphore_mem>>) src(%arg13 : memref<128x128xf32, #tpu.memory_space<vmem>>) dst(%dma_wait3A_1000 : memref<128x128xf32, #tpu.memory_space<hbm>>)
      %dma_wait3A_1001 = arith.constant 0 : i32
      %dma_wait3A_1002 = tpu.memref_slice %arg6[%multiple_of3A_935, %dma_wait3A_1001] : memref<51200x128xf32, #tpu.memory_space<hbm>> -> memref<128x128xf32, #tpu.memory_space<hbm>>
      %dma_wait3A_1003 = arith.constant 0 : i32
      %dma_wait3A_1004 = tpu.memref_slice %arg6[%multiple_of3A_935, %dma_wait3A_1003] : memref<51200x128xf32, #tpu.memory_space<hbm>> -> memref<128x128xf32, #tpu.memory_space<hbm>>
      tpu.wait_dma2 semaphore(%arg28 : memref<!tpu.dma_semaphore, #tpu.memory_space<semaphore_mem>>) src(%arg14 : memref<128x128xf32, #tpu.memory_space<vmem>>) dst(%dma_wait3A_1004 : memref<128x128xf32, #tpu.memory_space<hbm>>)
      %dma_wait3A_1005 = arith.constant 0 : i32
      %dma_wait3A_1006 = tpu.memref_slice %arg7[%multiple_of3A_949, %dma_wait3A_1005] : memref<51200x128xf32, #tpu.memory_space<hbm>> -> memref<128x128xf32, #tpu.memory_space<hbm>>
      %dma_wait3A_1007 = arith.constant 0 : i32
      %dma_wait3A_1008 = tpu.memref_slice %arg7[%multiple_of3A_949, %dma_wait3A_1007] : memref<51200x128xf32, #tpu.memory_space<hbm>> -> memref<128x128xf32, #tpu.memory_space<hbm>>
      tpu.wait_dma2 semaphore(%arg29 : memref<!tpu.dma_semaphore, #tpu.memory_space<semaphore_mem>>) src(%arg15 : memref<128x128xf32, #tpu.memory_space<vmem>>) dst(%dma_wait3A_1008 : memref<128x128xf32, #tpu.memory_space<hbm>>)
      %dma_wait3A_1009 = arith.constant 0 : i32
      %dma_wait3A_1010 = tpu.memref_slice %arg6[%multiple_of3A_963, %dma_wait3A_1009] : memref<51200x128xf32, #tpu.memory_space<hbm>> -> memref<128x128xf32, #tpu.memory_space<hbm>>
      %dma_wait3A_1011 = arith.constant 0 : i32
      %dma_wait3A_1012 = tpu.memref_slice %arg6[%multiple_of3A_963, %dma_wait3A_1011] : memref<51200x128xf32, #tpu.memory_space<hbm>> -> memref<128x128xf32, #tpu.memory_space<hbm>>
      tpu.wait_dma2 semaphore(%arg30 : memref<!tpu.dma_semaphore, #tpu.memory_space<semaphore_mem>>) src(%arg16 : memref<128x128xf32, #tpu.memory_space<vmem>>) dst(%dma_wait3A_1012 : memref<128x128xf32, #tpu.memory_space<hbm>>)
      %dma_wait3A_1013 = arith.constant 0 : i32
      %dma_wait3A_1014 = tpu.memref_slice %arg7[%multiple_of3A_977, %dma_wait3A_1013] : memref<51200x128xf32, #tpu.memory_space<hbm>> -> memref<128x128xf32, #tpu.memory_space<hbm>>
      %dma_wait3A_1015 = arith.constant 0 : i32
      %dma_wait3A_1016 = tpu.memref_slice %arg7[%multiple_of3A_977, %dma_wait3A_1015] : memref<51200x128xf32, #tpu.memory_space<hbm>> -> memref<128x128xf32, #tpu.memory_space<hbm>>
      tpu.wait_dma2 semaphore(%arg24 : memref<!tpu.dma_semaphore, #tpu.memory_space<semaphore_mem>>) src(%arg10 : memref<128x128xf32, #tpu.memory_space<vmem>>) dst(%dma_wait3A_1016 : memref<128x128xf32, #tpu.memory_space<hbm>>)
    } else {
    }
    %eq3A_3 = arith.constant 1 : i32
    %eq3A_4 = arith.cmpi eq, %arg0, %eq3A_3 : i32
    %convert_element_type3A_5 = arith.extui %eq3A_4 : i1 to i32
    %cond3A_6 = arith.constant 0 : i32
    %cond3A_7 = arith.cmpi ne, %convert_element_type3A_5, %cond3A_6 : i32
    scf.if %cond3A_7 {
      %mul3A_8 = arith.constant 7 : i32
      %mul3A_9 = arith.muli %arg1, %mul3A_8 : i32
      %add3A_10 = arith.constant 288 : i32
      %add3A_11 = arith.addi %add3A_10, %mul3A_9 : i32
      %mul3A_12 = arith.constant 128 : i32
      %mul3A_13 = arith.muli %add3A_11, %mul3A_12 : i32
      %add3A_14 = arith.constant 0 : i32
      %add3A_15 = arith.addi %mul3A_13, %add3A_14 : i32
      %multiple_of3A = tpu.assume_multiple %add3A_15, 128 : i32
      %dma_start3A = arith.constant 0 : i32
      %dma_start3A_16 = arith.constant 0 : i32
      %dma_start3A_17 = tpu.memref_slice %arg8[%dma_start3A, %dma_start3A_16] : memref<18x128xi32, #tpu.memory_space<vmem>> -> memref<1x128xi32, #tpu.memory_space<vmem>>
      %dma_start3A_18 = tpu.memref_squeeze %dma_start3A_17 : memref<1x128xi32, #tpu.memory_space<vmem>> -> memref<128xi32, #tpu.memory_space<vmem>>
      %dma_start3A_19 = arith.constant 0 : i32
      %dma_start3A_20 = arith.constant 0 : i32
      %dma_start3A_21 = tpu.memref_slice %arg2[%dma_start3A_19, %dma_start3A_20] : memref<100000x128xf32, #tpu.memory_space<hbm>> -> memref<100000x128xf32, #tpu.memory_space<hbm>>
      tpu.enqueue_indirect_dma source(%dma_start3A_21 : memref<100000x128xf32, #tpu.memory_space<hbm>>) target(%arg10 : memref<128x128xf32, #tpu.memory_space<vmem>>) offsets(%dma_start3A_18 : memref<128xi32, #tpu.memory_space<vmem>>) semaphore(%arg17 : memref<!tpu.dma_semaphore, #tpu.memory_space<semaphore_mem>>)
      %add3A_22 = arith.constant 0 : i32
      %add3A_23 = arith.addi %mul3A_13, %add3A_22 : i32
      %multiple_of3A_24 = tpu.assume_multiple %add3A_23, 128 : i32
      %dma_start3A_25 = arith.constant 0 : i32
      %dma_start3A_26 = arith.constant 0 : i32
      %dma_start3A_27 = tpu.memref_slice %arg9[%dma_start3A_25, %dma_start3A_26] : memref<18x128xi32, #tpu.memory_space<vmem>> -> memref<1x128xi32, #tpu.memory_space<vmem>>
      %dma_start3A_28 = tpu.memref_squeeze %dma_start3A_27 : memref<1x128xi32, #tpu.memory_space<vmem>> -> memref<128xi32, #tpu.memory_space<vmem>>
      %dma_start3A_29 = arith.constant 0 : i32
      %dma_start3A_30 = arith.constant 0 : i32
      %dma_start3A_31 = tpu.memref_slice %arg3[%dma_start3A_29, %dma_start3A_30] : memref<100000x128xf32, #tpu.memory_space<hbm>> -> memref<100000x128xf32, #tpu.memory_space<hbm>>
      tpu.enqueue_indirect_dma source(%dma_start3A_31 : memref<100000x128xf32, #tpu.memory_space<hbm>>) target(%arg11 : memref<128x128xf32, #tpu.memory_space<vmem>>) offsets(%dma_start3A_28 : memref<128xi32, #tpu.memory_space<vmem>>) semaphore(%arg18 : memref<!tpu.dma_semaphore, #tpu.memory_space<semaphore_mem>>)
      %add3A_32 = arith.constant 128 : i32
      %add3A_33 = arith.addi %mul3A_13, %add3A_32 : i32
      %multiple_of3A_34 = tpu.assume_multiple %add3A_33, 128 : i32
      %dma_start3A_35 = arith.constant 1 : i32
      %dma_start3A_36 = arith.constant 0 : i32
      %dma_start3A_37 = tpu.memref_slice %arg8[%dma_start3A_35, %dma_start3A_36] : memref<18x128xi32, #tpu.memory_space<vmem>> -> memref<1x128xi32, #tpu.memory_space<vmem>>
      %dma_start3A_38 = tpu.memref_squeeze %dma_start3A_37 : memref<1x128xi32, #tpu.memory_space<vmem>> -> memref<128xi32, #tpu.memory_space<vmem>>
      %dma_start3A_39 = arith.constant 0 : i32
      %dma_start3A_40 = arith.constant 0 : i32
      %dma_start3A_41 = tpu.memref_slice %arg2[%dma_start3A_39, %dma_start3A_40] : memref<100000x128xf32, #tpu.memory_space<hbm>> -> memref<100000x128xf32, #tpu.memory_space<hbm>>
      tpu.enqueue_indirect_dma source(%dma_start3A_41 : memref<100000x128xf32, #tpu.memory_space<hbm>>) target(%arg12 : memref<128x128xf32, #tpu.memory_space<vmem>>) offsets(%dma_start3A_38 : memref<128xi32, #tpu.memory_space<vmem>>) semaphore(%arg19 : memref<!tpu.dma_semaphore, #tpu.memory_space<semaphore_mem>>)
      %add3A_42 = arith.constant 128 : i32
      %add3A_43 = arith.addi %mul3A_13, %add3A_42 : i32
      %multiple_of3A_44 = tpu.assume_multiple %add3A_43, 128 : i32
      %dma_start3A_45 = arith.constant 1 : i32
      %dma_start3A_46 = arith.constant 0 : i32
      %dma_start3A_47 = tpu.memref_slice %arg9[%dma_start3A_45, %dma_start3A_46] : memref<18x128xi32, #tpu.memory_space<vmem>> -> memref<1x128xi32, #tpu.memory_space<vmem>>
      %dma_start3A_48 = tpu.memref_squeeze %dma_start3A_47 : memref<1x128xi32, #tpu.memory_space<vmem>> -> memref<128xi32, #tpu.memory_space<vmem>>
      %dma_start3A_49 = arith.constant 0 : i32
      %dma_start3A_50 = arith.constant 0 : i32
      %dma_start3A_51 = tpu.memref_slice %arg3[%dma_start3A_49, %dma_start3A_50] : memref<100000x128xf32, #tpu.memory_space<hbm>> -> memref<100000x128xf32, #tpu.memory_space<hbm>>
      tpu.enqueue_indirect_dma source(%dma_start3A_51 : memref<100000x128xf32, #tpu.memory_space<hbm>>) target(%arg13 : memref<128x128xf32, #tpu.memory_space<vmem>>) offsets(%dma_start3A_48 : memref<128xi32, #tpu.memory_space<vmem>>) semaphore(%arg20 : memref<!tpu.dma_semaphore, #tpu.memory_space<semaphore_mem>>)
      %add3A_52 = arith.constant 256 : i32
      %add3A_53 = arith.addi %mul3A_13, %add3A_52 : i32
      %multiple_of3A_54 = tpu.assume_multiple %add3A_53, 128 : i32
      %dma_start3A_55 = arith.constant 2 : i32
      %dma_start3A_56 = arith.constant 0 : i32
      %dma_start3A_57 = tpu.memref_slice %arg8[%dma_start3A_55, %dma_start3A_56] : memref<18x128xi32, #tpu.memory_space<vmem>> -> memref<1x128xi32, #tpu.memory_space<vmem>>
      %dma_start3A_58 = tpu.memref_squeeze %dma_start3A_57 : memref<1x128xi32, #tpu.memory_space<vmem>> -> memref<128xi32, #tpu.memory_space<vmem>>
      %dma_start3A_59 = arith.constant 0 : i32
      %dma_start3A_60 = arith.constant 0 : i32
      %dma_start3A_61 = tpu.memref_slice %arg2[%dma_start3A_59, %dma_start3A_60] : memref<100000x128xf32, #tpu.memory_space<hbm>> -> memref<100000x128xf32, #tpu.memory_space<hbm>>
      tpu.enqueue_indirect_dma source(%dma_start3A_61 : memref<100000x128xf32, #tpu.memory_space<hbm>>) target(%arg14 : memref<128x128xf32, #tpu.memory_space<vmem>>) offsets(%dma_start3A_58 : memref<128xi32, #tpu.memory_space<vmem>>) semaphore(%arg21 : memref<!tpu.dma_semaphore, #tpu.memory_space<semaphore_mem>>)
      %add3A_62 = arith.constant 256 : i32
      %add3A_63 = arith.addi %mul3A_13, %add3A_62 : i32
      %multiple_of3A_64 = tpu.assume_multiple %add3A_63, 128 : i32
      %dma_start3A_65 = arith.constant 2 : i32
      %dma_start3A_66 = arith.constant 0 : i32
      %dma_start3A_67 = tpu.memref_slice %arg9[%dma_start3A_65, %dma_start3A_66] : memref<18x128xi32, #tpu.memory_space<vmem>> -> memref<1x128xi32, #tpu.memory_space<vmem>>
      %dma_start3A_68 = tpu.memref_squeeze %dma_start3A_67 : memref<1x128xi32, #tpu.memory_space<vmem>> -> memref<128xi32, #tpu.memory_space<vmem>>
      %dma_start3A_69 = arith.constant 0 : i32
      %dma_start3A_70 = arith.constant 0 : i32
      %dma_start3A_71 = tpu.memref_slice %arg3[%dma_start3A_69, %dma_start3A_70] : memref<100000x128xf32, #tpu.memory_space<hbm>> -> memref<100000x128xf32, #tpu.memory_space<hbm>>
      tpu.enqueue_indirect_dma source(%dma_start3A_71 : memref<100000x128xf32, #tpu.memory_space<hbm>>) target(%arg15 : memref<128x128xf32, #tpu.memory_space<vmem>>) offsets(%dma_start3A_68 : memref<128xi32, #tpu.memory_space<vmem>>) semaphore(%arg22 : memref<!tpu.dma_semaphore, #tpu.memory_space<semaphore_mem>>)
      %add3A_72 = arith.constant 0 : i32
      %add3A_73 = arith.addi %mul3A_13, %add3A_72 : i32
      %multiple_of3A_74 = tpu.assume_multiple %add3A_73, 128 : i32
      %dma_wait3A = arith.constant 0 : i32
      %dma_wait3A_75 = arith.constant 0 : i32
      %dma_wait3A_76 = tpu.memref_slice %arg8[%dma_wait3A, %dma_wait3A_75] : memref<18x128xi32, #tpu.memory_space<vmem>> -> memref<1x128xi32, #tpu.memory_space<vmem>>
      %dma_wait3A_77 = tpu.memref_squeeze %dma_wait3A_76 : memref<1x128xi32, #tpu.memory_space<vmem>> -> memref<128xi32, #tpu.memory_space<vmem>>
      %dma_wait3A_78 = arith.constant 0 : i32
      %dma_wait3A_79 = arith.constant 0 : i32
      %dma_wait3A_80 = tpu.memref_slice %arg2[%dma_wait3A_78, %dma_wait3A_79] : memref<100000x128xf32, #tpu.memory_space<hbm>> -> memref<100000x128xf32, #tpu.memory_space<hbm>>
      tpu.wait_indirect_dma semaphore(%arg17 : memref<!tpu.dma_semaphore, #tpu.memory_space<semaphore_mem>>) src(%dma_wait3A_80 : memref<100000x128xf32, #tpu.memory_space<hbm>>) dst(%arg10 : memref<128x128xf32, #tpu.memory_space<vmem>>)
      %dma_start3A_81 = arith.constant 0 : i32
      %dma_start3A_82 = tpu.memref_slice %arg6[%multiple_of3A_74, %dma_start3A_81] : memref<51200x128xf32, #tpu.memory_space<hbm>> -> memref<128x128xf32, #tpu.memory_space<hbm>>
      %dma_start3A_83 = arith.constant 0 : i32
      %dma_start3A_84 = tpu.memref_slice %arg6[%multiple_of3A_74, %dma_start3A_83] : memref<51200x128xf32, #tpu.memory_space<hbm>> -> memref<128x128xf32, #tpu.memory_space<hbm>>
      tpu.enqueue_dma source(%arg10 : memref<128x128xf32, #tpu.memory_space<vmem>>) target(%dma_start3A_84 : memref<128x128xf32, #tpu.memory_space<hbm>>) target_semaphore(%arg24 : memref<!tpu.dma_semaphore, #tpu.memory_space<semaphore_mem>>)
      %add3A_85 = arith.constant 384 : i32
      %add3A_86 = arith.addi %mul3A_13, %add3A_85 : i32
      %multiple_of3A_87 = tpu.assume_multiple %add3A_86, 128 : i32
      %dma_start3A_88 = arith.constant 3 : i32
      %dma_start3A_89 = arith.constant 0 : i32
      %dma_start3A_90 = tpu.memref_slice %arg8[%dma_start3A_88, %dma_start3A_89] : memref<18x128xi32, #tpu.memory_space<vmem>> -> memref<1x128xi32, #tpu.memory_space<vmem>>
      %dma_start3A_91 = tpu.memref_squeeze %dma_start3A_90 : memref<1x128xi32, #tpu.memory_space<vmem>> -> memref<128xi32, #tpu.memory_space<vmem>>
      %dma_start3A_92 = arith.constant 0 : i32
      %dma_start3A_93 = arith.constant 0 : i32
      %dma_start3A_94 = tpu.memref_slice %arg2[%dma_start3A_92, %dma_start3A_93] : memref<100000x128xf32, #tpu.memory_space<hbm>> -> memref<100000x128xf32, #tpu.memory_space<hbm>>
      tpu.enqueue_indirect_dma source(%dma_start3A_94 : memref<100000x128xf32, #tpu.memory_space<hbm>>) target(%arg16 : memref<128x128xf32, #tpu.memory_space<vmem>>) offsets(%dma_start3A_91 : memref<128xi32, #tpu.memory_space<vmem>>) semaphore(%arg23 : memref<!tpu.dma_semaphore, #tpu.memory_space<semaphore_mem>>)
      %add3A_95 = arith.constant 0 : i32
      %add3A_96 = arith.addi %mul3A_13, %add3A_95 : i32
      %multiple_of3A_97 = tpu.assume_multiple %add3A_96, 128 : i32
      %dma_wait3A_98 = arith.constant 0 : i32
      %dma_wait3A_99 = arith.constant 0 : i32
      %dma_wait3A_100 = tpu.memref_slice %arg9[%dma_wait3A_98, %dma_wait3A_99] : memref<18x128xi32, #tpu.memory_space<vmem>> -> memref<1x128xi32, #tpu.memory_space<vmem>>
      %dma_wait3A_101 = tpu.memref_squeeze %dma_wait3A_100 : memref<1x128xi32, #tpu.memory_space<vmem>> -> memref<128xi32, #tpu.memory_space<vmem>>
      %dma_wait3A_102 = arith.constant 0 : i32
      %dma_wait3A_103 = arith.constant 0 : i32
      %dma_wait3A_104 = tpu.memref_slice %arg3[%dma_wait3A_102, %dma_wait3A_103] : memref<100000x128xf32, #tpu.memory_space<hbm>> -> memref<100000x128xf32, #tpu.memory_space<hbm>>
      tpu.wait_indirect_dma semaphore(%arg18 : memref<!tpu.dma_semaphore, #tpu.memory_space<semaphore_mem>>) src(%dma_wait3A_104 : memref<100000x128xf32, #tpu.memory_space<hbm>>) dst(%arg11 : memref<128x128xf32, #tpu.memory_space<vmem>>)
      %dma_start3A_105 = arith.constant 0 : i32
      %dma_start3A_106 = tpu.memref_slice %arg7[%multiple_of3A_97, %dma_start3A_105] : memref<51200x128xf32, #tpu.memory_space<hbm>> -> memref<128x128xf32, #tpu.memory_space<hbm>>
      %dma_start3A_107 = arith.constant 0 : i32
      %dma_start3A_108 = tpu.memref_slice %arg7[%multiple_of3A_97, %dma_start3A_107] : memref<51200x128xf32, #tpu.memory_space<hbm>> -> memref<128x128xf32, #tpu.memory_space<hbm>>
      tpu.enqueue_dma source(%arg11 : memref<128x128xf32, #tpu.memory_space<vmem>>) target(%dma_start3A_108 : memref<128x128xf32, #tpu.memory_space<hbm>>) target_semaphore(%arg25 : memref<!tpu.dma_semaphore, #tpu.memory_space<semaphore_mem>>)
      %dma_wait3A_109 = arith.constant 0 : i32
      %dma_wait3A_110 = tpu.memref_slice %arg6[%multiple_of3A_74, %dma_wait3A_109] : memref<51200x128xf32, #tpu.memory_space<hbm>> -> memref<128x128xf32, #tpu.memory_space<hbm>>
      %dma_wait3A_111 = arith.constant 0 : i32
      %dma_wait3A_112 = tpu.memref_slice %arg6[%multiple_of3A_74, %dma_wait3A_111] : memref<51200x128xf32, #tpu.memory_space<hbm>> -> memref<128x128xf32, #tpu.memory_space<hbm>>
      tpu.wait_dma2 semaphore(%arg24 : memref<!tpu.dma_semaphore, #tpu.memory_space<semaphore_mem>>) src(%arg10 : memref<128x128xf32, #tpu.memory_space<vmem>>) dst(%dma_wait3A_112 : memref<128x128xf32, #tpu.memory_space<hbm>>)
      %add3A_113 = arith.constant 384 : i32
      %add3A_114 = arith.addi %mul3A_13, %add3A_113 : i32
      %multiple_of3A_115 = tpu.assume_multiple %add3A_114, 128 : i32
      %dma_start3A_116 = arith.constant 3 : i32
      %dma_start3A_117 = arith.constant 0 : i32
      %dma_start3A_118 = tpu.memref_slice %arg9[%dma_start3A_116, %dma_start3A_117] : memref<18x128xi32, #tpu.memory_space<vmem>> -> memref<1x128xi32, #tpu.memory_space<vmem>>
      %dma_start3A_119 = tpu.memref_squeeze %dma_start3A_118 : memref<1x128xi32, #tpu.memory_space<vmem>> -> memref<128xi32, #tpu.memory_space<vmem>>
      %dma_start3A_120 = arith.constant 0 : i32
      %dma_start3A_121 = arith.constant 0 : i32
      %dma_start3A_122 = tpu.memref_slice %arg3[%dma_start3A_120, %dma_start3A_121] : memref<100000x128xf32, #tpu.memory_space<hbm>> -> memref<100000x128xf32, #tpu.memory_space<hbm>>
      tpu.enqueue_indirect_dma source(%dma_start3A_122 : memref<100000x128xf32, #tpu.memory_space<hbm>>) target(%arg10 : memref<128x128xf32, #tpu.memory_space<vmem>>) offsets(%dma_start3A_119 : memref<128xi32, #tpu.memory_space<vmem>>) semaphore(%arg17 : memref<!tpu.dma_semaphore, #tpu.memory_space<semaphore_mem>>)
      %add3A_123 = arith.constant 128 : i32
      %add3A_124 = arith.addi %mul3A_13, %add3A_123 : i32
      %multiple_of3A_125 = tpu.assume_multiple %add3A_124, 128 : i32
      %dma_wait3A_126 = arith.constant 1 : i32
      %dma_wait3A_127 = arith.constant 0 : i32
      %dma_wait3A_128 = tpu.memref_slice %arg8[%dma_wait3A_126, %dma_wait3A_127] : memref<18x128xi32, #tpu.memory_space<vmem>> -> memref<1x128xi32, #tpu.memory_space<vmem>>
      %dma_wait3A_129 = tpu.memref_squeeze %dma_wait3A_128 : memref<1x128xi32, #tpu.memory_space<vmem>> -> memref<128xi32, #tpu.memory_space<vmem>>
      %dma_wait3A_130 = arith.constant 0 : i32
      %dma_wait3A_131 = arith.constant 0 : i32
      %dma_wait3A_132 = tpu.memref_slice %arg2[%dma_wait3A_130, %dma_wait3A_131] : memref<100000x128xf32, #tpu.memory_space<hbm>> -> memref<100000x128xf32, #tpu.memory_space<hbm>>
      tpu.wait_indirect_dma semaphore(%arg19 : memref<!tpu.dma_semaphore, #tpu.memory_space<semaphore_mem>>) src(%dma_wait3A_132 : memref<100000x128xf32, #tpu.memory_space<hbm>>) dst(%arg12 : memref<128x128xf32, #tpu.memory_space<vmem>>)
      %dma_start3A_133 = arith.constant 0 : i32
      %dma_start3A_134 = tpu.memref_slice %arg6[%multiple_of3A_125, %dma_start3A_133] : memref<51200x128xf32, #tpu.memory_space<hbm>> -> memref<128x128xf32, #tpu.memory_space<hbm>>
      %dma_start3A_135 = arith.constant 0 : i32
      %dma_start3A_136 = tpu.memref_slice %arg6[%multiple_of3A_125, %dma_start3A_135] : memref<51200x128xf32, #tpu.memory_space<hbm>> -> memref<128x128xf32, #tpu.memory_space<hbm>>
      tpu.enqueue_dma source(%arg12 : memref<128x128xf32, #tpu.memory_space<vmem>>) target(%dma_start3A_136 : memref<128x128xf32, #tpu.memory_space<hbm>>) target_semaphore(%arg26 : memref<!tpu.dma_semaphore, #tpu.memory_space<semaphore_mem>>)
      %dma_wait3A_137 = arith.constant 0 : i32
      %dma_wait3A_138 = tpu.memref_slice %arg7[%multiple_of3A_97, %dma_wait3A_137] : memref<51200x128xf32, #tpu.memory_space<hbm>> -> memref<128x128xf32, #tpu.memory_space<hbm>>
      %dma_wait3A_139 = arith.constant 0 : i32
      %dma_wait3A_140 = tpu.memref_slice %arg7[%multiple_of3A_97, %dma_wait3A_139] : memref<51200x128xf32, #tpu.memory_space<hbm>> -> memref<128x128xf32, #tpu.memory_space<hbm>>
      tpu.wait_dma2 semaphore(%arg25 : memref<!tpu.dma_semaphore, #tpu.memory_space<semaphore_mem>>) src(%arg11 : memref<128x128xf32, #tpu.memory_space<vmem>>) dst(%dma_wait3A_140 : memref<128x128xf32, #tpu.memory_space<hbm>>)
      %add3A_141 = arith.constant 512 : i32
      %add3A_142 = arith.addi %mul3A_13, %add3A_141 : i32
      %multiple_of3A_143 = tpu.assume_multiple %add3A_142, 128 : i32
      %dma_start3A_144 = arith.constant 4 : i32
      %dma_start3A_145 = arith.constant 0 : i32
      %dma_start3A_146 = tpu.memref_slice %arg8[%dma_start3A_144, %dma_start3A_145] : memref<18x128xi32, #tpu.memory_space<vmem>> -> memref<1x128xi32, #tpu.memory_space<vmem>>
      %dma_start3A_147 = tpu.memref_squeeze %dma_start3A_146 : memref<1x128xi32, #tpu.memory_space<vmem>> -> memref<128xi32, #tpu.memory_space<vmem>>
      %dma_start3A_148 = arith.constant 0 : i32
      %dma_start3A_149 = arith.constant 0 : i32
      %dma_start3A_150 = tpu.memref_slice %arg2[%dma_start3A_148, %dma_start3A_149] : memref<100000x128xf32, #tpu.memory_space<hbm>> -> memref<100000x128xf32, #tpu.memory_space<hbm>>
      tpu.enqueue_indirect_dma source(%dma_start3A_150 : memref<100000x128xf32, #tpu.memory_space<hbm>>) target(%arg11 : memref<128x128xf32, #tpu.memory_space<vmem>>) offsets(%dma_start3A_147 : memref<128xi32, #tpu.memory_space<vmem>>) semaphore(%arg18 : memref<!tpu.dma_semaphore, #tpu.memory_space<semaphore_mem>>)
      %add3A_151 = arith.constant 128 : i32
      %add3A_152 = arith.addi %mul3A_13, %add3A_151 : i32
      %multiple_of3A_153 = tpu.assume_multiple %add3A_152, 128 : i32
      %dma_wait3A_154 = arith.constant 1 : i32
      %dma_wait3A_155 = arith.constant 0 : i32
      %dma_wait3A_156 = tpu.memref_slice %arg9[%dma_wait3A_154, %dma_wait3A_155] : memref<18x128xi32, #tpu.memory_space<vmem>> -> memref<1x128xi32, #tpu.memory_space<vmem>>
      %dma_wait3A_157 = tpu.memref_squeeze %dma_wait3A_156 : memref<1x128xi32, #tpu.memory_space<vmem>> -> memref<128xi32, #tpu.memory_space<vmem>>
      %dma_wait3A_158 = arith.constant 0 : i32
      %dma_wait3A_159 = arith.constant 0 : i32
      %dma_wait3A_160 = tpu.memref_slice %arg3[%dma_wait3A_158, %dma_wait3A_159] : memref<100000x128xf32, #tpu.memory_space<hbm>> -> memref<100000x128xf32, #tpu.memory_space<hbm>>
      tpu.wait_indirect_dma semaphore(%arg20 : memref<!tpu.dma_semaphore, #tpu.memory_space<semaphore_mem>>) src(%dma_wait3A_160 : memref<100000x128xf32, #tpu.memory_space<hbm>>) dst(%arg13 : memref<128x128xf32, #tpu.memory_space<vmem>>)
      %dma_start3A_161 = arith.constant 0 : i32
      %dma_start3A_162 = tpu.memref_slice %arg7[%multiple_of3A_153, %dma_start3A_161] : memref<51200x128xf32, #tpu.memory_space<hbm>> -> memref<128x128xf32, #tpu.memory_space<hbm>>
      %dma_start3A_163 = arith.constant 0 : i32
      %dma_start3A_164 = tpu.memref_slice %arg7[%multiple_of3A_153, %dma_start3A_163] : memref<51200x128xf32, #tpu.memory_space<hbm>> -> memref<128x128xf32, #tpu.memory_space<hbm>>
      tpu.enqueue_dma source(%arg13 : memref<128x128xf32, #tpu.memory_space<vmem>>) target(%dma_start3A_164 : memref<128x128xf32, #tpu.memory_space<hbm>>) target_semaphore(%arg27 : memref<!tpu.dma_semaphore, #tpu.memory_space<semaphore_mem>>)
      %dma_wait3A_165 = arith.constant 0 : i32
      %dma_wait3A_166 = tpu.memref_slice %arg6[%multiple_of3A_125, %dma_wait3A_165] : memref<51200x128xf32, #tpu.memory_space<hbm>> -> memref<128x128xf32, #tpu.memory_space<hbm>>
      %dma_wait3A_167 = arith.constant 0 : i32
      %dma_wait3A_168 = tpu.memref_slice %arg6[%multiple_of3A_125, %dma_wait3A_167] : memref<51200x128xf32, #tpu.memory_space<hbm>> -> memref<128x128xf32, #tpu.memory_space<hbm>>
      tpu.wait_dma2 semaphore(%arg26 : memref<!tpu.dma_semaphore, #tpu.memory_space<semaphore_mem>>) src(%arg12 : memref<128x128xf32, #tpu.memory_space<vmem>>) dst(%dma_wait3A_168 : memref<128x128xf32, #tpu.memory_space<hbm>>)
      %add3A_169 = arith.constant 512 : i32
      %add3A_170 = arith.addi %mul3A_13, %add3A_169 : i32
      %multiple_of3A_171 = tpu.assume_multiple %add3A_170, 128 : i32
      %dma_start3A_172 = arith.constant 4 : i32
      %dma_start3A_173 = arith.constant 0 : i32
      %dma_start3A_174 = tpu.memref_slice %arg9[%dma_start3A_172, %dma_start3A_173] : memref<18x128xi32, #tpu.memory_space<vmem>> -> memref<1x128xi32, #tpu.memory_space<vmem>>
      %dma_start3A_175 = tpu.memref_squeeze %dma_start3A_174 : memref<1x128xi32, #tpu.memory_space<vmem>> -> memref<128xi32, #tpu.memory_space<vmem>>
      %dma_start3A_176 = arith.constant 0 : i32
      %dma_start3A_177 = arith.constant 0 : i32
      %dma_start3A_178 = tpu.memref_slice %arg3[%dma_start3A_176, %dma_start3A_177] : memref<100000x128xf32, #tpu.memory_space<hbm>> -> memref<100000x128xf32, #tpu.memory_space<hbm>>
      tpu.enqueue_indirect_dma source(%dma_start3A_178 : memref<100000x128xf32, #tpu.memory_space<hbm>>) target(%arg12 : memref<128x128xf32, #tpu.memory_space<vmem>>) offsets(%dma_start3A_175 : memref<128xi32, #tpu.memory_space<vmem>>) semaphore(%arg19 : memref<!tpu.dma_semaphore, #tpu.memory_space<semaphore_mem>>)
      %add3A_179 = arith.constant 256 : i32
      %add3A_180 = arith.addi %mul3A_13, %add3A_179 : i32
      %multiple_of3A_181 = tpu.assume_multiple %add3A_180, 128 : i32
      %dma_wait3A_182 = arith.constant 2 : i32
      %dma_wait3A_183 = arith.constant 0 : i32
      %dma_wait3A_184 = tpu.memref_slice %arg8[%dma_wait3A_182, %dma_wait3A_183] : memref<18x128xi32, #tpu.memory_space<vmem>> -> memref<1x128xi32, #tpu.memory_space<vmem>>
      %dma_wait3A_185 = tpu.memref_squeeze %dma_wait3A_184 : memref<1x128xi32, #tpu.memory_space<vmem>> -> memref<128xi32, #tpu.memory_space<vmem>>
      %dma_wait3A_186 = arith.constant 0 : i32
      %dma_wait3A_187 = arith.constant 0 : i32
      %dma_wait3A_188 = tpu.memref_slice %arg2[%dma_wait3A_186, %dma_wait3A_187] : memref<100000x128xf32, #tpu.memory_space<hbm>> -> memref<100000x128xf32, #tpu.memory_space<hbm>>
      tpu.wait_indirect_dma semaphore(%arg21 : memref<!tpu.dma_semaphore, #tpu.memory_space<semaphore_mem>>) src(%dma_wait3A_188 : memref<100000x128xf32, #tpu.memory_space<hbm>>) dst(%arg14 : memref<128x128xf32, #tpu.memory_space<vmem>>)
      %dma_start3A_189 = arith.constant 0 : i32
      %dma_start3A_190 = tpu.memref_slice %arg6[%multiple_of3A_181, %dma_start3A_189] : memref<51200x128xf32, #tpu.memory_space<hbm>> -> memref<128x128xf32, #tpu.memory_space<hbm>>
      %dma_start3A_191 = arith.constant 0 : i32
      %dma_start3A_192 = tpu.memref_slice %arg6[%multiple_of3A_181, %dma_start3A_191] : memref<51200x128xf32, #tpu.memory_space<hbm>> -> memref<128x128xf32, #tpu.memory_space<hbm>>
      tpu.enqueue_dma source(%arg14 : memref<128x128xf32, #tpu.memory_space<vmem>>) target(%dma_start3A_192 : memref<128x128xf32, #tpu.memory_space<hbm>>) target_semaphore(%arg28 : memref<!tpu.dma_semaphore, #tpu.memory_space<semaphore_mem>>)
      %dma_wait3A_193 = arith.constant 0 : i32
      %dma_wait3A_194 = tpu.memref_slice %arg7[%multiple_of3A_153, %dma_wait3A_193] : memref<51200x128xf32, #tpu.memory_space<hbm>> -> memref<128x128xf32, #tpu.memory_space<hbm>>
      %dma_wait3A_195 = arith.constant 0 : i32
      %dma_wait3A_196 = tpu.memref_slice %arg7[%multiple_of3A_153, %dma_wait3A_195] : memref<51200x128xf32, #tpu.memory_space<hbm>> -> memref<128x128xf32, #tpu.memory_space<hbm>>
      tpu.wait_dma2 semaphore(%arg27 : memref<!tpu.dma_semaphore, #tpu.memory_space<semaphore_mem>>) src(%arg13 : memref<128x128xf32, #tpu.memory_space<vmem>>) dst(%dma_wait3A_196 : memref<128x128xf32, #tpu.memory_space<hbm>>)
      %add3A_197 = arith.constant 640 : i32
      %add3A_198 = arith.addi %mul3A_13, %add3A_197 : i32
      %multiple_of3A_199 = tpu.assume_multiple %add3A_198, 128 : i32
      %dma_start3A_200 = arith.constant 5 : i32
      %dma_start3A_201 = arith.constant 0 : i32
      %dma_start3A_202 = tpu.memref_slice %arg8[%dma_start3A_200, %dma_start3A_201] : memref<18x128xi32, #tpu.memory_space<vmem>> -> memref<1x128xi32, #tpu.memory_space<vmem>>
      %dma_start3A_203 = tpu.memref_squeeze %dma_start3A_202 : memref<1x128xi32, #tpu.memory_space<vmem>> -> memref<128xi32, #tpu.memory_space<vmem>>
      %dma_start3A_204 = arith.constant 0 : i32
      %dma_start3A_205 = arith.constant 0 : i32
      %dma_start3A_206 = tpu.memref_slice %arg2[%dma_start3A_204, %dma_start3A_205] : memref<100000x128xf32, #tpu.memory_space<hbm>> -> memref<100000x128xf32, #tpu.memory_space<hbm>>
      tpu.enqueue_indirect_dma source(%dma_start3A_206 : memref<100000x128xf32, #tpu.memory_space<hbm>>) target(%arg13 : memref<128x128xf32, #tpu.memory_space<vmem>>) offsets(%dma_start3A_203 : memref<128xi32, #tpu.memory_space<vmem>>) semaphore(%arg20 : memref<!tpu.dma_semaphore, #tpu.memory_space<semaphore_mem>>)
      %add3A_207 = arith.constant 256 : i32
      %add3A_208 = arith.addi %mul3A_13, %add3A_207 : i32
      %multiple_of3A_209 = tpu.assume_multiple %add3A_208, 128 : i32
      %dma_wait3A_210 = arith.constant 2 : i32
      %dma_wait3A_211 = arith.constant 0 : i32
      %dma_wait3A_212 = tpu.memref_slice %arg9[%dma_wait3A_210, %dma_wait3A_211] : memref<18x128xi32, #tpu.memory_space<vmem>> -> memref<1x128xi32, #tpu.memory_space<vmem>>
      %dma_wait3A_213 = tpu.memref_squeeze %dma_wait3A_212 : memref<1x128xi32, #tpu.memory_space<vmem>> -> memref<128xi32, #tpu.memory_space<vmem>>
      %dma_wait3A_214 = arith.constant 0 : i32
      %dma_wait3A_215 = arith.constant 0 : i32
      %dma_wait3A_216 = tpu.memref_slice %arg3[%dma_wait3A_214, %dma_wait3A_215] : memref<100000x128xf32, #tpu.memory_space<hbm>> -> memref<100000x128xf32, #tpu.memory_space<hbm>>
      tpu.wait_indirect_dma semaphore(%arg22 : memref<!tpu.dma_semaphore, #tpu.memory_space<semaphore_mem>>) src(%dma_wait3A_216 : memref<100000x128xf32, #tpu.memory_space<hbm>>) dst(%arg15 : memref<128x128xf32, #tpu.memory_space<vmem>>)
      %dma_start3A_217 = arith.constant 0 : i32
      %dma_start3A_218 = tpu.memref_slice %arg7[%multiple_of3A_209, %dma_start3A_217] : memref<51200x128xf32, #tpu.memory_space<hbm>> -> memref<128x128xf32, #tpu.memory_space<hbm>>
      %dma_start3A_219 = arith.constant 0 : i32
      %dma_start3A_220 = tpu.memref_slice %arg7[%multiple_of3A_209, %dma_start3A_219] : memref<51200x128xf32, #tpu.memory_space<hbm>> -> memref<128x128xf32, #tpu.memory_space<hbm>>
      tpu.enqueue_dma source(%arg15 : memref<128x128xf32, #tpu.memory_space<vmem>>) target(%dma_start3A_220 : memref<128x128xf32, #tpu.memory_space<hbm>>) target_semaphore(%arg29 : memref<!tpu.dma_semaphore, #tpu.memory_space<semaphore_mem>>)
      %dma_wait3A_221 = arith.constant 0 : i32
      %dma_wait3A_222 = tpu.memref_slice %arg6[%multiple_of3A_181, %dma_wait3A_221] : memref<51200x128xf32, #tpu.memory_space<hbm>> -> memref<128x128xf32, #tpu.memory_space<hbm>>
      %dma_wait3A_223 = arith.constant 0 : i32
      %dma_wait3A_224 = tpu.memref_slice %arg6[%multiple_of3A_181, %dma_wait3A_223] : memref<51200x128xf32, #tpu.memory_space<hbm>> -> memref<128x128xf32, #tpu.memory_space<hbm>>
      tpu.wait_dma2 semaphore(%arg28 : memref<!tpu.dma_semaphore, #tpu.memory_space<semaphore_mem>>) src(%arg14 : memref<128x128xf32, #tpu.memory_space<vmem>>) dst(%dma_wait3A_224 : memref<128x128xf32, #tpu.memory_space<hbm>>)
      %add3A_225 = arith.constant 640 : i32
      %add3A_226 = arith.addi %mul3A_13, %add3A_225 : i32
      %multiple_of3A_227 = tpu.assume_multiple %add3A_226, 128 : i32
      %dma_start3A_228 = arith.constant 5 : i32
      %dma_start3A_229 = arith.constant 0 : i32
      %dma_start3A_230 = tpu.memref_slice %arg9[%dma_start3A_228, %dma_start3A_229] : memref<18x128xi32, #tpu.memory_space<vmem>> -> memref<1x128xi32, #tpu.memory_space<vmem>>
      %dma_start3A_231 = tpu.memref_squeeze %dma_start3A_230 : memref<1x128xi32, #tpu.memory_space<vmem>> -> memref<128xi32, #tpu.memory_space<vmem>>
      %dma_start3A_232 = arith.constant 0 : i32
      %dma_start3A_233 = arith.constant 0 : i32
      %dma_start3A_234 = tpu.memref_slice %arg3[%dma_start3A_232, %dma_start3A_233] : memref<100000x128xf32, #tpu.memory_space<hbm>> -> memref<100000x128xf32, #tpu.memory_space<hbm>>
      tpu.enqueue_indirect_dma source(%dma_start3A_234 : memref<100000x128xf32, #tpu.memory_space<hbm>>) target(%arg14 : memref<128x128xf32, #tpu.memory_space<vmem>>) offsets(%dma_start3A_231 : memref<128xi32, #tpu.memory_space<vmem>>) semaphore(%arg21 : memref<!tpu.dma_semaphore, #tpu.memory_space<semaphore_mem>>)
      %add3A_235 = arith.constant 384 : i32
      %add3A_236 = arith.addi %mul3A_13, %add3A_235 : i32
      %multiple_of3A_237 = tpu.assume_multiple %add3A_236, 128 : i32
      %dma_wait3A_238 = arith.constant 3 : i32
      %dma_wait3A_239 = arith.constant 0 : i32
      %dma_wait3A_240 = tpu.memref_slice %arg8[%dma_wait3A_238, %dma_wait3A_239] : memref<18x128xi32, #tpu.memory_space<vmem>> -> memref<1x128xi32, #tpu.memory_space<vmem>>
      %dma_wait3A_241 = tpu.memref_squeeze %dma_wait3A_240 : memref<1x128xi32, #tpu.memory_space<vmem>> -> memref<128xi32, #tpu.memory_space<vmem>>
      %dma_wait3A_242 = arith.constant 0 : i32
      %dma_wait3A_243 = arith.constant 0 : i32
      %dma_wait3A_244 = tpu.memref_slice %arg2[%dma_wait3A_242, %dma_wait3A_243] : memref<100000x128xf32, #tpu.memory_space<hbm>> -> memref<100000x128xf32, #tpu.memory_space<hbm>>
      tpu.wait_indirect_dma semaphore(%arg23 : memref<!tpu.dma_semaphore, #tpu.memory_space<semaphore_mem>>) src(%dma_wait3A_244 : memref<100000x128xf32, #tpu.memory_space<hbm>>) dst(%arg16 : memref<128x128xf32, #tpu.memory_space<vmem>>)
      %dma_start3A_245 = arith.constant 0 : i32
      %dma_start3A_246 = tpu.memref_slice %arg6[%multiple_of3A_237, %dma_start3A_245] : memref<51200x128xf32, #tpu.memory_space<hbm>> -> memref<128x128xf32, #tpu.memory_space<hbm>>
      %dma_start3A_247 = arith.constant 0 : i32
      %dma_start3A_248 = tpu.memref_slice %arg6[%multiple_of3A_237, %dma_start3A_247] : memref<51200x128xf32, #tpu.memory_space<hbm>> -> memref<128x128xf32, #tpu.memory_space<hbm>>
      tpu.enqueue_dma source(%arg16 : memref<128x128xf32, #tpu.memory_space<vmem>>) target(%dma_start3A_248 : memref<128x128xf32, #tpu.memory_space<hbm>>) target_semaphore(%arg30 : memref<!tpu.dma_semaphore, #tpu.memory_space<semaphore_mem>>)
      %dma_wait3A_249 = arith.constant 0 : i32
      %dma_wait3A_250 = tpu.memref_slice %arg7[%multiple_of3A_209, %dma_wait3A_249] : memref<51200x128xf32, #tpu.memory_space<hbm>> -> memref<128x128xf32, #tpu.memory_space<hbm>>
      %dma_wait3A_251 = arith.constant 0 : i32
      %dma_wait3A_252 = tpu.memref_slice %arg7[%multiple_of3A_209, %dma_wait3A_251] : memref<51200x128xf32, #tpu.memory_space<hbm>> -> memref<128x128xf32, #tpu.memory_space<hbm>>
      tpu.wait_dma2 semaphore(%arg29 : memref<!tpu.dma_semaphore, #tpu.memory_space<semaphore_mem>>) src(%arg15 : memref<128x128xf32, #tpu.memory_space<vmem>>) dst(%dma_wait3A_252 : memref<128x128xf32, #tpu.memory_space<hbm>>)
      %add3A_253 = arith.constant 768 : i32
      %add3A_254 = arith.addi %mul3A_13, %add3A_253 : i32
      %multiple_of3A_255 = tpu.assume_multiple %add3A_254, 128 : i32
      %dma_start3A_256 = arith.constant 6 : i32
      %dma_start3A_257 = arith.constant 0 : i32
      %dma_start3A_258 = tpu.memref_slice %arg8[%dma_start3A_256, %dma_start3A_257] : memref<18x128xi32, #tpu.memory_space<vmem>> -> memref<1x128xi32, #tpu.memory_space<vmem>>
      %dma_start3A_259 = tpu.memref_squeeze %dma_start3A_258 : memref<1x128xi32, #tpu.memory_space<vmem>> -> memref<128xi32, #tpu.memory_space<vmem>>
      %dma_start3A_260 = arith.constant 0 : i32
      %dma_start3A_261 = arith.constant 0 : i32
      %dma_start3A_262 = tpu.memref_slice %arg2[%dma_start3A_260, %dma_start3A_261] : memref<100000x128xf32, #tpu.memory_space<hbm>> -> memref<100000x128xf32, #tpu.memory_space<hbm>>
      tpu.enqueue_indirect_dma source(%dma_start3A_262 : memref<100000x128xf32, #tpu.memory_space<hbm>>) target(%arg15 : memref<128x128xf32, #tpu.memory_space<vmem>>) offsets(%dma_start3A_259 : memref<128xi32, #tpu.memory_space<vmem>>) semaphore(%arg22 : memref<!tpu.dma_semaphore, #tpu.memory_space<semaphore_mem>>)
      %add3A_263 = arith.constant 384 : i32
      %add3A_264 = arith.addi %mul3A_13, %add3A_263 : i32
      %multiple_of3A_265 = tpu.assume_multiple %add3A_264, 128 : i32
      %dma_wait3A_266 = arith.constant 3 : i32
      %dma_wait3A_267 = arith.constant 0 : i32
      %dma_wait3A_268 = tpu.memref_slice %arg9[%dma_wait3A_266, %dma_wait3A_267] : memref<18x128xi32, #tpu.memory_space<vmem>> -> memref<1x128xi32, #tpu.memory_space<vmem>>
      %dma_wait3A_269 = tpu.memref_squeeze %dma_wait3A_268 : memref<1x128xi32, #tpu.memory_space<vmem>> -> memref<128xi32, #tpu.memory_space<vmem>>
      %dma_wait3A_270 = arith.constant 0 : i32
      %dma_wait3A_271 = arith.constant 0 : i32
      %dma_wait3A_272 = tpu.memref_slice %arg3[%dma_wait3A_270, %dma_wait3A_271] : memref<100000x128xf32, #tpu.memory_space<hbm>> -> memref<100000x128xf32, #tpu.memory_space<hbm>>
      tpu.wait_indirect_dma semaphore(%arg17 : memref<!tpu.dma_semaphore, #tpu.memory_space<semaphore_mem>>) src(%dma_wait3A_272 : memref<100000x128xf32, #tpu.memory_space<hbm>>) dst(%arg10 : memref<128x128xf32, #tpu.memory_space<vmem>>)
      %dma_start3A_273 = arith.constant 0 : i32
      %dma_start3A_274 = tpu.memref_slice %arg7[%multiple_of3A_265, %dma_start3A_273] : memref<51200x128xf32, #tpu.memory_space<hbm>> -> memref<128x128xf32, #tpu.memory_space<hbm>>
      %dma_start3A_275 = arith.constant 0 : i32
      %dma_start3A_276 = tpu.memref_slice %arg7[%multiple_of3A_265, %dma_start3A_275] : memref<51200x128xf32, #tpu.memory_space<hbm>> -> memref<128x128xf32, #tpu.memory_space<hbm>>
      tpu.enqueue_dma source(%arg10 : memref<128x128xf32, #tpu.memory_space<vmem>>) target(%dma_start3A_276 : memref<128x128xf32, #tpu.memory_space<hbm>>) target_semaphore(%arg24 : memref<!tpu.dma_semaphore, #tpu.memory_space<semaphore_mem>>)
      %dma_wait3A_277 = arith.constant 0 : i32
      %dma_wait3A_278 = tpu.memref_slice %arg6[%multiple_of3A_237, %dma_wait3A_277] : memref<51200x128xf32, #tpu.memory_space<hbm>> -> memref<128x128xf32, #tpu.memory_space<hbm>>
      %dma_wait3A_279 = arith.constant 0 : i32
      %dma_wait3A_280 = tpu.memref_slice %arg6[%multiple_of3A_237, %dma_wait3A_279] : memref<51200x128xf32, #tpu.memory_space<hbm>> -> memref<128x128xf32, #tpu.memory_space<hbm>>
      tpu.wait_dma2 semaphore(%arg30 : memref<!tpu.dma_semaphore, #tpu.memory_space<semaphore_mem>>) src(%arg16 : memref<128x128xf32, #tpu.memory_space<vmem>>) dst(%dma_wait3A_280 : memref<128x128xf32, #tpu.memory_space<hbm>>)
      %add3A_281 = arith.constant 768 : i32
      %add3A_282 = arith.addi %mul3A_13, %add3A_281 : i32
      %multiple_of3A_283 = tpu.assume_multiple %add3A_282, 128 : i32
      %dma_start3A_284 = arith.constant 6 : i32
      %dma_start3A_285 = arith.constant 0 : i32
      %dma_start3A_286 = tpu.memref_slice %arg9[%dma_start3A_284, %dma_start3A_285] : memref<18x128xi32, #tpu.memory_space<vmem>> -> memref<1x128xi32, #tpu.memory_space<vmem>>
      %dma_start3A_287 = tpu.memref_squeeze %dma_start3A_286 : memref<1x128xi32, #tpu.memory_space<vmem>> -> memref<128xi32, #tpu.memory_space<vmem>>
      %dma_start3A_288 = arith.constant 0 : i32
      %dma_start3A_289 = arith.constant 0 : i32
      %dma_start3A_290 = tpu.memref_slice %arg3[%dma_start3A_288, %dma_start3A_289] : memref<100000x128xf32, #tpu.memory_space<hbm>> -> memref<100000x128xf32, #tpu.memory_space<hbm>>
      tpu.enqueue_indirect_dma source(%dma_start3A_290 : memref<100000x128xf32, #tpu.memory_space<hbm>>) target(%arg16 : memref<128x128xf32, #tpu.memory_space<vmem>>) offsets(%dma_start3A_287 : memref<128xi32, #tpu.memory_space<vmem>>) semaphore(%arg23 : memref<!tpu.dma_semaphore, #tpu.memory_space<semaphore_mem>>)
      %add3A_291 = arith.constant 512 : i32
      %add3A_292 = arith.addi %mul3A_13, %add3A_291 : i32
      %multiple_of3A_293 = tpu.assume_multiple %add3A_292, 128 : i32
      %dma_wait3A_294 = arith.constant 4 : i32
      %dma_wait3A_295 = arith.constant 0 : i32
      %dma_wait3A_296 = tpu.memref_slice %arg8[%dma_wait3A_294, %dma_wait3A_295] : memref<18x128xi32, #tpu.memory_space<vmem>> -> memref<1x128xi32, #tpu.memory_space<vmem>>
      %dma_wait3A_297 = tpu.memref_squeeze %dma_wait3A_296 : memref<1x128xi32, #tpu.memory_space<vmem>> -> memref<128xi32, #tpu.memory_space<vmem>>
      %dma_wait3A_298 = arith.constant 0 : i32
      %dma_wait3A_299 = arith.constant 0 : i32
      %dma_wait3A_300 = tpu.memref_slice %arg2[%dma_wait3A_298, %dma_wait3A_299] : memref<100000x128xf32, #tpu.memory_space<hbm>> -> memref<100000x128xf32, #tpu.memory_space<hbm>>
      tpu.wait_indirect_dma semaphore(%arg18 : memref<!tpu.dma_semaphore, #tpu.memory_space<semaphore_mem>>) src(%dma_wait3A_300 : memref<100000x128xf32, #tpu.memory_space<hbm>>) dst(%arg11 : memref<128x128xf32, #tpu.memory_space<vmem>>)
      %dma_start3A_301 = arith.constant 0 : i32
      %dma_start3A_302 = tpu.memref_slice %arg6[%multiple_of3A_293, %dma_start3A_301] : memref<51200x128xf32, #tpu.memory_space<hbm>> -> memref<128x128xf32, #tpu.memory_space<hbm>>
      %dma_start3A_303 = arith.constant 0 : i32
      %dma_start3A_304 = tpu.memref_slice %arg6[%multiple_of3A_293, %dma_start3A_303] : memref<51200x128xf32, #tpu.memory_space<hbm>> -> memref<128x128xf32, #tpu.memory_space<hbm>>
      tpu.enqueue_dma source(%arg11 : memref<128x128xf32, #tpu.memory_space<vmem>>) target(%dma_start3A_304 : memref<128x128xf32, #tpu.memory_space<hbm>>) target_semaphore(%arg25 : memref<!tpu.dma_semaphore, #tpu.memory_space<semaphore_mem>>)
      %add3A_305 = arith.constant 512 : i32
      %add3A_306 = arith.addi %mul3A_13, %add3A_305 : i32
      %multiple_of3A_307 = tpu.assume_multiple %add3A_306, 128 : i32
      %dma_wait3A_308 = arith.constant 4 : i32
      %dma_wait3A_309 = arith.constant 0 : i32
      %dma_wait3A_310 = tpu.memref_slice %arg9[%dma_wait3A_308, %dma_wait3A_309] : memref<18x128xi32, #tpu.memory_space<vmem>> -> memref<1x128xi32, #tpu.memory_space<vmem>>
      %dma_wait3A_311 = tpu.memref_squeeze %dma_wait3A_310 : memref<1x128xi32, #tpu.memory_space<vmem>> -> memref<128xi32, #tpu.memory_space<vmem>>
      %dma_wait3A_312 = arith.constant 0 : i32
      %dma_wait3A_313 = arith.constant 0 : i32
      %dma_wait3A_314 = tpu.memref_slice %arg3[%dma_wait3A_312, %dma_wait3A_313] : memref<100000x128xf32, #tpu.memory_space<hbm>> -> memref<100000x128xf32, #tpu.memory_space<hbm>>
      tpu.wait_indirect_dma semaphore(%arg19 : memref<!tpu.dma_semaphore, #tpu.memory_space<semaphore_mem>>) src(%dma_wait3A_314 : memref<100000x128xf32, #tpu.memory_space<hbm>>) dst(%arg12 : memref<128x128xf32, #tpu.memory_space<vmem>>)
      %dma_start3A_315 = arith.constant 0 : i32
      %dma_start3A_316 = tpu.memref_slice %arg7[%multiple_of3A_307, %dma_start3A_315] : memref<51200x128xf32, #tpu.memory_space<hbm>> -> memref<128x128xf32, #tpu.memory_space<hbm>>
      %dma_start3A_317 = arith.constant 0 : i32
      %dma_start3A_318 = tpu.memref_slice %arg7[%multiple_of3A_307, %dma_start3A_317] : memref<51200x128xf32, #tpu.memory_space<hbm>> -> memref<128x128xf32, #tpu.memory_space<hbm>>
      tpu.enqueue_dma source(%arg12 : memref<128x128xf32, #tpu.memory_space<vmem>>) target(%dma_start3A_318 : memref<128x128xf32, #tpu.memory_space<hbm>>) target_semaphore(%arg26 : memref<!tpu.dma_semaphore, #tpu.memory_space<semaphore_mem>>)
      %add3A_319 = arith.constant 640 : i32
      %add3A_320 = arith.addi %mul3A_13, %add3A_319 : i32
      %multiple_of3A_321 = tpu.assume_multiple %add3A_320, 128 : i32
      %dma_wait3A_322 = arith.constant 5 : i32
      %dma_wait3A_323 = arith.constant 0 : i32
      %dma_wait3A_324 = tpu.memref_slice %arg8[%dma_wait3A_322, %dma_wait3A_323] : memref<18x128xi32, #tpu.memory_space<vmem>> -> memref<1x128xi32, #tpu.memory_space<vmem>>
      %dma_wait3A_325 = tpu.memref_squeeze %dma_wait3A_324 : memref<1x128xi32, #tpu.memory_space<vmem>> -> memref<128xi32, #tpu.memory_space<vmem>>
      %dma_wait3A_326 = arith.constant 0 : i32
      %dma_wait3A_327 = arith.constant 0 : i32
      %dma_wait3A_328 = tpu.memref_slice %arg2[%dma_wait3A_326, %dma_wait3A_327] : memref<100000x128xf32, #tpu.memory_space<hbm>> -> memref<100000x128xf32, #tpu.memory_space<hbm>>
      tpu.wait_indirect_dma semaphore(%arg20 : memref<!tpu.dma_semaphore, #tpu.memory_space<semaphore_mem>>) src(%dma_wait3A_328 : memref<100000x128xf32, #tpu.memory_space<hbm>>) dst(%arg13 : memref<128x128xf32, #tpu.memory_space<vmem>>)
      %dma_start3A_329 = arith.constant 0 : i32
      %dma_start3A_330 = tpu.memref_slice %arg6[%multiple_of3A_321, %dma_start3A_329] : memref<51200x128xf32, #tpu.memory_space<hbm>> -> memref<128x128xf32, #tpu.memory_space<hbm>>
      %dma_start3A_331 = arith.constant 0 : i32
      %dma_start3A_332 = tpu.memref_slice %arg6[%multiple_of3A_321, %dma_start3A_331] : memref<51200x128xf32, #tpu.memory_space<hbm>> -> memref<128x128xf32, #tpu.memory_space<hbm>>
      tpu.enqueue_dma source(%arg13 : memref<128x128xf32, #tpu.memory_space<vmem>>) target(%dma_start3A_332 : memref<128x128xf32, #tpu.memory_space<hbm>>) target_semaphore(%arg27 : memref<!tpu.dma_semaphore, #tpu.memory_space<semaphore_mem>>)
      %add3A_333 = arith.constant 640 : i32
      %add3A_334 = arith.addi %mul3A_13, %add3A_333 : i32
      %multiple_of3A_335 = tpu.assume_multiple %add3A_334, 128 : i32
      %dma_wait3A_336 = arith.constant 5 : i32
      %dma_wait3A_337 = arith.constant 0 : i32
      %dma_wait3A_338 = tpu.memref_slice %arg9[%dma_wait3A_336, %dma_wait3A_337] : memref<18x128xi32, #tpu.memory_space<vmem>> -> memref<1x128xi32, #tpu.memory_space<vmem>>
      %dma_wait3A_339 = tpu.memref_squeeze %dma_wait3A_338 : memref<1x128xi32, #tpu.memory_space<vmem>> -> memref<128xi32, #tpu.memory_space<vmem>>
      %dma_wait3A_340 = arith.constant 0 : i32
      %dma_wait3A_341 = arith.constant 0 : i32
      %dma_wait3A_342 = tpu.memref_slice %arg3[%dma_wait3A_340, %dma_wait3A_341] : memref<100000x128xf32, #tpu.memory_space<hbm>> -> memref<100000x128xf32, #tpu.memory_space<hbm>>
      tpu.wait_indirect_dma semaphore(%arg21 : memref<!tpu.dma_semaphore, #tpu.memory_space<semaphore_mem>>) src(%dma_wait3A_342 : memref<100000x128xf32, #tpu.memory_space<hbm>>) dst(%arg14 : memref<128x128xf32, #tpu.memory_space<vmem>>)
      %dma_start3A_343 = arith.constant 0 : i32
      %dma_start3A_344 = tpu.memref_slice %arg7[%multiple_of3A_335, %dma_start3A_343] : memref<51200x128xf32, #tpu.memory_space<hbm>> -> memref<128x128xf32, #tpu.memory_space<hbm>>
      %dma_start3A_345 = arith.constant 0 : i32
      %dma_start3A_346 = tpu.memref_slice %arg7[%multiple_of3A_335, %dma_start3A_345] : memref<51200x128xf32, #tpu.memory_space<hbm>> -> memref<128x128xf32, #tpu.memory_space<hbm>>
      tpu.enqueue_dma source(%arg14 : memref<128x128xf32, #tpu.memory_space<vmem>>) target(%dma_start3A_346 : memref<128x128xf32, #tpu.memory_space<hbm>>) target_semaphore(%arg28 : memref<!tpu.dma_semaphore, #tpu.memory_space<semaphore_mem>>)
      %add3A_347 = arith.constant 768 : i32
      %add3A_348 = arith.addi %mul3A_13, %add3A_347 : i32
      %multiple_of3A_349 = tpu.assume_multiple %add3A_348, 128 : i32
      %dma_wait3A_350 = arith.constant 6 : i32
      %dma_wait3A_351 = arith.constant 0 : i32
      %dma_wait3A_352 = tpu.memref_slice %arg8[%dma_wait3A_350, %dma_wait3A_351] : memref<18x128xi32, #tpu.memory_space<vmem>> -> memref<1x128xi32, #tpu.memory_space<vmem>>
      %dma_wait3A_353 = tpu.memref_squeeze %dma_wait3A_352 : memref<1x128xi32, #tpu.memory_space<vmem>> -> memref<128xi32, #tpu.memory_space<vmem>>
      %dma_wait3A_354 = arith.constant 0 : i32
      %dma_wait3A_355 = arith.constant 0 : i32
      %dma_wait3A_356 = tpu.memref_slice %arg2[%dma_wait3A_354, %dma_wait3A_355] : memref<100000x128xf32, #tpu.memory_space<hbm>> -> memref<100000x128xf32, #tpu.memory_space<hbm>>
      tpu.wait_indirect_dma semaphore(%arg22 : memref<!tpu.dma_semaphore, #tpu.memory_space<semaphore_mem>>) src(%dma_wait3A_356 : memref<100000x128xf32, #tpu.memory_space<hbm>>) dst(%arg15 : memref<128x128xf32, #tpu.memory_space<vmem>>)
      %dma_start3A_357 = arith.constant 0 : i32
      %dma_start3A_358 = tpu.memref_slice %arg6[%multiple_of3A_349, %dma_start3A_357] : memref<51200x128xf32, #tpu.memory_space<hbm>> -> memref<128x128xf32, #tpu.memory_space<hbm>>
      %dma_start3A_359 = arith.constant 0 : i32
      %dma_start3A_360 = tpu.memref_slice %arg6[%multiple_of3A_349, %dma_start3A_359] : memref<51200x128xf32, #tpu.memory_space<hbm>> -> memref<128x128xf32, #tpu.memory_space<hbm>>
      tpu.enqueue_dma source(%arg15 : memref<128x128xf32, #tpu.memory_space<vmem>>) target(%dma_start3A_360 : memref<128x128xf32, #tpu.memory_space<hbm>>) target_semaphore(%arg29 : memref<!tpu.dma_semaphore, #tpu.memory_space<semaphore_mem>>)
      %add3A_361 = arith.constant 768 : i32
      %add3A_362 = arith.addi %mul3A_13, %add3A_361 : i32
      %multiple_of3A_363 = tpu.assume_multiple %add3A_362, 128 : i32
      %dma_wait3A_364 = arith.constant 6 : i32
      %dma_wait3A_365 = arith.constant 0 : i32
      %dma_wait3A_366 = tpu.memref_slice %arg9[%dma_wait3A_364, %dma_wait3A_365] : memref<18x128xi32, #tpu.memory_space<vmem>> -> memref<1x128xi32, #tpu.memory_space<vmem>>
      %dma_wait3A_367 = tpu.memref_squeeze %dma_wait3A_366 : memref<1x128xi32, #tpu.memory_space<vmem>> -> memref<128xi32, #tpu.memory_space<vmem>>
      %dma_wait3A_368 = arith.constant 0 : i32
      %dma_wait3A_369 = arith.constant 0 : i32
      %dma_wait3A_370 = tpu.memref_slice %arg3[%dma_wait3A_368, %dma_wait3A_369] : memref<100000x128xf32, #tpu.memory_space<hbm>> -> memref<100000x128xf32, #tpu.memory_space<hbm>>
      tpu.wait_indirect_dma semaphore(%arg23 : memref<!tpu.dma_semaphore, #tpu.memory_space<semaphore_mem>>) src(%dma_wait3A_370 : memref<100000x128xf32, #tpu.memory_space<hbm>>) dst(%arg16 : memref<128x128xf32, #tpu.memory_space<vmem>>)
      %dma_start3A_371 = arith.constant 0 : i32
      %dma_start3A_372 = tpu.memref_slice %arg7[%multiple_of3A_363, %dma_start3A_371] : memref<51200x128xf32, #tpu.memory_space<hbm>> -> memref<128x128xf32, #tpu.memory_space<hbm>>
      %dma_start3A_373 = arith.constant 0 : i32
      %dma_start3A_374 = tpu.memref_slice %arg7[%multiple_of3A_363, %dma_start3A_373] : memref<51200x128xf32, #tpu.memory_space<hbm>> -> memref<128x128xf32, #tpu.memory_space<hbm>>
      tpu.enqueue_dma source(%arg16 : memref<128x128xf32, #tpu.memory_space<vmem>>) target(%dma_start3A_374 : memref<128x128xf32, #tpu.memory_space<hbm>>) target_semaphore(%arg30 : memref<!tpu.dma_semaphore, #tpu.memory_space<semaphore_mem>>)
      %dma_wait3A_375 = arith.constant 0 : i32
      %dma_wait3A_376 = tpu.memref_slice %arg7[%multiple_of3A_265, %dma_wait3A_375] : memref<51200x128xf32, #tpu.memory_space<hbm>> -> memref<128x128xf32, #tpu.memory_space<hbm>>
      %dma_wait3A_377 = arith.constant 0 : i32
      %dma_wait3A_378 = tpu.memref_slice %arg7[%multiple_of3A_265, %dma_wait3A_377] : memref<51200x128xf32, #tpu.memory_space<hbm>> -> memref<128x128xf32, #tpu.memory_space<hbm>>
      tpu.wait_dma2 semaphore(%arg24 : memref<!tpu.dma_semaphore, #tpu.memory_space<semaphore_mem>>) src(%arg10 : memref<128x128xf32, #tpu.memory_space<vmem>>) dst(%dma_wait3A_378 : memref<128x128xf32, #tpu.memory_space<hbm>>)
      %dma_wait3A_379 = arith.constant 0 : i32
      %dma_wait3A_380 = tpu.memref_slice %arg6[%multiple_of3A_293, %dma_wait3A_379] : memref<51200x128xf32, #tpu.memory_space<hbm>> -> memref<128x128xf32, #tpu.memory_space<hbm>>
      %dma_wait3A_381 = arith.constant 0 : i32
      %dma_wait3A_382 = tpu.memref_slice %arg6[%multiple_of3A_293, %dma_wait3A_381] : memref<51200x128xf32, #tpu.memory_space<hbm>> -> memref<128x128xf32, #tpu.memory_space<hbm>>
      tpu.wait_dma2 semaphore(%arg25 : memref<!tpu.dma_semaphore, #tpu.memory_space<semaphore_mem>>) src(%arg11 : memref<128x128xf32, #tpu.memory_space<vmem>>) dst(%dma_wait3A_382 : memref<128x128xf32, #tpu.memory_space<hbm>>)
      %dma_wait3A_383 = arith.constant 0 : i32
      %dma_wait3A_384 = tpu.memref_slice %arg7[%multiple_of3A_307, %dma_wait3A_383] : memref<51200x128xf32, #tpu.memory_space<hbm>> -> memref<128x128xf32, #tpu.memory_space<hbm>>
      %dma_wait3A_385 = arith.constant 0 : i32
      %dma_wait3A_386 = tpu.memref_slice %arg7[%multiple_of3A_307, %dma_wait3A_385] : memref<51200x128xf32, #tpu.memory_space<hbm>> -> memref<128x128xf32, #tpu.memory_space<hbm>>
      tpu.wait_dma2 semaphore(%arg26 : memref<!tpu.dma_semaphore, #tpu.memory_space<semaphore_mem>>) src(%arg12 : memref<128x128xf32, #tpu.memory_space<vmem>>) dst(%dma_wait3A_386 : memref<128x128xf32, #tpu.memory_space<hbm>>)
      %dma_wait3A_387 = arith.constant 0 : i32
      %dma_wait3A_388 = tpu.memref_slice %arg6[%multiple_of3A_321, %dma_wait3A_387] : memref<51200x128xf32, #tpu.memory_space<hbm>> -> memref<128x128xf32, #tpu.memory_space<hbm>>
      %dma_wait3A_389 = arith.constant 0 : i32
      %dma_wait3A_390 = tpu.memref_slice %arg6[%multiple_of3A_321, %dma_wait3A_389] : memref<51200x128xf32, #tpu.memory_space<hbm>> -> memref<128x128xf32, #tpu.memory_space<hbm>>
      tpu.wait_dma2 semaphore(%arg27 : memref<!tpu.dma_semaphore, #tpu.memory_space<semaphore_mem>>) src(%arg13 : memref<128x128xf32, #tpu.memory_space<vmem>>) dst(%dma_wait3A_390 : memref<128x128xf32, #tpu.memory_space<hbm>>)
      %dma_wait3A_391 = arith.constant 0 : i32
      %dma_wait3A_392 = tpu.memref_slice %arg7[%multiple_of3A_335, %dma_wait3A_391] : memref<51200x128xf32, #tpu.memory_space<hbm>> -> memref<128x128xf32, #tpu.memory_space<hbm>>
      %dma_wait3A_393 = arith.constant 0 : i32
      %dma_wait3A_394 = tpu.memref_slice %arg7[%multiple_of3A_335, %dma_wait3A_393] : memref<51200x128xf32, #tpu.memory_space<hbm>> -> memref<128x128xf32, #tpu.memory_space<hbm>>
      tpu.wait_dma2 semaphore(%arg28 : memref<!tpu.dma_semaphore, #tpu.memory_space<semaphore_mem>>) src(%arg14 : memref<128x128xf32, #tpu.memory_space<vmem>>) dst(%dma_wait3A_394 : memref<128x128xf32, #tpu.memory_space<hbm>>)
      %dma_wait3A_395 = arith.constant 0 : i32
      %dma_wait3A_396 = tpu.memref_slice %arg6[%multiple_of3A_349, %dma_wait3A_395] : memref<51200x128xf32, #tpu.memory_space<hbm>> -> memref<128x128xf32, #tpu.memory_space<hbm>>
      %dma_wait3A_397 = arith.constant 0 : i32
      %dma_wait3A_398 = tpu.memref_slice %arg6[%multiple_of3A_349, %dma_wait3A_397] : memref<51200x128xf32, #tpu.memory_space<hbm>> -> memref<128x128xf32, #tpu.memory_space<hbm>>
      tpu.wait_dma2 semaphore(%arg29 : memref<!tpu.dma_semaphore, #tpu.memory_space<semaphore_mem>>) src(%arg15 : memref<128x128xf32, #tpu.memory_space<vmem>>) dst(%dma_wait3A_398 : memref<128x128xf32, #tpu.memory_space<hbm>>)
      %dma_wait3A_399 = arith.constant 0 : i32
      %dma_wait3A_400 = tpu.memref_slice %arg7[%multiple_of3A_363, %dma_wait3A_399] : memref<51200x128xf32, #tpu.memory_space<hbm>> -> memref<128x128xf32, #tpu.memory_space<hbm>>
      %dma_wait3A_401 = arith.constant 0 : i32
      %dma_wait3A_402 = tpu.memref_slice %arg7[%multiple_of3A_363, %dma_wait3A_401] : memref<51200x128xf32, #tpu.memory_space<hbm>> -> memref<128x128xf32, #tpu.memory_space<hbm>>
      tpu.wait_dma2 semaphore(%arg30 : memref<!tpu.dma_semaphore, #tpu.memory_space<semaphore_mem>>) src(%arg16 : memref<128x128xf32, #tpu.memory_space<vmem>>) dst(%dma_wait3A_402 : memref<128x128xf32, #tpu.memory_space<hbm>>)
    } else {
    }
    return
  }
}

#map = affine_map<(d0, d1) -> (0, 0)>
#map1 = affine_map<(d0, d1) -> (0, 0, 0)>
module attributes {stable_mosaic.version = 14 : i64} {
  func.func @gather_k(%arg0: i32, %arg1: i32, %arg2: memref<100000x128xf32, #tpu.memory_space<hbm>>, %arg3: memref<100000x128xf32, #tpu.memory_space<hbm>>, %arg4: memref<32x18x128xi32, #tpu.memory_space<hbm>>, %arg5: memref<32x18x128xi32, #tpu.memory_space<hbm>>, %arg6: memref<51200x128xf32, #tpu.memory_space<hbm>>, %arg7: memref<51200x128xf32, #tpu.memory_space<hbm>>, %arg8: memref<18x128xi32, #tpu.memory_space<vmem>>, %arg9: memref<18x128xi32, #tpu.memory_space<vmem>>, %arg10: memref<128x128xf32, #tpu.memory_space<vmem>>, %arg11: memref<128x128xf32, #tpu.memory_space<vmem>>, %arg12: memref<128x128xf32, #tpu.memory_space<vmem>>, %arg13: memref<128x128xf32, #tpu.memory_space<vmem>>, %arg14: memref<128x128xf32, #tpu.memory_space<vmem>>, %arg15: memref<128x128xf32, #tpu.memory_space<vmem>>, %arg16: memref<128x128xf32, #tpu.memory_space<vmem>>, %arg17: memref<!tpu.dma_semaphore, #tpu.memory_space<semaphore_mem>>, %arg18: memref<!tpu.dma_semaphore, #tpu.memory_space<semaphore_mem>>, %arg19: memref<!tpu.dma_semaphore, #tpu.memory_space<semaphore_mem>>, %arg20: memref<!tpu.dma_semaphore, #tpu.memory_space<semaphore_mem>>, %arg21: memref<!tpu.dma_semaphore, #tpu.memory_space<semaphore_mem>>, %arg22: memref<!tpu.dma_semaphore, #tpu.memory_space<semaphore_mem>>, %arg23: memref<!tpu.dma_semaphore, #tpu.memory_space<semaphore_mem>>, %arg24: memref<!tpu.dma_semaphore, #tpu.memory_space<semaphore_mem>>, %arg25: memref<!tpu.dma_semaphore, #tpu.memory_space<semaphore_mem>>, %arg26: memref<!tpu.dma_semaphore, #tpu.memory_space<semaphore_mem>>, %arg27: memref<!tpu.dma_semaphore, #tpu.memory_space<semaphore_mem>>, %arg28: memref<!tpu.dma_semaphore, #tpu.memory_space<semaphore_mem>>, %arg29: memref<!tpu.dma_semaphore, #tpu.memory_space<semaphore_mem>>, %arg30: memref<!tpu.dma_semaphore, #tpu.memory_space<semaphore_mem>>) attributes {dimension_semantics = [#tpu.dimension_semantics<core_parallel>, #tpu.dimension_semantics<subcore_parallel>], iteration_bounds = array<i64: 2, 16>, scalar_prefetch = 0 : i64, scratch_operands = 23 : i64, tpu.core_type = #tpu.core_type<sc_vector_subcore>, window_params = [{transform_indices = #map}, {transform_indices = #map}, {transform_indices = #map1}, {transform_indices = #map1}, {transform_indices = #map}, {transform_indices = #map}]} {
    %mul3A = arith.constant 16 : i32
    %mul3A_0 = arith.muli %arg0, %mul3A : i32
    %add3A = arith.addi %mul3A_0, %arg1 : i32
    "tpu.region"() ({
      %run_scoped3A = tpu.sem_alloc : memref<!tpu.dma_semaphore, #tpu.memory_space<semaphore_mem>>
      %dma_start3A = arith.constant 0 : i32
      %dma_start3A_8 = arith.constant 0 : i32
      %dma_start3A_9 = tpu.memref_slice %arg4[%add3A, %dma_start3A, %dma_start3A_8] : memref<32x18x128xi32, #tpu.memory_space<hbm>> -> memref<1x18x128xi32, #tpu.memory_space<hbm>>
      %dma_start3A_10 = tpu.memref_squeeze %dma_start3A_9 : memref<1x18x128xi32, #tpu.memory_space<hbm>> -> memref<18x128xi32, #tpu.memory_space<hbm>>
      %dma_start3A_11 = arith.constant 0 : i32
      %dma_start3A_12 = arith.constant 0 : i32
      %dma_start3A_13 = tpu.memref_slice %arg4[%add3A, %dma_start3A_11, %dma_start3A_12] : memref<32x18x128xi32, #tpu.memory_space<hbm>> -> memref<1x18x128xi32, #tpu.memory_space<hbm>>
      %dma_start3A_14 = tpu.memref_squeeze %dma_start3A_13 : memref<1x18x128xi32, #tpu.memory_space<hbm>> -> memref<18x128xi32, #tpu.memory_space<hbm>>
      tpu.enqueue_dma source(%dma_start3A_14 : memref<18x128xi32, #tpu.memory_space<hbm>>) target(%arg8 : memref<18x128xi32, #tpu.memory_space<vmem>>) target_semaphore(%run_scoped3A : memref<!tpu.dma_semaphore, #tpu.memory_space<semaphore_mem>>)
      %dma_wait3A = arith.constant 0 : i32
      %dma_wait3A_15 = arith.constant 0 : i32
      %dma_wait3A_16 = tpu.memref_slice %arg4[%add3A, %dma_wait3A, %dma_wait3A_15] : memref<32x18x128xi32, #tpu.memory_space<hbm>> -> memref<1x18x128xi32, #tpu.memory_space<hbm>>
      %dma_wait3A_17 = tpu.memref_squeeze %dma_wait3A_16 : memref<1x18x128xi32, #tpu.memory_space<hbm>> -> memref<18x128xi32, #tpu.memory_space<hbm>>
      %dma_wait3A_18 = arith.constant 0 : i32
      %dma_wait3A_19 = arith.constant 0 : i32
      %dma_wait3A_20 = tpu.memref_slice %arg4[%add3A, %dma_wait3A_18, %dma_wait3A_19] : memref<32x18x128xi32, #tpu.memory_space<hbm>> -> memref<1x18x128xi32, #tpu.memory_space<hbm>>
      %dma_wait3A_21 = tpu.memref_squeeze %dma_wait3A_20 : memref<1x18x128xi32, #tpu.memory_space<hbm>> -> memref<18x128xi32, #tpu.memory_space<hbm>>
      tpu.wait_dma2 semaphore(%run_scoped3A : memref<!tpu.dma_semaphore, #tpu.memory_space<semaphore_mem>>) src(%dma_wait3A_21 : memref<18x128xi32, #tpu.memory_space<hbm>>) dst(%arg8 : memref<18x128xi32, #tpu.memory_space<vmem>>)
      tpu.yield
    }) : () -> ()
    "tpu.region"() ({
      %run_scoped3A = tpu.sem_alloc : memref<!tpu.dma_semaphore, #tpu.memory_space<semaphore_mem>>
      %dma_start3A = arith.constant 0 : i32
      %dma_start3A_8 = arith.constant 0 : i32
      %dma_start3A_9 = tpu.memref_slice %arg5[%add3A, %dma_start3A, %dma_start3A_8] : memref<32x18x128xi32, #tpu.memory_space<hbm>> -> memref<1x18x128xi32, #tpu.memory_space<hbm>>
      %dma_start3A_10 = tpu.memref_squeeze %dma_start3A_9 : memref<1x18x128xi32, #tpu.memory_space<hbm>> -> memref<18x128xi32, #tpu.memory_space<hbm>>
      %dma_start3A_11 = arith.constant 0 : i32
      %dma_start3A_12 = arith.constant 0 : i32
      %dma_start3A_13 = tpu.memref_slice %arg5[%add3A, %dma_start3A_11, %dma_start3A_12] : memref<32x18x128xi32, #tpu.memory_space<hbm>> -> memref<1x18x128xi32, #tpu.memory_space<hbm>>
      %dma_start3A_14 = tpu.memref_squeeze %dma_start3A_13 : memref<1x18x128xi32, #tpu.memory_space<hbm>> -> memref<18x128xi32, #tpu.memory_space<hbm>>
      tpu.enqueue_dma source(%dma_start3A_14 : memref<18x128xi32, #tpu.memory_space<hbm>>) target(%arg9 : memref<18x128xi32, #tpu.memory_space<vmem>>) target_semaphore(%run_scoped3A : memref<!tpu.dma_semaphore, #tpu.memory_space<semaphore_mem>>)
      %dma_wait3A = arith.constant 0 : i32
      %dma_wait3A_15 = arith.constant 0 : i32
      %dma_wait3A_16 = tpu.memref_slice %arg5[%add3A, %dma_wait3A, %dma_wait3A_15] : memref<32x18x128xi32, #tpu.memory_space<hbm>> -> memref<1x18x128xi32, #tpu.memory_space<hbm>>
      %dma_wait3A_17 = tpu.memref_squeeze %dma_wait3A_16 : memref<1x18x128xi32, #tpu.memory_space<hbm>> -> memref<18x128xi32, #tpu.memory_space<hbm>>
      %dma_wait3A_18 = arith.constant 0 : i32
      %dma_wait3A_19 = arith.constant 0 : i32
      %dma_wait3A_20 = tpu.memref_slice %arg5[%add3A, %dma_wait3A_18, %dma_wait3A_19] : memref<32x18x128xi32, #tpu.memory_space<hbm>> -> memref<1x18x128xi32, #tpu.memory_space<hbm>>
      %dma_wait3A_21 = tpu.memref_squeeze %dma_wait3A_20 : memref<1x18x128xi32, #tpu.memory_space<hbm>> -> memref<18x128xi32, #tpu.memory_space<hbm>>
      tpu.wait_dma2 semaphore(%run_scoped3A : memref<!tpu.dma_semaphore, #tpu.memory_space<semaphore_mem>>) src(%dma_wait3A_21 : memref<18x128xi32, #tpu.memory_space<hbm>>) dst(%arg9 : memref<18x128xi32, #tpu.memory_space<vmem>>)
      tpu.yield
    }) : () -> ()
    %eq3A = arith.constant 0 : i32
    %eq3A_1 = arith.cmpi eq, %arg0, %eq3A : i32
    %convert_element_type3A = arith.extui %eq3A_1 : i1 to i32
    %cond3A = arith.constant 0 : i32
    %cond3A_2 = arith.cmpi ne, %convert_element_type3A, %cond3A : i32
    scf.if %cond3A_2 {
      %mul3A_8 = arith.constant 18 : i32
      %mul3A_9 = arith.muli %arg1, %mul3A_8 : i32
      %mul3A_10 = arith.constant 128 : i32
      %mul3A_11 = arith.muli %mul3A_9, %mul3A_10 : i32
      %add3A_12 = arith.constant 0 : i32
      %add3A_13 = arith.addi %mul3A_11, %add3A_12 : i32
      %multiple_of3A = tpu.assume_multiple %add3A_13, 128 : i32
      %dma_start3A = arith.constant 0 : i32
      %dma_start3A_14 = arith.constant 0 : i32
      %dma_start3A_15 = tpu.memref_slice %arg8[%dma_start3A, %dma_start3A_14] : memref<18x128xi32, #tpu.memory_space<vmem>> -> memref<1x128xi32, #tpu.memory_space<vmem>>
      %dma_start3A_16 = tpu.memref_squeeze %dma_start3A_15 : memref<1x128xi32, #tpu.memory_space<vmem>> -> memref<128xi32, #tpu.memory_space<vmem>>
      %dma_start3A_17 = arith.constant 0 : i32
      %dma_start3A_18 = arith.constant 0 : i32
      %dma_start3A_19 = tpu.memref_slice %arg2[%dma_start3A_17, %dma_start3A_18] : memref<100000x128xf32, #tpu.memory_space<hbm>> -> memref<100000x128xf32, #tpu.memory_space<hbm>>
      tpu.enqueue_indirect_dma source(%dma_start3A_19 : memref<100000x128xf32, #tpu.memory_space<hbm>>) target(%arg10 : memref<128x128xf32, #tpu.memory_space<vmem>>) offsets(%dma_start3A_16 : memref<128xi32, #tpu.memory_space<vmem>>) semaphore(%arg17 : memref<!tpu.dma_semaphore, #tpu.memory_space<semaphore_mem>>)
      %add3A_20 = arith.constant 0 : i32
      %add3A_21 = arith.addi %mul3A_11, %add3A_20 : i32
      %multiple_of3A_22 = tpu.assume_multiple %add3A_21, 128 : i32
      %dma_start3A_23 = arith.constant 0 : i32
      %dma_start3A_24 = arith.constant 0 : i32
      %dma_start3A_25 = tpu.memref_slice %arg9[%dma_start3A_23, %dma_start3A_24] : memref<18x128xi32, #tpu.memory_space<vmem>> -> memref<1x128xi32, #tpu.memory_space<vmem>>
      %dma_start3A_26 = tpu.memref_squeeze %dma_start3A_25 : memref<1x128xi32, #tpu.memory_space<vmem>> -> memref<128xi32, #tpu.memory_space<vmem>>
      %dma_start3A_27 = arith.constant 0 : i32
      %dma_start3A_28 = arith.constant 0 : i32
      %dma_start3A_29 = tpu.memref_slice %arg3[%dma_start3A_27, %dma_start3A_28] : memref<100000x128xf32, #tpu.memory_space<hbm>> -> memref<100000x128xf32, #tpu.memory_space<hbm>>
      tpu.enqueue_indirect_dma source(%dma_start3A_29 : memref<100000x128xf32, #tpu.memory_space<hbm>>) target(%arg11 : memref<128x128xf32, #tpu.memory_space<vmem>>) offsets(%dma_start3A_26 : memref<128xi32, #tpu.memory_space<vmem>>) semaphore(%arg18 : memref<!tpu.dma_semaphore, #tpu.memory_space<semaphore_mem>>)
      %add3A_30 = arith.constant 128 : i32
      %add3A_31 = arith.addi %mul3A_11, %add3A_30 : i32
      %multiple_of3A_32 = tpu.assume_multiple %add3A_31, 128 : i32
      %dma_start3A_33 = arith.constant 1 : i32
      %dma_start3A_34 = arith.constant 0 : i32
      %dma_start3A_35 = tpu.memref_slice %arg8[%dma_start3A_33, %dma_start3A_34] : memref<18x128xi32, #tpu.memory_space<vmem>> -> memref<1x128xi32, #tpu.memory_space<vmem>>
      %dma_start3A_36 = tpu.memref_squeeze %dma_start3A_35 : memref<1x128xi32, #tpu.memory_space<vmem>> -> memref<128xi32, #tpu.memory_space<vmem>>
      %dma_start3A_37 = arith.constant 0 : i32
      %dma_start3A_38 = arith.constant 0 : i32
      %dma_start3A_39 = tpu.memref_slice %arg2[%dma_start3A_37, %dma_start3A_38] : memref<100000x128xf32, #tpu.memory_space<hbm>> -> memref<100000x128xf32, #tpu.memory_space<hbm>>
      tpu.enqueue_indirect_dma source(%dma_start3A_39 : memref<100000x128xf32, #tpu.memory_space<hbm>>) target(%arg12 : memref<128x128xf32, #tpu.memory_space<vmem>>) offsets(%dma_start3A_36 : memref<128xi32, #tpu.memory_space<vmem>>) semaphore(%arg19 : memref<!tpu.dma_semaphore, #tpu.memory_space<semaphore_mem>>)
      %add3A_40 = arith.constant 128 : i32
      %add3A_41 = arith.addi %mul3A_11, %add3A_40 : i32
      %multiple_of3A_42 = tpu.assume_multiple %add3A_41, 128 : i32
      %dma_start3A_43 = arith.constant 1 : i32
      %dma_start3A_44 = arith.constant 0 : i32
      %dma_start3A_45 = tpu.memref_slice %arg9[%dma_start3A_43, %dma_start3A_44] : memref<18x128xi32, #tpu.memory_space<vmem>> -> memref<1x128xi32, #tpu.memory_space<vmem>>
      %dma_start3A_46 = tpu.memref_squeeze %dma_start3A_45 : memref<1x128xi32, #tpu.memory_space<vmem>> -> memref<128xi32, #tpu.memory_space<vmem>>
      %dma_start3A_47 = arith.constant 0 : i32
      %dma_start3A_48 = arith.constant 0 : i32
      %dma_start3A_49 = tpu.memref_slice %arg3[%dma_start3A_47, %dma_start3A_48] : memref<100000x128xf32, #tpu.memory_space<hbm>> -> memref<100000x128xf32, #tpu.memory_space<hbm>>
      tpu.enqueue_indirect_dma source(%dma_start3A_49 : memref<100000x128xf32, #tpu.memory_space<hbm>>) target(%arg13 : memref<128x128xf32, #tpu.memory_space<vmem>>) offsets(%dma_start3A_46 : memref<128xi32, #tpu.memory_space<vmem>>) semaphore(%arg20 : memref<!tpu.dma_semaphore, #tpu.memory_space<semaphore_mem>>)
      %add3A_50 = arith.constant 256 : i32
      %add3A_51 = arith.addi %mul3A_11, %add3A_50 : i32
      %multiple_of3A_52 = tpu.assume_multiple %add3A_51, 128 : i32
      %dma_start3A_53 = arith.constant 2 : i32
      %dma_start3A_54 = arith.constant 0 : i32
      %dma_start3A_55 = tpu.memref_slice %arg8[%dma_start3A_53, %dma_start3A_54] : memref<18x128xi32, #tpu.memory_space<vmem>> -> memref<1x128xi32, #tpu.memory_space<vmem>>
      %dma_start3A_56 = tpu.memref_squeeze %dma_start3A_55 : memref<1x128xi32, #tpu.memory_space<vmem>> -> memref<128xi32, #tpu.memory_space<vmem>>
      %dma_start3A_57 = arith.constant 0 : i32
      %dma_start3A_58 = arith.constant 0 : i32
      %dma_start3A_59 = tpu.memref_slice %arg2[%dma_start3A_57, %dma_start3A_58] : memref<100000x128xf32, #tpu.memory_space<hbm>> -> memref<100000x128xf32, #tpu.memory_space<hbm>>
      tpu.enqueue_indirect_dma source(%dma_start3A_59 : memref<100000x128xf32, #tpu.memory_space<hbm>>) target(%arg14 : memref<128x128xf32, #tpu.memory_space<vmem>>) offsets(%dma_start3A_56 : memref<128xi32, #tpu.memory_space<vmem>>) semaphore(%arg21 : memref<!tpu.dma_semaphore, #tpu.memory_space<semaphore_mem>>)
      %add3A_60 = arith.constant 256 : i32
      %add3A_61 = arith.addi %mul3A_11, %add3A_60 : i32
      %multiple_of3A_62 = tpu.assume_multiple %add3A_61, 128 : i32
      %dma_start3A_63 = arith.constant 2 : i32
      %dma_start3A_64 = arith.constant 0 : i32
      %dma_start3A_65 = tpu.memref_slice %arg9[%dma_start3A_63, %dma_start3A_64] : memref<18x128xi32, #tpu.memory_space<vmem>> -> memref<1x128xi32, #tpu.memory_space<vmem>>
      %dma_start3A_66 = tpu.memref_squeeze %dma_start3A_65 : memref<1x128xi32, #tpu.memory_space<vmem>> -> memref<128xi32, #tpu.memory_space<vmem>>
      %dma_start3A_67 = arith.constant 0 : i32
      %dma_start3A_68 = arith.constant 0 : i32
      %dma_start3A_69 = tpu.memref_slice %arg3[%dma_start3A_67, %dma_start3A_68] : memref<100000x128xf32, #tpu.memory_space<hbm>> -> memref<100000x128xf32, #tpu.memory_space<hbm>>
      tpu.enqueue_indirect_dma source(%dma_start3A_69 : memref<100000x128xf32, #tpu.memory_space<hbm>>) target(%arg15 : memref<128x128xf32, #tpu.memory_space<vmem>>) offsets(%dma_start3A_66 : memref<128xi32, #tpu.memory_space<vmem>>) semaphore(%arg22 : memref<!tpu.dma_semaphore, #tpu.memory_space<semaphore_mem>>)
      %add3A_70 = arith.constant 0 : i32
      %add3A_71 = arith.addi %mul3A_11, %add3A_70 : i32
      %multiple_of3A_72 = tpu.assume_multiple %add3A_71, 128 : i32
      %dma_wait3A = arith.constant 0 : i32
      %dma_wait3A_73 = arith.constant 0 : i32
      %dma_wait3A_74 = tpu.memref_slice %arg8[%dma_wait3A, %dma_wait3A_73] : memref<18x128xi32, #tpu.memory_space<vmem>> -> memref<1x128xi32, #tpu.memory_space<vmem>>
      %dma_wait3A_75 = tpu.memref_squeeze %dma_wait3A_74 : memref<1x128xi32, #tpu.memory_space<vmem>> -> memref<128xi32, #tpu.memory_space<vmem>>
      %dma_wait3A_76 = arith.constant 0 : i32
      %dma_wait3A_77 = arith.constant 0 : i32
      %dma_wait3A_78 = tpu.memref_slice %arg2[%dma_wait3A_76, %dma_wait3A_77] : memref<100000x128xf32, #tpu.memory_space<hbm>> -> memref<100000x128xf32, #tpu.memory_space<hbm>>
      tpu.wait_indirect_dma semaphore(%arg17 : memref<!tpu.dma_semaphore, #tpu.memory_space<semaphore_mem>>) src(%dma_wait3A_78 : memref<100000x128xf32, #tpu.memory_space<hbm>>) dst(%arg10 : memref<128x128xf32, #tpu.memory_space<vmem>>)
      %dma_start3A_79 = arith.constant 0 : i32
      %dma_start3A_80 = tpu.memref_slice %arg6[%multiple_of3A_72, %dma_start3A_79] : memref<51200x128xf32, #tpu.memory_space<hbm>> -> memref<128x128xf32, #tpu.memory_space<hbm>>
      %dma_start3A_81 = arith.constant 0 : i32
      %dma_start3A_82 = tpu.memref_slice %arg6[%multiple_of3A_72, %dma_start3A_81] : memref<51200x128xf32, #tpu.memory_space<hbm>> -> memref<128x128xf32, #tpu.memory_space<hbm>>
      tpu.enqueue_dma source(%arg10 : memref<128x128xf32, #tpu.memory_space<vmem>>) target(%dma_start3A_82 : memref<128x128xf32, #tpu.memory_space<hbm>>) target_semaphore(%arg24 : memref<!tpu.dma_semaphore, #tpu.memory_space<semaphore_mem>>)
      %add3A_83 = arith.constant 384 : i32
      %add3A_84 = arith.addi %mul3A_11, %add3A_83 : i32
      %multiple_of3A_85 = tpu.assume_multiple %add3A_84, 128 : i32
      %dma_start3A_86 = arith.constant 3 : i32
      %dma_start3A_87 = arith.constant 0 : i32
      %dma_start3A_88 = tpu.memref_slice %arg8[%dma_start3A_86, %dma_start3A_87] : memref<18x128xi32, #tpu.memory_space<vmem>> -> memref<1x128xi32, #tpu.memory_space<vmem>>
      %dma_start3A_89 = tpu.memref_squeeze %dma_start3A_88 : memref<1x128xi32, #tpu.memory_space<vmem>> -> memref<128xi32, #tpu.memory_space<vmem>>
      %dma_start3A_90 = arith.constant 0 : i32
      %dma_start3A_91 = arith.constant 0 : i32
      %dma_start3A_92 = tpu.memref_slice %arg2[%dma_start3A_90, %dma_start3A_91] : memref<100000x128xf32, #tpu.memory_space<hbm>> -> memref<100000x128xf32, #tpu.memory_space<hbm>>
      tpu.enqueue_indirect_dma source(%dma_start3A_92 : memref<100000x128xf32, #tpu.memory_space<hbm>>) target(%arg16 : memref<128x128xf32, #tpu.memory_space<vmem>>) offsets(%dma_start3A_89 : memref<128xi32, #tpu.memory_space<vmem>>) semaphore(%arg23 : memref<!tpu.dma_semaphore, #tpu.memory_space<semaphore_mem>>)
      %add3A_93 = arith.constant 0 : i32
      %add3A_94 = arith.addi %mul3A_11, %add3A_93 : i32
      %multiple_of3A_95 = tpu.assume_multiple %add3A_94, 128 : i32
      %dma_wait3A_96 = arith.constant 0 : i32
      %dma_wait3A_97 = arith.constant 0 : i32
      %dma_wait3A_98 = tpu.memref_slice %arg9[%dma_wait3A_96, %dma_wait3A_97] : memref<18x128xi32, #tpu.memory_space<vmem>> -> memref<1x128xi32, #tpu.memory_space<vmem>>
      %dma_wait3A_99 = tpu.memref_squeeze %dma_wait3A_98 : memref<1x128xi32, #tpu.memory_space<vmem>> -> memref<128xi32, #tpu.memory_space<vmem>>
      %dma_wait3A_100 = arith.constant 0 : i32
      %dma_wait3A_101 = arith.constant 0 : i32
      %dma_wait3A_102 = tpu.memref_slice %arg3[%dma_wait3A_100, %dma_wait3A_101] : memref<100000x128xf32, #tpu.memory_space<hbm>> -> memref<100000x128xf32, #tpu.memory_space<hbm>>
      tpu.wait_indirect_dma semaphore(%arg18 : memref<!tpu.dma_semaphore, #tpu.memory_space<semaphore_mem>>) src(%dma_wait3A_102 : memref<100000x128xf32, #tpu.memory_space<hbm>>) dst(%arg11 : memref<128x128xf32, #tpu.memory_space<vmem>>)
      %dma_start3A_103 = arith.constant 0 : i32
      %dma_start3A_104 = tpu.memref_slice %arg7[%multiple_of3A_95, %dma_start3A_103] : memref<51200x128xf32, #tpu.memory_space<hbm>> -> memref<128x128xf32, #tpu.memory_space<hbm>>
      %dma_start3A_105 = arith.constant 0 : i32
      %dma_start3A_106 = tpu.memref_slice %arg7[%multiple_of3A_95, %dma_start3A_105] : memref<51200x128xf32, #tpu.memory_space<hbm>> -> memref<128x128xf32, #tpu.memory_space<hbm>>
      tpu.enqueue_dma source(%arg11 : memref<128x128xf32, #tpu.memory_space<vmem>>) target(%dma_start3A_106 : memref<128x128xf32, #tpu.memory_space<hbm>>) target_semaphore(%arg25 : memref<!tpu.dma_semaphore, #tpu.memory_space<semaphore_mem>>)
      %dma_wait3A_107 = arith.constant 0 : i32
      %dma_wait3A_108 = tpu.memref_slice %arg6[%multiple_of3A_72, %dma_wait3A_107] : memref<51200x128xf32, #tpu.memory_space<hbm>> -> memref<128x128xf32, #tpu.memory_space<hbm>>
      %dma_wait3A_109 = arith.constant 0 : i32
      %dma_wait3A_110 = tpu.memref_slice %arg6[%multiple_of3A_72, %dma_wait3A_109] : memref<51200x128xf32, #tpu.memory_space<hbm>> -> memref<128x128xf32, #tpu.memory_space<hbm>>
      tpu.wait_dma2 semaphore(%arg24 : memref<!tpu.dma_semaphore, #tpu.memory_space<semaphore_mem>>) src(%arg10 : memref<128x128xf32, #tpu.memory_space<vmem>>) dst(%dma_wait3A_110 : memref<128x128xf32, #tpu.memory_space<hbm>>)
      %add3A_111 = arith.constant 384 : i32
      %add3A_112 = arith.addi %mul3A_11, %add3A_111 : i32
      %multiple_of3A_113 = tpu.assume_multiple %add3A_112, 128 : i32
      %dma_start3A_114 = arith.constant 3 : i32
      %dma_start3A_115 = arith.constant 0 : i32
      %dma_start3A_116 = tpu.memref_slice %arg9[%dma_start3A_114, %dma_start3A_115] : memref<18x128xi32, #tpu.memory_space<vmem>> -> memref<1x128xi32, #tpu.memory_space<vmem>>
      %dma_start3A_117 = tpu.memref_squeeze %dma_start3A_116 : memref<1x128xi32, #tpu.memory_space<vmem>> -> memref<128xi32, #tpu.memory_space<vmem>>
      %dma_start3A_118 = arith.constant 0 : i32
      %dma_start3A_119 = arith.constant 0 : i32
      %dma_start3A_120 = tpu.memref_slice %arg3[%dma_start3A_118, %dma_start3A_119] : memref<100000x128xf32, #tpu.memory_space<hbm>> -> memref<100000x128xf32, #tpu.memory_space<hbm>>
      tpu.enqueue_indirect_dma source(%dma_start3A_120 : memref<100000x128xf32, #tpu.memory_space<hbm>>) target(%arg10 : memref<128x128xf32, #tpu.memory_space<vmem>>) offsets(%dma_start3A_117 : memref<128xi32, #tpu.memory_space<vmem>>) semaphore(%arg17 : memref<!tpu.dma_semaphore, #tpu.memory_space<semaphore_mem>>)
      %add3A_121 = arith.constant 128 : i32
      %add3A_122 = arith.addi %mul3A_11, %add3A_121 : i32
      %multiple_of3A_123 = tpu.assume_multiple %add3A_122, 128 : i32
      %dma_wait3A_124 = arith.constant 1 : i32
      %dma_wait3A_125 = arith.constant 0 : i32
      %dma_wait3A_126 = tpu.memref_slice %arg8[%dma_wait3A_124, %dma_wait3A_125] : memref<18x128xi32, #tpu.memory_space<vmem>> -> memref<1x128xi32, #tpu.memory_space<vmem>>
      %dma_wait3A_127 = tpu.memref_squeeze %dma_wait3A_126 : memref<1x128xi32, #tpu.memory_space<vmem>> -> memref<128xi32, #tpu.memory_space<vmem>>
      %dma_wait3A_128 = arith.constant 0 : i32
      %dma_wait3A_129 = arith.constant 0 : i32
      %dma_wait3A_130 = tpu.memref_slice %arg2[%dma_wait3A_128, %dma_wait3A_129] : memref<100000x128xf32, #tpu.memory_space<hbm>> -> memref<100000x128xf32, #tpu.memory_space<hbm>>
      tpu.wait_indirect_dma semaphore(%arg19 : memref<!tpu.dma_semaphore, #tpu.memory_space<semaphore_mem>>) src(%dma_wait3A_130 : memref<100000x128xf32, #tpu.memory_space<hbm>>) dst(%arg12 : memref<128x128xf32, #tpu.memory_space<vmem>>)
      %dma_start3A_131 = arith.constant 0 : i32
      %dma_start3A_132 = tpu.memref_slice %arg6[%multiple_of3A_123, %dma_start3A_131] : memref<51200x128xf32, #tpu.memory_space<hbm>> -> memref<128x128xf32, #tpu.memory_space<hbm>>
      %dma_start3A_133 = arith.constant 0 : i32
      %dma_start3A_134 = tpu.memref_slice %arg6[%multiple_of3A_123, %dma_start3A_133] : memref<51200x128xf32, #tpu.memory_space<hbm>> -> memref<128x128xf32, #tpu.memory_space<hbm>>
      tpu.enqueue_dma source(%arg12 : memref<128x128xf32, #tpu.memory_space<vmem>>) target(%dma_start3A_134 : memref<128x128xf32, #tpu.memory_space<hbm>>) target_semaphore(%arg26 : memref<!tpu.dma_semaphore, #tpu.memory_space<semaphore_mem>>)
      %dma_wait3A_135 = arith.constant 0 : i32
      %dma_wait3A_136 = tpu.memref_slice %arg7[%multiple_of3A_95, %dma_wait3A_135] : memref<51200x128xf32, #tpu.memory_space<hbm>> -> memref<128x128xf32, #tpu.memory_space<hbm>>
      %dma_wait3A_137 = arith.constant 0 : i32
      %dma_wait3A_138 = tpu.memref_slice %arg7[%multiple_of3A_95, %dma_wait3A_137] : memref<51200x128xf32, #tpu.memory_space<hbm>> -> memref<128x128xf32, #tpu.memory_space<hbm>>
      tpu.wait_dma2 semaphore(%arg25 : memref<!tpu.dma_semaphore, #tpu.memory_space<semaphore_mem>>) src(%arg11 : memref<128x128xf32, #tpu.memory_space<vmem>>) dst(%dma_wait3A_138 : memref<128x128xf32, #tpu.memory_space<hbm>>)
      %add3A_139 = arith.constant 512 : i32
      %add3A_140 = arith.addi %mul3A_11, %add3A_139 : i32
      %multiple_of3A_141 = tpu.assume_multiple %add3A_140, 128 : i32
      %dma_start3A_142 = arith.constant 4 : i32
      %dma_start3A_143 = arith.constant 0 : i32
      %dma_start3A_144 = tpu.memref_slice %arg8[%dma_start3A_142, %dma_start3A_143] : memref<18x128xi32, #tpu.memory_space<vmem>> -> memref<1x128xi32, #tpu.memory_space<vmem>>
      %dma_start3A_145 = tpu.memref_squeeze %dma_start3A_144 : memref<1x128xi32, #tpu.memory_space<vmem>> -> memref<128xi32, #tpu.memory_space<vmem>>
      %dma_start3A_146 = arith.constant 0 : i32
      %dma_start3A_147 = arith.constant 0 : i32
      %dma_start3A_148 = tpu.memref_slice %arg2[%dma_start3A_146, %dma_start3A_147] : memref<100000x128xf32, #tpu.memory_space<hbm>> -> memref<100000x128xf32, #tpu.memory_space<hbm>>
      tpu.enqueue_indirect_dma source(%dma_start3A_148 : memref<100000x128xf32, #tpu.memory_space<hbm>>) target(%arg11 : memref<128x128xf32, #tpu.memory_space<vmem>>) offsets(%dma_start3A_145 : memref<128xi32, #tpu.memory_space<vmem>>) semaphore(%arg18 : memref<!tpu.dma_semaphore, #tpu.memory_space<semaphore_mem>>)
      %add3A_149 = arith.constant 128 : i32
      %add3A_150 = arith.addi %mul3A_11, %add3A_149 : i32
      %multiple_of3A_151 = tpu.assume_multiple %add3A_150, 128 : i32
      %dma_wait3A_152 = arith.constant 1 : i32
      %dma_wait3A_153 = arith.constant 0 : i32
      %dma_wait3A_154 = tpu.memref_slice %arg9[%dma_wait3A_152, %dma_wait3A_153] : memref<18x128xi32, #tpu.memory_space<vmem>> -> memref<1x128xi32, #tpu.memory_space<vmem>>
      %dma_wait3A_155 = tpu.memref_squeeze %dma_wait3A_154 : memref<1x128xi32, #tpu.memory_space<vmem>> -> memref<128xi32, #tpu.memory_space<vmem>>
      %dma_wait3A_156 = arith.constant 0 : i32
      %dma_wait3A_157 = arith.constant 0 : i32
      %dma_wait3A_158 = tpu.memref_slice %arg3[%dma_wait3A_156, %dma_wait3A_157] : memref<100000x128xf32, #tpu.memory_space<hbm>> -> memref<100000x128xf32, #tpu.memory_space<hbm>>
      tpu.wait_indirect_dma semaphore(%arg20 : memref<!tpu.dma_semaphore, #tpu.memory_space<semaphore_mem>>) src(%dma_wait3A_158 : memref<100000x128xf32, #tpu.memory_space<hbm>>) dst(%arg13 : memref<128x128xf32, #tpu.memory_space<vmem>>)
      %dma_start3A_159 = arith.constant 0 : i32
      %dma_start3A_160 = tpu.memref_slice %arg7[%multiple_of3A_151, %dma_start3A_159] : memref<51200x128xf32, #tpu.memory_space<hbm>> -> memref<128x128xf32, #tpu.memory_space<hbm>>
      %dma_start3A_161 = arith.constant 0 : i32
      %dma_start3A_162 = tpu.memref_slice %arg7[%multiple_of3A_151, %dma_start3A_161] : memref<51200x128xf32, #tpu.memory_space<hbm>> -> memref<128x128xf32, #tpu.memory_space<hbm>>
      tpu.enqueue_dma source(%arg13 : memref<128x128xf32, #tpu.memory_space<vmem>>) target(%dma_start3A_162 : memref<128x128xf32, #tpu.memory_space<hbm>>) target_semaphore(%arg27 : memref<!tpu.dma_semaphore, #tpu.memory_space<semaphore_mem>>)
      %dma_wait3A_163 = arith.constant 0 : i32
      %dma_wait3A_164 = tpu.memref_slice %arg6[%multiple_of3A_123, %dma_wait3A_163] : memref<51200x128xf32, #tpu.memory_space<hbm>> -> memref<128x128xf32, #tpu.memory_space<hbm>>
      %dma_wait3A_165 = arith.constant 0 : i32
      %dma_wait3A_166 = tpu.memref_slice %arg6[%multiple_of3A_123, %dma_wait3A_165] : memref<51200x128xf32, #tpu.memory_space<hbm>> -> memref<128x128xf32, #tpu.memory_space<hbm>>
      tpu.wait_dma2 semaphore(%arg26 : memref<!tpu.dma_semaphore, #tpu.memory_space<semaphore_mem>>) src(%arg12 : memref<128x128xf32, #tpu.memory_space<vmem>>) dst(%dma_wait3A_166 : memref<128x128xf32, #tpu.memory_space<hbm>>)
      %add3A_167 = arith.constant 512 : i32
      %add3A_168 = arith.addi %mul3A_11, %add3A_167 : i32
      %multiple_of3A_169 = tpu.assume_multiple %add3A_168, 128 : i32
      %dma_start3A_170 = arith.constant 4 : i32
      %dma_start3A_171 = arith.constant 0 : i32
      %dma_start3A_172 = tpu.memref_slice %arg9[%dma_start3A_170, %dma_start3A_171] : memref<18x128xi32, #tpu.memory_space<vmem>> -> memref<1x128xi32, #tpu.memory_space<vmem>>
      %dma_start3A_173 = tpu.memref_squeeze %dma_start3A_172 : memref<1x128xi32, #tpu.memory_space<vmem>> -> memref<128xi32, #tpu.memory_space<vmem>>
      %dma_start3A_174 = arith.constant 0 : i32
      %dma_start3A_175 = arith.constant 0 : i32
      %dma_start3A_176 = tpu.memref_slice %arg3[%dma_start3A_174, %dma_start3A_175] : memref<100000x128xf32, #tpu.memory_space<hbm>> -> memref<100000x128xf32, #tpu.memory_space<hbm>>
      tpu.enqueue_indirect_dma source(%dma_start3A_176 : memref<100000x128xf32, #tpu.memory_space<hbm>>) target(%arg12 : memref<128x128xf32, #tpu.memory_space<vmem>>) offsets(%dma_start3A_173 : memref<128xi32, #tpu.memory_space<vmem>>) semaphore(%arg19 : memref<!tpu.dma_semaphore, #tpu.memory_space<semaphore_mem>>)
      %add3A_177 = arith.constant 256 : i32
      %add3A_178 = arith.addi %mul3A_11, %add3A_177 : i32
      %multiple_of3A_179 = tpu.assume_multiple %add3A_178, 128 : i32
      %dma_wait3A_180 = arith.constant 2 : i32
      %dma_wait3A_181 = arith.constant 0 : i32
      %dma_wait3A_182 = tpu.memref_slice %arg8[%dma_wait3A_180, %dma_wait3A_181] : memref<18x128xi32, #tpu.memory_space<vmem>> -> memref<1x128xi32, #tpu.memory_space<vmem>>
      %dma_wait3A_183 = tpu.memref_squeeze %dma_wait3A_182 : memref<1x128xi32, #tpu.memory_space<vmem>> -> memref<128xi32, #tpu.memory_space<vmem>>
      %dma_wait3A_184 = arith.constant 0 : i32
      %dma_wait3A_185 = arith.constant 0 : i32
      %dma_wait3A_186 = tpu.memref_slice %arg2[%dma_wait3A_184, %dma_wait3A_185] : memref<100000x128xf32, #tpu.memory_space<hbm>> -> memref<100000x128xf32, #tpu.memory_space<hbm>>
      tpu.wait_indirect_dma semaphore(%arg21 : memref<!tpu.dma_semaphore, #tpu.memory_space<semaphore_mem>>) src(%dma_wait3A_186 : memref<100000x128xf32, #tpu.memory_space<hbm>>) dst(%arg14 : memref<128x128xf32, #tpu.memory_space<vmem>>)
      %dma_start3A_187 = arith.constant 0 : i32
      %dma_start3A_188 = tpu.memref_slice %arg6[%multiple_of3A_179, %dma_start3A_187] : memref<51200x128xf32, #tpu.memory_space<hbm>> -> memref<128x128xf32, #tpu.memory_space<hbm>>
      %dma_start3A_189 = arith.constant 0 : i32
      %dma_start3A_190 = tpu.memref_slice %arg6[%multiple_of3A_179, %dma_start3A_189] : memref<51200x128xf32, #tpu.memory_space<hbm>> -> memref<128x128xf32, #tpu.memory_space<hbm>>
      tpu.enqueue_dma source(%arg14 : memref<128x128xf32, #tpu.memory_space<vmem>>) target(%dma_start3A_190 : memref<128x128xf32, #tpu.memory_space<hbm>>) target_semaphore(%arg28 : memref<!tpu.dma_semaphore, #tpu.memory_space<semaphore_mem>>)
      %dma_wait3A_191 = arith.constant 0 : i32
      %dma_wait3A_192 = tpu.memref_slice %arg7[%multiple_of3A_151, %dma_wait3A_191] : memref<51200x128xf32, #tpu.memory_space<hbm>> -> memref<128x128xf32, #tpu.memory_space<hbm>>
      %dma_wait3A_193 = arith.constant 0 : i32
      %dma_wait3A_194 = tpu.memref_slice %arg7[%multiple_of3A_151, %dma_wait3A_193] : memref<51200x128xf32, #tpu.memory_space<hbm>> -> memref<128x128xf32, #tpu.memory_space<hbm>>
      tpu.wait_dma2 semaphore(%arg27 : memref<!tpu.dma_semaphore, #tpu.memory_space<semaphore_mem>>) src(%arg13 : memref<128x128xf32, #tpu.memory_space<vmem>>) dst(%dma_wait3A_194 : memref<128x128xf32, #tpu.memory_space<hbm>>)
      %add3A_195 = arith.constant 640 : i32
      %add3A_196 = arith.addi %mul3A_11, %add3A_195 : i32
      %multiple_of3A_197 = tpu.assume_multiple %add3A_196, 128 : i32
      %dma_start3A_198 = arith.constant 5 : i32
      %dma_start3A_199 = arith.constant 0 : i32
      %dma_start3A_200 = tpu.memref_slice %arg8[%dma_start3A_198, %dma_start3A_199] : memref<18x128xi32, #tpu.memory_space<vmem>> -> memref<1x128xi32, #tpu.memory_space<vmem>>
      %dma_start3A_201 = tpu.memref_squeeze %dma_start3A_200 : memref<1x128xi32, #tpu.memory_space<vmem>> -> memref<128xi32, #tpu.memory_space<vmem>>
      %dma_start3A_202 = arith.constant 0 : i32
      %dma_start3A_203 = arith.constant 0 : i32
      %dma_start3A_204 = tpu.memref_slice %arg2[%dma_start3A_202, %dma_start3A_203] : memref<100000x128xf32, #tpu.memory_space<hbm>> -> memref<100000x128xf32, #tpu.memory_space<hbm>>
      tpu.enqueue_indirect_dma source(%dma_start3A_204 : memref<100000x128xf32, #tpu.memory_space<hbm>>) target(%arg13 : memref<128x128xf32, #tpu.memory_space<vmem>>) offsets(%dma_start3A_201 : memref<128xi32, #tpu.memory_space<vmem>>) semaphore(%arg20 : memref<!tpu.dma_semaphore, #tpu.memory_space<semaphore_mem>>)
      %add3A_205 = arith.constant 256 : i32
      %add3A_206 = arith.addi %mul3A_11, %add3A_205 : i32
      %multiple_of3A_207 = tpu.assume_multiple %add3A_206, 128 : i32
      %dma_wait3A_208 = arith.constant 2 : i32
      %dma_wait3A_209 = arith.constant 0 : i32
      %dma_wait3A_210 = tpu.memref_slice %arg9[%dma_wait3A_208, %dma_wait3A_209] : memref<18x128xi32, #tpu.memory_space<vmem>> -> memref<1x128xi32, #tpu.memory_space<vmem>>
      %dma_wait3A_211 = tpu.memref_squeeze %dma_wait3A_210 : memref<1x128xi32, #tpu.memory_space<vmem>> -> memref<128xi32, #tpu.memory_space<vmem>>
      %dma_wait3A_212 = arith.constant 0 : i32
      %dma_wait3A_213 = arith.constant 0 : i32
      %dma_wait3A_214 = tpu.memref_slice %arg3[%dma_wait3A_212, %dma_wait3A_213] : memref<100000x128xf32, #tpu.memory_space<hbm>> -> memref<100000x128xf32, #tpu.memory_space<hbm>>
      tpu.wait_indirect_dma semaphore(%arg22 : memref<!tpu.dma_semaphore, #tpu.memory_space<semaphore_mem>>) src(%dma_wait3A_214 : memref<100000x128xf32, #tpu.memory_space<hbm>>) dst(%arg15 : memref<128x128xf32, #tpu.memory_space<vmem>>)
      %dma_start3A_215 = arith.constant 0 : i32
      %dma_start3A_216 = tpu.memref_slice %arg7[%multiple_of3A_207, %dma_start3A_215] : memref<51200x128xf32, #tpu.memory_space<hbm>> -> memref<128x128xf32, #tpu.memory_space<hbm>>
      %dma_start3A_217 = arith.constant 0 : i32
      %dma_start3A_218 = tpu.memref_slice %arg7[%multiple_of3A_207, %dma_start3A_217] : memref<51200x128xf32, #tpu.memory_space<hbm>> -> memref<128x128xf32, #tpu.memory_space<hbm>>
      tpu.enqueue_dma source(%arg15 : memref<128x128xf32, #tpu.memory_space<vmem>>) target(%dma_start3A_218 : memref<128x128xf32, #tpu.memory_space<hbm>>) target_semaphore(%arg29 : memref<!tpu.dma_semaphore, #tpu.memory_space<semaphore_mem>>)
      %dma_wait3A_219 = arith.constant 0 : i32
      %dma_wait3A_220 = tpu.memref_slice %arg6[%multiple_of3A_179, %dma_wait3A_219] : memref<51200x128xf32, #tpu.memory_space<hbm>> -> memref<128x128xf32, #tpu.memory_space<hbm>>
      %dma_wait3A_221 = arith.constant 0 : i32
      %dma_wait3A_222 = tpu.memref_slice %arg6[%multiple_of3A_179, %dma_wait3A_221] : memref<51200x128xf32, #tpu.memory_space<hbm>> -> memref<128x128xf32, #tpu.memory_space<hbm>>
      tpu.wait_dma2 semaphore(%arg28 : memref<!tpu.dma_semaphore, #tpu.memory_space<semaphore_mem>>) src(%arg14 : memref<128x128xf32, #tpu.memory_space<vmem>>) dst(%dma_wait3A_222 : memref<128x128xf32, #tpu.memory_space<hbm>>)
      %add3A_223 = arith.constant 640 : i32
      %add3A_224 = arith.addi %mul3A_11, %add3A_223 : i32
      %multiple_of3A_225 = tpu.assume_multiple %add3A_224, 128 : i32
      %dma_start3A_226 = arith.constant 5 : i32
      %dma_start3A_227 = arith.constant 0 : i32
      %dma_start3A_228 = tpu.memref_slice %arg9[%dma_start3A_226, %dma_start3A_227] : memref<18x128xi32, #tpu.memory_space<vmem>> -> memref<1x128xi32, #tpu.memory_space<vmem>>
      %dma_start3A_229 = tpu.memref_squeeze %dma_start3A_228 : memref<1x128xi32, #tpu.memory_space<vmem>> -> memref<128xi32, #tpu.memory_space<vmem>>
      %dma_start3A_230 = arith.constant 0 : i32
      %dma_start3A_231 = arith.constant 0 : i32
      %dma_start3A_232 = tpu.memref_slice %arg3[%dma_start3A_230, %dma_start3A_231] : memref<100000x128xf32, #tpu.memory_space<hbm>> -> memref<100000x128xf32, #tpu.memory_space<hbm>>
      tpu.enqueue_indirect_dma source(%dma_start3A_232 : memref<100000x128xf32, #tpu.memory_space<hbm>>) target(%arg14 : memref<128x128xf32, #tpu.memory_space<vmem>>) offsets(%dma_start3A_229 : memref<128xi32, #tpu.memory_space<vmem>>) semaphore(%arg21 : memref<!tpu.dma_semaphore, #tpu.memory_space<semaphore_mem>>)
      %add3A_233 = arith.constant 384 : i32
      %add3A_234 = arith.addi %mul3A_11, %add3A_233 : i32
      %multiple_of3A_235 = tpu.assume_multiple %add3A_234, 128 : i32
      %dma_wait3A_236 = arith.constant 3 : i32
      %dma_wait3A_237 = arith.constant 0 : i32
      %dma_wait3A_238 = tpu.memref_slice %arg8[%dma_wait3A_236, %dma_wait3A_237] : memref<18x128xi32, #tpu.memory_space<vmem>> -> memref<1x128xi32, #tpu.memory_space<vmem>>
      %dma_wait3A_239 = tpu.memref_squeeze %dma_wait3A_238 : memref<1x128xi32, #tpu.memory_space<vmem>> -> memref<128xi32, #tpu.memory_space<vmem>>
      %dma_wait3A_240 = arith.constant 0 : i32
      %dma_wait3A_241 = arith.constant 0 : i32
      %dma_wait3A_242 = tpu.memref_slice %arg2[%dma_wait3A_240, %dma_wait3A_241] : memref<100000x128xf32, #tpu.memory_space<hbm>> -> memref<100000x128xf32, #tpu.memory_space<hbm>>
      tpu.wait_indirect_dma semaphore(%arg23 : memref<!tpu.dma_semaphore, #tpu.memory_space<semaphore_mem>>) src(%dma_wait3A_242 : memref<100000x128xf32, #tpu.memory_space<hbm>>) dst(%arg16 : memref<128x128xf32, #tpu.memory_space<vmem>>)
      %dma_start3A_243 = arith.constant 0 : i32
      %dma_start3A_244 = tpu.memref_slice %arg6[%multiple_of3A_235, %dma_start3A_243] : memref<51200x128xf32, #tpu.memory_space<hbm>> -> memref<128x128xf32, #tpu.memory_space<hbm>>
      %dma_start3A_245 = arith.constant 0 : i32
      %dma_start3A_246 = tpu.memref_slice %arg6[%multiple_of3A_235, %dma_start3A_245] : memref<51200x128xf32, #tpu.memory_space<hbm>> -> memref<128x128xf32, #tpu.memory_space<hbm>>
      tpu.enqueue_dma source(%arg16 : memref<128x128xf32, #tpu.memory_space<vmem>>) target(%dma_start3A_246 : memref<128x128xf32, #tpu.memory_space<hbm>>) target_semaphore(%arg30 : memref<!tpu.dma_semaphore, #tpu.memory_space<semaphore_mem>>)
      %dma_wait3A_247 = arith.constant 0 : i32
      %dma_wait3A_248 = tpu.memref_slice %arg7[%multiple_of3A_207, %dma_wait3A_247] : memref<51200x128xf32, #tpu.memory_space<hbm>> -> memref<128x128xf32, #tpu.memory_space<hbm>>
      %dma_wait3A_249 = arith.constant 0 : i32
      %dma_wait3A_250 = tpu.memref_slice %arg7[%multiple_of3A_207, %dma_wait3A_249] : memref<51200x128xf32, #tpu.memory_space<hbm>> -> memref<128x128xf32, #tpu.memory_space<hbm>>
      tpu.wait_dma2 semaphore(%arg29 : memref<!tpu.dma_semaphore, #tpu.memory_space<semaphore_mem>>) src(%arg15 : memref<128x128xf32, #tpu.memory_space<vmem>>) dst(%dma_wait3A_250 : memref<128x128xf32, #tpu.memory_space<hbm>>)
      %add3A_251 = arith.constant 768 : i32
      %add3A_252 = arith.addi %mul3A_11, %add3A_251 : i32
      %multiple_of3A_253 = tpu.assume_multiple %add3A_252, 128 : i32
      %dma_start3A_254 = arith.constant 6 : i32
      %dma_start3A_255 = arith.constant 0 : i32
      %dma_start3A_256 = tpu.memref_slice %arg8[%dma_start3A_254, %dma_start3A_255] : memref<18x128xi32, #tpu.memory_space<vmem>> -> memref<1x128xi32, #tpu.memory_space<vmem>>
      %dma_start3A_257 = tpu.memref_squeeze %dma_start3A_256 : memref<1x128xi32, #tpu.memory_space<vmem>> -> memref<128xi32, #tpu.memory_space<vmem>>
      %dma_start3A_258 = arith.constant 0 : i32
      %dma_start3A_259 = arith.constant 0 : i32
      %dma_start3A_260 = tpu.memref_slice %arg2[%dma_start3A_258, %dma_start3A_259] : memref<100000x128xf32, #tpu.memory_space<hbm>> -> memref<100000x128xf32, #tpu.memory_space<hbm>>
      tpu.enqueue_indirect_dma source(%dma_start3A_260 : memref<100000x128xf32, #tpu.memory_space<hbm>>) target(%arg15 : memref<128x128xf32, #tpu.memory_space<vmem>>) offsets(%dma_start3A_257 : memref<128xi32, #tpu.memory_space<vmem>>) semaphore(%arg22 : memref<!tpu.dma_semaphore, #tpu.memory_space<semaphore_mem>>)
      %add3A_261 = arith.constant 384 : i32
      %add3A_262 = arith.addi %mul3A_11, %add3A_261 : i32
      %multiple_of3A_263 = tpu.assume_multiple %add3A_262, 128 : i32
      %dma_wait3A_264 = arith.constant 3 : i32
      %dma_wait3A_265 = arith.constant 0 : i32
      %dma_wait3A_266 = tpu.memref_slice %arg9[%dma_wait3A_264, %dma_wait3A_265] : memref<18x128xi32, #tpu.memory_space<vmem>> -> memref<1x128xi32, #tpu.memory_space<vmem>>
      %dma_wait3A_267 = tpu.memref_squeeze %dma_wait3A_266 : memref<1x128xi32, #tpu.memory_space<vmem>> -> memref<128xi32, #tpu.memory_space<vmem>>
      %dma_wait3A_268 = arith.constant 0 : i32
      %dma_wait3A_269 = arith.constant 0 : i32
      %dma_wait3A_270 = tpu.memref_slice %arg3[%dma_wait3A_268, %dma_wait3A_269] : memref<100000x128xf32, #tpu.memory_space<hbm>> -> memref<100000x128xf32, #tpu.memory_space<hbm>>
      tpu.wait_indirect_dma semaphore(%arg17 : memref<!tpu.dma_semaphore, #tpu.memory_space<semaphore_mem>>) src(%dma_wait3A_270 : memref<100000x128xf32, #tpu.memory_space<hbm>>) dst(%arg10 : memref<128x128xf32, #tpu.memory_space<vmem>>)
      %dma_start3A_271 = arith.constant 0 : i32
      %dma_start3A_272 = tpu.memref_slice %arg7[%multiple_of3A_263, %dma_start3A_271] : memref<51200x128xf32, #tpu.memory_space<hbm>> -> memref<128x128xf32, #tpu.memory_space<hbm>>
      %dma_start3A_273 = arith.constant 0 : i32
      %dma_start3A_274 = tpu.memref_slice %arg7[%multiple_of3A_263, %dma_start3A_273] : memref<51200x128xf32, #tpu.memory_space<hbm>> -> memref<128x128xf32, #tpu.memory_space<hbm>>
      tpu.enqueue_dma source(%arg10 : memref<128x128xf32, #tpu.memory_space<vmem>>) target(%dma_start3A_274 : memref<128x128xf32, #tpu.memory_space<hbm>>) target_semaphore(%arg24 : memref<!tpu.dma_semaphore, #tpu.memory_space<semaphore_mem>>)
      %dma_wait3A_275 = arith.constant 0 : i32
      %dma_wait3A_276 = tpu.memref_slice %arg6[%multiple_of3A_235, %dma_wait3A_275] : memref<51200x128xf32, #tpu.memory_space<hbm>> -> memref<128x128xf32, #tpu.memory_space<hbm>>
      %dma_wait3A_277 = arith.constant 0 : i32
      %dma_wait3A_278 = tpu.memref_slice %arg6[%multiple_of3A_235, %dma_wait3A_277] : memref<51200x128xf32, #tpu.memory_space<hbm>> -> memref<128x128xf32, #tpu.memory_space<hbm>>
      tpu.wait_dma2 semaphore(%arg30 : memref<!tpu.dma_semaphore, #tpu.memory_space<semaphore_mem>>) src(%arg16 : memref<128x128xf32, #tpu.memory_space<vmem>>) dst(%dma_wait3A_278 : memref<128x128xf32, #tpu.memory_space<hbm>>)
      %add3A_279 = arith.constant 768 : i32
      %add3A_280 = arith.addi %mul3A_11, %add3A_279 : i32
      %multiple_of3A_281 = tpu.assume_multiple %add3A_280, 128 : i32
      %dma_start3A_282 = arith.constant 6 : i32
      %dma_start3A_283 = arith.constant 0 : i32
      %dma_start3A_284 = tpu.memref_slice %arg9[%dma_start3A_282, %dma_start3A_283] : memref<18x128xi32, #tpu.memory_space<vmem>> -> memref<1x128xi32, #tpu.memory_space<vmem>>
      %dma_start3A_285 = tpu.memref_squeeze %dma_start3A_284 : memref<1x128xi32, #tpu.memory_space<vmem>> -> memref<128xi32, #tpu.memory_space<vmem>>
      %dma_start3A_286 = arith.constant 0 : i32
      %dma_start3A_287 = arith.constant 0 : i32
      %dma_start3A_288 = tpu.memref_slice %arg3[%dma_start3A_286, %dma_start3A_287] : memref<100000x128xf32, #tpu.memory_space<hbm>> -> memref<100000x128xf32, #tpu.memory_space<hbm>>
      tpu.enqueue_indirect_dma source(%dma_start3A_288 : memref<100000x128xf32, #tpu.memory_space<hbm>>) target(%arg16 : memref<128x128xf32, #tpu.memory_space<vmem>>) offsets(%dma_start3A_285 : memref<128xi32, #tpu.memory_space<vmem>>) semaphore(%arg23 : memref<!tpu.dma_semaphore, #tpu.memory_space<semaphore_mem>>)
      %add3A_289 = arith.constant 512 : i32
      %add3A_290 = arith.addi %mul3A_11, %add3A_289 : i32
      %multiple_of3A_291 = tpu.assume_multiple %add3A_290, 128 : i32
      %dma_wait3A_292 = arith.constant 4 : i32
      %dma_wait3A_293 = arith.constant 0 : i32
      %dma_wait3A_294 = tpu.memref_slice %arg8[%dma_wait3A_292, %dma_wait3A_293] : memref<18x128xi32, #tpu.memory_space<vmem>> -> memref<1x128xi32, #tpu.memory_space<vmem>>
      %dma_wait3A_295 = tpu.memref_squeeze %dma_wait3A_294 : memref<1x128xi32, #tpu.memory_space<vmem>> -> memref<128xi32, #tpu.memory_space<vmem>>
      %dma_wait3A_296 = arith.constant 0 : i32
      %dma_wait3A_297 = arith.constant 0 : i32
      %dma_wait3A_298 = tpu.memref_slice %arg2[%dma_wait3A_296, %dma_wait3A_297] : memref<100000x128xf32, #tpu.memory_space<hbm>> -> memref<100000x128xf32, #tpu.memory_space<hbm>>
      tpu.wait_indirect_dma semaphore(%arg18 : memref<!tpu.dma_semaphore, #tpu.memory_space<semaphore_mem>>) src(%dma_wait3A_298 : memref<100000x128xf32, #tpu.memory_space<hbm>>) dst(%arg11 : memref<128x128xf32, #tpu.memory_space<vmem>>)
      %dma_start3A_299 = arith.constant 0 : i32
      %dma_start3A_300 = tpu.memref_slice %arg6[%multiple_of3A_291, %dma_start3A_299] : memref<51200x128xf32, #tpu.memory_space<hbm>> -> memref<128x128xf32, #tpu.memory_space<hbm>>
      %dma_start3A_301 = arith.constant 0 : i32
      %dma_start3A_302 = tpu.memref_slice %arg6[%multiple_of3A_291, %dma_start3A_301] : memref<51200x128xf32, #tpu.memory_space<hbm>> -> memref<128x128xf32, #tpu.memory_space<hbm>>
      tpu.enqueue_dma source(%arg11 : memref<128x128xf32, #tpu.memory_space<vmem>>) target(%dma_start3A_302 : memref<128x128xf32, #tpu.memory_space<hbm>>) target_semaphore(%arg25 : memref<!tpu.dma_semaphore, #tpu.memory_space<semaphore_mem>>)
      %dma_wait3A_303 = arith.constant 0 : i32
      %dma_wait3A_304 = tpu.memref_slice %arg7[%multiple_of3A_263, %dma_wait3A_303] : memref<51200x128xf32, #tpu.memory_space<hbm>> -> memref<128x128xf32, #tpu.memory_space<hbm>>
      %dma_wait3A_305 = arith.constant 0 : i32
      %dma_wait3A_306 = tpu.memref_slice %arg7[%multiple_of3A_263, %dma_wait3A_305] : memref<51200x128xf32, #tpu.memory_space<hbm>> -> memref<128x128xf32, #tpu.memory_space<hbm>>
      tpu.wait_dma2 semaphore(%arg24 : memref<!tpu.dma_semaphore, #tpu.memory_space<semaphore_mem>>) src(%arg10 : memref<128x128xf32, #tpu.memory_space<vmem>>) dst(%dma_wait3A_306 : memref<128x128xf32, #tpu.memory_space<hbm>>)
      %add3A_307 = arith.constant 896 : i32
      %add3A_308 = arith.addi %mul3A_11, %add3A_307 : i32
      %multiple_of3A_309 = tpu.assume_multiple %add3A_308, 128 : i32
      %dma_start3A_310 = arith.constant 7 : i32
      %dma_start3A_311 = arith.constant 0 : i32
      %dma_start3A_312 = tpu.memref_slice %arg8[%dma_start3A_310, %dma_start3A_311] : memref<18x128xi32, #tpu.memory_space<vmem>> -> memref<1x128xi32, #tpu.memory_space<vmem>>
      %dma_start3A_313 = tpu.memref_squeeze %dma_start3A_312 : memref<1x128xi32, #tpu.memory_space<vmem>> -> memref<128xi32, #tpu.memory_space<vmem>>
      %dma_start3A_314 = arith.constant 0 : i32
      %dma_start3A_315 = arith.constant 0 : i32
      %dma_start3A_316 = tpu.memref_slice %arg2[%dma_start3A_314, %dma_start3A_315] : memref<100000x128xf32, #tpu.memory_space<hbm>> -> memref<100000x128xf32, #tpu.memory_space<hbm>>
      tpu.enqueue_indirect_dma source(%dma_start3A_316 : memref<100000x128xf32, #tpu.memory_space<hbm>>) target(%arg10 : memref<128x128xf32, #tpu.memory_space<vmem>>) offsets(%dma_start3A_313 : memref<128xi32, #tpu.memory_space<vmem>>) semaphore(%arg17 : memref<!tpu.dma_semaphore, #tpu.memory_space<semaphore_mem>>)
      %add3A_317 = arith.constant 512 : i32
      %add3A_318 = arith.addi %mul3A_11, %add3A_317 : i32
      %multiple_of3A_319 = tpu.assume_multiple %add3A_318, 128 : i32
      %dma_wait3A_320 = arith.constant 4 : i32
      %dma_wait3A_321 = arith.constant 0 : i32
      %dma_wait3A_322 = tpu.memref_slice %arg9[%dma_wait3A_320, %dma_wait3A_321] : memref<18x128xi32, #tpu.memory_space<vmem>> -> memref<1x128xi32, #tpu.memory_space<vmem>>
      %dma_wait3A_323 = tpu.memref_squeeze %dma_wait3A_322 : memref<1x128xi32, #tpu.memory_space<vmem>> -> memref<128xi32, #tpu.memory_space<vmem>>
      %dma_wait3A_324 = arith.constant 0 : i32
      %dma_wait3A_325 = arith.constant 0 : i32
      %dma_wait3A_326 = tpu.memref_slice %arg3[%dma_wait3A_324, %dma_wait3A_325] : memref<100000x128xf32, #tpu.memory_space<hbm>> -> memref<100000x128xf32, #tpu.memory_space<hbm>>
      tpu.wait_indirect_dma semaphore(%arg19 : memref<!tpu.dma_semaphore, #tpu.memory_space<semaphore_mem>>) src(%dma_wait3A_326 : memref<100000x128xf32, #tpu.memory_space<hbm>>) dst(%arg12 : memref<128x128xf32, #tpu.memory_space<vmem>>)
      %dma_start3A_327 = arith.constant 0 : i32
      %dma_start3A_328 = tpu.memref_slice %arg7[%multiple_of3A_319, %dma_start3A_327] : memref<51200x128xf32, #tpu.memory_space<hbm>> -> memref<128x128xf32, #tpu.memory_space<hbm>>
      %dma_start3A_329 = arith.constant 0 : i32
      %dma_start3A_330 = tpu.memref_slice %arg7[%multiple_of3A_319, %dma_start3A_329] : memref<51200x128xf32, #tpu.memory_space<hbm>> -> memref<128x128xf32, #tpu.memory_space<hbm>>
      tpu.enqueue_dma source(%arg12 : memref<128x128xf32, #tpu.memory_space<vmem>>) target(%dma_start3A_330 : memref<128x128xf32, #tpu.memory_space<hbm>>) target_semaphore(%arg26 : memref<!tpu.dma_semaphore, #tpu.memory_space<semaphore_mem>>)
      %dma_wait3A_331 = arith.constant 0 : i32
      %dma_wait3A_332 = tpu.memref_slice %arg6[%multiple_of3A_291, %dma_wait3A_331] : memref<51200x128xf32, #tpu.memory_space<hbm>> -> memref<128x128xf32, #tpu.memory_space<hbm>>
      %dma_wait3A_333 = arith.constant 0 : i32
      %dma_wait3A_334 = tpu.memref_slice %arg6[%multiple_of3A_291, %dma_wait3A_333] : memref<51200x128xf32, #tpu.memory_space<hbm>> -> memref<128x128xf32, #tpu.memory_space<hbm>>
      tpu.wait_dma2 semaphore(%arg25 : memref<!tpu.dma_semaphore, #tpu.memory_space<semaphore_mem>>) src(%arg11 : memref<128x128xf32, #tpu.memory_space<vmem>>) dst(%dma_wait3A_334 : memref<128x128xf32, #tpu.memory_space<hbm>>)
      %add3A_335 = arith.constant 896 : i32
      %add3A_336 = arith.addi %mul3A_11, %add3A_335 : i32
      %multiple_of3A_337 = tpu.assume_multiple %add3A_336, 128 : i32
      %dma_start3A_338 = arith.constant 7 : i32
      %dma_start3A_339 = arith.constant 0 : i32
      %dma_start3A_340 = tpu.memref_slice %arg9[%dma_start3A_338, %dma_start3A_339] : memref<18x128xi32, #tpu.memory_space<vmem>> -> memref<1x128xi32, #tpu.memory_space<vmem>>
      %dma_start3A_341 = tpu.memref_squeeze %dma_start3A_340 : memref<1x128xi32, #tpu.memory_space<vmem>> -> memref<128xi32, #tpu.memory_space<vmem>>
      %dma_start3A_342 = arith.constant 0 : i32
      %dma_start3A_343 = arith.constant 0 : i32
      %dma_start3A_344 = tpu.memref_slice %arg3[%dma_start3A_342, %dma_start3A_343] : memref<100000x128xf32, #tpu.memory_space<hbm>> -> memref<100000x128xf32, #tpu.memory_space<hbm>>
      tpu.enqueue_indirect_dma source(%dma_start3A_344 : memref<100000x128xf32, #tpu.memory_space<hbm>>) target(%arg11 : memref<128x128xf32, #tpu.memory_space<vmem>>) offsets(%dma_start3A_341 : memref<128xi32, #tpu.memory_space<vmem>>) semaphore(%arg18 : memref<!tpu.dma_semaphore, #tpu.memory_space<semaphore_mem>>)
      %add3A_345 = arith.constant 640 : i32
      %add3A_346 = arith.addi %mul3A_11, %add3A_345 : i32
      %multiple_of3A_347 = tpu.assume_multiple %add3A_346, 128 : i32
      %dma_wait3A_348 = arith.constant 5 : i32
      %dma_wait3A_349 = arith.constant 0 : i32
      %dma_wait3A_350 = tpu.memref_slice %arg8[%dma_wait3A_348, %dma_wait3A_349] : memref<18x128xi32, #tpu.memory_space<vmem>> -> memref<1x128xi32, #tpu.memory_space<vmem>>
      %dma_wait3A_351 = tpu.memref_squeeze %dma_wait3A_350 : memref<1x128xi32, #tpu.memory_space<vmem>> -> memref<128xi32, #tpu.memory_space<vmem>>
      %dma_wait3A_352 = arith.constant 0 : i32
      %dma_wait3A_353 = arith.constant 0 : i32
      %dma_wait3A_354 = tpu.memref_slice %arg2[%dma_wait3A_352, %dma_wait3A_353] : memref<100000x128xf32, #tpu.memory_space<hbm>> -> memref<100000x128xf32, #tpu.memory_space<hbm>>
      tpu.wait_indirect_dma semaphore(%arg20 : memref<!tpu.dma_semaphore, #tpu.memory_space<semaphore_mem>>) src(%dma_wait3A_354 : memref<100000x128xf32, #tpu.memory_space<hbm>>) dst(%arg13 : memref<128x128xf32, #tpu.memory_space<vmem>>)
      %dma_start3A_355 = arith.constant 0 : i32
      %dma_start3A_356 = tpu.memref_slice %arg6[%multiple_of3A_347, %dma_start3A_355] : memref<51200x128xf32, #tpu.memory_space<hbm>> -> memref<128x128xf32, #tpu.memory_space<hbm>>
      %dma_start3A_357 = arith.constant 0 : i32
      %dma_start3A_358 = tpu.memref_slice %arg6[%multiple_of3A_347, %dma_start3A_357] : memref<51200x128xf32, #tpu.memory_space<hbm>> -> memref<128x128xf32, #tpu.memory_space<hbm>>
      tpu.enqueue_dma source(%arg13 : memref<128x128xf32, #tpu.memory_space<vmem>>) target(%dma_start3A_358 : memref<128x128xf32, #tpu.memory_space<hbm>>) target_semaphore(%arg27 : memref<!tpu.dma_semaphore, #tpu.memory_space<semaphore_mem>>)
      %dma_wait3A_359 = arith.constant 0 : i32
      %dma_wait3A_360 = tpu.memref_slice %arg7[%multiple_of3A_319, %dma_wait3A_359] : memref<51200x128xf32, #tpu.memory_space<hbm>> -> memref<128x128xf32, #tpu.memory_space<hbm>>
      %dma_wait3A_361 = arith.constant 0 : i32
      %dma_wait3A_362 = tpu.memref_slice %arg7[%multiple_of3A_319, %dma_wait3A_361] : memref<51200x128xf32, #tpu.memory_space<hbm>> -> memref<128x128xf32, #tpu.memory_space<hbm>>
      tpu.wait_dma2 semaphore(%arg26 : memref<!tpu.dma_semaphore, #tpu.memory_space<semaphore_mem>>) src(%arg12 : memref<128x128xf32, #tpu.memory_space<vmem>>) dst(%dma_wait3A_362 : memref<128x128xf32, #tpu.memory_space<hbm>>)
      %add3A_363 = arith.constant 1024 : i32
      %add3A_364 = arith.addi %mul3A_11, %add3A_363 : i32
      %multiple_of3A_365 = tpu.assume_multiple %add3A_364, 128 : i32
      %dma_start3A_366 = arith.constant 8 : i32
      %dma_start3A_367 = arith.constant 0 : i32
      %dma_start3A_368 = tpu.memref_slice %arg8[%dma_start3A_366, %dma_start3A_367] : memref<18x128xi32, #tpu.memory_space<vmem>> -> memref<1x128xi32, #tpu.memory_space<vmem>>
      %dma_start3A_369 = tpu.memref_squeeze %dma_start3A_368 : memref<1x128xi32, #tpu.memory_space<vmem>> -> memref<128xi32, #tpu.memory_space<vmem>>
      %dma_start3A_370 = arith.constant 0 : i32
      %dma_start3A_371 = arith.constant 0 : i32
      %dma_start3A_372 = tpu.memref_slice %arg2[%dma_start3A_370, %dma_start3A_371] : memref<100000x128xf32, #tpu.memory_space<hbm>> -> memref<100000x128xf32, #tpu.memory_space<hbm>>
      tpu.enqueue_indirect_dma source(%dma_start3A_372 : memref<100000x128xf32, #tpu.memory_space<hbm>>) target(%arg12 : memref<128x128xf32, #tpu.memory_space<vmem>>) offsets(%dma_start3A_369 : memref<128xi32, #tpu.memory_space<vmem>>) semaphore(%arg19 : memref<!tpu.dma_semaphore, #tpu.memory_space<semaphore_mem>>)
      %add3A_373 = arith.constant 640 : i32
      %add3A_374 = arith.addi %mul3A_11, %add3A_373 : i32
      %multiple_of3A_375 = tpu.assume_multiple %add3A_374, 128 : i32
      %dma_wait3A_376 = arith.constant 5 : i32
      %dma_wait3A_377 = arith.constant 0 : i32
      %dma_wait3A_378 = tpu.memref_slice %arg9[%dma_wait3A_376, %dma_wait3A_377] : memref<18x128xi32, #tpu.memory_space<vmem>> -> memref<1x128xi32, #tpu.memory_space<vmem>>
      %dma_wait3A_379 = tpu.memref_squeeze %dma_wait3A_378 : memref<1x128xi32, #tpu.memory_space<vmem>> -> memref<128xi32, #tpu.memory_space<vmem>>
      %dma_wait3A_380 = arith.constant 0 : i32
      %dma_wait3A_381 = arith.constant 0 : i32
      %dma_wait3A_382 = tpu.memref_slice %arg3[%dma_wait3A_380, %dma_wait3A_381] : memref<100000x128xf32, #tpu.memory_space<hbm>> -> memref<100000x128xf32, #tpu.memory_space<hbm>>
      tpu.wait_indirect_dma semaphore(%arg21 : memref<!tpu.dma_semaphore, #tpu.memory_space<semaphore_mem>>) src(%dma_wait3A_382 : memref<100000x128xf32, #tpu.memory_space<hbm>>) dst(%arg14 : memref<128x128xf32, #tpu.memory_space<vmem>>)
      %dma_start3A_383 = arith.constant 0 : i32
      %dma_start3A_384 = tpu.memref_slice %arg7[%multiple_of3A_375, %dma_start3A_383] : memref<51200x128xf32, #tpu.memory_space<hbm>> -> memref<128x128xf32, #tpu.memory_space<hbm>>
      %dma_start3A_385 = arith.constant 0 : i32
      %dma_start3A_386 = tpu.memref_slice %arg7[%multiple_of3A_375, %dma_start3A_385] : memref<51200x128xf32, #tpu.memory_space<hbm>> -> memref<128x128xf32, #tpu.memory_space<hbm>>
      tpu.enqueue_dma source(%arg14 : memref<128x128xf32, #tpu.memory_space<vmem>>) target(%dma_start3A_386 : memref<128x128xf32, #tpu.memory_space<hbm>>) target_semaphore(%arg28 : memref<!tpu.dma_semaphore, #tpu.memory_space<semaphore_mem>>)
      %dma_wait3A_387 = arith.constant 0 : i32
      %dma_wait3A_388 = tpu.memref_slice %arg6[%multiple_of3A_347, %dma_wait3A_387] : memref<51200x128xf32, #tpu.memory_space<hbm>> -> memref<128x128xf32, #tpu.memory_space<hbm>>
      %dma_wait3A_389 = arith.constant 0 : i32
      %dma_wait3A_390 = tpu.memref_slice %arg6[%multiple_of3A_347, %dma_wait3A_389] : memref<51200x128xf32, #tpu.memory_space<hbm>> -> memref<128x128xf32, #tpu.memory_space<hbm>>
      tpu.wait_dma2 semaphore(%arg27 : memref<!tpu.dma_semaphore, #tpu.memory_space<semaphore_mem>>) src(%arg13 : memref<128x128xf32, #tpu.memory_space<vmem>>) dst(%dma_wait3A_390 : memref<128x128xf32, #tpu.memory_space<hbm>>)
      %add3A_391 = arith.constant 1024 : i32
      %add3A_392 = arith.addi %mul3A_11, %add3A_391 : i32
      %multiple_of3A_393 = tpu.assume_multiple %add3A_392, 128 : i32
      %dma_start3A_394 = arith.constant 8 : i32
      %dma_start3A_395 = arith.constant 0 : i32
      %dma_start3A_396 = tpu.memref_slice %arg9[%dma_start3A_394, %dma_start3A_395] : memref<18x128xi32, #tpu.memory_space<vmem>> -> memref<1x128xi32, #tpu.memory_space<vmem>>
      %dma_start3A_397 = tpu.memref_squeeze %dma_start3A_396 : memref<1x128xi32, #tpu.memory_space<vmem>> -> memref<128xi32, #tpu.memory_space<vmem>>
      %dma_start3A_398 = arith.constant 0 : i32
      %dma_start3A_399 = arith.constant 0 : i32
      %dma_start3A_400 = tpu.memref_slice %arg3[%dma_start3A_398, %dma_start3A_399] : memref<100000x128xf32, #tpu.memory_space<hbm>> -> memref<100000x128xf32, #tpu.memory_space<hbm>>
      tpu.enqueue_indirect_dma source(%dma_start3A_400 : memref<100000x128xf32, #tpu.memory_space<hbm>>) target(%arg13 : memref<128x128xf32, #tpu.memory_space<vmem>>) offsets(%dma_start3A_397 : memref<128xi32, #tpu.memory_space<vmem>>) semaphore(%arg20 : memref<!tpu.dma_semaphore, #tpu.memory_space<semaphore_mem>>)
      %add3A_401 = arith.constant 768 : i32
      %add3A_402 = arith.addi %mul3A_11, %add3A_401 : i32
      %multiple_of3A_403 = tpu.assume_multiple %add3A_402, 128 : i32
      %dma_wait3A_404 = arith.constant 6 : i32
      %dma_wait3A_405 = arith.constant 0 : i32
      %dma_wait3A_406 = tpu.memref_slice %arg8[%dma_wait3A_404, %dma_wait3A_405] : memref<18x128xi32, #tpu.memory_space<vmem>> -> memref<1x128xi32, #tpu.memory_space<vmem>>
      %dma_wait3A_407 = tpu.memref_squeeze %dma_wait3A_406 : memref<1x128xi32, #tpu.memory_space<vmem>> -> memref<128xi32, #tpu.memory_space<vmem>>
      %dma_wait3A_408 = arith.constant 0 : i32
      %dma_wait3A_409 = arith.constant 0 : i32
      %dma_wait3A_410 = tpu.memref_slice %arg2[%dma_wait3A_408, %dma_wait3A_409] : memref<100000x128xf32, #tpu.memory_space<hbm>> -> memref<100000x128xf32, #tpu.memory_space<hbm>>
      tpu.wait_indirect_dma semaphore(%arg22 : memref<!tpu.dma_semaphore, #tpu.memory_space<semaphore_mem>>) src(%dma_wait3A_410 : memref<100000x128xf32, #tpu.memory_space<hbm>>) dst(%arg15 : memref<128x128xf32, #tpu.memory_space<vmem>>)
      %dma_start3A_411 = arith.constant 0 : i32
      %dma_start3A_412 = tpu.memref_slice %arg6[%multiple_of3A_403, %dma_start3A_411] : memref<51200x128xf32, #tpu.memory_space<hbm>> -> memref<128x128xf32, #tpu.memory_space<hbm>>
      %dma_start3A_413 = arith.constant 0 : i32
      %dma_start3A_414 = tpu.memref_slice %arg6[%multiple_of3A_403, %dma_start3A_413] : memref<51200x128xf32, #tpu.memory_space<hbm>> -> memref<128x128xf32, #tpu.memory_space<hbm>>
      tpu.enqueue_dma source(%arg15 : memref<128x128xf32, #tpu.memory_space<vmem>>) target(%dma_start3A_414 : memref<128x128xf32, #tpu.memory_space<hbm>>) target_semaphore(%arg29 : memref<!tpu.dma_semaphore, #tpu.memory_space<semaphore_mem>>)
      %dma_wait3A_415 = arith.constant 0 : i32
      %dma_wait3A_416 = tpu.memref_slice %arg7[%multiple_of3A_375, %dma_wait3A_415] : memref<51200x128xf32, #tpu.memory_space<hbm>> -> memref<128x128xf32, #tpu.memory_space<hbm>>
      %dma_wait3A_417 = arith.constant 0 : i32
      %dma_wait3A_418 = tpu.memref_slice %arg7[%multiple_of3A_375, %dma_wait3A_417] : memref<51200x128xf32, #tpu.memory_space<hbm>> -> memref<128x128xf32, #tpu.memory_space<hbm>>
      tpu.wait_dma2 semaphore(%arg28 : memref<!tpu.dma_semaphore, #tpu.memory_space<semaphore_mem>>) src(%arg14 : memref<128x128xf32, #tpu.memory_space<vmem>>) dst(%dma_wait3A_418 : memref<128x128xf32, #tpu.memory_space<hbm>>)
      %add3A_419 = arith.constant 1152 : i32
      %add3A_420 = arith.addi %mul3A_11, %add3A_419 : i32
      %multiple_of3A_421 = tpu.assume_multiple %add3A_420, 128 : i32
      %dma_start3A_422 = arith.constant 9 : i32
      %dma_start3A_423 = arith.constant 0 : i32
      %dma_start3A_424 = tpu.memref_slice %arg8[%dma_start3A_422, %dma_start3A_423] : memref<18x128xi32, #tpu.memory_space<vmem>> -> memref<1x128xi32, #tpu.memory_space<vmem>>
      %dma_start3A_425 = tpu.memref_squeeze %dma_start3A_424 : memref<1x128xi32, #tpu.memory_space<vmem>> -> memref<128xi32, #tpu.memory_space<vmem>>
      %dma_start3A_426 = arith.constant 0 : i32
      %dma_start3A_427 = arith.constant 0 : i32
      %dma_start3A_428 = tpu.memref_slice %arg2[%dma_start3A_426, %dma_start3A_427] : memref<100000x128xf32, #tpu.memory_space<hbm>> -> memref<100000x128xf32, #tpu.memory_space<hbm>>
      tpu.enqueue_indirect_dma source(%dma_start3A_428 : memref<100000x128xf32, #tpu.memory_space<hbm>>) target(%arg14 : memref<128x128xf32, #tpu.memory_space<vmem>>) offsets(%dma_start3A_425 : memref<128xi32, #tpu.memory_space<vmem>>) semaphore(%arg21 : memref<!tpu.dma_semaphore, #tpu.memory_space<semaphore_mem>>)
      %add3A_429 = arith.constant 768 : i32
      %add3A_430 = arith.addi %mul3A_11, %add3A_429 : i32
      %multiple_of3A_431 = tpu.assume_multiple %add3A_430, 128 : i32
      %dma_wait3A_432 = arith.constant 6 : i32
      %dma_wait3A_433 = arith.constant 0 : i32
      %dma_wait3A_434 = tpu.memref_slice %arg9[%dma_wait3A_432, %dma_wait3A_433] : memref<18x128xi32, #tpu.memory_space<vmem>> -> memref<1x128xi32, #tpu.memory_space<vmem>>
      %dma_wait3A_435 = tpu.memref_squeeze %dma_wait3A_434 : memref<1x128xi32, #tpu.memory_space<vmem>> -> memref<128xi32, #tpu.memory_space<vmem>>
      %dma_wait3A_436 = arith.constant 0 : i32
      %dma_wait3A_437 = arith.constant 0 : i32
      %dma_wait3A_438 = tpu.memref_slice %arg3[%dma_wait3A_436, %dma_wait3A_437] : memref<100000x128xf32, #tpu.memory_space<hbm>> -> memref<100000x128xf32, #tpu.memory_space<hbm>>
      tpu.wait_indirect_dma semaphore(%arg23 : memref<!tpu.dma_semaphore, #tpu.memory_space<semaphore_mem>>) src(%dma_wait3A_438 : memref<100000x128xf32, #tpu.memory_space<hbm>>) dst(%arg16 : memref<128x128xf32, #tpu.memory_space<vmem>>)
      %dma_start3A_439 = arith.constant 0 : i32
      %dma_start3A_440 = tpu.memref_slice %arg7[%multiple_of3A_431, %dma_start3A_439] : memref<51200x128xf32, #tpu.memory_space<hbm>> -> memref<128x128xf32, #tpu.memory_space<hbm>>
      %dma_start3A_441 = arith.constant 0 : i32
      %dma_start3A_442 = tpu.memref_slice %arg7[%multiple_of3A_431, %dma_start3A_441] : memref<51200x128xf32, #tpu.memory_space<hbm>> -> memref<128x128xf32, #tpu.memory_space<hbm>>
      tpu.enqueue_dma source(%arg16 : memref<128x128xf32, #tpu.memory_space<vmem>>) target(%dma_start3A_442 : memref<128x128xf32, #tpu.memory_space<hbm>>) target_semaphore(%arg30 : memref<!tpu.dma_semaphore, #tpu.memory_space<semaphore_mem>>)
      %dma_wait3A_443 = arith.constant 0 : i32
      %dma_wait3A_444 = tpu.memref_slice %arg6[%multiple_of3A_403, %dma_wait3A_443] : memref<51200x128xf32, #tpu.memory_space<hbm>> -> memref<128x128xf32, #tpu.memory_space<hbm>>
      %dma_wait3A_445 = arith.constant 0 : i32
      %dma_wait3A_446 = tpu.memref_slice %arg6[%multiple_of3A_403, %dma_wait3A_445] : memref<51200x128xf32, #tpu.memory_space<hbm>> -> memref<128x128xf32, #tpu.memory_space<hbm>>
      tpu.wait_dma2 semaphore(%arg29 : memref<!tpu.dma_semaphore, #tpu.memory_space<semaphore_mem>>) src(%arg15 : memref<128x128xf32, #tpu.memory_space<vmem>>) dst(%dma_wait3A_446 : memref<128x128xf32, #tpu.memory_space<hbm>>)
      %add3A_447 = arith.constant 1152 : i32
      %add3A_448 = arith.addi %mul3A_11, %add3A_447 : i32
      %multiple_of3A_449 = tpu.assume_multiple %add3A_448, 128 : i32
      %dma_start3A_450 = arith.constant 9 : i32
      %dma_start3A_451 = arith.constant 0 : i32
      %dma_start3A_452 = tpu.memref_slice %arg9[%dma_start3A_450, %dma_start3A_451] : memref<18x128xi32, #tpu.memory_space<vmem>> -> memref<1x128xi32, #tpu.memory_space<vmem>>
      %dma_start3A_453 = tpu.memref_squeeze %dma_start3A_452 : memref<1x128xi32, #tpu.memory_space<vmem>> -> memref<128xi32, #tpu.memory_space<vmem>>
      %dma_start3A_454 = arith.constant 0 : i32
      %dma_start3A_455 = arith.constant 0 : i32
      %dma_start3A_456 = tpu.memref_slice %arg3[%dma_start3A_454, %dma_start3A_455] : memref<100000x128xf32, #tpu.memory_space<hbm>> -> memref<100000x128xf32, #tpu.memory_space<hbm>>
      tpu.enqueue_indirect_dma source(%dma_start3A_456 : memref<100000x128xf32, #tpu.memory_space<hbm>>) target(%arg15 : memref<128x128xf32, #tpu.memory_space<vmem>>) offsets(%dma_start3A_453 : memref<128xi32, #tpu.memory_space<vmem>>) semaphore(%arg22 : memref<!tpu.dma_semaphore, #tpu.memory_space<semaphore_mem>>)
      %add3A_457 = arith.constant 896 : i32
      %add3A_458 = arith.addi %mul3A_11, %add3A_457 : i32
      %multiple_of3A_459 = tpu.assume_multiple %add3A_458, 128 : i32
      %dma_wait3A_460 = arith.constant 7 : i32
      %dma_wait3A_461 = arith.constant 0 : i32
      %dma_wait3A_462 = tpu.memref_slice %arg8[%dma_wait3A_460, %dma_wait3A_461] : memref<18x128xi32, #tpu.memory_space<vmem>> -> memref<1x128xi32, #tpu.memory_space<vmem>>
      %dma_wait3A_463 = tpu.memref_squeeze %dma_wait3A_462 : memref<1x128xi32, #tpu.memory_space<vmem>> -> memref<128xi32, #tpu.memory_space<vmem>>
      %dma_wait3A_464 = arith.constant 0 : i32
      %dma_wait3A_465 = arith.constant 0 : i32
      %dma_wait3A_466 = tpu.memref_slice %arg2[%dma_wait3A_464, %dma_wait3A_465] : memref<100000x128xf32, #tpu.memory_space<hbm>> -> memref<100000x128xf32, #tpu.memory_space<hbm>>
      tpu.wait_indirect_dma semaphore(%arg17 : memref<!tpu.dma_semaphore, #tpu.memory_space<semaphore_mem>>) src(%dma_wait3A_466 : memref<100000x128xf32, #tpu.memory_space<hbm>>) dst(%arg10 : memref<128x128xf32, #tpu.memory_space<vmem>>)
      %dma_start3A_467 = arith.constant 0 : i32
      %dma_start3A_468 = tpu.memref_slice %arg6[%multiple_of3A_459, %dma_start3A_467] : memref<51200x128xf32, #tpu.memory_space<hbm>> -> memref<128x128xf32, #tpu.memory_space<hbm>>
      %dma_start3A_469 = arith.constant 0 : i32
      %dma_start3A_470 = tpu.memref_slice %arg6[%multiple_of3A_459, %dma_start3A_469] : memref<51200x128xf32, #tpu.memory_space<hbm>> -> memref<128x128xf32, #tpu.memory_space<hbm>>
      tpu.enqueue_dma source(%arg10 : memref<128x128xf32, #tpu.memory_space<vmem>>) target(%dma_start3A_470 : memref<128x128xf32, #tpu.memory_space<hbm>>) target_semaphore(%arg24 : memref<!tpu.dma_semaphore, #tpu.memory_space<semaphore_mem>>)
      %dma_wait3A_471 = arith.constant 0 : i32
      %dma_wait3A_472 = tpu.memref_slice %arg7[%multiple_of3A_431, %dma_wait3A_471] : memref<51200x128xf32, #tpu.memory_space<hbm>> -> memref<128x128xf32, #tpu.memory_space<hbm>>
      %dma_wait3A_473 = arith.constant 0 : i32
      %dma_wait3A_474 = tpu.memref_slice %arg7[%multiple_of3A_431, %dma_wait3A_473] : memref<51200x128xf32, #tpu.memory_space<hbm>> -> memref<128x128xf32, #tpu.memory_space<hbm>>
      tpu.wait_dma2 semaphore(%arg30 : memref<!tpu.dma_semaphore, #tpu.memory_space<semaphore_mem>>) src(%arg16 : memref<128x128xf32, #tpu.memory_space<vmem>>) dst(%dma_wait3A_474 : memref<128x128xf32, #tpu.memory_space<hbm>>)
      %add3A_475 = arith.constant 1280 : i32
      %add3A_476 = arith.addi %mul3A_11, %add3A_475 : i32
      %multiple_of3A_477 = tpu.assume_multiple %add3A_476, 128 : i32
      %dma_start3A_478 = arith.constant 10 : i32
      %dma_start3A_479 = arith.constant 0 : i32
      %dma_start3A_480 = tpu.memref_slice %arg8[%dma_start3A_478, %dma_start3A_479] : memref<18x128xi32, #tpu.memory_space<vmem>> -> memref<1x128xi32, #tpu.memory_space<vmem>>
      %dma_start3A_481 = tpu.memref_squeeze %dma_start3A_480 : memref<1x128xi32, #tpu.memory_space<vmem>> -> memref<128xi32, #tpu.memory_space<vmem>>
      %dma_start3A_482 = arith.constant 0 : i32
      %dma_start3A_483 = arith.constant 0 : i32
      %dma_start3A_484 = tpu.memref_slice %arg2[%dma_start3A_482, %dma_start3A_483] : memref<100000x128xf32, #tpu.memory_space<hbm>> -> memref<100000x128xf32, #tpu.memory_space<hbm>>
      tpu.enqueue_indirect_dma source(%dma_start3A_484 : memref<100000x128xf32, #tpu.memory_space<hbm>>) target(%arg16 : memref<128x128xf32, #tpu.memory_space<vmem>>) offsets(%dma_start3A_481 : memref<128xi32, #tpu.memory_space<vmem>>) semaphore(%arg23 : memref<!tpu.dma_semaphore, #tpu.memory_space<semaphore_mem>>)
      %add3A_485 = arith.constant 896 : i32
      %add3A_486 = arith.addi %mul3A_11, %add3A_485 : i32
      %multiple_of3A_487 = tpu.assume_multiple %add3A_486, 128 : i32
      %dma_wait3A_488 = arith.constant 7 : i32
      %dma_wait3A_489 = arith.constant 0 : i32
      %dma_wait3A_490 = tpu.memref_slice %arg9[%dma_wait3A_488, %dma_wait3A_489] : memref<18x128xi32, #tpu.memory_space<vmem>> -> memref<1x128xi32, #tpu.memory_space<vmem>>
      %dma_wait3A_491 = tpu.memref_squeeze %dma_wait3A_490 : memref<1x128xi32, #tpu.memory_space<vmem>> -> memref<128xi32, #tpu.memory_space<vmem>>
      %dma_wait3A_492 = arith.constant 0 : i32
      %dma_wait3A_493 = arith.constant 0 : i32
      %dma_wait3A_494 = tpu.memref_slice %arg3[%dma_wait3A_492, %dma_wait3A_493] : memref<100000x128xf32, #tpu.memory_space<hbm>> -> memref<100000x128xf32, #tpu.memory_space<hbm>>
      tpu.wait_indirect_dma semaphore(%arg18 : memref<!tpu.dma_semaphore, #tpu.memory_space<semaphore_mem>>) src(%dma_wait3A_494 : memref<100000x128xf32, #tpu.memory_space<hbm>>) dst(%arg11 : memref<128x128xf32, #tpu.memory_space<vmem>>)
      %dma_start3A_495 = arith.constant 0 : i32
      %dma_start3A_496 = tpu.memref_slice %arg7[%multiple_of3A_487, %dma_start3A_495] : memref<51200x128xf32, #tpu.memory_space<hbm>> -> memref<128x128xf32, #tpu.memory_space<hbm>>
      %dma_start3A_497 = arith.constant 0 : i32
      %dma_start3A_498 = tpu.memref_slice %arg7[%multiple_of3A_487, %dma_start3A_497] : memref<51200x128xf32, #tpu.memory_space<hbm>> -> memref<128x128xf32, #tpu.memory_space<hbm>>
      tpu.enqueue_dma source(%arg11 : memref<128x128xf32, #tpu.memory_space<vmem>>) target(%dma_start3A_498 : memref<128x128xf32, #tpu.memory_space<hbm>>) target_semaphore(%arg25 : memref<!tpu.dma_semaphore, #tpu.memory_space<semaphore_mem>>)
      %dma_wait3A_499 = arith.constant 0 : i32
      %dma_wait3A_500 = tpu.memref_slice %arg6[%multiple_of3A_459, %dma_wait3A_499] : memref<51200x128xf32, #tpu.memory_space<hbm>> -> memref<128x128xf32, #tpu.memory_space<hbm>>
      %dma_wait3A_501 = arith.constant 0 : i32
      %dma_wait3A_502 = tpu.memref_slice %arg6[%multiple_of3A_459, %dma_wait3A_501] : memref<51200x128xf32, #tpu.memory_space<hbm>> -> memref<128x128xf32, #tpu.memory_space<hbm>>
      tpu.wait_dma2 semaphore(%arg24 : memref<!tpu.dma_semaphore, #tpu.memory_space<semaphore_mem>>) src(%arg10 : memref<128x128xf32, #tpu.memory_space<vmem>>) dst(%dma_wait3A_502 : memref<128x128xf32, #tpu.memory_space<hbm>>)
      %add3A_503 = arith.constant 1280 : i32
      %add3A_504 = arith.addi %mul3A_11, %add3A_503 : i32
      %multiple_of3A_505 = tpu.assume_multiple %add3A_504, 128 : i32
      %dma_start3A_506 = arith.constant 10 : i32
      %dma_start3A_507 = arith.constant 0 : i32
      %dma_start3A_508 = tpu.memref_slice %arg9[%dma_start3A_506, %dma_start3A_507] : memref<18x128xi32, #tpu.memory_space<vmem>> -> memref<1x128xi32, #tpu.memory_space<vmem>>
      %dma_start3A_509 = tpu.memref_squeeze %dma_start3A_508 : memref<1x128xi32, #tpu.memory_space<vmem>> -> memref<128xi32, #tpu.memory_space<vmem>>
      %dma_start3A_510 = arith.constant 0 : i32
      %dma_start3A_511 = arith.constant 0 : i32
      %dma_start3A_512 = tpu.memref_slice %arg3[%dma_start3A_510, %dma_start3A_511] : memref<100000x128xf32, #tpu.memory_space<hbm>> -> memref<100000x128xf32, #tpu.memory_space<hbm>>
      tpu.enqueue_indirect_dma source(%dma_start3A_512 : memref<100000x128xf32, #tpu.memory_space<hbm>>) target(%arg10 : memref<128x128xf32, #tpu.memory_space<vmem>>) offsets(%dma_start3A_509 : memref<128xi32, #tpu.memory_space<vmem>>) semaphore(%arg17 : memref<!tpu.dma_semaphore, #tpu.memory_space<semaphore_mem>>)
      %add3A_513 = arith.constant 1024 : i32
      %add3A_514 = arith.addi %mul3A_11, %add3A_513 : i32
      %multiple_of3A_515 = tpu.assume_multiple %add3A_514, 128 : i32
      %dma_wait3A_516 = arith.constant 8 : i32
      %dma_wait3A_517 = arith.constant 0 : i32
      %dma_wait3A_518 = tpu.memref_slice %arg8[%dma_wait3A_516, %dma_wait3A_517] : memref<18x128xi32, #tpu.memory_space<vmem>> -> memref<1x128xi32, #tpu.memory_space<vmem>>
      %dma_wait3A_519 = tpu.memref_squeeze %dma_wait3A_518 : memref<1x128xi32, #tpu.memory_space<vmem>> -> memref<128xi32, #tpu.memory_space<vmem>>
      %dma_wait3A_520 = arith.constant 0 : i32
      %dma_wait3A_521 = arith.constant 0 : i32
      %dma_wait3A_522 = tpu.memref_slice %arg2[%dma_wait3A_520, %dma_wait3A_521] : memref<100000x128xf32, #tpu.memory_space<hbm>> -> memref<100000x128xf32, #tpu.memory_space<hbm>>
      tpu.wait_indirect_dma semaphore(%arg19 : memref<!tpu.dma_semaphore, #tpu.memory_space<semaphore_mem>>) src(%dma_wait3A_522 : memref<100000x128xf32, #tpu.memory_space<hbm>>) dst(%arg12 : memref<128x128xf32, #tpu.memory_space<vmem>>)
      %dma_start3A_523 = arith.constant 0 : i32
      %dma_start3A_524 = tpu.memref_slice %arg6[%multiple_of3A_515, %dma_start3A_523] : memref<51200x128xf32, #tpu.memory_space<hbm>> -> memref<128x128xf32, #tpu.memory_space<hbm>>
      %dma_start3A_525 = arith.constant 0 : i32
      %dma_start3A_526 = tpu.memref_slice %arg6[%multiple_of3A_515, %dma_start3A_525] : memref<51200x128xf32, #tpu.memory_space<hbm>> -> memref<128x128xf32, #tpu.memory_space<hbm>>
      tpu.enqueue_dma source(%arg12 : memref<128x128xf32, #tpu.memory_space<vmem>>) target(%dma_start3A_526 : memref<128x128xf32, #tpu.memory_space<hbm>>) target_semaphore(%arg26 : memref<!tpu.dma_semaphore, #tpu.memory_space<semaphore_mem>>)
      %dma_wait3A_527 = arith.constant 0 : i32
      %dma_wait3A_528 = tpu.memref_slice %arg7[%multiple_of3A_487, %dma_wait3A_527] : memref<51200x128xf32, #tpu.memory_space<hbm>> -> memref<128x128xf32, #tpu.memory_space<hbm>>
      %dma_wait3A_529 = arith.constant 0 : i32
      %dma_wait3A_530 = tpu.memref_slice %arg7[%multiple_of3A_487, %dma_wait3A_529] : memref<51200x128xf32, #tpu.memory_space<hbm>> -> memref<128x128xf32, #tpu.memory_space<hbm>>
      tpu.wait_dma2 semaphore(%arg25 : memref<!tpu.dma_semaphore, #tpu.memory_space<semaphore_mem>>) src(%arg11 : memref<128x128xf32, #tpu.memory_space<vmem>>) dst(%dma_wait3A_530 : memref<128x128xf32, #tpu.memory_space<hbm>>)
      %add3A_531 = arith.constant 1408 : i32
      %add3A_532 = arith.addi %mul3A_11, %add3A_531 : i32
      %multiple_of3A_533 = tpu.assume_multiple %add3A_532, 128 : i32
      %dma_start3A_534 = arith.constant 11 : i32
      %dma_start3A_535 = arith.constant 0 : i32
      %dma_start3A_536 = tpu.memref_slice %arg8[%dma_start3A_534, %dma_start3A_535] : memref<18x128xi32, #tpu.memory_space<vmem>> -> memref<1x128xi32, #tpu.memory_space<vmem>>
      %dma_start3A_537 = tpu.memref_squeeze %dma_start3A_536 : memref<1x128xi32, #tpu.memory_space<vmem>> -> memref<128xi32, #tpu.memory_space<vmem>>
      %dma_start3A_538 = arith.constant 0 : i32
      %dma_start3A_539 = arith.constant 0 : i32
      %dma_start3A_540 = tpu.memref_slice %arg2[%dma_start3A_538, %dma_start3A_539] : memref<100000x128xf32, #tpu.memory_space<hbm>> -> memref<100000x128xf32, #tpu.memory_space<hbm>>
      tpu.enqueue_indirect_dma source(%dma_start3A_540 : memref<100000x128xf32, #tpu.memory_space<hbm>>) target(%arg11 : memref<128x128xf32, #tpu.memory_space<vmem>>) offsets(%dma_start3A_537 : memref<128xi32, #tpu.memory_space<vmem>>) semaphore(%arg18 : memref<!tpu.dma_semaphore, #tpu.memory_space<semaphore_mem>>)
      %add3A_541 = arith.constant 1024 : i32
      %add3A_542 = arith.addi %mul3A_11, %add3A_541 : i32
      %multiple_of3A_543 = tpu.assume_multiple %add3A_542, 128 : i32
      %dma_wait3A_544 = arith.constant 8 : i32
      %dma_wait3A_545 = arith.constant 0 : i32
      %dma_wait3A_546 = tpu.memref_slice %arg9[%dma_wait3A_544, %dma_wait3A_545] : memref<18x128xi32, #tpu.memory_space<vmem>> -> memref<1x128xi32, #tpu.memory_space<vmem>>
      %dma_wait3A_547 = tpu.memref_squeeze %dma_wait3A_546 : memref<1x128xi32, #tpu.memory_space<vmem>> -> memref<128xi32, #tpu.memory_space<vmem>>
      %dma_wait3A_548 = arith.constant 0 : i32
      %dma_wait3A_549 = arith.constant 0 : i32
      %dma_wait3A_550 = tpu.memref_slice %arg3[%dma_wait3A_548, %dma_wait3A_549] : memref<100000x128xf32, #tpu.memory_space<hbm>> -> memref<100000x128xf32, #tpu.memory_space<hbm>>
      tpu.wait_indirect_dma semaphore(%arg20 : memref<!tpu.dma_semaphore, #tpu.memory_space<semaphore_mem>>) src(%dma_wait3A_550 : memref<100000x128xf32, #tpu.memory_space<hbm>>) dst(%arg13 : memref<128x128xf32, #tpu.memory_space<vmem>>)
      %dma_start3A_551 = arith.constant 0 : i32
      %dma_start3A_552 = tpu.memref_slice %arg7[%multiple_of3A_543, %dma_start3A_551] : memref<51200x128xf32, #tpu.memory_space<hbm>> -> memref<128x128xf32, #tpu.memory_space<hbm>>
      %dma_start3A_553 = arith.constant 0 : i32
      %dma_start3A_554 = tpu.memref_slice %arg7[%multiple_of3A_543, %dma_start3A_553] : memref<51200x128xf32, #tpu.memory_space<hbm>> -> memref<128x128xf32, #tpu.memory_space<hbm>>
      tpu.enqueue_dma source(%arg13 : memref<128x128xf32, #tpu.memory_space<vmem>>) target(%dma_start3A_554 : memref<128x128xf32, #tpu.memory_space<hbm>>) target_semaphore(%arg27 : memref<!tpu.dma_semaphore, #tpu.memory_space<semaphore_mem>>)
      %dma_wait3A_555 = arith.constant 0 : i32
      %dma_wait3A_556 = tpu.memref_slice %arg6[%multiple_of3A_515, %dma_wait3A_555] : memref<51200x128xf32, #tpu.memory_space<hbm>> -> memref<128x128xf32, #tpu.memory_space<hbm>>
      %dma_wait3A_557 = arith.constant 0 : i32
      %dma_wait3A_558 = tpu.memref_slice %arg6[%multiple_of3A_515, %dma_wait3A_557] : memref<51200x128xf32, #tpu.memory_space<hbm>> -> memref<128x128xf32, #tpu.memory_space<hbm>>
      tpu.wait_dma2 semaphore(%arg26 : memref<!tpu.dma_semaphore, #tpu.memory_space<semaphore_mem>>) src(%arg12 : memref<128x128xf32, #tpu.memory_space<vmem>>) dst(%dma_wait3A_558 : memref<128x128xf32, #tpu.memory_space<hbm>>)
      %add3A_559 = arith.constant 1408 : i32
      %add3A_560 = arith.addi %mul3A_11, %add3A_559 : i32
      %multiple_of3A_561 = tpu.assume_multiple %add3A_560, 128 : i32
      %dma_start3A_562 = arith.constant 11 : i32
      %dma_start3A_563 = arith.constant 0 : i32
      %dma_start3A_564 = tpu.memref_slice %arg9[%dma_start3A_562, %dma_start3A_563] : memref<18x128xi32, #tpu.memory_space<vmem>> -> memref<1x128xi32, #tpu.memory_space<vmem>>
      %dma_start3A_565 = tpu.memref_squeeze %dma_start3A_564 : memref<1x128xi32, #tpu.memory_space<vmem>> -> memref<128xi32, #tpu.memory_space<vmem>>
      %dma_start3A_566 = arith.constant 0 : i32
      %dma_start3A_567 = arith.constant 0 : i32
      %dma_start3A_568 = tpu.memref_slice %arg3[%dma_start3A_566, %dma_start3A_567] : memref<100000x128xf32, #tpu.memory_space<hbm>> -> memref<100000x128xf32, #tpu.memory_space<hbm>>
      tpu.enqueue_indirect_dma source(%dma_start3A_568 : memref<100000x128xf32, #tpu.memory_space<hbm>>) target(%arg12 : memref<128x128xf32, #tpu.memory_space<vmem>>) offsets(%dma_start3A_565 : memref<128xi32, #tpu.memory_space<vmem>>) semaphore(%arg19 : memref<!tpu.dma_semaphore, #tpu.memory_space<semaphore_mem>>)
      %add3A_569 = arith.constant 1152 : i32
      %add3A_570 = arith.addi %mul3A_11, %add3A_569 : i32
      %multiple_of3A_571 = tpu.assume_multiple %add3A_570, 128 : i32
      %dma_wait3A_572 = arith.constant 9 : i32
      %dma_wait3A_573 = arith.constant 0 : i32
      %dma_wait3A_574 = tpu.memref_slice %arg8[%dma_wait3A_572, %dma_wait3A_573] : memref<18x128xi32, #tpu.memory_space<vmem>> -> memref<1x128xi32, #tpu.memory_space<vmem>>
      %dma_wait3A_575 = tpu.memref_squeeze %dma_wait3A_574 : memref<1x128xi32, #tpu.memory_space<vmem>> -> memref<128xi32, #tpu.memory_space<vmem>>
      %dma_wait3A_576 = arith.constant 0 : i32
      %dma_wait3A_577 = arith.constant 0 : i32
      %dma_wait3A_578 = tpu.memref_slice %arg2[%dma_wait3A_576, %dma_wait3A_577] : memref<100000x128xf32, #tpu.memory_space<hbm>> -> memref<100000x128xf32, #tpu.memory_space<hbm>>
      tpu.wait_indirect_dma semaphore(%arg21 : memref<!tpu.dma_semaphore, #tpu.memory_space<semaphore_mem>>) src(%dma_wait3A_578 : memref<100000x128xf32, #tpu.memory_space<hbm>>) dst(%arg14 : memref<128x128xf32, #tpu.memory_space<vmem>>)
      %dma_start3A_579 = arith.constant 0 : i32
      %dma_start3A_580 = tpu.memref_slice %arg6[%multiple_of3A_571, %dma_start3A_579] : memref<51200x128xf32, #tpu.memory_space<hbm>> -> memref<128x128xf32, #tpu.memory_space<hbm>>
      %dma_start3A_581 = arith.constant 0 : i32
      %dma_start3A_582 = tpu.memref_slice %arg6[%multiple_of3A_571, %dma_start3A_581] : memref<51200x128xf32, #tpu.memory_space<hbm>> -> memref<128x128xf32, #tpu.memory_space<hbm>>
      tpu.enqueue_dma source(%arg14 : memref<128x128xf32, #tpu.memory_space<vmem>>) target(%dma_start3A_582 : memref<128x128xf32, #tpu.memory_space<hbm>>) target_semaphore(%arg28 : memref<!tpu.dma_semaphore, #tpu.memory_space<semaphore_mem>>)
      %dma_wait3A_583 = arith.constant 0 : i32
      %dma_wait3A_584 = tpu.memref_slice %arg7[%multiple_of3A_543, %dma_wait3A_583] : memref<51200x128xf32, #tpu.memory_space<hbm>> -> memref<128x128xf32, #tpu.memory_space<hbm>>
      %dma_wait3A_585 = arith.constant 0 : i32
      %dma_wait3A_586 = tpu.memref_slice %arg7[%multiple_of3A_543, %dma_wait3A_585] : memref<51200x128xf32, #tpu.memory_space<hbm>> -> memref<128x128xf32, #tpu.memory_space<hbm>>
      tpu.wait_dma2 semaphore(%arg27 : memref<!tpu.dma_semaphore, #tpu.memory_space<semaphore_mem>>) src(%arg13 : memref<128x128xf32, #tpu.memory_space<vmem>>) dst(%dma_wait3A_586 : memref<128x128xf32, #tpu.memory_space<hbm>>)
      %add3A_587 = arith.constant 1536 : i32
      %add3A_588 = arith.addi %mul3A_11, %add3A_587 : i32
      %multiple_of3A_589 = tpu.assume_multiple %add3A_588, 128 : i32
      %dma_start3A_590 = arith.constant 12 : i32
      %dma_start3A_591 = arith.constant 0 : i32
      %dma_start3A_592 = tpu.memref_slice %arg8[%dma_start3A_590, %dma_start3A_591] : memref<18x128xi32, #tpu.memory_space<vmem>> -> memref<1x128xi32, #tpu.memory_space<vmem>>
      %dma_start3A_593 = tpu.memref_squeeze %dma_start3A_592 : memref<1x128xi32, #tpu.memory_space<vmem>> -> memref<128xi32, #tpu.memory_space<vmem>>
      %dma_start3A_594 = arith.constant 0 : i32
      %dma_start3A_595 = arith.constant 0 : i32
      %dma_start3A_596 = tpu.memref_slice %arg2[%dma_start3A_594, %dma_start3A_595] : memref<100000x128xf32, #tpu.memory_space<hbm>> -> memref<100000x128xf32, #tpu.memory_space<hbm>>
      tpu.enqueue_indirect_dma source(%dma_start3A_596 : memref<100000x128xf32, #tpu.memory_space<hbm>>) target(%arg13 : memref<128x128xf32, #tpu.memory_space<vmem>>) offsets(%dma_start3A_593 : memref<128xi32, #tpu.memory_space<vmem>>) semaphore(%arg20 : memref<!tpu.dma_semaphore, #tpu.memory_space<semaphore_mem>>)
      %add3A_597 = arith.constant 1152 : i32
      %add3A_598 = arith.addi %mul3A_11, %add3A_597 : i32
      %multiple_of3A_599 = tpu.assume_multiple %add3A_598, 128 : i32
      %dma_wait3A_600 = arith.constant 9 : i32
      %dma_wait3A_601 = arith.constant 0 : i32
      %dma_wait3A_602 = tpu.memref_slice %arg9[%dma_wait3A_600, %dma_wait3A_601] : memref<18x128xi32, #tpu.memory_space<vmem>> -> memref<1x128xi32, #tpu.memory_space<vmem>>
      %dma_wait3A_603 = tpu.memref_squeeze %dma_wait3A_602 : memref<1x128xi32, #tpu.memory_space<vmem>> -> memref<128xi32, #tpu.memory_space<vmem>>
      %dma_wait3A_604 = arith.constant 0 : i32
      %dma_wait3A_605 = arith.constant 0 : i32
      %dma_wait3A_606 = tpu.memref_slice %arg3[%dma_wait3A_604, %dma_wait3A_605] : memref<100000x128xf32, #tpu.memory_space<hbm>> -> memref<100000x128xf32, #tpu.memory_space<hbm>>
      tpu.wait_indirect_dma semaphore(%arg22 : memref<!tpu.dma_semaphore, #tpu.memory_space<semaphore_mem>>) src(%dma_wait3A_606 : memref<100000x128xf32, #tpu.memory_space<hbm>>) dst(%arg15 : memref<128x128xf32, #tpu.memory_space<vmem>>)
      %dma_start3A_607 = arith.constant 0 : i32
      %dma_start3A_608 = tpu.memref_slice %arg7[%multiple_of3A_599, %dma_start3A_607] : memref<51200x128xf32, #tpu.memory_space<hbm>> -> memref<128x128xf32, #tpu.memory_space<hbm>>
      %dma_start3A_609 = arith.constant 0 : i32
      %dma_start3A_610 = tpu.memref_slice %arg7[%multiple_of3A_599, %dma_start3A_609] : memref<51200x128xf32, #tpu.memory_space<hbm>> -> memref<128x128xf32, #tpu.memory_space<hbm>>
      tpu.enqueue_dma source(%arg15 : memref<128x128xf32, #tpu.memory_space<vmem>>) target(%dma_start3A_610 : memref<128x128xf32, #tpu.memory_space<hbm>>) target_semaphore(%arg29 : memref<!tpu.dma_semaphore, #tpu.memory_space<semaphore_mem>>)
      %dma_wait3A_611 = arith.constant 0 : i32
      %dma_wait3A_612 = tpu.memref_slice %arg6[%multiple_of3A_571, %dma_wait3A_611] : memref<51200x128xf32, #tpu.memory_space<hbm>> -> memref<128x128xf32, #tpu.memory_space<hbm>>
      %dma_wait3A_613 = arith.constant 0 : i32
      %dma_wait3A_614 = tpu.memref_slice %arg6[%multiple_of3A_571, %dma_wait3A_613] : memref<51200x128xf32, #tpu.memory_space<hbm>> -> memref<128x128xf32, #tpu.memory_space<hbm>>
      tpu.wait_dma2 semaphore(%arg28 : memref<!tpu.dma_semaphore, #tpu.memory_space<semaphore_mem>>) src(%arg14 : memref<128x128xf32, #tpu.memory_space<vmem>>) dst(%dma_wait3A_614 : memref<128x128xf32, #tpu.memory_space<hbm>>)
      %add3A_615 = arith.constant 1536 : i32
      %add3A_616 = arith.addi %mul3A_11, %add3A_615 : i32
      %multiple_of3A_617 = tpu.assume_multiple %add3A_616, 128 : i32
      %dma_start3A_618 = arith.constant 12 : i32
      %dma_start3A_619 = arith.constant 0 : i32
      %dma_start3A_620 = tpu.memref_slice %arg9[%dma_start3A_618, %dma_start3A_619] : memref<18x128xi32, #tpu.memory_space<vmem>> -> memref<1x128xi32, #tpu.memory_space<vmem>>
      %dma_start3A_621 = tpu.memref_squeeze %dma_start3A_620 : memref<1x128xi32, #tpu.memory_space<vmem>> -> memref<128xi32, #tpu.memory_space<vmem>>
      %dma_start3A_622 = arith.constant 0 : i32
      %dma_start3A_623 = arith.constant 0 : i32
      %dma_start3A_624 = tpu.memref_slice %arg3[%dma_start3A_622, %dma_start3A_623] : memref<100000x128xf32, #tpu.memory_space<hbm>> -> memref<100000x128xf32, #tpu.memory_space<hbm>>
      tpu.enqueue_indirect_dma source(%dma_start3A_624 : memref<100000x128xf32, #tpu.memory_space<hbm>>) target(%arg14 : memref<128x128xf32, #tpu.memory_space<vmem>>) offsets(%dma_start3A_621 : memref<128xi32, #tpu.memory_space<vmem>>) semaphore(%arg21 : memref<!tpu.dma_semaphore, #tpu.memory_space<semaphore_mem>>)
      %add3A_625 = arith.constant 1280 : i32
      %add3A_626 = arith.addi %mul3A_11, %add3A_625 : i32
      %multiple_of3A_627 = tpu.assume_multiple %add3A_626, 128 : i32
      %dma_wait3A_628 = arith.constant 10 : i32
      %dma_wait3A_629 = arith.constant 0 : i32
      %dma_wait3A_630 = tpu.memref_slice %arg8[%dma_wait3A_628, %dma_wait3A_629] : memref<18x128xi32, #tpu.memory_space<vmem>> -> memref<1x128xi32, #tpu.memory_space<vmem>>
      %dma_wait3A_631 = tpu.memref_squeeze %dma_wait3A_630 : memref<1x128xi32, #tpu.memory_space<vmem>> -> memref<128xi32, #tpu.memory_space<vmem>>
      %dma_wait3A_632 = arith.constant 0 : i32
      %dma_wait3A_633 = arith.constant 0 : i32
      %dma_wait3A_634 = tpu.memref_slice %arg2[%dma_wait3A_632, %dma_wait3A_633] : memref<100000x128xf32, #tpu.memory_space<hbm>> -> memref<100000x128xf32, #tpu.memory_space<hbm>>
      tpu.wait_indirect_dma semaphore(%arg23 : memref<!tpu.dma_semaphore, #tpu.memory_space<semaphore_mem>>) src(%dma_wait3A_634 : memref<100000x128xf32, #tpu.memory_space<hbm>>) dst(%arg16 : memref<128x128xf32, #tpu.memory_space<vmem>>)
      %dma_start3A_635 = arith.constant 0 : i32
      %dma_start3A_636 = tpu.memref_slice %arg6[%multiple_of3A_627, %dma_start3A_635] : memref<51200x128xf32, #tpu.memory_space<hbm>> -> memref<128x128xf32, #tpu.memory_space<hbm>>
      %dma_start3A_637 = arith.constant 0 : i32
      %dma_start3A_638 = tpu.memref_slice %arg6[%multiple_of3A_627, %dma_start3A_637] : memref<51200x128xf32, #tpu.memory_space<hbm>> -> memref<128x128xf32, #tpu.memory_space<hbm>>
      tpu.enqueue_dma source(%arg16 : memref<128x128xf32, #tpu.memory_space<vmem>>) target(%dma_start3A_638 : memref<128x128xf32, #tpu.memory_space<hbm>>) target_semaphore(%arg30 : memref<!tpu.dma_semaphore, #tpu.memory_space<semaphore_mem>>)
      %dma_wait3A_639 = arith.constant 0 : i32
      %dma_wait3A_640 = tpu.memref_slice %arg7[%multiple_of3A_599, %dma_wait3A_639] : memref<51200x128xf32, #tpu.memory_space<hbm>> -> memref<128x128xf32, #tpu.memory_space<hbm>>
      %dma_wait3A_641 = arith.constant 0 : i32
      %dma_wait3A_642 = tpu.memref_slice %arg7[%multiple_of3A_599, %dma_wait3A_641] : memref<51200x128xf32, #tpu.memory_space<hbm>> -> memref<128x128xf32, #tpu.memory_space<hbm>>
      tpu.wait_dma2 semaphore(%arg29 : memref<!tpu.dma_semaphore, #tpu.memory_space<semaphore_mem>>) src(%arg15 : memref<128x128xf32, #tpu.memory_space<vmem>>) dst(%dma_wait3A_642 : memref<128x128xf32, #tpu.memory_space<hbm>>)
      %add3A_643 = arith.constant 1664 : i32
      %add3A_644 = arith.addi %mul3A_11, %add3A_643 : i32
      %multiple_of3A_645 = tpu.assume_multiple %add3A_644, 128 : i32
      %dma_start3A_646 = arith.constant 13 : i32
      %dma_start3A_647 = arith.constant 0 : i32
      %dma_start3A_648 = tpu.memref_slice %arg8[%dma_start3A_646, %dma_start3A_647] : memref<18x128xi32, #tpu.memory_space<vmem>> -> memref<1x128xi32, #tpu.memory_space<vmem>>
      %dma_start3A_649 = tpu.memref_squeeze %dma_start3A_648 : memref<1x128xi32, #tpu.memory_space<vmem>> -> memref<128xi32, #tpu.memory_space<vmem>>
      %dma_start3A_650 = arith.constant 0 : i32
      %dma_start3A_651 = arith.constant 0 : i32
      %dma_start3A_652 = tpu.memref_slice %arg2[%dma_start3A_650, %dma_start3A_651] : memref<100000x128xf32, #tpu.memory_space<hbm>> -> memref<100000x128xf32, #tpu.memory_space<hbm>>
      tpu.enqueue_indirect_dma source(%dma_start3A_652 : memref<100000x128xf32, #tpu.memory_space<hbm>>) target(%arg15 : memref<128x128xf32, #tpu.memory_space<vmem>>) offsets(%dma_start3A_649 : memref<128xi32, #tpu.memory_space<vmem>>) semaphore(%arg22 : memref<!tpu.dma_semaphore, #tpu.memory_space<semaphore_mem>>)
      %add3A_653 = arith.constant 1280 : i32
      %add3A_654 = arith.addi %mul3A_11, %add3A_653 : i32
      %multiple_of3A_655 = tpu.assume_multiple %add3A_654, 128 : i32
      %dma_wait3A_656 = arith.constant 10 : i32
      %dma_wait3A_657 = arith.constant 0 : i32
      %dma_wait3A_658 = tpu.memref_slice %arg9[%dma_wait3A_656, %dma_wait3A_657] : memref<18x128xi32, #tpu.memory_space<vmem>> -> memref<1x128xi32, #tpu.memory_space<vmem>>
      %dma_wait3A_659 = tpu.memref_squeeze %dma_wait3A_658 : memref<1x128xi32, #tpu.memory_space<vmem>> -> memref<128xi32, #tpu.memory_space<vmem>>
      %dma_wait3A_660 = arith.constant 0 : i32
      %dma_wait3A_661 = arith.constant 0 : i32
      %dma_wait3A_662 = tpu.memref_slice %arg3[%dma_wait3A_660, %dma_wait3A_661] : memref<100000x128xf32, #tpu.memory_space<hbm>> -> memref<100000x128xf32, #tpu.memory_space<hbm>>
      tpu.wait_indirect_dma semaphore(%arg17 : memref<!tpu.dma_semaphore, #tpu.memory_space<semaphore_mem>>) src(%dma_wait3A_662 : memref<100000x128xf32, #tpu.memory_space<hbm>>) dst(%arg10 : memref<128x128xf32, #tpu.memory_space<vmem>>)
      %dma_start3A_663 = arith.constant 0 : i32
      %dma_start3A_664 = tpu.memref_slice %arg7[%multiple_of3A_655, %dma_start3A_663] : memref<51200x128xf32, #tpu.memory_space<hbm>> -> memref<128x128xf32, #tpu.memory_space<hbm>>
      %dma_start3A_665 = arith.constant 0 : i32
      %dma_start3A_666 = tpu.memref_slice %arg7[%multiple_of3A_655, %dma_start3A_665] : memref<51200x128xf32, #tpu.memory_space<hbm>> -> memref<128x128xf32, #tpu.memory_space<hbm>>
      tpu.enqueue_dma source(%arg10 : memref<128x128xf32, #tpu.memory_space<vmem>>) target(%dma_start3A_666 : memref<128x128xf32, #tpu.memory_space<hbm>>) target_semaphore(%arg24 : memref<!tpu.dma_semaphore, #tpu.memory_space<semaphore_mem>>)
      %dma_wait3A_667 = arith.constant 0 : i32
      %dma_wait3A_668 = tpu.memref_slice %arg6[%multiple_of3A_627, %dma_wait3A_667] : memref<51200x128xf32, #tpu.memory_space<hbm>> -> memref<128x128xf32, #tpu.memory_space<hbm>>
      %dma_wait3A_669 = arith.constant 0 : i32
      %dma_wait3A_670 = tpu.memref_slice %arg6[%multiple_of3A_627, %dma_wait3A_669] : memref<51200x128xf32, #tpu.memory_space<hbm>> -> memref<128x128xf32, #tpu.memory_space<hbm>>
      tpu.wait_dma2 semaphore(%arg30 : memref<!tpu.dma_semaphore, #tpu.memory_space<semaphore_mem>>) src(%arg16 : memref<128x128xf32, #tpu.memory_space<vmem>>) dst(%dma_wait3A_670 : memref<128x128xf32, #tpu.memory_space<hbm>>)
      %add3A_671 = arith.constant 1664 : i32
      %add3A_672 = arith.addi %mul3A_11, %add3A_671 : i32
      %multiple_of3A_673 = tpu.assume_multiple %add3A_672, 128 : i32
      %dma_start3A_674 = arith.constant 13 : i32
      %dma_start3A_675 = arith.constant 0 : i32
      %dma_start3A_676 = tpu.memref_slice %arg9[%dma_start3A_674, %dma_start3A_675] : memref<18x128xi32, #tpu.memory_space<vmem>> -> memref<1x128xi32, #tpu.memory_space<vmem>>
      %dma_start3A_677 = tpu.memref_squeeze %dma_start3A_676 : memref<1x128xi32, #tpu.memory_space<vmem>> -> memref<128xi32, #tpu.memory_space<vmem>>
      %dma_start3A_678 = arith.constant 0 : i32
      %dma_start3A_679 = arith.constant 0 : i32
      %dma_start3A_680 = tpu.memref_slice %arg3[%dma_start3A_678, %dma_start3A_679] : memref<100000x128xf32, #tpu.memory_space<hbm>> -> memref<100000x128xf32, #tpu.memory_space<hbm>>
      tpu.enqueue_indirect_dma source(%dma_start3A_680 : memref<100000x128xf32, #tpu.memory_space<hbm>>) target(%arg16 : memref<128x128xf32, #tpu.memory_space<vmem>>) offsets(%dma_start3A_677 : memref<128xi32, #tpu.memory_space<vmem>>) semaphore(%arg23 : memref<!tpu.dma_semaphore, #tpu.memory_space<semaphore_mem>>)
      %add3A_681 = arith.constant 1408 : i32
      %add3A_682 = arith.addi %mul3A_11, %add3A_681 : i32
      %multiple_of3A_683 = tpu.assume_multiple %add3A_682, 128 : i32
      %dma_wait3A_684 = arith.constant 11 : i32
      %dma_wait3A_685 = arith.constant 0 : i32
      %dma_wait3A_686 = tpu.memref_slice %arg8[%dma_wait3A_684, %dma_wait3A_685] : memref<18x128xi32, #tpu.memory_space<vmem>> -> memref<1x128xi32, #tpu.memory_space<vmem>>
      %dma_wait3A_687 = tpu.memref_squeeze %dma_wait3A_686 : memref<1x128xi32, #tpu.memory_space<vmem>> -> memref<128xi32, #tpu.memory_space<vmem>>
      %dma_wait3A_688 = arith.constant 0 : i32
      %dma_wait3A_689 = arith.constant 0 : i32
      %dma_wait3A_690 = tpu.memref_slice %arg2[%dma_wait3A_688, %dma_wait3A_689] : memref<100000x128xf32, #tpu.memory_space<hbm>> -> memref<100000x128xf32, #tpu.memory_space<hbm>>
      tpu.wait_indirect_dma semaphore(%arg18 : memref<!tpu.dma_semaphore, #tpu.memory_space<semaphore_mem>>) src(%dma_wait3A_690 : memref<100000x128xf32, #tpu.memory_space<hbm>>) dst(%arg11 : memref<128x128xf32, #tpu.memory_space<vmem>>)
      %dma_start3A_691 = arith.constant 0 : i32
      %dma_start3A_692 = tpu.memref_slice %arg6[%multiple_of3A_683, %dma_start3A_691] : memref<51200x128xf32, #tpu.memory_space<hbm>> -> memref<128x128xf32, #tpu.memory_space<hbm>>
      %dma_start3A_693 = arith.constant 0 : i32
      %dma_start3A_694 = tpu.memref_slice %arg6[%multiple_of3A_683, %dma_start3A_693] : memref<51200x128xf32, #tpu.memory_space<hbm>> -> memref<128x128xf32, #tpu.memory_space<hbm>>
      tpu.enqueue_dma source(%arg11 : memref<128x128xf32, #tpu.memory_space<vmem>>) target(%dma_start3A_694 : memref<128x128xf32, #tpu.memory_space<hbm>>) target_semaphore(%arg25 : memref<!tpu.dma_semaphore, #tpu.memory_space<semaphore_mem>>)
      %dma_wait3A_695 = arith.constant 0 : i32
      %dma_wait3A_696 = tpu.memref_slice %arg7[%multiple_of3A_655, %dma_wait3A_695] : memref<51200x128xf32, #tpu.memory_space<hbm>> -> memref<128x128xf32, #tpu.memory_space<hbm>>
      %dma_wait3A_697 = arith.constant 0 : i32
      %dma_wait3A_698 = tpu.memref_slice %arg7[%multiple_of3A_655, %dma_wait3A_697] : memref<51200x128xf32, #tpu.memory_space<hbm>> -> memref<128x128xf32, #tpu.memory_space<hbm>>
      tpu.wait_dma2 semaphore(%arg24 : memref<!tpu.dma_semaphore, #tpu.memory_space<semaphore_mem>>) src(%arg10 : memref<128x128xf32, #tpu.memory_space<vmem>>) dst(%dma_wait3A_698 : memref<128x128xf32, #tpu.memory_space<hbm>>)
      %add3A_699 = arith.constant 1792 : i32
      %add3A_700 = arith.addi %mul3A_11, %add3A_699 : i32
      %multiple_of3A_701 = tpu.assume_multiple %add3A_700, 128 : i32
      %dma_start3A_702 = arith.constant 14 : i32
      %dma_start3A_703 = arith.constant 0 : i32
      %dma_start3A_704 = tpu.memref_slice %arg8[%dma_start3A_702, %dma_start3A_703] : memref<18x128xi32, #tpu.memory_space<vmem>> -> memref<1x128xi32, #tpu.memory_space<vmem>>
      %dma_start3A_705 = tpu.memref_squeeze %dma_start3A_704 : memref<1x128xi32, #tpu.memory_space<vmem>> -> memref<128xi32, #tpu.memory_space<vmem>>
      %dma_start3A_706 = arith.constant 0 : i32
      %dma_start3A_707 = arith.constant 0 : i32
      %dma_start3A_708 = tpu.memref_slice %arg2[%dma_start3A_706, %dma_start3A_707] : memref<100000x128xf32, #tpu.memory_space<hbm>> -> memref<100000x128xf32, #tpu.memory_space<hbm>>
      tpu.enqueue_indirect_dma source(%dma_start3A_708 : memref<100000x128xf32, #tpu.memory_space<hbm>>) target(%arg10 : memref<128x128xf32, #tpu.memory_space<vmem>>) offsets(%dma_start3A_705 : memref<128xi32, #tpu.memory_space<vmem>>) semaphore(%arg17 : memref<!tpu.dma_semaphore, #tpu.memory_space<semaphore_mem>>)
      %add3A_709 = arith.constant 1408 : i32
      %add3A_710 = arith.addi %mul3A_11, %add3A_709 : i32
      %multiple_of3A_711 = tpu.assume_multiple %add3A_710, 128 : i32
      %dma_wait3A_712 = arith.constant 11 : i32
      %dma_wait3A_713 = arith.constant 0 : i32
      %dma_wait3A_714 = tpu.memref_slice %arg9[%dma_wait3A_712, %dma_wait3A_713] : memref<18x128xi32, #tpu.memory_space<vmem>> -> memref<1x128xi32, #tpu.memory_space<vmem>>
      %dma_wait3A_715 = tpu.memref_squeeze %dma_wait3A_714 : memref<1x128xi32, #tpu.memory_space<vmem>> -> memref<128xi32, #tpu.memory_space<vmem>>
      %dma_wait3A_716 = arith.constant 0 : i32
      %dma_wait3A_717 = arith.constant 0 : i32
      %dma_wait3A_718 = tpu.memref_slice %arg3[%dma_wait3A_716, %dma_wait3A_717] : memref<100000x128xf32, #tpu.memory_space<hbm>> -> memref<100000x128xf32, #tpu.memory_space<hbm>>
      tpu.wait_indirect_dma semaphore(%arg19 : memref<!tpu.dma_semaphore, #tpu.memory_space<semaphore_mem>>) src(%dma_wait3A_718 : memref<100000x128xf32, #tpu.memory_space<hbm>>) dst(%arg12 : memref<128x128xf32, #tpu.memory_space<vmem>>)
      %dma_start3A_719 = arith.constant 0 : i32
      %dma_start3A_720 = tpu.memref_slice %arg7[%multiple_of3A_711, %dma_start3A_719] : memref<51200x128xf32, #tpu.memory_space<hbm>> -> memref<128x128xf32, #tpu.memory_space<hbm>>
      %dma_start3A_721 = arith.constant 0 : i32
      %dma_start3A_722 = tpu.memref_slice %arg7[%multiple_of3A_711, %dma_start3A_721] : memref<51200x128xf32, #tpu.memory_space<hbm>> -> memref<128x128xf32, #tpu.memory_space<hbm>>
      tpu.enqueue_dma source(%arg12 : memref<128x128xf32, #tpu.memory_space<vmem>>) target(%dma_start3A_722 : memref<128x128xf32, #tpu.memory_space<hbm>>) target_semaphore(%arg26 : memref<!tpu.dma_semaphore, #tpu.memory_space<semaphore_mem>>)
      %dma_wait3A_723 = arith.constant 0 : i32
      %dma_wait3A_724 = tpu.memref_slice %arg6[%multiple_of3A_683, %dma_wait3A_723] : memref<51200x128xf32, #tpu.memory_space<hbm>> -> memref<128x128xf32, #tpu.memory_space<hbm>>
      %dma_wait3A_725 = arith.constant 0 : i32
      %dma_wait3A_726 = tpu.memref_slice %arg6[%multiple_of3A_683, %dma_wait3A_725] : memref<51200x128xf32, #tpu.memory_space<hbm>> -> memref<128x128xf32, #tpu.memory_space<hbm>>
      tpu.wait_dma2 semaphore(%arg25 : memref<!tpu.dma_semaphore, #tpu.memory_space<semaphore_mem>>) src(%arg11 : memref<128x128xf32, #tpu.memory_space<vmem>>) dst(%dma_wait3A_726 : memref<128x128xf32, #tpu.memory_space<hbm>>)
      %add3A_727 = arith.constant 1792 : i32
      %add3A_728 = arith.addi %mul3A_11, %add3A_727 : i32
      %multiple_of3A_729 = tpu.assume_multiple %add3A_728, 128 : i32
      %dma_start3A_730 = arith.constant 14 : i32
      %dma_start3A_731 = arith.constant 0 : i32
      %dma_start3A_732 = tpu.memref_slice %arg9[%dma_start3A_730, %dma_start3A_731] : memref<18x128xi32, #tpu.memory_space<vmem>> -> memref<1x128xi32, #tpu.memory_space<vmem>>
      %dma_start3A_733 = tpu.memref_squeeze %dma_start3A_732 : memref<1x128xi32, #tpu.memory_space<vmem>> -> memref<128xi32, #tpu.memory_space<vmem>>
      %dma_start3A_734 = arith.constant 0 : i32
      %dma_start3A_735 = arith.constant 0 : i32
      %dma_start3A_736 = tpu.memref_slice %arg3[%dma_start3A_734, %dma_start3A_735] : memref<100000x128xf32, #tpu.memory_space<hbm>> -> memref<100000x128xf32, #tpu.memory_space<hbm>>
      tpu.enqueue_indirect_dma source(%dma_start3A_736 : memref<100000x128xf32, #tpu.memory_space<hbm>>) target(%arg11 : memref<128x128xf32, #tpu.memory_space<vmem>>) offsets(%dma_start3A_733 : memref<128xi32, #tpu.memory_space<vmem>>) semaphore(%arg18 : memref<!tpu.dma_semaphore, #tpu.memory_space<semaphore_mem>>)
      %add3A_737 = arith.constant 1536 : i32
      %add3A_738 = arith.addi %mul3A_11, %add3A_737 : i32
      %multiple_of3A_739 = tpu.assume_multiple %add3A_738, 128 : i32
      %dma_wait3A_740 = arith.constant 12 : i32
      %dma_wait3A_741 = arith.constant 0 : i32
      %dma_wait3A_742 = tpu.memref_slice %arg8[%dma_wait3A_740, %dma_wait3A_741] : memref<18x128xi32, #tpu.memory_space<vmem>> -> memref<1x128xi32, #tpu.memory_space<vmem>>
      %dma_wait3A_743 = tpu.memref_squeeze %dma_wait3A_742 : memref<1x128xi32, #tpu.memory_space<vmem>> -> memref<128xi32, #tpu.memory_space<vmem>>
      %dma_wait3A_744 = arith.constant 0 : i32
      %dma_wait3A_745 = arith.constant 0 : i32
      %dma_wait3A_746 = tpu.memref_slice %arg2[%dma_wait3A_744, %dma_wait3A_745] : memref<100000x128xf32, #tpu.memory_space<hbm>> -> memref<100000x128xf32, #tpu.memory_space<hbm>>
      tpu.wait_indirect_dma semaphore(%arg20 : memref<!tpu.dma_semaphore, #tpu.memory_space<semaphore_mem>>) src(%dma_wait3A_746 : memref<100000x128xf32, #tpu.memory_space<hbm>>) dst(%arg13 : memref<128x128xf32, #tpu.memory_space<vmem>>)
      %dma_start3A_747 = arith.constant 0 : i32
      %dma_start3A_748 = tpu.memref_slice %arg6[%multiple_of3A_739, %dma_start3A_747] : memref<51200x128xf32, #tpu.memory_space<hbm>> -> memref<128x128xf32, #tpu.memory_space<hbm>>
      %dma_start3A_749 = arith.constant 0 : i32
      %dma_start3A_750 = tpu.memref_slice %arg6[%multiple_of3A_739, %dma_start3A_749] : memref<51200x128xf32, #tpu.memory_space<hbm>> -> memref<128x128xf32, #tpu.memory_space<hbm>>
      tpu.enqueue_dma source(%arg13 : memref<128x128xf32, #tpu.memory_space<vmem>>) target(%dma_start3A_750 : memref<128x128xf32, #tpu.memory_space<hbm>>) target_semaphore(%arg27 : memref<!tpu.dma_semaphore, #tpu.memory_space<semaphore_mem>>)
      %dma_wait3A_751 = arith.constant 0 : i32
      %dma_wait3A_752 = tpu.memref_slice %arg7[%multiple_of3A_711, %dma_wait3A_751] : memref<51200x128xf32, #tpu.memory_space<hbm>> -> memref<128x128xf32, #tpu.memory_space<hbm>>
      %dma_wait3A_753 = arith.constant 0 : i32
      %dma_wait3A_754 = tpu.memref_slice %arg7[%multiple_of3A_711, %dma_wait3A_753] : memref<51200x128xf32, #tpu.memory_space<hbm>> -> memref<128x128xf32, #tpu.memory_space<hbm>>
      tpu.wait_dma2 semaphore(%arg26 : memref<!tpu.dma_semaphore, #tpu.memory_space<semaphore_mem>>) src(%arg12 : memref<128x128xf32, #tpu.memory_space<vmem>>) dst(%dma_wait3A_754 : memref<128x128xf32, #tpu.memory_space<hbm>>)
      %add3A_755 = arith.constant 1920 : i32
      %add3A_756 = arith.addi %mul3A_11, %add3A_755 : i32
      %multiple_of3A_757 = tpu.assume_multiple %add3A_756, 128 : i32
      %dma_start3A_758 = arith.constant 15 : i32
      %dma_start3A_759 = arith.constant 0 : i32
      %dma_start3A_760 = tpu.memref_slice %arg8[%dma_start3A_758, %dma_start3A_759] : memref<18x128xi32, #tpu.memory_space<vmem>> -> memref<1x128xi32, #tpu.memory_space<vmem>>
      %dma_start3A_761 = tpu.memref_squeeze %dma_start3A_760 : memref<1x128xi32, #tpu.memory_space<vmem>> -> memref<128xi32, #tpu.memory_space<vmem>>
      %dma_start3A_762 = arith.constant 0 : i32
      %dma_start3A_763 = arith.constant 0 : i32
      %dma_start3A_764 = tpu.memref_slice %arg2[%dma_start3A_762, %dma_start3A_763] : memref<100000x128xf32, #tpu.memory_space<hbm>> -> memref<100000x128xf32, #tpu.memory_space<hbm>>
      tpu.enqueue_indirect_dma source(%dma_start3A_764 : memref<100000x128xf32, #tpu.memory_space<hbm>>) target(%arg12 : memref<128x128xf32, #tpu.memory_space<vmem>>) offsets(%dma_start3A_761 : memref<128xi32, #tpu.memory_space<vmem>>) semaphore(%arg19 : memref<!tpu.dma_semaphore, #tpu.memory_space<semaphore_mem>>)
      %add3A_765 = arith.constant 1536 : i32
      %add3A_766 = arith.addi %mul3A_11, %add3A_765 : i32
      %multiple_of3A_767 = tpu.assume_multiple %add3A_766, 128 : i32
      %dma_wait3A_768 = arith.constant 12 : i32
      %dma_wait3A_769 = arith.constant 0 : i32
      %dma_wait3A_770 = tpu.memref_slice %arg9[%dma_wait3A_768, %dma_wait3A_769] : memref<18x128xi32, #tpu.memory_space<vmem>> -> memref<1x128xi32, #tpu.memory_space<vmem>>
      %dma_wait3A_771 = tpu.memref_squeeze %dma_wait3A_770 : memref<1x128xi32, #tpu.memory_space<vmem>> -> memref<128xi32, #tpu.memory_space<vmem>>
      %dma_wait3A_772 = arith.constant 0 : i32
      %dma_wait3A_773 = arith.constant 0 : i32
      %dma_wait3A_774 = tpu.memref_slice %arg3[%dma_wait3A_772, %dma_wait3A_773] : memref<100000x128xf32, #tpu.memory_space<hbm>> -> memref<100000x128xf32, #tpu.memory_space<hbm>>
      tpu.wait_indirect_dma semaphore(%arg21 : memref<!tpu.dma_semaphore, #tpu.memory_space<semaphore_mem>>) src(%dma_wait3A_774 : memref<100000x128xf32, #tpu.memory_space<hbm>>) dst(%arg14 : memref<128x128xf32, #tpu.memory_space<vmem>>)
      %dma_start3A_775 = arith.constant 0 : i32
      %dma_start3A_776 = tpu.memref_slice %arg7[%multiple_of3A_767, %dma_start3A_775] : memref<51200x128xf32, #tpu.memory_space<hbm>> -> memref<128x128xf32, #tpu.memory_space<hbm>>
      %dma_start3A_777 = arith.constant 0 : i32
      %dma_start3A_778 = tpu.memref_slice %arg7[%multiple_of3A_767, %dma_start3A_777] : memref<51200x128xf32, #tpu.memory_space<hbm>> -> memref<128x128xf32, #tpu.memory_space<hbm>>
      tpu.enqueue_dma source(%arg14 : memref<128x128xf32, #tpu.memory_space<vmem>>) target(%dma_start3A_778 : memref<128x128xf32, #tpu.memory_space<hbm>>) target_semaphore(%arg28 : memref<!tpu.dma_semaphore, #tpu.memory_space<semaphore_mem>>)
      %dma_wait3A_779 = arith.constant 0 : i32
      %dma_wait3A_780 = tpu.memref_slice %arg6[%multiple_of3A_739, %dma_wait3A_779] : memref<51200x128xf32, #tpu.memory_space<hbm>> -> memref<128x128xf32, #tpu.memory_space<hbm>>
      %dma_wait3A_781 = arith.constant 0 : i32
      %dma_wait3A_782 = tpu.memref_slice %arg6[%multiple_of3A_739, %dma_wait3A_781] : memref<51200x128xf32, #tpu.memory_space<hbm>> -> memref<128x128xf32, #tpu.memory_space<hbm>>
      tpu.wait_dma2 semaphore(%arg27 : memref<!tpu.dma_semaphore, #tpu.memory_space<semaphore_mem>>) src(%arg13 : memref<128x128xf32, #tpu.memory_space<vmem>>) dst(%dma_wait3A_782 : memref<128x128xf32, #tpu.memory_space<hbm>>)
      %add3A_783 = arith.constant 1920 : i32
      %add3A_784 = arith.addi %mul3A_11, %add3A_783 : i32
      %multiple_of3A_785 = tpu.assume_multiple %add3A_784, 128 : i32
      %dma_start3A_786 = arith.constant 15 : i32
      %dma_start3A_787 = arith.constant 0 : i32
      %dma_start3A_788 = tpu.memref_slice %arg9[%dma_start3A_786, %dma_start3A_787] : memref<18x128xi32, #tpu.memory_space<vmem>> -> memref<1x128xi32, #tpu.memory_space<vmem>>
      %dma_start3A_789 = tpu.memref_squeeze %dma_start3A_788 : memref<1x128xi32, #tpu.memory_space<vmem>> -> memref<128xi32, #tpu.memory_space<vmem>>
      %dma_start3A_790 = arith.constant 0 : i32
      %dma_start3A_791 = arith.constant 0 : i32
      %dma_start3A_792 = tpu.memref_slice %arg3[%dma_start3A_790, %dma_start3A_791] : memref<100000x128xf32, #tpu.memory_space<hbm>> -> memref<100000x128xf32, #tpu.memory_space<hbm>>
      tpu.enqueue_indirect_dma source(%dma_start3A_792 : memref<100000x128xf32, #tpu.memory_space<hbm>>) target(%arg13 : memref<128x128xf32, #tpu.memory_space<vmem>>) offsets(%dma_start3A_789 : memref<128xi32, #tpu.memory_space<vmem>>) semaphore(%arg20 : memref<!tpu.dma_semaphore, #tpu.memory_space<semaphore_mem>>)
      %add3A_793 = arith.constant 1664 : i32
      %add3A_794 = arith.addi %mul3A_11, %add3A_793 : i32
      %multiple_of3A_795 = tpu.assume_multiple %add3A_794, 128 : i32
      %dma_wait3A_796 = arith.constant 13 : i32
      %dma_wait3A_797 = arith.constant 0 : i32
      %dma_wait3A_798 = tpu.memref_slice %arg8[%dma_wait3A_796, %dma_wait3A_797] : memref<18x128xi32, #tpu.memory_space<vmem>> -> memref<1x128xi32, #tpu.memory_space<vmem>>
      %dma_wait3A_799 = tpu.memref_squeeze %dma_wait3A_798 : memref<1x128xi32, #tpu.memory_space<vmem>> -> memref<128xi32, #tpu.memory_space<vmem>>
      %dma_wait3A_800 = arith.constant 0 : i32
      %dma_wait3A_801 = arith.constant 0 : i32
      %dma_wait3A_802 = tpu.memref_slice %arg2[%dma_wait3A_800, %dma_wait3A_801] : memref<100000x128xf32, #tpu.memory_space<hbm>> -> memref<100000x128xf32, #tpu.memory_space<hbm>>
      tpu.wait_indirect_dma semaphore(%arg22 : memref<!tpu.dma_semaphore, #tpu.memory_space<semaphore_mem>>) src(%dma_wait3A_802 : memref<100000x128xf32, #tpu.memory_space<hbm>>) dst(%arg15 : memref<128x128xf32, #tpu.memory_space<vmem>>)
      %dma_start3A_803 = arith.constant 0 : i32
      %dma_start3A_804 = tpu.memref_slice %arg6[%multiple_of3A_795, %dma_start3A_803] : memref<51200x128xf32, #tpu.memory_space<hbm>> -> memref<128x128xf32, #tpu.memory_space<hbm>>
      %dma_start3A_805 = arith.constant 0 : i32
      %dma_start3A_806 = tpu.memref_slice %arg6[%multiple_of3A_795, %dma_start3A_805] : memref<51200x128xf32, #tpu.memory_space<hbm>> -> memref<128x128xf32, #tpu.memory_space<hbm>>
      tpu.enqueue_dma source(%arg15 : memref<128x128xf32, #tpu.memory_space<vmem>>) target(%dma_start3A_806 : memref<128x128xf32, #tpu.memory_space<hbm>>) target_semaphore(%arg29 : memref<!tpu.dma_semaphore, #tpu.memory_space<semaphore_mem>>)
      %dma_wait3A_807 = arith.constant 0 : i32
      %dma_wait3A_808 = tpu.memref_slice %arg7[%multiple_of3A_767, %dma_wait3A_807] : memref<51200x128xf32, #tpu.memory_space<hbm>> -> memref<128x128xf32, #tpu.memory_space<hbm>>
      %dma_wait3A_809 = arith.constant 0 : i32
      %dma_wait3A_810 = tpu.memref_slice %arg7[%multiple_of3A_767, %dma_wait3A_809] : memref<51200x128xf32, #tpu.memory_space<hbm>> -> memref<128x128xf32, #tpu.memory_space<hbm>>
      tpu.wait_dma2 semaphore(%arg28 : memref<!tpu.dma_semaphore, #tpu.memory_space<semaphore_mem>>) src(%arg14 : memref<128x128xf32, #tpu.memory_space<vmem>>) dst(%dma_wait3A_810 : memref<128x128xf32, #tpu.memory_space<hbm>>)
      %add3A_811 = arith.constant 2048 : i32
      %add3A_812 = arith.addi %mul3A_11, %add3A_811 : i32
      %multiple_of3A_813 = tpu.assume_multiple %add3A_812, 128 : i32
      %dma_start3A_814 = arith.constant 16 : i32
      %dma_start3A_815 = arith.constant 0 : i32
      %dma_start3A_816 = tpu.memref_slice %arg8[%dma_start3A_814, %dma_start3A_815] : memref<18x128xi32, #tpu.memory_space<vmem>> -> memref<1x128xi32, #tpu.memory_space<vmem>>
      %dma_start3A_817 = tpu.memref_squeeze %dma_start3A_816 : memref<1x128xi32, #tpu.memory_space<vmem>> -> memref<128xi32, #tpu.memory_space<vmem>>
      %dma_start3A_818 = arith.constant 0 : i32
      %dma_start3A_819 = arith.constant 0 : i32
      %dma_start3A_820 = tpu.memref_slice %arg2[%dma_start3A_818, %dma_start3A_819] : memref<100000x128xf32, #tpu.memory_space<hbm>> -> memref<100000x128xf32, #tpu.memory_space<hbm>>
      tpu.enqueue_indirect_dma source(%dma_start3A_820 : memref<100000x128xf32, #tpu.memory_space<hbm>>) target(%arg14 : memref<128x128xf32, #tpu.memory_space<vmem>>) offsets(%dma_start3A_817 : memref<128xi32, #tpu.memory_space<vmem>>) semaphore(%arg21 : memref<!tpu.dma_semaphore, #tpu.memory_space<semaphore_mem>>)
      %add3A_821 = arith.constant 1664 : i32
      %add3A_822 = arith.addi %mul3A_11, %add3A_821 : i32
      %multiple_of3A_823 = tpu.assume_multiple %add3A_822, 128 : i32
      %dma_wait3A_824 = arith.constant 13 : i32
      %dma_wait3A_825 = arith.constant 0 : i32
      %dma_wait3A_826 = tpu.memref_slice %arg9[%dma_wait3A_824, %dma_wait3A_825] : memref<18x128xi32, #tpu.memory_space<vmem>> -> memref<1x128xi32, #tpu.memory_space<vmem>>
      %dma_wait3A_827 = tpu.memref_squeeze %dma_wait3A_826 : memref<1x128xi32, #tpu.memory_space<vmem>> -> memref<128xi32, #tpu.memory_space<vmem>>
      %dma_wait3A_828 = arith.constant 0 : i32
      %dma_wait3A_829 = arith.constant 0 : i32
      %dma_wait3A_830 = tpu.memref_slice %arg3[%dma_wait3A_828, %dma_wait3A_829] : memref<100000x128xf32, #tpu.memory_space<hbm>> -> memref<100000x128xf32, #tpu.memory_space<hbm>>
      tpu.wait_indirect_dma semaphore(%arg23 : memref<!tpu.dma_semaphore, #tpu.memory_space<semaphore_mem>>) src(%dma_wait3A_830 : memref<100000x128xf32, #tpu.memory_space<hbm>>) dst(%arg16 : memref<128x128xf32, #tpu.memory_space<vmem>>)
      %dma_start3A_831 = arith.constant 0 : i32
      %dma_start3A_832 = tpu.memref_slice %arg7[%multiple_of3A_823, %dma_start3A_831] : memref<51200x128xf32, #tpu.memory_space<hbm>> -> memref<128x128xf32, #tpu.memory_space<hbm>>
      %dma_start3A_833 = arith.constant 0 : i32
      %dma_start3A_834 = tpu.memref_slice %arg7[%multiple_of3A_823, %dma_start3A_833] : memref<51200x128xf32, #tpu.memory_space<hbm>> -> memref<128x128xf32, #tpu.memory_space<hbm>>
      tpu.enqueue_dma source(%arg16 : memref<128x128xf32, #tpu.memory_space<vmem>>) target(%dma_start3A_834 : memref<128x128xf32, #tpu.memory_space<hbm>>) target_semaphore(%arg30 : memref<!tpu.dma_semaphore, #tpu.memory_space<semaphore_mem>>)
      %dma_wait3A_835 = arith.constant 0 : i32
      %dma_wait3A_836 = tpu.memref_slice %arg6[%multiple_of3A_795, %dma_wait3A_835] : memref<51200x128xf32, #tpu.memory_space<hbm>> -> memref<128x128xf32, #tpu.memory_space<hbm>>
      %dma_wait3A_837 = arith.constant 0 : i32
      %dma_wait3A_838 = tpu.memref_slice %arg6[%multiple_of3A_795, %dma_wait3A_837] : memref<51200x128xf32, #tpu.memory_space<hbm>> -> memref<128x128xf32, #tpu.memory_space<hbm>>
      tpu.wait_dma2 semaphore(%arg29 : memref<!tpu.dma_semaphore, #tpu.memory_space<semaphore_mem>>) src(%arg15 : memref<128x128xf32, #tpu.memory_space<vmem>>) dst(%dma_wait3A_838 : memref<128x128xf32, #tpu.memory_space<hbm>>)
      %add3A_839 = arith.constant 2048 : i32
      %add3A_840 = arith.addi %mul3A_11, %add3A_839 : i32
      %multiple_of3A_841 = tpu.assume_multiple %add3A_840, 128 : i32
      %dma_start3A_842 = arith.constant 16 : i32
      %dma_start3A_843 = arith.constant 0 : i32
      %dma_start3A_844 = tpu.memref_slice %arg9[%dma_start3A_842, %dma_start3A_843] : memref<18x128xi32, #tpu.memory_space<vmem>> -> memref<1x128xi32, #tpu.memory_space<vmem>>
      %dma_start3A_845 = tpu.memref_squeeze %dma_start3A_844 : memref<1x128xi32, #tpu.memory_space<vmem>> -> memref<128xi32, #tpu.memory_space<vmem>>
      %dma_start3A_846 = arith.constant 0 : i32
      %dma_start3A_847 = arith.constant 0 : i32
      %dma_start3A_848 = tpu.memref_slice %arg3[%dma_start3A_846, %dma_start3A_847] : memref<100000x128xf32, #tpu.memory_space<hbm>> -> memref<100000x128xf32, #tpu.memory_space<hbm>>
      tpu.enqueue_indirect_dma source(%dma_start3A_848 : memref<100000x128xf32, #tpu.memory_space<hbm>>) target(%arg15 : memref<128x128xf32, #tpu.memory_space<vmem>>) offsets(%dma_start3A_845 : memref<128xi32, #tpu.memory_space<vmem>>) semaphore(%arg22 : memref<!tpu.dma_semaphore, #tpu.memory_space<semaphore_mem>>)
      %add3A_849 = arith.constant 1792 : i32
      %add3A_850 = arith.addi %mul3A_11, %add3A_849 : i32
      %multiple_of3A_851 = tpu.assume_multiple %add3A_850, 128 : i32
      %dma_wait3A_852 = arith.constant 14 : i32
      %dma_wait3A_853 = arith.constant 0 : i32
      %dma_wait3A_854 = tpu.memref_slice %arg8[%dma_wait3A_852, %dma_wait3A_853] : memref<18x128xi32, #tpu.memory_space<vmem>> -> memref<1x128xi32, #tpu.memory_space<vmem>>
      %dma_wait3A_855 = tpu.memref_squeeze %dma_wait3A_854 : memref<1x128xi32, #tpu.memory_space<vmem>> -> memref<128xi32, #tpu.memory_space<vmem>>
      %dma_wait3A_856 = arith.constant 0 : i32
      %dma_wait3A_857 = arith.constant 0 : i32
      %dma_wait3A_858 = tpu.memref_slice %arg2[%dma_wait3A_856, %dma_wait3A_857] : memref<100000x128xf32, #tpu.memory_space<hbm>> -> memref<100000x128xf32, #tpu.memory_space<hbm>>
      tpu.wait_indirect_dma semaphore(%arg17 : memref<!tpu.dma_semaphore, #tpu.memory_space<semaphore_mem>>) src(%dma_wait3A_858 : memref<100000x128xf32, #tpu.memory_space<hbm>>) dst(%arg10 : memref<128x128xf32, #tpu.memory_space<vmem>>)
      %dma_start3A_859 = arith.constant 0 : i32
      %dma_start3A_860 = tpu.memref_slice %arg6[%multiple_of3A_851, %dma_start3A_859] : memref<51200x128xf32, #tpu.memory_space<hbm>> -> memref<128x128xf32, #tpu.memory_space<hbm>>
      %dma_start3A_861 = arith.constant 0 : i32
      %dma_start3A_862 = tpu.memref_slice %arg6[%multiple_of3A_851, %dma_start3A_861] : memref<51200x128xf32, #tpu.memory_space<hbm>> -> memref<128x128xf32, #tpu.memory_space<hbm>>
      tpu.enqueue_dma source(%arg10 : memref<128x128xf32, #tpu.memory_space<vmem>>) target(%dma_start3A_862 : memref<128x128xf32, #tpu.memory_space<hbm>>) target_semaphore(%arg24 : memref<!tpu.dma_semaphore, #tpu.memory_space<semaphore_mem>>)
      %dma_wait3A_863 = arith.constant 0 : i32
      %dma_wait3A_864 = tpu.memref_slice %arg7[%multiple_of3A_823, %dma_wait3A_863] : memref<51200x128xf32, #tpu.memory_space<hbm>> -> memref<128x128xf32, #tpu.memory_space<hbm>>
      %dma_wait3A_865 = arith.constant 0 : i32
      %dma_wait3A_866 = tpu.memref_slice %arg7[%multiple_of3A_823, %dma_wait3A_865] : memref<51200x128xf32, #tpu.memory_space<hbm>> -> memref<128x128xf32, #tpu.memory_space<hbm>>
      tpu.wait_dma2 semaphore(%arg30 : memref<!tpu.dma_semaphore, #tpu.memory_space<semaphore_mem>>) src(%arg16 : memref<128x128xf32, #tpu.memory_space<vmem>>) dst(%dma_wait3A_866 : memref<128x128xf32, #tpu.memory_space<hbm>>)
      %add3A_867 = arith.constant 2176 : i32
      %add3A_868 = arith.addi %mul3A_11, %add3A_867 : i32
      %multiple_of3A_869 = tpu.assume_multiple %add3A_868, 128 : i32
      %dma_start3A_870 = arith.constant 17 : i32
      %dma_start3A_871 = arith.constant 0 : i32
      %dma_start3A_872 = tpu.memref_slice %arg8[%dma_start3A_870, %dma_start3A_871] : memref<18x128xi32, #tpu.memory_space<vmem>> -> memref<1x128xi32, #tpu.memory_space<vmem>>
      %dma_start3A_873 = tpu.memref_squeeze %dma_start3A_872 : memref<1x128xi32, #tpu.memory_space<vmem>> -> memref<128xi32, #tpu.memory_space<vmem>>
      %dma_start3A_874 = arith.constant 0 : i32
      %dma_start3A_875 = arith.constant 0 : i32
      %dma_start3A_876 = tpu.memref_slice %arg2[%dma_start3A_874, %dma_start3A_875] : memref<100000x128xf32, #tpu.memory_space<hbm>> -> memref<100000x128xf32, #tpu.memory_space<hbm>>
      tpu.enqueue_indirect_dma source(%dma_start3A_876 : memref<100000x128xf32, #tpu.memory_space<hbm>>) target(%arg16 : memref<128x128xf32, #tpu.memory_space<vmem>>) offsets(%dma_start3A_873 : memref<128xi32, #tpu.memory_space<vmem>>) semaphore(%arg23 : memref<!tpu.dma_semaphore, #tpu.memory_space<semaphore_mem>>)
      %add3A_877 = arith.constant 1792 : i32
      %add3A_878 = arith.addi %mul3A_11, %add3A_877 : i32
      %multiple_of3A_879 = tpu.assume_multiple %add3A_878, 128 : i32
      %dma_wait3A_880 = arith.constant 14 : i32
      %dma_wait3A_881 = arith.constant 0 : i32
      %dma_wait3A_882 = tpu.memref_slice %arg9[%dma_wait3A_880, %dma_wait3A_881] : memref<18x128xi32, #tpu.memory_space<vmem>> -> memref<1x128xi32, #tpu.memory_space<vmem>>
      %dma_wait3A_883 = tpu.memref_squeeze %dma_wait3A_882 : memref<1x128xi32, #tpu.memory_space<vmem>> -> memref<128xi32, #tpu.memory_space<vmem>>
      %dma_wait3A_884 = arith.constant 0 : i32
      %dma_wait3A_885 = arith.constant 0 : i32
      %dma_wait3A_886 = tpu.memref_slice %arg3[%dma_wait3A_884, %dma_wait3A_885] : memref<100000x128xf32, #tpu.memory_space<hbm>> -> memref<100000x128xf32, #tpu.memory_space<hbm>>
      tpu.wait_indirect_dma semaphore(%arg18 : memref<!tpu.dma_semaphore, #tpu.memory_space<semaphore_mem>>) src(%dma_wait3A_886 : memref<100000x128xf32, #tpu.memory_space<hbm>>) dst(%arg11 : memref<128x128xf32, #tpu.memory_space<vmem>>)
      %dma_start3A_887 = arith.constant 0 : i32
      %dma_start3A_888 = tpu.memref_slice %arg7[%multiple_of3A_879, %dma_start3A_887] : memref<51200x128xf32, #tpu.memory_space<hbm>> -> memref<128x128xf32, #tpu.memory_space<hbm>>
      %dma_start3A_889 = arith.constant 0 : i32
      %dma_start3A_890 = tpu.memref_slice %arg7[%multiple_of3A_879, %dma_start3A_889] : memref<51200x128xf32, #tpu.memory_space<hbm>> -> memref<128x128xf32, #tpu.memory_space<hbm>>
      tpu.enqueue_dma source(%arg11 : memref<128x128xf32, #tpu.memory_space<vmem>>) target(%dma_start3A_890 : memref<128x128xf32, #tpu.memory_space<hbm>>) target_semaphore(%arg25 : memref<!tpu.dma_semaphore, #tpu.memory_space<semaphore_mem>>)
      %dma_wait3A_891 = arith.constant 0 : i32
      %dma_wait3A_892 = tpu.memref_slice %arg6[%multiple_of3A_851, %dma_wait3A_891] : memref<51200x128xf32, #tpu.memory_space<hbm>> -> memref<128x128xf32, #tpu.memory_space<hbm>>
      %dma_wait3A_893 = arith.constant 0 : i32
      %dma_wait3A_894 = tpu.memref_slice %arg6[%multiple_of3A_851, %dma_wait3A_893] : memref<51200x128xf32, #tpu.memory_space<hbm>> -> memref<128x128xf32, #tpu.memory_space<hbm>>
      tpu.wait_dma2 semaphore(%arg24 : memref<!tpu.dma_semaphore, #tpu.memory_space<semaphore_mem>>) src(%arg10 : memref<128x128xf32, #tpu.memory_space<vmem>>) dst(%dma_wait3A_894 : memref<128x128xf32, #tpu.memory_space<hbm>>)
      %add3A_895 = arith.constant 2176 : i32
      %add3A_896 = arith.addi %mul3A_11, %add3A_895 : i32
      %multiple_of3A_897 = tpu.assume_multiple %add3A_896, 128 : i32
      %dma_start3A_898 = arith.constant 17 : i32
      %dma_start3A_899 = arith.constant 0 : i32
      %dma_start3A_900 = tpu.memref_slice %arg9[%dma_start3A_898, %dma_start3A_899] : memref<18x128xi32, #tpu.memory_space<vmem>> -> memref<1x128xi32, #tpu.memory_space<vmem>>
      %dma_start3A_901 = tpu.memref_squeeze %dma_start3A_900 : memref<1x128xi32, #tpu.memory_space<vmem>> -> memref<128xi32, #tpu.memory_space<vmem>>
      %dma_start3A_902 = arith.constant 0 : i32
      %dma_start3A_903 = arith.constant 0 : i32
      %dma_start3A_904 = tpu.memref_slice %arg3[%dma_start3A_902, %dma_start3A_903] : memref<100000x128xf32, #tpu.memory_space<hbm>> -> memref<100000x128xf32, #tpu.memory_space<hbm>>
      tpu.enqueue_indirect_dma source(%dma_start3A_904 : memref<100000x128xf32, #tpu.memory_space<hbm>>) target(%arg10 : memref<128x128xf32, #tpu.memory_space<vmem>>) offsets(%dma_start3A_901 : memref<128xi32, #tpu.memory_space<vmem>>) semaphore(%arg17 : memref<!tpu.dma_semaphore, #tpu.memory_space<semaphore_mem>>)
      %add3A_905 = arith.constant 1920 : i32
      %add3A_906 = arith.addi %mul3A_11, %add3A_905 : i32
      %multiple_of3A_907 = tpu.assume_multiple %add3A_906, 128 : i32
      %dma_wait3A_908 = arith.constant 15 : i32
      %dma_wait3A_909 = arith.constant 0 : i32
      %dma_wait3A_910 = tpu.memref_slice %arg8[%dma_wait3A_908, %dma_wait3A_909] : memref<18x128xi32, #tpu.memory_space<vmem>> -> memref<1x128xi32, #tpu.memory_space<vmem>>
      %dma_wait3A_911 = tpu.memref_squeeze %dma_wait3A_910 : memref<1x128xi32, #tpu.memory_space<vmem>> -> memref<128xi32, #tpu.memory_space<vmem>>
      %dma_wait3A_912 = arith.constant 0 : i32
      %dma_wait3A_913 = arith.constant 0 : i32
      %dma_wait3A_914 = tpu.memref_slice %arg2[%dma_wait3A_912, %dma_wait3A_913] : memref<100000x128xf32, #tpu.memory_space<hbm>> -> memref<100000x128xf32, #tpu.memory_space<hbm>>
      tpu.wait_indirect_dma semaphore(%arg19 : memref<!tpu.dma_semaphore, #tpu.memory_space<semaphore_mem>>) src(%dma_wait3A_914 : memref<100000x128xf32, #tpu.memory_space<hbm>>) dst(%arg12 : memref<128x128xf32, #tpu.memory_space<vmem>>)
      %dma_start3A_915 = arith.constant 0 : i32
      %dma_start3A_916 = tpu.memref_slice %arg6[%multiple_of3A_907, %dma_start3A_915] : memref<51200x128xf32, #tpu.memory_space<hbm>> -> memref<128x128xf32, #tpu.memory_space<hbm>>
      %dma_start3A_917 = arith.constant 0 : i32
      %dma_start3A_918 = tpu.memref_slice %arg6[%multiple_of3A_907, %dma_start3A_917] : memref<51200x128xf32, #tpu.memory_space<hbm>> -> memref<128x128xf32, #tpu.memory_space<hbm>>
      tpu.enqueue_dma source(%arg12 : memref<128x128xf32, #tpu.memory_space<vmem>>) target(%dma_start3A_918 : memref<128x128xf32, #tpu.memory_space<hbm>>) target_semaphore(%arg26 : memref<!tpu.dma_semaphore, #tpu.memory_space<semaphore_mem>>)
      %add3A_919 = arith.constant 1920 : i32
      %add3A_920 = arith.addi %mul3A_11, %add3A_919 : i32
      %multiple_of3A_921 = tpu.assume_multiple %add3A_920, 128 : i32
      %dma_wait3A_922 = arith.constant 15 : i32
      %dma_wait3A_923 = arith.constant 0 : i32
      %dma_wait3A_924 = tpu.memref_slice %arg9[%dma_wait3A_922, %dma_wait3A_923] : memref<18x128xi32, #tpu.memory_space<vmem>> -> memref<1x128xi32, #tpu.memory_space<vmem>>
      %dma_wait3A_925 = tpu.memref_squeeze %dma_wait3A_924 : memref<1x128xi32, #tpu.memory_space<vmem>> -> memref<128xi32, #tpu.memory_space<vmem>>
      %dma_wait3A_926 = arith.constant 0 : i32
      %dma_wait3A_927 = arith.constant 0 : i32
      %dma_wait3A_928 = tpu.memref_slice %arg3[%dma_wait3A_926, %dma_wait3A_927] : memref<100000x128xf32, #tpu.memory_space<hbm>> -> memref<100000x128xf32, #tpu.memory_space<hbm>>
      tpu.wait_indirect_dma semaphore(%arg20 : memref<!tpu.dma_semaphore, #tpu.memory_space<semaphore_mem>>) src(%dma_wait3A_928 : memref<100000x128xf32, #tpu.memory_space<hbm>>) dst(%arg13 : memref<128x128xf32, #tpu.memory_space<vmem>>)
      %dma_start3A_929 = arith.constant 0 : i32
      %dma_start3A_930 = tpu.memref_slice %arg7[%multiple_of3A_921, %dma_start3A_929] : memref<51200x128xf32, #tpu.memory_space<hbm>> -> memref<128x128xf32, #tpu.memory_space<hbm>>
      %dma_start3A_931 = arith.constant 0 : i32
      %dma_start3A_932 = tpu.memref_slice %arg7[%multiple_of3A_921, %dma_start3A_931] : memref<51200x128xf32, #tpu.memory_space<hbm>> -> memref<128x128xf32, #tpu.memory_space<hbm>>
      tpu.enqueue_dma source(%arg13 : memref<128x128xf32, #tpu.memory_space<vmem>>) target(%dma_start3A_932 : memref<128x128xf32, #tpu.memory_space<hbm>>) target_semaphore(%arg27 : memref<!tpu.dma_semaphore, #tpu.memory_space<semaphore_mem>>)
      %add3A_933 = arith.constant 2048 : i32
      %add3A_934 = arith.addi %mul3A_11, %add3A_933 : i32
      %multiple_of3A_935 = tpu.assume_multiple %add3A_934, 128 : i32
      %dma_wait3A_936 = arith.constant 16 : i32
      %dma_wait3A_937 = arith.constant 0 : i32
      %dma_wait3A_938 = tpu.memref_slice %arg8[%dma_wait3A_936, %dma_wait3A_937] : memref<18x128xi32, #tpu.memory_space<vmem>> -> memref<1x128xi32, #tpu.memory_space<vmem>>
      %dma_wait3A_939 = tpu.memref_squeeze %dma_wait3A_938 : memref<1x128xi32, #tpu.memory_space<vmem>> -> memref<128xi32, #tpu.memory_space<vmem>>
      %dma_wait3A_940 = arith.constant 0 : i32
      %dma_wait3A_941 = arith.constant 0 : i32
      %dma_wait3A_942 = tpu.memref_slice %arg2[%dma_wait3A_940, %dma_wait3A_941] : memref<100000x128xf32, #tpu.memory_space<hbm>> -> memref<100000x128xf32, #tpu.memory_space<hbm>>
      tpu.wait_indirect_dma semaphore(%arg21 : memref<!tpu.dma_semaphore, #tpu.memory_space<semaphore_mem>>) src(%dma_wait3A_942 : memref<100000x128xf32, #tpu.memory_space<hbm>>) dst(%arg14 : memref<128x128xf32, #tpu.memory_space<vmem>>)
      %dma_start3A_943 = arith.constant 0 : i32
      %dma_start3A_944 = tpu.memref_slice %arg6[%multiple_of3A_935, %dma_start3A_943] : memref<51200x128xf32, #tpu.memory_space<hbm>> -> memref<128x128xf32, #tpu.memory_space<hbm>>
      %dma_start3A_945 = arith.constant 0 : i32
      %dma_start3A_946 = tpu.memref_slice %arg6[%multiple_of3A_935, %dma_start3A_945] : memref<51200x128xf32, #tpu.memory_space<hbm>> -> memref<128x128xf32, #tpu.memory_space<hbm>>
      tpu.enqueue_dma source(%arg14 : memref<128x128xf32, #tpu.memory_space<vmem>>) target(%dma_start3A_946 : memref<128x128xf32, #tpu.memory_space<hbm>>) target_semaphore(%arg28 : memref<!tpu.dma_semaphore, #tpu.memory_space<semaphore_mem>>)
      %add3A_947 = arith.constant 2048 : i32
      %add3A_948 = arith.addi %mul3A_11, %add3A_947 : i32
      %multiple_of3A_949 = tpu.assume_multiple %add3A_948, 128 : i32
      %dma_wait3A_950 = arith.constant 16 : i32
      %dma_wait3A_951 = arith.constant 0 : i32
      %dma_wait3A_952 = tpu.memref_slice %arg9[%dma_wait3A_950, %dma_wait3A_951] : memref<18x128xi32, #tpu.memory_space<vmem>> -> memref<1x128xi32, #tpu.memory_space<vmem>>
      %dma_wait3A_953 = tpu.memref_squeeze %dma_wait3A_952 : memref<1x128xi32, #tpu.memory_space<vmem>> -> memref<128xi32, #tpu.memory_space<vmem>>
      %dma_wait3A_954 = arith.constant 0 : i32
      %dma_wait3A_955 = arith.constant 0 : i32
      %dma_wait3A_956 = tpu.memref_slice %arg3[%dma_wait3A_954, %dma_wait3A_955] : memref<100000x128xf32, #tpu.memory_space<hbm>> -> memref<100000x128xf32, #tpu.memory_space<hbm>>
      tpu.wait_indirect_dma semaphore(%arg22 : memref<!tpu.dma_semaphore, #tpu.memory_space<semaphore_mem>>) src(%dma_wait3A_956 : memref<100000x128xf32, #tpu.memory_space<hbm>>) dst(%arg15 : memref<128x128xf32, #tpu.memory_space<vmem>>)
      %dma_start3A_957 = arith.constant 0 : i32
      %dma_start3A_958 = tpu.memref_slice %arg7[%multiple_of3A_949, %dma_start3A_957] : memref<51200x128xf32, #tpu.memory_space<hbm>> -> memref<128x128xf32, #tpu.memory_space<hbm>>
      %dma_start3A_959 = arith.constant 0 : i32
      %dma_start3A_960 = tpu.memref_slice %arg7[%multiple_of3A_949, %dma_start3A_959] : memref<51200x128xf32, #tpu.memory_space<hbm>> -> memref<128x128xf32, #tpu.memory_space<hbm>>
      tpu.enqueue_dma source(%arg15 : memref<128x128xf32, #tpu.memory_space<vmem>>) target(%dma_start3A_960 : memref<128x128xf32, #tpu.memory_space<hbm>>) target_semaphore(%arg29 : memref<!tpu.dma_semaphore, #tpu.memory_space<semaphore_mem>>)
      %add3A_961 = arith.constant 2176 : i32
      %add3A_962 = arith.addi %mul3A_11, %add3A_961 : i32
      %multiple_of3A_963 = tpu.assume_multiple %add3A_962, 128 : i32
      %dma_wait3A_964 = arith.constant 17 : i32
      %dma_wait3A_965 = arith.constant 0 : i32
      %dma_wait3A_966 = tpu.memref_slice %arg8[%dma_wait3A_964, %dma_wait3A_965] : memref<18x128xi32, #tpu.memory_space<vmem>> -> memref<1x128xi32, #tpu.memory_space<vmem>>
      %dma_wait3A_967 = tpu.memref_squeeze %dma_wait3A_966 : memref<1x128xi32, #tpu.memory_space<vmem>> -> memref<128xi32, #tpu.memory_space<vmem>>
      %dma_wait3A_968 = arith.constant 0 : i32
      %dma_wait3A_969 = arith.constant 0 : i32
      %dma_wait3A_970 = tpu.memref_slice %arg2[%dma_wait3A_968, %dma_wait3A_969] : memref<100000x128xf32, #tpu.memory_space<hbm>> -> memref<100000x128xf32, #tpu.memory_space<hbm>>
      tpu.wait_indirect_dma semaphore(%arg23 : memref<!tpu.dma_semaphore, #tpu.memory_space<semaphore_mem>>) src(%dma_wait3A_970 : memref<100000x128xf32, #tpu.memory_space<hbm>>) dst(%arg16 : memref<128x128xf32, #tpu.memory_space<vmem>>)
      %dma_start3A_971 = arith.constant 0 : i32
      %dma_start3A_972 = tpu.memref_slice %arg6[%multiple_of3A_963, %dma_start3A_971] : memref<51200x128xf32, #tpu.memory_space<hbm>> -> memref<128x128xf32, #tpu.memory_space<hbm>>
      %dma_start3A_973 = arith.constant 0 : i32
      %dma_start3A_974 = tpu.memref_slice %arg6[%multiple_of3A_963, %dma_start3A_973] : memref<51200x128xf32, #tpu.memory_space<hbm>> -> memref<128x128xf32, #tpu.memory_space<hbm>>
      tpu.enqueue_dma source(%arg16 : memref<128x128xf32, #tpu.memory_space<vmem>>) target(%dma_start3A_974 : memref<128x128xf32, #tpu.memory_space<hbm>>) target_semaphore(%arg30 : memref<!tpu.dma_semaphore, #tpu.memory_space<semaphore_mem>>)
      %add3A_975 = arith.constant 2176 : i32
      %add3A_976 = arith.addi %mul3A_11, %add3A_975 : i32
      %multiple_of3A_977 = tpu.assume_multiple %add3A_976, 128 : i32
      %dma_wait3A_978 = arith.constant 17 : i32
      %dma_wait3A_979 = arith.constant 0 : i32
      %dma_wait3A_980 = tpu.memref_slice %arg9[%dma_wait3A_978, %dma_wait3A_979] : memref<18x128xi32, #tpu.memory_space<vmem>> -> memref<1x128xi32, #tpu.memory_space<vmem>>
      %dma_wait3A_981 = tpu.memref_squeeze %dma_wait3A_980 : memref<1x128xi32, #tpu.memory_space<vmem>> -> memref<128xi32, #tpu.memory_space<vmem>>
      %dma_wait3A_982 = arith.constant 0 : i32
      %dma_wait3A_983 = arith.constant 0 : i32
      %dma_wait3A_984 = tpu.memref_slice %arg3[%dma_wait3A_982, %dma_wait3A_983] : memref<100000x128xf32, #tpu.memory_space<hbm>> -> memref<100000x128xf32, #tpu.memory_space<hbm>>
      tpu.wait_indirect_dma semaphore(%arg17 : memref<!tpu.dma_semaphore, #tpu.memory_space<semaphore_mem>>) src(%dma_wait3A_984 : memref<100000x128xf32, #tpu.memory_space<hbm>>) dst(%arg10 : memref<128x128xf32, #tpu.memory_space<vmem>>)
      %dma_start3A_985 = arith.constant 0 : i32
      %dma_start3A_986 = tpu.memref_slice %arg7[%multiple_of3A_977, %dma_start3A_985] : memref<51200x128xf32, #tpu.memory_space<hbm>> -> memref<128x128xf32, #tpu.memory_space<hbm>>
      %dma_start3A_987 = arith.constant 0 : i32
      %dma_start3A_988 = tpu.memref_slice %arg7[%multiple_of3A_977, %dma_start3A_987] : memref<51200x128xf32, #tpu.memory_space<hbm>> -> memref<128x128xf32, #tpu.memory_space<hbm>>
      tpu.enqueue_dma source(%arg10 : memref<128x128xf32, #tpu.memory_space<vmem>>) target(%dma_start3A_988 : memref<128x128xf32, #tpu.memory_space<hbm>>) target_semaphore(%arg24 : memref<!tpu.dma_semaphore, #tpu.memory_space<semaphore_mem>>)
      %dma_wait3A_989 = arith.constant 0 : i32
      %dma_wait3A_990 = tpu.memref_slice %arg7[%multiple_of3A_879, %dma_wait3A_989] : memref<51200x128xf32, #tpu.memory_space<hbm>> -> memref<128x128xf32, #tpu.memory_space<hbm>>
      %dma_wait3A_991 = arith.constant 0 : i32
      %dma_wait3A_992 = tpu.memref_slice %arg7[%multiple_of3A_879, %dma_wait3A_991] : memref<51200x128xf32, #tpu.memory_space<hbm>> -> memref<128x128xf32, #tpu.memory_space<hbm>>
      tpu.wait_dma2 semaphore(%arg25 : memref<!tpu.dma_semaphore, #tpu.memory_space<semaphore_mem>>) src(%arg11 : memref<128x128xf32, #tpu.memory_space<vmem>>) dst(%dma_wait3A_992 : memref<128x128xf32, #tpu.memory_space<hbm>>)
      %dma_wait3A_993 = arith.constant 0 : i32
      %dma_wait3A_994 = tpu.memref_slice %arg6[%multiple_of3A_907, %dma_wait3A_993] : memref<51200x128xf32, #tpu.memory_space<hbm>> -> memref<128x128xf32, #tpu.memory_space<hbm>>
      %dma_wait3A_995 = arith.constant 0 : i32
      %dma_wait3A_996 = tpu.memref_slice %arg6[%multiple_of3A_907, %dma_wait3A_995] : memref<51200x128xf32, #tpu.memory_space<hbm>> -> memref<128x128xf32, #tpu.memory_space<hbm>>
      tpu.wait_dma2 semaphore(%arg26 : memref<!tpu.dma_semaphore, #tpu.memory_space<semaphore_mem>>) src(%arg12 : memref<128x128xf32, #tpu.memory_space<vmem>>) dst(%dma_wait3A_996 : memref<128x128xf32, #tpu.memory_space<hbm>>)
      %dma_wait3A_997 = arith.constant 0 : i32
      %dma_wait3A_998 = tpu.memref_slice %arg7[%multiple_of3A_921, %dma_wait3A_997] : memref<51200x128xf32, #tpu.memory_space<hbm>> -> memref<128x128xf32, #tpu.memory_space<hbm>>
      %dma_wait3A_999 = arith.constant 0 : i32
      %dma_wait3A_1000 = tpu.memref_slice %arg7[%multiple_of3A_921, %dma_wait3A_999] : memref<51200x128xf32, #tpu.memory_space<hbm>> -> memref<128x128xf32, #tpu.memory_space<hbm>>
      tpu.wait_dma2 semaphore(%arg27 : memref<!tpu.dma_semaphore, #tpu.memory_space<semaphore_mem>>) src(%arg13 : memref<128x128xf32, #tpu.memory_space<vmem>>) dst(%dma_wait3A_1000 : memref<128x128xf32, #tpu.memory_space<hbm>>)
      %dma_wait3A_1001 = arith.constant 0 : i32
      %dma_wait3A_1002 = tpu.memref_slice %arg6[%multiple_of3A_935, %dma_wait3A_1001] : memref<51200x128xf32, #tpu.memory_space<hbm>> -> memref<128x128xf32, #tpu.memory_space<hbm>>
      %dma_wait3A_1003 = arith.constant 0 : i32
      %dma_wait3A_1004 = tpu.memref_slice %arg6[%multiple_of3A_935, %dma_wait3A_1003] : memref<51200x128xf32, #tpu.memory_space<hbm>> -> memref<128x128xf32, #tpu.memory_space<hbm>>
      tpu.wait_dma2 semaphore(%arg28 : memref<!tpu.dma_semaphore, #tpu.memory_space<semaphore_mem>>) src(%arg14 : memref<128x128xf32, #tpu.memory_space<vmem>>) dst(%dma_wait3A_1004 : memref<128x128xf32, #tpu.memory_space<hbm>>)
      %dma_wait3A_1005 = arith.constant 0 : i32
      %dma_wait3A_1006 = tpu.memref_slice %arg7[%multiple_of3A_949, %dma_wait3A_1005] : memref<51200x128xf32, #tpu.memory_space<hbm>> -> memref<128x128xf32, #tpu.memory_space<hbm>>
      %dma_wait3A_1007 = arith.constant 0 : i32
      %dma_wait3A_1008 = tpu.memref_slice %arg7[%multiple_of3A_949, %dma_wait3A_1007] : memref<51200x128xf32, #tpu.memory_space<hbm>> -> memref<128x128xf32, #tpu.memory_space<hbm>>
      tpu.wait_dma2 semaphore(%arg29 : memref<!tpu.dma_semaphore, #tpu.memory_space<semaphore_mem>>) src(%arg15 : memref<128x128xf32, #tpu.memory_space<vmem>>) dst(%dma_wait3A_1008 : memref<128x128xf32, #tpu.memory_space<hbm>>)
      %dma_wait3A_1009 = arith.constant 0 : i32
      %dma_wait3A_1010 = tpu.memref_slice %arg6[%multiple_of3A_963, %dma_wait3A_1009] : memref<51200x128xf32, #tpu.memory_space<hbm>> -> memref<128x128xf32, #tpu.memory_space<hbm>>
      %dma_wait3A_1011 = arith.constant 0 : i32
      %dma_wait3A_1012 = tpu.memref_slice %arg6[%multiple_of3A_963, %dma_wait3A_1011] : memref<51200x128xf32, #tpu.memory_space<hbm>> -> memref<128x128xf32, #tpu.memory_space<hbm>>
      tpu.wait_dma2 semaphore(%arg30 : memref<!tpu.dma_semaphore, #tpu.memory_space<semaphore_mem>>) src(%arg16 : memref<128x128xf32, #tpu.memory_space<vmem>>) dst(%dma_wait3A_1012 : memref<128x128xf32, #tpu.memory_space<hbm>>)
      %dma_wait3A_1013 = arith.constant 0 : i32
      %dma_wait3A_1014 = tpu.memref_slice %arg7[%multiple_of3A_977, %dma_wait3A_1013] : memref<51200x128xf32, #tpu.memory_space<hbm>> -> memref<128x128xf32, #tpu.memory_space<hbm>>
      %dma_wait3A_1015 = arith.constant 0 : i32
      %dma_wait3A_1016 = tpu.memref_slice %arg7[%multiple_of3A_977, %dma_wait3A_1015] : memref<51200x128xf32, #tpu.memory_space<hbm>> -> memref<128x128xf32, #tpu.memory_space<hbm>>
      tpu.wait_dma2 semaphore(%arg24 : memref<!tpu.dma_semaphore, #tpu.memory_space<semaphore_mem>>) src(%arg10 : memref<128x128xf32, #tpu.memory_space<vmem>>) dst(%dma_wait3A_1016 : memref<128x128xf32, #tpu.memory_space<hbm>>)
    } else {
    }
    %eq3A_3 = arith.constant 1 : i32
    %eq3A_4 = arith.cmpi eq, %arg0, %eq3A_3 : i32
    %convert_element_type3A_5 = arith.extui %eq3A_4 : i1 to i32
    %cond3A_6 = arith.constant 0 : i32
    %cond3A_7 = arith.cmpi ne, %convert_element_type3A_5, %cond3A_6 : i32
    scf.if %cond3A_7 {
      %mul3A_8 = arith.constant 7 : i32
      %mul3A_9 = arith.muli %arg1, %mul3A_8 : i32
      %add3A_10 = arith.constant 288 : i32
      %add3A_11 = arith.addi %add3A_10, %mul3A_9 : i32
      %mul3A_12 = arith.constant 128 : i32
      %mul3A_13 = arith.muli %add3A_11, %mul3A_12 : i32
      %add3A_14 = arith.constant 0 : i32
      %add3A_15 = arith.addi %mul3A_13, %add3A_14 : i32
      %multiple_of3A = tpu.assume_multiple %add3A_15, 128 : i32
      %dma_start3A = arith.constant 0 : i32
      %dma_start3A_16 = arith.constant 0 : i32
      %dma_start3A_17 = tpu.memref_slice %arg8[%dma_start3A, %dma_start3A_16] : memref<18x128xi32, #tpu.memory_space<vmem>> -> memref<1x128xi32, #tpu.memory_space<vmem>>
      %dma_start3A_18 = tpu.memref_squeeze %dma_start3A_17 : memref<1x128xi32, #tpu.memory_space<vmem>> -> memref<128xi32, #tpu.memory_space<vmem>>
      %dma_start3A_19 = arith.constant 0 : i32
      %dma_start3A_20 = arith.constant 0 : i32
      %dma_start3A_21 = tpu.memref_slice %arg2[%dma_start3A_19, %dma_start3A_20] : memref<100000x128xf32, #tpu.memory_space<hbm>> -> memref<100000x128xf32, #tpu.memory_space<hbm>>
      tpu.enqueue_indirect_dma source(%dma_start3A_21 : memref<100000x128xf32, #tpu.memory_space<hbm>>) target(%arg10 : memref<128x128xf32, #tpu.memory_space<vmem>>) offsets(%dma_start3A_18 : memref<128xi32, #tpu.memory_space<vmem>>) semaphore(%arg17 : memref<!tpu.dma_semaphore, #tpu.memory_space<semaphore_mem>>)
      %add3A_22 = arith.constant 0 : i32
      %add3A_23 = arith.addi %mul3A_13, %add3A_22 : i32
      %multiple_of3A_24 = tpu.assume_multiple %add3A_23, 128 : i32
      %dma_start3A_25 = arith.constant 0 : i32
      %dma_start3A_26 = arith.constant 0 : i32
      %dma_start3A_27 = tpu.memref_slice %arg9[%dma_start3A_25, %dma_start3A_26] : memref<18x128xi32, #tpu.memory_space<vmem>> -> memref<1x128xi32, #tpu.memory_space<vmem>>
      %dma_start3A_28 = tpu.memref_squeeze %dma_start3A_27 : memref<1x128xi32, #tpu.memory_space<vmem>> -> memref<128xi32, #tpu.memory_space<vmem>>
      %dma_start3A_29 = arith.constant 0 : i32
      %dma_start3A_30 = arith.constant 0 : i32
      %dma_start3A_31 = tpu.memref_slice %arg3[%dma_start3A_29, %dma_start3A_30] : memref<100000x128xf32, #tpu.memory_space<hbm>> -> memref<100000x128xf32, #tpu.memory_space<hbm>>
      tpu.enqueue_indirect_dma source(%dma_start3A_31 : memref<100000x128xf32, #tpu.memory_space<hbm>>) target(%arg11 : memref<128x128xf32, #tpu.memory_space<vmem>>) offsets(%dma_start3A_28 : memref<128xi32, #tpu.memory_space<vmem>>) semaphore(%arg18 : memref<!tpu.dma_semaphore, #tpu.memory_space<semaphore_mem>>)
      %add3A_32 = arith.constant 128 : i32
      %add3A_33 = arith.addi %mul3A_13, %add3A_32 : i32
      %multiple_of3A_34 = tpu.assume_multiple %add3A_33, 128 : i32
      %dma_start3A_35 = arith.constant 1 : i32
      %dma_start3A_36 = arith.constant 0 : i32
      %dma_start3A_37 = tpu.memref_slice %arg8[%dma_start3A_35, %dma_start3A_36] : memref<18x128xi32, #tpu.memory_space<vmem>> -> memref<1x128xi32, #tpu.memory_space<vmem>>
      %dma_start3A_38 = tpu.memref_squeeze %dma_start3A_37 : memref<1x128xi32, #tpu.memory_space<vmem>> -> memref<128xi32, #tpu.memory_space<vmem>>
      %dma_start3A_39 = arith.constant 0 : i32
      %dma_start3A_40 = arith.constant 0 : i32
      %dma_start3A_41 = tpu.memref_slice %arg2[%dma_start3A_39, %dma_start3A_40] : memref<100000x128xf32, #tpu.memory_space<hbm>> -> memref<100000x128xf32, #tpu.memory_space<hbm>>
      tpu.enqueue_indirect_dma source(%dma_start3A_41 : memref<100000x128xf32, #tpu.memory_space<hbm>>) target(%arg12 : memref<128x128xf32, #tpu.memory_space<vmem>>) offsets(%dma_start3A_38 : memref<128xi32, #tpu.memory_space<vmem>>) semaphore(%arg19 : memref<!tpu.dma_semaphore, #tpu.memory_space<semaphore_mem>>)
      %add3A_42 = arith.constant 128 : i32
      %add3A_43 = arith.addi %mul3A_13, %add3A_42 : i32
      %multiple_of3A_44 = tpu.assume_multiple %add3A_43, 128 : i32
      %dma_start3A_45 = arith.constant 1 : i32
      %dma_start3A_46 = arith.constant 0 : i32
      %dma_start3A_47 = tpu.memref_slice %arg9[%dma_start3A_45, %dma_start3A_46] : memref<18x128xi32, #tpu.memory_space<vmem>> -> memref<1x128xi32, #tpu.memory_space<vmem>>
      %dma_start3A_48 = tpu.memref_squeeze %dma_start3A_47 : memref<1x128xi32, #tpu.memory_space<vmem>> -> memref<128xi32, #tpu.memory_space<vmem>>
      %dma_start3A_49 = arith.constant 0 : i32
      %dma_start3A_50 = arith.constant 0 : i32
      %dma_start3A_51 = tpu.memref_slice %arg3[%dma_start3A_49, %dma_start3A_50] : memref<100000x128xf32, #tpu.memory_space<hbm>> -> memref<100000x128xf32, #tpu.memory_space<hbm>>
      tpu.enqueue_indirect_dma source(%dma_start3A_51 : memref<100000x128xf32, #tpu.memory_space<hbm>>) target(%arg13 : memref<128x128xf32, #tpu.memory_space<vmem>>) offsets(%dma_start3A_48 : memref<128xi32, #tpu.memory_space<vmem>>) semaphore(%arg20 : memref<!tpu.dma_semaphore, #tpu.memory_space<semaphore_mem>>)
      %add3A_52 = arith.constant 256 : i32
      %add3A_53 = arith.addi %mul3A_13, %add3A_52 : i32
      %multiple_of3A_54 = tpu.assume_multiple %add3A_53, 128 : i32
      %dma_start3A_55 = arith.constant 2 : i32
      %dma_start3A_56 = arith.constant 0 : i32
      %dma_start3A_57 = tpu.memref_slice %arg8[%dma_start3A_55, %dma_start3A_56] : memref<18x128xi32, #tpu.memory_space<vmem>> -> memref<1x128xi32, #tpu.memory_space<vmem>>
      %dma_start3A_58 = tpu.memref_squeeze %dma_start3A_57 : memref<1x128xi32, #tpu.memory_space<vmem>> -> memref<128xi32, #tpu.memory_space<vmem>>
      %dma_start3A_59 = arith.constant 0 : i32
      %dma_start3A_60 = arith.constant 0 : i32
      %dma_start3A_61 = tpu.memref_slice %arg2[%dma_start3A_59, %dma_start3A_60] : memref<100000x128xf32, #tpu.memory_space<hbm>> -> memref<100000x128xf32, #tpu.memory_space<hbm>>
      tpu.enqueue_indirect_dma source(%dma_start3A_61 : memref<100000x128xf32, #tpu.memory_space<hbm>>) target(%arg14 : memref<128x128xf32, #tpu.memory_space<vmem>>) offsets(%dma_start3A_58 : memref<128xi32, #tpu.memory_space<vmem>>) semaphore(%arg21 : memref<!tpu.dma_semaphore, #tpu.memory_space<semaphore_mem>>)
      %add3A_62 = arith.constant 256 : i32
      %add3A_63 = arith.addi %mul3A_13, %add3A_62 : i32
      %multiple_of3A_64 = tpu.assume_multiple %add3A_63, 128 : i32
      %dma_start3A_65 = arith.constant 2 : i32
      %dma_start3A_66 = arith.constant 0 : i32
      %dma_start3A_67 = tpu.memref_slice %arg9[%dma_start3A_65, %dma_start3A_66] : memref<18x128xi32, #tpu.memory_space<vmem>> -> memref<1x128xi32, #tpu.memory_space<vmem>>
      %dma_start3A_68 = tpu.memref_squeeze %dma_start3A_67 : memref<1x128xi32, #tpu.memory_space<vmem>> -> memref<128xi32, #tpu.memory_space<vmem>>
      %dma_start3A_69 = arith.constant 0 : i32
      %dma_start3A_70 = arith.constant 0 : i32
      %dma_start3A_71 = tpu.memref_slice %arg3[%dma_start3A_69, %dma_start3A_70] : memref<100000x128xf32, #tpu.memory_space<hbm>> -> memref<100000x128xf32, #tpu.memory_space<hbm>>
      tpu.enqueue_indirect_dma source(%dma_start3A_71 : memref<100000x128xf32, #tpu.memory_space<hbm>>) target(%arg15 : memref<128x128xf32, #tpu.memory_space<vmem>>) offsets(%dma_start3A_68 : memref<128xi32, #tpu.memory_space<vmem>>) semaphore(%arg22 : memref<!tpu.dma_semaphore, #tpu.memory_space<semaphore_mem>>)
      %add3A_72 = arith.constant 0 : i32
      %add3A_73 = arith.addi %mul3A_13, %add3A_72 : i32
      %multiple_of3A_74 = tpu.assume_multiple %add3A_73, 128 : i32
      %dma_wait3A = arith.constant 0 : i32
      %dma_wait3A_75 = arith.constant 0 : i32
      %dma_wait3A_76 = tpu.memref_slice %arg8[%dma_wait3A, %dma_wait3A_75] : memref<18x128xi32, #tpu.memory_space<vmem>> -> memref<1x128xi32, #tpu.memory_space<vmem>>
      %dma_wait3A_77 = tpu.memref_squeeze %dma_wait3A_76 : memref<1x128xi32, #tpu.memory_space<vmem>> -> memref<128xi32, #tpu.memory_space<vmem>>
      %dma_wait3A_78 = arith.constant 0 : i32
      %dma_wait3A_79 = arith.constant 0 : i32
      %dma_wait3A_80 = tpu.memref_slice %arg2[%dma_wait3A_78, %dma_wait3A_79] : memref<100000x128xf32, #tpu.memory_space<hbm>> -> memref<100000x128xf32, #tpu.memory_space<hbm>>
      tpu.wait_indirect_dma semaphore(%arg17 : memref<!tpu.dma_semaphore, #tpu.memory_space<semaphore_mem>>) src(%dma_wait3A_80 : memref<100000x128xf32, #tpu.memory_space<hbm>>) dst(%arg10 : memref<128x128xf32, #tpu.memory_space<vmem>>)
      %dma_start3A_81 = arith.constant 0 : i32
      %dma_start3A_82 = tpu.memref_slice %arg6[%multiple_of3A_74, %dma_start3A_81] : memref<51200x128xf32, #tpu.memory_space<hbm>> -> memref<128x128xf32, #tpu.memory_space<hbm>>
      %dma_start3A_83 = arith.constant 0 : i32
      %dma_start3A_84 = tpu.memref_slice %arg6[%multiple_of3A_74, %dma_start3A_83] : memref<51200x128xf32, #tpu.memory_space<hbm>> -> memref<128x128xf32, #tpu.memory_space<hbm>>
      tpu.enqueue_dma source(%arg10 : memref<128x128xf32, #tpu.memory_space<vmem>>) target(%dma_start3A_84 : memref<128x128xf32, #tpu.memory_space<hbm>>) target_semaphore(%arg24 : memref<!tpu.dma_semaphore, #tpu.memory_space<semaphore_mem>>)
      %add3A_85 = arith.constant 384 : i32
      %add3A_86 = arith.addi %mul3A_13, %add3A_85 : i32
      %multiple_of3A_87 = tpu.assume_multiple %add3A_86, 128 : i32
      %dma_start3A_88 = arith.constant 3 : i32
      %dma_start3A_89 = arith.constant 0 : i32
      %dma_start3A_90 = tpu.memref_slice %arg8[%dma_start3A_88, %dma_start3A_89] : memref<18x128xi32, #tpu.memory_space<vmem>> -> memref<1x128xi32, #tpu.memory_space<vmem>>
      %dma_start3A_91 = tpu.memref_squeeze %dma_start3A_90 : memref<1x128xi32, #tpu.memory_space<vmem>> -> memref<128xi32, #tpu.memory_space<vmem>>
      %dma_start3A_92 = arith.constant 0 : i32
      %dma_start3A_93 = arith.constant 0 : i32
      %dma_start3A_94 = tpu.memref_slice %arg2[%dma_start3A_92, %dma_start3A_93] : memref<100000x128xf32, #tpu.memory_space<hbm>> -> memref<100000x128xf32, #tpu.memory_space<hbm>>
      tpu.enqueue_indirect_dma source(%dma_start3A_94 : memref<100000x128xf32, #tpu.memory_space<hbm>>) target(%arg16 : memref<128x128xf32, #tpu.memory_space<vmem>>) offsets(%dma_start3A_91 : memref<128xi32, #tpu.memory_space<vmem>>) semaphore(%arg23 : memref<!tpu.dma_semaphore, #tpu.memory_space<semaphore_mem>>)
      %add3A_95 = arith.constant 0 : i32
      %add3A_96 = arith.addi %mul3A_13, %add3A_95 : i32
      %multiple_of3A_97 = tpu.assume_multiple %add3A_96, 128 : i32
      %dma_wait3A_98 = arith.constant 0 : i32
      %dma_wait3A_99 = arith.constant 0 : i32
      %dma_wait3A_100 = tpu.memref_slice %arg9[%dma_wait3A_98, %dma_wait3A_99] : memref<18x128xi32, #tpu.memory_space<vmem>> -> memref<1x128xi32, #tpu.memory_space<vmem>>
      %dma_wait3A_101 = tpu.memref_squeeze %dma_wait3A_100 : memref<1x128xi32, #tpu.memory_space<vmem>> -> memref<128xi32, #tpu.memory_space<vmem>>
      %dma_wait3A_102 = arith.constant 0 : i32
      %dma_wait3A_103 = arith.constant 0 : i32
      %dma_wait3A_104 = tpu.memref_slice %arg3[%dma_wait3A_102, %dma_wait3A_103] : memref<100000x128xf32, #tpu.memory_space<hbm>> -> memref<100000x128xf32, #tpu.memory_space<hbm>>
      tpu.wait_indirect_dma semaphore(%arg18 : memref<!tpu.dma_semaphore, #tpu.memory_space<semaphore_mem>>) src(%dma_wait3A_104 : memref<100000x128xf32, #tpu.memory_space<hbm>>) dst(%arg11 : memref<128x128xf32, #tpu.memory_space<vmem>>)
      %dma_start3A_105 = arith.constant 0 : i32
      %dma_start3A_106 = tpu.memref_slice %arg7[%multiple_of3A_97, %dma_start3A_105] : memref<51200x128xf32, #tpu.memory_space<hbm>> -> memref<128x128xf32, #tpu.memory_space<hbm>>
      %dma_start3A_107 = arith.constant 0 : i32
      %dma_start3A_108 = tpu.memref_slice %arg7[%multiple_of3A_97, %dma_start3A_107] : memref<51200x128xf32, #tpu.memory_space<hbm>> -> memref<128x128xf32, #tpu.memory_space<hbm>>
      tpu.enqueue_dma source(%arg11 : memref<128x128xf32, #tpu.memory_space<vmem>>) target(%dma_start3A_108 : memref<128x128xf32, #tpu.memory_space<hbm>>) target_semaphore(%arg25 : memref<!tpu.dma_semaphore, #tpu.memory_space<semaphore_mem>>)
      %dma_wait3A_109 = arith.constant 0 : i32
      %dma_wait3A_110 = tpu.memref_slice %arg6[%multiple_of3A_74, %dma_wait3A_109] : memref<51200x128xf32, #tpu.memory_space<hbm>> -> memref<128x128xf32, #tpu.memory_space<hbm>>
      %dma_wait3A_111 = arith.constant 0 : i32
      %dma_wait3A_112 = tpu.memref_slice %arg6[%multiple_of3A_74, %dma_wait3A_111] : memref<51200x128xf32, #tpu.memory_space<hbm>> -> memref<128x128xf32, #tpu.memory_space<hbm>>
      tpu.wait_dma2 semaphore(%arg24 : memref<!tpu.dma_semaphore, #tpu.memory_space<semaphore_mem>>) src(%arg10 : memref<128x128xf32, #tpu.memory_space<vmem>>) dst(%dma_wait3A_112 : memref<128x128xf32, #tpu.memory_space<hbm>>)
      %add3A_113 = arith.constant 384 : i32
      %add3A_114 = arith.addi %mul3A_13, %add3A_113 : i32
      %multiple_of3A_115 = tpu.assume_multiple %add3A_114, 128 : i32
      %dma_start3A_116 = arith.constant 3 : i32
      %dma_start3A_117 = arith.constant 0 : i32
      %dma_start3A_118 = tpu.memref_slice %arg9[%dma_start3A_116, %dma_start3A_117] : memref<18x128xi32, #tpu.memory_space<vmem>> -> memref<1x128xi32, #tpu.memory_space<vmem>>
      %dma_start3A_119 = tpu.memref_squeeze %dma_start3A_118 : memref<1x128xi32, #tpu.memory_space<vmem>> -> memref<128xi32, #tpu.memory_space<vmem>>
      %dma_start3A_120 = arith.constant 0 : i32
      %dma_start3A_121 = arith.constant 0 : i32
      %dma_start3A_122 = tpu.memref_slice %arg3[%dma_start3A_120, %dma_start3A_121] : memref<100000x128xf32, #tpu.memory_space<hbm>> -> memref<100000x128xf32, #tpu.memory_space<hbm>>
      tpu.enqueue_indirect_dma source(%dma_start3A_122 : memref<100000x128xf32, #tpu.memory_space<hbm>>) target(%arg10 : memref<128x128xf32, #tpu.memory_space<vmem>>) offsets(%dma_start3A_119 : memref<128xi32, #tpu.memory_space<vmem>>) semaphore(%arg17 : memref<!tpu.dma_semaphore, #tpu.memory_space<semaphore_mem>>)
      %add3A_123 = arith.constant 128 : i32
      %add3A_124 = arith.addi %mul3A_13, %add3A_123 : i32
      %multiple_of3A_125 = tpu.assume_multiple %add3A_124, 128 : i32
      %dma_wait3A_126 = arith.constant 1 : i32
      %dma_wait3A_127 = arith.constant 0 : i32
      %dma_wait3A_128 = tpu.memref_slice %arg8[%dma_wait3A_126, %dma_wait3A_127] : memref<18x128xi32, #tpu.memory_space<vmem>> -> memref<1x128xi32, #tpu.memory_space<vmem>>
      %dma_wait3A_129 = tpu.memref_squeeze %dma_wait3A_128 : memref<1x128xi32, #tpu.memory_space<vmem>> -> memref<128xi32, #tpu.memory_space<vmem>>
      %dma_wait3A_130 = arith.constant 0 : i32
      %dma_wait3A_131 = arith.constant 0 : i32
      %dma_wait3A_132 = tpu.memref_slice %arg2[%dma_wait3A_130, %dma_wait3A_131] : memref<100000x128xf32, #tpu.memory_space<hbm>> -> memref<100000x128xf32, #tpu.memory_space<hbm>>
      tpu.wait_indirect_dma semaphore(%arg19 : memref<!tpu.dma_semaphore, #tpu.memory_space<semaphore_mem>>) src(%dma_wait3A_132 : memref<100000x128xf32, #tpu.memory_space<hbm>>) dst(%arg12 : memref<128x128xf32, #tpu.memory_space<vmem>>)
      %dma_start3A_133 = arith.constant 0 : i32
      %dma_start3A_134 = tpu.memref_slice %arg6[%multiple_of3A_125, %dma_start3A_133] : memref<51200x128xf32, #tpu.memory_space<hbm>> -> memref<128x128xf32, #tpu.memory_space<hbm>>
      %dma_start3A_135 = arith.constant 0 : i32
      %dma_start3A_136 = tpu.memref_slice %arg6[%multiple_of3A_125, %dma_start3A_135] : memref<51200x128xf32, #tpu.memory_space<hbm>> -> memref<128x128xf32, #tpu.memory_space<hbm>>
      tpu.enqueue_dma source(%arg12 : memref<128x128xf32, #tpu.memory_space<vmem>>) target(%dma_start3A_136 : memref<128x128xf32, #tpu.memory_space<hbm>>) target_semaphore(%arg26 : memref<!tpu.dma_semaphore, #tpu.memory_space<semaphore_mem>>)
      %dma_wait3A_137 = arith.constant 0 : i32
      %dma_wait3A_138 = tpu.memref_slice %arg7[%multiple_of3A_97, %dma_wait3A_137] : memref<51200x128xf32, #tpu.memory_space<hbm>> -> memref<128x128xf32, #tpu.memory_space<hbm>>
      %dma_wait3A_139 = arith.constant 0 : i32
      %dma_wait3A_140 = tpu.memref_slice %arg7[%multiple_of3A_97, %dma_wait3A_139] : memref<51200x128xf32, #tpu.memory_space<hbm>> -> memref<128x128xf32, #tpu.memory_space<hbm>>
      tpu.wait_dma2 semaphore(%arg25 : memref<!tpu.dma_semaphore, #tpu.memory_space<semaphore_mem>>) src(%arg11 : memref<128x128xf32, #tpu.memory_space<vmem>>) dst(%dma_wait3A_140 : memref<128x128xf32, #tpu.memory_space<hbm>>)
      %add3A_141 = arith.constant 512 : i32
      %add3A_142 = arith.addi %mul3A_13, %add3A_141 : i32
      %multiple_of3A_143 = tpu.assume_multiple %add3A_142, 128 : i32
      %dma_start3A_144 = arith.constant 4 : i32
      %dma_start3A_145 = arith.constant 0 : i32
      %dma_start3A_146 = tpu.memref_slice %arg8[%dma_start3A_144, %dma_start3A_145] : memref<18x128xi32, #tpu.memory_space<vmem>> -> memref<1x128xi32, #tpu.memory_space<vmem>>
      %dma_start3A_147 = tpu.memref_squeeze %dma_start3A_146 : memref<1x128xi32, #tpu.memory_space<vmem>> -> memref<128xi32, #tpu.memory_space<vmem>>
      %dma_start3A_148 = arith.constant 0 : i32
      %dma_start3A_149 = arith.constant 0 : i32
      %dma_start3A_150 = tpu.memref_slice %arg2[%dma_start3A_148, %dma_start3A_149] : memref<100000x128xf32, #tpu.memory_space<hbm>> -> memref<100000x128xf32, #tpu.memory_space<hbm>>
      tpu.enqueue_indirect_dma source(%dma_start3A_150 : memref<100000x128xf32, #tpu.memory_space<hbm>>) target(%arg11 : memref<128x128xf32, #tpu.memory_space<vmem>>) offsets(%dma_start3A_147 : memref<128xi32, #tpu.memory_space<vmem>>) semaphore(%arg18 : memref<!tpu.dma_semaphore, #tpu.memory_space<semaphore_mem>>)
      %add3A_151 = arith.constant 128 : i32
      %add3A_152 = arith.addi %mul3A_13, %add3A_151 : i32
      %multiple_of3A_153 = tpu.assume_multiple %add3A_152, 128 : i32
      %dma_wait3A_154 = arith.constant 1 : i32
      %dma_wait3A_155 = arith.constant 0 : i32
      %dma_wait3A_156 = tpu.memref_slice %arg9[%dma_wait3A_154, %dma_wait3A_155] : memref<18x128xi32, #tpu.memory_space<vmem>> -> memref<1x128xi32, #tpu.memory_space<vmem>>
      %dma_wait3A_157 = tpu.memref_squeeze %dma_wait3A_156 : memref<1x128xi32, #tpu.memory_space<vmem>> -> memref<128xi32, #tpu.memory_space<vmem>>
      %dma_wait3A_158 = arith.constant 0 : i32
      %dma_wait3A_159 = arith.constant 0 : i32
      %dma_wait3A_160 = tpu.memref_slice %arg3[%dma_wait3A_158, %dma_wait3A_159] : memref<100000x128xf32, #tpu.memory_space<hbm>> -> memref<100000x128xf32, #tpu.memory_space<hbm>>
      tpu.wait_indirect_dma semaphore(%arg20 : memref<!tpu.dma_semaphore, #tpu.memory_space<semaphore_mem>>) src(%dma_wait3A_160 : memref<100000x128xf32, #tpu.memory_space<hbm>>) dst(%arg13 : memref<128x128xf32, #tpu.memory_space<vmem>>)
      %dma_start3A_161 = arith.constant 0 : i32
      %dma_start3A_162 = tpu.memref_slice %arg7[%multiple_of3A_153, %dma_start3A_161] : memref<51200x128xf32, #tpu.memory_space<hbm>> -> memref<128x128xf32, #tpu.memory_space<hbm>>
      %dma_start3A_163 = arith.constant 0 : i32
      %dma_start3A_164 = tpu.memref_slice %arg7[%multiple_of3A_153, %dma_start3A_163] : memref<51200x128xf32, #tpu.memory_space<hbm>> -> memref<128x128xf32, #tpu.memory_space<hbm>>
      tpu.enqueue_dma source(%arg13 : memref<128x128xf32, #tpu.memory_space<vmem>>) target(%dma_start3A_164 : memref<128x128xf32, #tpu.memory_space<hbm>>) target_semaphore(%arg27 : memref<!tpu.dma_semaphore, #tpu.memory_space<semaphore_mem>>)
      %dma_wait3A_165 = arith.constant 0 : i32
      %dma_wait3A_166 = tpu.memref_slice %arg6[%multiple_of3A_125, %dma_wait3A_165] : memref<51200x128xf32, #tpu.memory_space<hbm>> -> memref<128x128xf32, #tpu.memory_space<hbm>>
      %dma_wait3A_167 = arith.constant 0 : i32
      %dma_wait3A_168 = tpu.memref_slice %arg6[%multiple_of3A_125, %dma_wait3A_167] : memref<51200x128xf32, #tpu.memory_space<hbm>> -> memref<128x128xf32, #tpu.memory_space<hbm>>
      tpu.wait_dma2 semaphore(%arg26 : memref<!tpu.dma_semaphore, #tpu.memory_space<semaphore_mem>>) src(%arg12 : memref<128x128xf32, #tpu.memory_space<vmem>>) dst(%dma_wait3A_168 : memref<128x128xf32, #tpu.memory_space<hbm>>)
      %add3A_169 = arith.constant 512 : i32
      %add3A_170 = arith.addi %mul3A_13, %add3A_169 : i32
      %multiple_of3A_171 = tpu.assume_multiple %add3A_170, 128 : i32
      %dma_start3A_172 = arith.constant 4 : i32
      %dma_start3A_173 = arith.constant 0 : i32
      %dma_start3A_174 = tpu.memref_slice %arg9[%dma_start3A_172, %dma_start3A_173] : memref<18x128xi32, #tpu.memory_space<vmem>> -> memref<1x128xi32, #tpu.memory_space<vmem>>
      %dma_start3A_175 = tpu.memref_squeeze %dma_start3A_174 : memref<1x128xi32, #tpu.memory_space<vmem>> -> memref<128xi32, #tpu.memory_space<vmem>>
      %dma_start3A_176 = arith.constant 0 : i32
      %dma_start3A_177 = arith.constant 0 : i32
      %dma_start3A_178 = tpu.memref_slice %arg3[%dma_start3A_176, %dma_start3A_177] : memref<100000x128xf32, #tpu.memory_space<hbm>> -> memref<100000x128xf32, #tpu.memory_space<hbm>>
      tpu.enqueue_indirect_dma source(%dma_start3A_178 : memref<100000x128xf32, #tpu.memory_space<hbm>>) target(%arg12 : memref<128x128xf32, #tpu.memory_space<vmem>>) offsets(%dma_start3A_175 : memref<128xi32, #tpu.memory_space<vmem>>) semaphore(%arg19 : memref<!tpu.dma_semaphore, #tpu.memory_space<semaphore_mem>>)
      %add3A_179 = arith.constant 256 : i32
      %add3A_180 = arith.addi %mul3A_13, %add3A_179 : i32
      %multiple_of3A_181 = tpu.assume_multiple %add3A_180, 128 : i32
      %dma_wait3A_182 = arith.constant 2 : i32
      %dma_wait3A_183 = arith.constant 0 : i32
      %dma_wait3A_184 = tpu.memref_slice %arg8[%dma_wait3A_182, %dma_wait3A_183] : memref<18x128xi32, #tpu.memory_space<vmem>> -> memref<1x128xi32, #tpu.memory_space<vmem>>
      %dma_wait3A_185 = tpu.memref_squeeze %dma_wait3A_184 : memref<1x128xi32, #tpu.memory_space<vmem>> -> memref<128xi32, #tpu.memory_space<vmem>>
      %dma_wait3A_186 = arith.constant 0 : i32
      %dma_wait3A_187 = arith.constant 0 : i32
      %dma_wait3A_188 = tpu.memref_slice %arg2[%dma_wait3A_186, %dma_wait3A_187] : memref<100000x128xf32, #tpu.memory_space<hbm>> -> memref<100000x128xf32, #tpu.memory_space<hbm>>
      tpu.wait_indirect_dma semaphore(%arg21 : memref<!tpu.dma_semaphore, #tpu.memory_space<semaphore_mem>>) src(%dma_wait3A_188 : memref<100000x128xf32, #tpu.memory_space<hbm>>) dst(%arg14 : memref<128x128xf32, #tpu.memory_space<vmem>>)
      %dma_start3A_189 = arith.constant 0 : i32
      %dma_start3A_190 = tpu.memref_slice %arg6[%multiple_of3A_181, %dma_start3A_189] : memref<51200x128xf32, #tpu.memory_space<hbm>> -> memref<128x128xf32, #tpu.memory_space<hbm>>
      %dma_start3A_191 = arith.constant 0 : i32
      %dma_start3A_192 = tpu.memref_slice %arg6[%multiple_of3A_181, %dma_start3A_191] : memref<51200x128xf32, #tpu.memory_space<hbm>> -> memref<128x128xf32, #tpu.memory_space<hbm>>
      tpu.enqueue_dma source(%arg14 : memref<128x128xf32, #tpu.memory_space<vmem>>) target(%dma_start3A_192 : memref<128x128xf32, #tpu.memory_space<hbm>>) target_semaphore(%arg28 : memref<!tpu.dma_semaphore, #tpu.memory_space<semaphore_mem>>)
      %dma_wait3A_193 = arith.constant 0 : i32
      %dma_wait3A_194 = tpu.memref_slice %arg7[%multiple_of3A_153, %dma_wait3A_193] : memref<51200x128xf32, #tpu.memory_space<hbm>> -> memref<128x128xf32, #tpu.memory_space<hbm>>
      %dma_wait3A_195 = arith.constant 0 : i32
      %dma_wait3A_196 = tpu.memref_slice %arg7[%multiple_of3A_153, %dma_wait3A_195] : memref<51200x128xf32, #tpu.memory_space<hbm>> -> memref<128x128xf32, #tpu.memory_space<hbm>>
      tpu.wait_dma2 semaphore(%arg27 : memref<!tpu.dma_semaphore, #tpu.memory_space<semaphore_mem>>) src(%arg13 : memref<128x128xf32, #tpu.memory_space<vmem>>) dst(%dma_wait3A_196 : memref<128x128xf32, #tpu.memory_space<hbm>>)
      %add3A_197 = arith.constant 640 : i32
      %add3A_198 = arith.addi %mul3A_13, %add3A_197 : i32
      %multiple_of3A_199 = tpu.assume_multiple %add3A_198, 128 : i32
      %dma_start3A_200 = arith.constant 5 : i32
      %dma_start3A_201 = arith.constant 0 : i32
      %dma_start3A_202 = tpu.memref_slice %arg8[%dma_start3A_200, %dma_start3A_201] : memref<18x128xi32, #tpu.memory_space<vmem>> -> memref<1x128xi32, #tpu.memory_space<vmem>>
      %dma_start3A_203 = tpu.memref_squeeze %dma_start3A_202 : memref<1x128xi32, #tpu.memory_space<vmem>> -> memref<128xi32, #tpu.memory_space<vmem>>
      %dma_start3A_204 = arith.constant 0 : i32
      %dma_start3A_205 = arith.constant 0 : i32
      %dma_start3A_206 = tpu.memref_slice %arg2[%dma_start3A_204, %dma_start3A_205] : memref<100000x128xf32, #tpu.memory_space<hbm>> -> memref<100000x128xf32, #tpu.memory_space<hbm>>
      tpu.enqueue_indirect_dma source(%dma_start3A_206 : memref<100000x128xf32, #tpu.memory_space<hbm>>) target(%arg13 : memref<128x128xf32, #tpu.memory_space<vmem>>) offsets(%dma_start3A_203 : memref<128xi32, #tpu.memory_space<vmem>>) semaphore(%arg20 : memref<!tpu.dma_semaphore, #tpu.memory_space<semaphore_mem>>)
      %add3A_207 = arith.constant 256 : i32
      %add3A_208 = arith.addi %mul3A_13, %add3A_207 : i32
      %multiple_of3A_209 = tpu.assume_multiple %add3A_208, 128 : i32
      %dma_wait3A_210 = arith.constant 2 : i32
      %dma_wait3A_211 = arith.constant 0 : i32
      %dma_wait3A_212 = tpu.memref_slice %arg9[%dma_wait3A_210, %dma_wait3A_211] : memref<18x128xi32, #tpu.memory_space<vmem>> -> memref<1x128xi32, #tpu.memory_space<vmem>>
      %dma_wait3A_213 = tpu.memref_squeeze %dma_wait3A_212 : memref<1x128xi32, #tpu.memory_space<vmem>> -> memref<128xi32, #tpu.memory_space<vmem>>
      %dma_wait3A_214 = arith.constant 0 : i32
      %dma_wait3A_215 = arith.constant 0 : i32
      %dma_wait3A_216 = tpu.memref_slice %arg3[%dma_wait3A_214, %dma_wait3A_215] : memref<100000x128xf32, #tpu.memory_space<hbm>> -> memref<100000x128xf32, #tpu.memory_space<hbm>>
      tpu.wait_indirect_dma semaphore(%arg22 : memref<!tpu.dma_semaphore, #tpu.memory_space<semaphore_mem>>) src(%dma_wait3A_216 : memref<100000x128xf32, #tpu.memory_space<hbm>>) dst(%arg15 : memref<128x128xf32, #tpu.memory_space<vmem>>)
      %dma_start3A_217 = arith.constant 0 : i32
      %dma_start3A_218 = tpu.memref_slice %arg7[%multiple_of3A_209, %dma_start3A_217] : memref<51200x128xf32, #tpu.memory_space<hbm>> -> memref<128x128xf32, #tpu.memory_space<hbm>>
      %dma_start3A_219 = arith.constant 0 : i32
      %dma_start3A_220 = tpu.memref_slice %arg7[%multiple_of3A_209, %dma_start3A_219] : memref<51200x128xf32, #tpu.memory_space<hbm>> -> memref<128x128xf32, #tpu.memory_space<hbm>>
      tpu.enqueue_dma source(%arg15 : memref<128x128xf32, #tpu.memory_space<vmem>>) target(%dma_start3A_220 : memref<128x128xf32, #tpu.memory_space<hbm>>) target_semaphore(%arg29 : memref<!tpu.dma_semaphore, #tpu.memory_space<semaphore_mem>>)
      %dma_wait3A_221 = arith.constant 0 : i32
      %dma_wait3A_222 = tpu.memref_slice %arg6[%multiple_of3A_181, %dma_wait3A_221] : memref<51200x128xf32, #tpu.memory_space<hbm>> -> memref<128x128xf32, #tpu.memory_space<hbm>>
      %dma_wait3A_223 = arith.constant 0 : i32
      %dma_wait3A_224 = tpu.memref_slice %arg6[%multiple_of3A_181, %dma_wait3A_223] : memref<51200x128xf32, #tpu.memory_space<hbm>> -> memref<128x128xf32, #tpu.memory_space<hbm>>
      tpu.wait_dma2 semaphore(%arg28 : memref<!tpu.dma_semaphore, #tpu.memory_space<semaphore_mem>>) src(%arg14 : memref<128x128xf32, #tpu.memory_space<vmem>>) dst(%dma_wait3A_224 : memref<128x128xf32, #tpu.memory_space<hbm>>)
      %add3A_225 = arith.constant 640 : i32
      %add3A_226 = arith.addi %mul3A_13, %add3A_225 : i32
      %multiple_of3A_227 = tpu.assume_multiple %add3A_226, 128 : i32
      %dma_start3A_228 = arith.constant 5 : i32
      %dma_start3A_229 = arith.constant 0 : i32
      %dma_start3A_230 = tpu.memref_slice %arg9[%dma_start3A_228, %dma_start3A_229] : memref<18x128xi32, #tpu.memory_space<vmem>> -> memref<1x128xi32, #tpu.memory_space<vmem>>
      %dma_start3A_231 = tpu.memref_squeeze %dma_start3A_230 : memref<1x128xi32, #tpu.memory_space<vmem>> -> memref<128xi32, #tpu.memory_space<vmem>>
      %dma_start3A_232 = arith.constant 0 : i32
      %dma_start3A_233 = arith.constant 0 : i32
      %dma_start3A_234 = tpu.memref_slice %arg3[%dma_start3A_232, %dma_start3A_233] : memref<100000x128xf32, #tpu.memory_space<hbm>> -> memref<100000x128xf32, #tpu.memory_space<hbm>>
      tpu.enqueue_indirect_dma source(%dma_start3A_234 : memref<100000x128xf32, #tpu.memory_space<hbm>>) target(%arg14 : memref<128x128xf32, #tpu.memory_space<vmem>>) offsets(%dma_start3A_231 : memref<128xi32, #tpu.memory_space<vmem>>) semaphore(%arg21 : memref<!tpu.dma_semaphore, #tpu.memory_space<semaphore_mem>>)
      %add3A_235 = arith.constant 384 : i32
      %add3A_236 = arith.addi %mul3A_13, %add3A_235 : i32
      %multiple_of3A_237 = tpu.assume_multiple %add3A_236, 128 : i32
      %dma_wait3A_238 = arith.constant 3 : i32
      %dma_wait3A_239 = arith.constant 0 : i32
      %dma_wait3A_240 = tpu.memref_slice %arg8[%dma_wait3A_238, %dma_wait3A_239] : memref<18x128xi32, #tpu.memory_space<vmem>> -> memref<1x128xi32, #tpu.memory_space<vmem>>
      %dma_wait3A_241 = tpu.memref_squeeze %dma_wait3A_240 : memref<1x128xi32, #tpu.memory_space<vmem>> -> memref<128xi32, #tpu.memory_space<vmem>>
      %dma_wait3A_242 = arith.constant 0 : i32
      %dma_wait3A_243 = arith.constant 0 : i32
      %dma_wait3A_244 = tpu.memref_slice %arg2[%dma_wait3A_242, %dma_wait3A_243] : memref<100000x128xf32, #tpu.memory_space<hbm>> -> memref<100000x128xf32, #tpu.memory_space<hbm>>
      tpu.wait_indirect_dma semaphore(%arg23 : memref<!tpu.dma_semaphore, #tpu.memory_space<semaphore_mem>>) src(%dma_wait3A_244 : memref<100000x128xf32, #tpu.memory_space<hbm>>) dst(%arg16 : memref<128x128xf32, #tpu.memory_space<vmem>>)
      %dma_start3A_245 = arith.constant 0 : i32
      %dma_start3A_246 = tpu.memref_slice %arg6[%multiple_of3A_237, %dma_start3A_245] : memref<51200x128xf32, #tpu.memory_space<hbm>> -> memref<128x128xf32, #tpu.memory_space<hbm>>
      %dma_start3A_247 = arith.constant 0 : i32
      %dma_start3A_248 = tpu.memref_slice %arg6[%multiple_of3A_237, %dma_start3A_247] : memref<51200x128xf32, #tpu.memory_space<hbm>> -> memref<128x128xf32, #tpu.memory_space<hbm>>
      tpu.enqueue_dma source(%arg16 : memref<128x128xf32, #tpu.memory_space<vmem>>) target(%dma_start3A_248 : memref<128x128xf32, #tpu.memory_space<hbm>>) target_semaphore(%arg30 : memref<!tpu.dma_semaphore, #tpu.memory_space<semaphore_mem>>)
      %dma_wait3A_249 = arith.constant 0 : i32
      %dma_wait3A_250 = tpu.memref_slice %arg7[%multiple_of3A_209, %dma_wait3A_249] : memref<51200x128xf32, #tpu.memory_space<hbm>> -> memref<128x128xf32, #tpu.memory_space<hbm>>
      %dma_wait3A_251 = arith.constant 0 : i32
      %dma_wait3A_252 = tpu.memref_slice %arg7[%multiple_of3A_209, %dma_wait3A_251] : memref<51200x128xf32, #tpu.memory_space<hbm>> -> memref<128x128xf32, #tpu.memory_space<hbm>>
      tpu.wait_dma2 semaphore(%arg29 : memref<!tpu.dma_semaphore, #tpu.memory_space<semaphore_mem>>) src(%arg15 : memref<128x128xf32, #tpu.memory_space<vmem>>) dst(%dma_wait3A_252 : memref<128x128xf32, #tpu.memory_space<hbm>>)
      %add3A_253 = arith.constant 768 : i32
      %add3A_254 = arith.addi %mul3A_13, %add3A_253 : i32
      %multiple_of3A_255 = tpu.assume_multiple %add3A_254, 128 : i32
      %dma_start3A_256 = arith.constant 6 : i32
      %dma_start3A_257 = arith.constant 0 : i32
      %dma_start3A_258 = tpu.memref_slice %arg8[%dma_start3A_256, %dma_start3A_257] : memref<18x128xi32, #tpu.memory_space<vmem>> -> memref<1x128xi32, #tpu.memory_space<vmem>>
      %dma_start3A_259 = tpu.memref_squeeze %dma_start3A_258 : memref<1x128xi32, #tpu.memory_space<vmem>> -> memref<128xi32, #tpu.memory_space<vmem>>
      %dma_start3A_260 = arith.constant 0 : i32
      %dma_start3A_261 = arith.constant 0 : i32
      %dma_start3A_262 = tpu.memref_slice %arg2[%dma_start3A_260, %dma_start3A_261] : memref<100000x128xf32, #tpu.memory_space<hbm>> -> memref<100000x128xf32, #tpu.memory_space<hbm>>
      tpu.enqueue_indirect_dma source(%dma_start3A_262 : memref<100000x128xf32, #tpu.memory_space<hbm>>) target(%arg15 : memref<128x128xf32, #tpu.memory_space<vmem>>) offsets(%dma_start3A_259 : memref<128xi32, #tpu.memory_space<vmem>>) semaphore(%arg22 : memref<!tpu.dma_semaphore, #tpu.memory_space<semaphore_mem>>)
      %add3A_263 = arith.constant 384 : i32
      %add3A_264 = arith.addi %mul3A_13, %add3A_263 : i32
      %multiple_of3A_265 = tpu.assume_multiple %add3A_264, 128 : i32
      %dma_wait3A_266 = arith.constant 3 : i32
      %dma_wait3A_267 = arith.constant 0 : i32
      %dma_wait3A_268 = tpu.memref_slice %arg9[%dma_wait3A_266, %dma_wait3A_267] : memref<18x128xi32, #tpu.memory_space<vmem>> -> memref<1x128xi32, #tpu.memory_space<vmem>>
      %dma_wait3A_269 = tpu.memref_squeeze %dma_wait3A_268 : memref<1x128xi32, #tpu.memory_space<vmem>> -> memref<128xi32, #tpu.memory_space<vmem>>
      %dma_wait3A_270 = arith.constant 0 : i32
      %dma_wait3A_271 = arith.constant 0 : i32
      %dma_wait3A_272 = tpu.memref_slice %arg3[%dma_wait3A_270, %dma_wait3A_271] : memref<100000x128xf32, #tpu.memory_space<hbm>> -> memref<100000x128xf32, #tpu.memory_space<hbm>>
      tpu.wait_indirect_dma semaphore(%arg17 : memref<!tpu.dma_semaphore, #tpu.memory_space<semaphore_mem>>) src(%dma_wait3A_272 : memref<100000x128xf32, #tpu.memory_space<hbm>>) dst(%arg10 : memref<128x128xf32, #tpu.memory_space<vmem>>)
      %dma_start3A_273 = arith.constant 0 : i32
      %dma_start3A_274 = tpu.memref_slice %arg7[%multiple_of3A_265, %dma_start3A_273] : memref<51200x128xf32, #tpu.memory_space<hbm>> -> memref<128x128xf32, #tpu.memory_space<hbm>>
      %dma_start3A_275 = arith.constant 0 : i32
      %dma_start3A_276 = tpu.memref_slice %arg7[%multiple_of3A_265, %dma_start3A_275] : memref<51200x128xf32, #tpu.memory_space<hbm>> -> memref<128x128xf32, #tpu.memory_space<hbm>>
      tpu.enqueue_dma source(%arg10 : memref<128x128xf32, #tpu.memory_space<vmem>>) target(%dma_start3A_276 : memref<128x128xf32, #tpu.memory_space<hbm>>) target_semaphore(%arg24 : memref<!tpu.dma_semaphore, #tpu.memory_space<semaphore_mem>>)
      %dma_wait3A_277 = arith.constant 0 : i32
      %dma_wait3A_278 = tpu.memref_slice %arg6[%multiple_of3A_237, %dma_wait3A_277] : memref<51200x128xf32, #tpu.memory_space<hbm>> -> memref<128x128xf32, #tpu.memory_space<hbm>>
      %dma_wait3A_279 = arith.constant 0 : i32
      %dma_wait3A_280 = tpu.memref_slice %arg6[%multiple_of3A_237, %dma_wait3A_279] : memref<51200x128xf32, #tpu.memory_space<hbm>> -> memref<128x128xf32, #tpu.memory_space<hbm>>
      tpu.wait_dma2 semaphore(%arg30 : memref<!tpu.dma_semaphore, #tpu.memory_space<semaphore_mem>>) src(%arg16 : memref<128x128xf32, #tpu.memory_space<vmem>>) dst(%dma_wait3A_280 : memref<128x128xf32, #tpu.memory_space<hbm>>)
      %add3A_281 = arith.constant 768 : i32
      %add3A_282 = arith.addi %mul3A_13, %add3A_281 : i32
      %multiple_of3A_283 = tpu.assume_multiple %add3A_282, 128 : i32
      %dma_start3A_284 = arith.constant 6 : i32
      %dma_start3A_285 = arith.constant 0 : i32
      %dma_start3A_286 = tpu.memref_slice %arg9[%dma_start3A_284, %dma_start3A_285] : memref<18x128xi32, #tpu.memory_space<vmem>> -> memref<1x128xi32, #tpu.memory_space<vmem>>
      %dma_start3A_287 = tpu.memref_squeeze %dma_start3A_286 : memref<1x128xi32, #tpu.memory_space<vmem>> -> memref<128xi32, #tpu.memory_space<vmem>>
      %dma_start3A_288 = arith.constant 0 : i32
      %dma_start3A_289 = arith.constant 0 : i32
      %dma_start3A_290 = tpu.memref_slice %arg3[%dma_start3A_288, %dma_start3A_289] : memref<100000x128xf32, #tpu.memory_space<hbm>> -> memref<100000x128xf32, #tpu.memory_space<hbm>>
      tpu.enqueue_indirect_dma source(%dma_start3A_290 : memref<100000x128xf32, #tpu.memory_space<hbm>>) target(%arg16 : memref<128x128xf32, #tpu.memory_space<vmem>>) offsets(%dma_start3A_287 : memref<128xi32, #tpu.memory_space<vmem>>) semaphore(%arg23 : memref<!tpu.dma_semaphore, #tpu.memory_space<semaphore_mem>>)
      %add3A_291 = arith.constant 512 : i32
      %add3A_292 = arith.addi %mul3A_13, %add3A_291 : i32
      %multiple_of3A_293 = tpu.assume_multiple %add3A_292, 128 : i32
      %dma_wait3A_294 = arith.constant 4 : i32
      %dma_wait3A_295 = arith.constant 0 : i32
      %dma_wait3A_296 = tpu.memref_slice %arg8[%dma_wait3A_294, %dma_wait3A_295] : memref<18x128xi32, #tpu.memory_space<vmem>> -> memref<1x128xi32, #tpu.memory_space<vmem>>
      %dma_wait3A_297 = tpu.memref_squeeze %dma_wait3A_296 : memref<1x128xi32, #tpu.memory_space<vmem>> -> memref<128xi32, #tpu.memory_space<vmem>>
      %dma_wait3A_298 = arith.constant 0 : i32
      %dma_wait3A_299 = arith.constant 0 : i32
      %dma_wait3A_300 = tpu.memref_slice %arg2[%dma_wait3A_298, %dma_wait3A_299] : memref<100000x128xf32, #tpu.memory_space<hbm>> -> memref<100000x128xf32, #tpu.memory_space<hbm>>
      tpu.wait_indirect_dma semaphore(%arg18 : memref<!tpu.dma_semaphore, #tpu.memory_space<semaphore_mem>>) src(%dma_wait3A_300 : memref<100000x128xf32, #tpu.memory_space<hbm>>) dst(%arg11 : memref<128x128xf32, #tpu.memory_space<vmem>>)
      %dma_start3A_301 = arith.constant 0 : i32
      %dma_start3A_302 = tpu.memref_slice %arg6[%multiple_of3A_293, %dma_start3A_301] : memref<51200x128xf32, #tpu.memory_space<hbm>> -> memref<128x128xf32, #tpu.memory_space<hbm>>
      %dma_start3A_303 = arith.constant 0 : i32
      %dma_start3A_304 = tpu.memref_slice %arg6[%multiple_of3A_293, %dma_start3A_303] : memref<51200x128xf32, #tpu.memory_space<hbm>> -> memref<128x128xf32, #tpu.memory_space<hbm>>
      tpu.enqueue_dma source(%arg11 : memref<128x128xf32, #tpu.memory_space<vmem>>) target(%dma_start3A_304 : memref<128x128xf32, #tpu.memory_space<hbm>>) target_semaphore(%arg25 : memref<!tpu.dma_semaphore, #tpu.memory_space<semaphore_mem>>)
      %add3A_305 = arith.constant 512 : i32
      %add3A_306 = arith.addi %mul3A_13, %add3A_305 : i32
      %multiple_of3A_307 = tpu.assume_multiple %add3A_306, 128 : i32
      %dma_wait3A_308 = arith.constant 4 : i32
      %dma_wait3A_309 = arith.constant 0 : i32
      %dma_wait3A_310 = tpu.memref_slice %arg9[%dma_wait3A_308, %dma_wait3A_309] : memref<18x128xi32, #tpu.memory_space<vmem>> -> memref<1x128xi32, #tpu.memory_space<vmem>>
      %dma_wait3A_311 = tpu.memref_squeeze %dma_wait3A_310 : memref<1x128xi32, #tpu.memory_space<vmem>> -> memref<128xi32, #tpu.memory_space<vmem>>
      %dma_wait3A_312 = arith.constant 0 : i32
      %dma_wait3A_313 = arith.constant 0 : i32
      %dma_wait3A_314 = tpu.memref_slice %arg3[%dma_wait3A_312, %dma_wait3A_313] : memref<100000x128xf32, #tpu.memory_space<hbm>> -> memref<100000x128xf32, #tpu.memory_space<hbm>>
      tpu.wait_indirect_dma semaphore(%arg19 : memref<!tpu.dma_semaphore, #tpu.memory_space<semaphore_mem>>) src(%dma_wait3A_314 : memref<100000x128xf32, #tpu.memory_space<hbm>>) dst(%arg12 : memref<128x128xf32, #tpu.memory_space<vmem>>)
      %dma_start3A_315 = arith.constant 0 : i32
      %dma_start3A_316 = tpu.memref_slice %arg7[%multiple_of3A_307, %dma_start3A_315] : memref<51200x128xf32, #tpu.memory_space<hbm>> -> memref<128x128xf32, #tpu.memory_space<hbm>>
      %dma_start3A_317 = arith.constant 0 : i32
      %dma_start3A_318 = tpu.memref_slice %arg7[%multiple_of3A_307, %dma_start3A_317] : memref<51200x128xf32, #tpu.memory_space<hbm>> -> memref<128x128xf32, #tpu.memory_space<hbm>>
      tpu.enqueue_dma source(%arg12 : memref<128x128xf32, #tpu.memory_space<vmem>>) target(%dma_start3A_318 : memref<128x128xf32, #tpu.memory_space<hbm>>) target_semaphore(%arg26 : memref<!tpu.dma_semaphore, #tpu.memory_space<semaphore_mem>>)
      %add3A_319 = arith.constant 640 : i32
      %add3A_320 = arith.addi %mul3A_13, %add3A_319 : i32
      %multiple_of3A_321 = tpu.assume_multiple %add3A_320, 128 : i32
      %dma_wait3A_322 = arith.constant 5 : i32
      %dma_wait3A_323 = arith.constant 0 : i32
      %dma_wait3A_324 = tpu.memref_slice %arg8[%dma_wait3A_322, %dma_wait3A_323] : memref<18x128xi32, #tpu.memory_space<vmem>> -> memref<1x128xi32, #tpu.memory_space<vmem>>
      %dma_wait3A_325 = tpu.memref_squeeze %dma_wait3A_324 : memref<1x128xi32, #tpu.memory_space<vmem>> -> memref<128xi32, #tpu.memory_space<vmem>>
      %dma_wait3A_326 = arith.constant 0 : i32
      %dma_wait3A_327 = arith.constant 0 : i32
      %dma_wait3A_328 = tpu.memref_slice %arg2[%dma_wait3A_326, %dma_wait3A_327] : memref<100000x128xf32, #tpu.memory_space<hbm>> -> memref<100000x128xf32, #tpu.memory_space<hbm>>
      tpu.wait_indirect_dma semaphore(%arg20 : memref<!tpu.dma_semaphore, #tpu.memory_space<semaphore_mem>>) src(%dma_wait3A_328 : memref<100000x128xf32, #tpu.memory_space<hbm>>) dst(%arg13 : memref<128x128xf32, #tpu.memory_space<vmem>>)
      %dma_start3A_329 = arith.constant 0 : i32
      %dma_start3A_330 = tpu.memref_slice %arg6[%multiple_of3A_321, %dma_start3A_329] : memref<51200x128xf32, #tpu.memory_space<hbm>> -> memref<128x128xf32, #tpu.memory_space<hbm>>
      %dma_start3A_331 = arith.constant 0 : i32
      %dma_start3A_332 = tpu.memref_slice %arg6[%multiple_of3A_321, %dma_start3A_331] : memref<51200x128xf32, #tpu.memory_space<hbm>> -> memref<128x128xf32, #tpu.memory_space<hbm>>
      tpu.enqueue_dma source(%arg13 : memref<128x128xf32, #tpu.memory_space<vmem>>) target(%dma_start3A_332 : memref<128x128xf32, #tpu.memory_space<hbm>>) target_semaphore(%arg27 : memref<!tpu.dma_semaphore, #tpu.memory_space<semaphore_mem>>)
      %add3A_333 = arith.constant 640 : i32
      %add3A_334 = arith.addi %mul3A_13, %add3A_333 : i32
      %multiple_of3A_335 = tpu.assume_multiple %add3A_334, 128 : i32
      %dma_wait3A_336 = arith.constant 5 : i32
      %dma_wait3A_337 = arith.constant 0 : i32
      %dma_wait3A_338 = tpu.memref_slice %arg9[%dma_wait3A_336, %dma_wait3A_337] : memref<18x128xi32, #tpu.memory_space<vmem>> -> memref<1x128xi32, #tpu.memory_space<vmem>>
      %dma_wait3A_339 = tpu.memref_squeeze %dma_wait3A_338 : memref<1x128xi32, #tpu.memory_space<vmem>> -> memref<128xi32, #tpu.memory_space<vmem>>
      %dma_wait3A_340 = arith.constant 0 : i32
      %dma_wait3A_341 = arith.constant 0 : i32
      %dma_wait3A_342 = tpu.memref_slice %arg3[%dma_wait3A_340, %dma_wait3A_341] : memref<100000x128xf32, #tpu.memory_space<hbm>> -> memref<100000x128xf32, #tpu.memory_space<hbm>>
      tpu.wait_indirect_dma semaphore(%arg21 : memref<!tpu.dma_semaphore, #tpu.memory_space<semaphore_mem>>) src(%dma_wait3A_342 : memref<100000x128xf32, #tpu.memory_space<hbm>>) dst(%arg14 : memref<128x128xf32, #tpu.memory_space<vmem>>)
      %dma_start3A_343 = arith.constant 0 : i32
      %dma_start3A_344 = tpu.memref_slice %arg7[%multiple_of3A_335, %dma_start3A_343] : memref<51200x128xf32, #tpu.memory_space<hbm>> -> memref<128x128xf32, #tpu.memory_space<hbm>>
      %dma_start3A_345 = arith.constant 0 : i32
      %dma_start3A_346 = tpu.memref_slice %arg7[%multiple_of3A_335, %dma_start3A_345] : memref<51200x128xf32, #tpu.memory_space<hbm>> -> memref<128x128xf32, #tpu.memory_space<hbm>>
      tpu.enqueue_dma source(%arg14 : memref<128x128xf32, #tpu.memory_space<vmem>>) target(%dma_start3A_346 : memref<128x128xf32, #tpu.memory_space<hbm>>) target_semaphore(%arg28 : memref<!tpu.dma_semaphore, #tpu.memory_space<semaphore_mem>>)
      %add3A_347 = arith.constant 768 : i32
      %add3A_348 = arith.addi %mul3A_13, %add3A_347 : i32
      %multiple_of3A_349 = tpu.assume_multiple %add3A_348, 128 : i32
      %dma_wait3A_350 = arith.constant 6 : i32
      %dma_wait3A_351 = arith.constant 0 : i32
      %dma_wait3A_352 = tpu.memref_slice %arg8[%dma_wait3A_350, %dma_wait3A_351] : memref<18x128xi32, #tpu.memory_space<vmem>> -> memref<1x128xi32, #tpu.memory_space<vmem>>
      %dma_wait3A_353 = tpu.memref_squeeze %dma_wait3A_352 : memref<1x128xi32, #tpu.memory_space<vmem>> -> memref<128xi32, #tpu.memory_space<vmem>>
      %dma_wait3A_354 = arith.constant 0 : i32
      %dma_wait3A_355 = arith.constant 0 : i32
      %dma_wait3A_356 = tpu.memref_slice %arg2[%dma_wait3A_354, %dma_wait3A_355] : memref<100000x128xf32, #tpu.memory_space<hbm>> -> memref<100000x128xf32, #tpu.memory_space<hbm>>
      tpu.wait_indirect_dma semaphore(%arg22 : memref<!tpu.dma_semaphore, #tpu.memory_space<semaphore_mem>>) src(%dma_wait3A_356 : memref<100000x128xf32, #tpu.memory_space<hbm>>) dst(%arg15 : memref<128x128xf32, #tpu.memory_space<vmem>>)
      %dma_start3A_357 = arith.constant 0 : i32
      %dma_start3A_358 = tpu.memref_slice %arg6[%multiple_of3A_349, %dma_start3A_357] : memref<51200x128xf32, #tpu.memory_space<hbm>> -> memref<128x128xf32, #tpu.memory_space<hbm>>
      %dma_start3A_359 = arith.constant 0 : i32
      %dma_start3A_360 = tpu.memref_slice %arg6[%multiple_of3A_349, %dma_start3A_359] : memref<51200x128xf32, #tpu.memory_space<hbm>> -> memref<128x128xf32, #tpu.memory_space<hbm>>
      tpu.enqueue_dma source(%arg15 : memref<128x128xf32, #tpu.memory_space<vmem>>) target(%dma_start3A_360 : memref<128x128xf32, #tpu.memory_space<hbm>>) target_semaphore(%arg29 : memref<!tpu.dma_semaphore, #tpu.memory_space<semaphore_mem>>)
      %add3A_361 = arith.constant 768 : i32
      %add3A_362 = arith.addi %mul3A_13, %add3A_361 : i32
      %multiple_of3A_363 = tpu.assume_multiple %add3A_362, 128 : i32
      %dma_wait3A_364 = arith.constant 6 : i32
      %dma_wait3A_365 = arith.constant 0 : i32
      %dma_wait3A_366 = tpu.memref_slice %arg9[%dma_wait3A_364, %dma_wait3A_365] : memref<18x128xi32, #tpu.memory_space<vmem>> -> memref<1x128xi32, #tpu.memory_space<vmem>>
      %dma_wait3A_367 = tpu.memref_squeeze %dma_wait3A_366 : memref<1x128xi32, #tpu.memory_space<vmem>> -> memref<128xi32, #tpu.memory_space<vmem>>
      %dma_wait3A_368 = arith.constant 0 : i32
      %dma_wait3A_369 = arith.constant 0 : i32
      %dma_wait3A_370 = tpu.memref_slice %arg3[%dma_wait3A_368, %dma_wait3A_369] : memref<100000x128xf32, #tpu.memory_space<hbm>> -> memref<100000x128xf32, #tpu.memory_space<hbm>>
      tpu.wait_indirect_dma semaphore(%arg23 : memref<!tpu.dma_semaphore, #tpu.memory_space<semaphore_mem>>) src(%dma_wait3A_370 : memref<100000x128xf32, #tpu.memory_space<hbm>>) dst(%arg16 : memref<128x128xf32, #tpu.memory_space<vmem>>)
      %dma_start3A_371 = arith.constant 0 : i32
      %dma_start3A_372 = tpu.memref_slice %arg7[%multiple_of3A_363, %dma_start3A_371] : memref<51200x128xf32, #tpu.memory_space<hbm>> -> memref<128x128xf32, #tpu.memory_space<hbm>>
      %dma_start3A_373 = arith.constant 0 : i32
      %dma_start3A_374 = tpu.memref_slice %arg7[%multiple_of3A_363, %dma_start3A_373] : memref<51200x128xf32, #tpu.memory_space<hbm>> -> memref<128x128xf32, #tpu.memory_space<hbm>>
      tpu.enqueue_dma source(%arg16 : memref<128x128xf32, #tpu.memory_space<vmem>>) target(%dma_start3A_374 : memref<128x128xf32, #tpu.memory_space<hbm>>) target_semaphore(%arg30 : memref<!tpu.dma_semaphore, #tpu.memory_space<semaphore_mem>>)
      %dma_wait3A_375 = arith.constant 0 : i32
      %dma_wait3A_376 = tpu.memref_slice %arg7[%multiple_of3A_265, %dma_wait3A_375] : memref<51200x128xf32, #tpu.memory_space<hbm>> -> memref<128x128xf32, #tpu.memory_space<hbm>>
      %dma_wait3A_377 = arith.constant 0 : i32
      %dma_wait3A_378 = tpu.memref_slice %arg7[%multiple_of3A_265, %dma_wait3A_377] : memref<51200x128xf32, #tpu.memory_space<hbm>> -> memref<128x128xf32, #tpu.memory_space<hbm>>
      tpu.wait_dma2 semaphore(%arg24 : memref<!tpu.dma_semaphore, #tpu.memory_space<semaphore_mem>>) src(%arg10 : memref<128x128xf32, #tpu.memory_space<vmem>>) dst(%dma_wait3A_378 : memref<128x128xf32, #tpu.memory_space<hbm>>)
      %dma_wait3A_379 = arith.constant 0 : i32
      %dma_wait3A_380 = tpu.memref_slice %arg6[%multiple_of3A_293, %dma_wait3A_379] : memref<51200x128xf32, #tpu.memory_space<hbm>> -> memref<128x128xf32, #tpu.memory_space<hbm>>
      %dma_wait3A_381 = arith.constant 0 : i32
      %dma_wait3A_382 = tpu.memref_slice %arg6[%multiple_of3A_293, %dma_wait3A_381] : memref<51200x128xf32, #tpu.memory_space<hbm>> -> memref<128x128xf32, #tpu.memory_space<hbm>>
      tpu.wait_dma2 semaphore(%arg25 : memref<!tpu.dma_semaphore, #tpu.memory_space<semaphore_mem>>) src(%arg11 : memref<128x128xf32, #tpu.memory_space<vmem>>) dst(%dma_wait3A_382 : memref<128x128xf32, #tpu.memory_space<hbm>>)
      %dma_wait3A_383 = arith.constant 0 : i32
      %dma_wait3A_384 = tpu.memref_slice %arg7[%multiple_of3A_307, %dma_wait3A_383] : memref<51200x128xf32, #tpu.memory_space<hbm>> -> memref<128x128xf32, #tpu.memory_space<hbm>>
      %dma_wait3A_385 = arith.constant 0 : i32
      %dma_wait3A_386 = tpu.memref_slice %arg7[%multiple_of3A_307, %dma_wait3A_385] : memref<51200x128xf32, #tpu.memory_space<hbm>> -> memref<128x128xf32, #tpu.memory_space<hbm>>
      tpu.wait_dma2 semaphore(%arg26 : memref<!tpu.dma_semaphore, #tpu.memory_space<semaphore_mem>>) src(%arg12 : memref<128x128xf32, #tpu.memory_space<vmem>>) dst(%dma_wait3A_386 : memref<128x128xf32, #tpu.memory_space<hbm>>)
      %dma_wait3A_387 = arith.constant 0 : i32
      %dma_wait3A_388 = tpu.memref_slice %arg6[%multiple_of3A_321, %dma_wait3A_387] : memref<51200x128xf32, #tpu.memory_space<hbm>> -> memref<128x128xf32, #tpu.memory_space<hbm>>
      %dma_wait3A_389 = arith.constant 0 : i32
      %dma_wait3A_390 = tpu.memref_slice %arg6[%multiple_of3A_321, %dma_wait3A_389] : memref<51200x128xf32, #tpu.memory_space<hbm>> -> memref<128x128xf32, #tpu.memory_space<hbm>>
      tpu.wait_dma2 semaphore(%arg27 : memref<!tpu.dma_semaphore, #tpu.memory_space<semaphore_mem>>) src(%arg13 : memref<128x128xf32, #tpu.memory_space<vmem>>) dst(%dma_wait3A_390 : memref<128x128xf32, #tpu.memory_space<hbm>>)
      %dma_wait3A_391 = arith.constant 0 : i32
      %dma_wait3A_392 = tpu.memref_slice %arg7[%multiple_of3A_335, %dma_wait3A_391] : memref<51200x128xf32, #tpu.memory_space<hbm>> -> memref<128x128xf32, #tpu.memory_space<hbm>>
      %dma_wait3A_393 = arith.constant 0 : i32
      %dma_wait3A_394 = tpu.memref_slice %arg7[%multiple_of3A_335, %dma_wait3A_393] : memref<51200x128xf32, #tpu.memory_space<hbm>> -> memref<128x128xf32, #tpu.memory_space<hbm>>
      tpu.wait_dma2 semaphore(%arg28 : memref<!tpu.dma_semaphore, #tpu.memory_space<semaphore_mem>>) src(%arg14 : memref<128x128xf32, #tpu.memory_space<vmem>>) dst(%dma_wait3A_394 : memref<128x128xf32, #tpu.memory_space<hbm>>)
      %dma_wait3A_395 = arith.constant 0 : i32
      %dma_wait3A_396 = tpu.memref_slice %arg6[%multiple_of3A_349, %dma_wait3A_395] : memref<51200x128xf32, #tpu.memory_space<hbm>> -> memref<128x128xf32, #tpu.memory_space<hbm>>
      %dma_wait3A_397 = arith.constant 0 : i32
      %dma_wait3A_398 = tpu.memref_slice %arg6[%multiple_of3A_349, %dma_wait3A_397] : memref<51200x128xf32, #tpu.memory_space<hbm>> -> memref<128x128xf32, #tpu.memory_space<hbm>>
      tpu.wait_dma2 semaphore(%arg29 : memref<!tpu.dma_semaphore, #tpu.memory_space<semaphore_mem>>) src(%arg15 : memref<128x128xf32, #tpu.memory_space<vmem>>) dst(%dma_wait3A_398 : memref<128x128xf32, #tpu.memory_space<hbm>>)
      %dma_wait3A_399 = arith.constant 0 : i32
      %dma_wait3A_400 = tpu.memref_slice %arg7[%multiple_of3A_363, %dma_wait3A_399] : memref<51200x128xf32, #tpu.memory_space<hbm>> -> memref<128x128xf32, #tpu.memory_space<hbm>>
      %dma_wait3A_401 = arith.constant 0 : i32
      %dma_wait3A_402 = tpu.memref_slice %arg7[%multiple_of3A_363, %dma_wait3A_401] : memref<51200x128xf32, #tpu.memory_space<hbm>> -> memref<128x128xf32, #tpu.memory_space<hbm>>
      tpu.wait_dma2 semaphore(%arg30 : memref<!tpu.dma_semaphore, #tpu.memory_space<semaphore_mem>>) src(%arg16 : memref<128x128xf32, #tpu.memory_space<vmem>>) dst(%dma_wait3A_402 : memref<128x128xf32, #tpu.memory_space<hbm>>)
    } else {
    }
    return
  }
}

module attributes {stable_mosaic.version = 14 : i64} {
  func.func @_mm_body(%arg0: i32, %arg1: memref<800x128xf32, #tpu.memory_space<vmem>>, %arg2: memref<800x128xf32, #tpu.memory_space<vmem>>, %arg3: memref<800x128xf32, #tpu.memory_space<vmem>>, %arg4: memref<384x128xf32, #tpu.memory_space<vmem>>, %arg5: memref<800x128xf32, #tpu.memory_space<vmem>>) attributes {dimension_semantics = [#tpu.dimension_semantics<arbitrary>], iteration_bounds = array<i64: 64>, scalar_prefetch = 0 : i64, scratch_operands = 0 : i64, tpu.core_type = #tpu.core_type<tc>, window_params = [{transform_indices = @transform_0, window_bounds = array<i64: 800, 128>}, {transform_indices = @transform_1, window_bounds = array<i64: 800, 128>}, {transform_indices = @transform_2, window_bounds = array<i64: 800, 128>}, {pipeline_mode = #tpu.pipeline_mode<synchronous>, transform_indices = @transform_3, window_bounds = array<i64: 384, 128>}, {transform_indices = @transform_4, window_bounds = array<i64: 800, 128>}]} {
    %get3A = arith.constant 0 : index
    %get3A_0 = arith.constant 0 : index
    %get3A_1 = vector.load %arg1[%get3A, %get3A_0] : memref<800x128xf32, #tpu.memory_space<vmem>>, vector<800x128xf32>
    %get3A_2 = arith.constant 0 : index
    %get3A_3 = arith.constant 0 : index
    %get3A_4 = vector.load %arg4[%get3A_2, %get3A_3] : memref<384x128xf32, #tpu.memory_space<vmem>>, vector<128x128xf32>
    %dot_general3A = arith.constant dense<0.000000e+00> : vector<800x128xf32>
    %dot_general3A_5 = tpu.matmul %get3A_1, %get3A_4, %dot_general3A {dimension_numbers = #tpu.dot_dimension_numbers<[1], [0], [0], [1], [0, 0, 1, 1], [], []>, transpose_lhs_hint = false} : vector<800x128xf32>, vector<128x128xf32>, vector<800x128xf32> -> vector<800x128xf32>
    %get3A_6 = arith.constant 0 : index
    %get3A_7 = arith.constant 0 : index
    %get3A_8 = vector.load %arg2[%get3A_6, %get3A_7] : memref<800x128xf32, #tpu.memory_space<vmem>>, vector<800x128xf32>
    %get3A_9 = arith.constant 128 : index
    %get3A_10 = arith.constant 0 : index
    %get3A_11 = vector.load %arg4[%get3A_9, %get3A_10] : memref<384x128xf32, #tpu.memory_space<vmem>>, vector<128x128xf32>
    %dot_general3A_12 = arith.constant dense<0.000000e+00> : vector<800x128xf32>
    %dot_general3A_13 = tpu.matmul %get3A_8, %get3A_11, %dot_general3A_12 {dimension_numbers = #tpu.dot_dimension_numbers<[1], [0], [0], [1], [0, 0, 1, 1], [], []>, transpose_lhs_hint = false} : vector<800x128xf32>, vector<128x128xf32>, vector<800x128xf32> -> vector<800x128xf32>
    %add3A = arith.addf %dot_general3A_5, %dot_general3A_13 : vector<800x128xf32>
    %get3A_14 = arith.constant 0 : index
    %get3A_15 = arith.constant 0 : index
    %get3A_16 = vector.load %arg3[%get3A_14, %get3A_15] : memref<800x128xf32, #tpu.memory_space<vmem>>, vector<800x128xf32>
    %get3A_17 = arith.constant 256 : index
    %get3A_18 = arith.constant 0 : index
    %get3A_19 = vector.load %arg4[%get3A_17, %get3A_18] : memref<384x128xf32, #tpu.memory_space<vmem>>, vector<128x128xf32>
    %dot_general3A_20 = arith.constant dense<0.000000e+00> : vector<800x128xf32>
    %dot_general3A_21 = tpu.matmul %get3A_16, %get3A_19, %dot_general3A_20 {dimension_numbers = #tpu.dot_dimension_numbers<[1], [0], [0], [1], [0, 0, 1, 1], [], []>, transpose_lhs_hint = false} : vector<800x128xf32>, vector<128x128xf32>, vector<800x128xf32> -> vector<800x128xf32>
    %add3A_22 = arith.addf %add3A, %dot_general3A_21 : vector<800x128xf32>
    %max3A = arith.constant 0.000000e+00 : f32
    %max3A_23 = vector.broadcast %max3A : f32 to vector<800x128xf32>
    %max3A_24 = arith.maximumf %add3A_22, %max3A_23 : vector<800x128xf32>
    %swap3A = arith.constant 0 : index
    %swap3A_25 = arith.constant 0 : index
    %swap3A_26 = vector.load %arg5[%swap3A, %swap3A_25] : memref<800x128xf32, #tpu.memory_space<vmem>>, vector<800x128xf32>
    tpu.vector_store %arg5[%swap3A, %swap3A_25], %max3A_24 {strides = array<i32>} : memref<800x128xf32, #tpu.memory_space<vmem>>, vector<800x128xf32>,
    return
  }
  func.func @transform_0(%arg0: i32) -> (i32, i32) {
    %c0_i32 = arith.constant 0 : i32
    %c0_i32_0 = arith.constant 0 : i32
    return %arg0, %c0_i32 : i32, i32
  }
  func.func @transform_1(%arg0: i32) -> (i32, i32) {
    %c0_i32 = arith.constant 0 : i32
    %c0_i32_0 = arith.constant 0 : i32
    return %arg0, %c0_i32 : i32, i32
  }
  func.func @transform_2(%arg0: i32) -> (i32, i32) {
    %c0_i32 = arith.constant 0 : i32
    %c0_i32_0 = arith.constant 0 : i32
    return %arg0, %c0_i32 : i32, i32
  }
  func.func @transform_3(%arg0: i32) -> (i32, i32) {
    %c0_i32 = arith.constant 0 : i32
    %c0_i32_0 = arith.constant 0 : i32
    %c0_i32_1 = arith.constant 0 : i32
    return %c0_i32, %c0_i32_0 : i32, i32
  }
  func.func @transform_4(%arg0: i32) -> (i32, i32) {
    %c0_i32 = arith.constant 0 : i32
    %c0_i32_0 = arith.constant 0 : i32
    return %arg0, %c0_i32 : i32, i32
  }
}

module attributes {stable_mosaic.version = 14 : i64} {
  func.func @_mm_body2(%arg0: i32, %arg1: memref<800x128xf32, #tpu.memory_space<vmem>>, %arg2: memref<800x128xf32, #tpu.memory_space<vmem>>, %arg3: memref<800x128xf32, #tpu.memory_space<vmem>>, %arg4: memref<384x128xf32, #tpu.memory_space<vmem>>, %arg5: memref<100000x128xf32, #tpu.memory_space<any>>, %arg6: memref<800x128xf32, #tpu.memory_space<vmem>>) attributes {dimension_semantics = [#tpu.dimension_semantics<arbitrary>], iteration_bounds = array<i64: 61>, scalar_prefetch = 0 : i64, scratch_operands = 0 : i64, tpu.core_type = #tpu.core_type<tc>, window_params = [{transform_indices = @transform_0, window_bounds = array<i64: 800, 128>}, {transform_indices = @transform_1, window_bounds = array<i64: 800, 128>}, {transform_indices = @transform_2, window_bounds = array<i64: 800, 128>}, {pipeline_mode = #tpu.pipeline_mode<synchronous>, transform_indices = @transform_3, window_bounds = array<i64: 384, 128>}, {}, {transform_indices = @transform_5, window_bounds = array<i64: 800, 128>}]} {
    %get3A = arith.constant 0 : index
    %get3A_0 = arith.constant 0 : index
    %get3A_1 = vector.load %arg1[%get3A, %get3A_0] : memref<800x128xf32, #tpu.memory_space<vmem>>, vector<800x128xf32>
    %get3A_2 = arith.constant 0 : index
    %get3A_3 = arith.constant 0 : index
    %get3A_4 = vector.load %arg4[%get3A_2, %get3A_3] : memref<384x128xf32, #tpu.memory_space<vmem>>, vector<128x128xf32>
    %dot_general3A = arith.constant dense<0.000000e+00> : vector<800x128xf32>
    %dot_general3A_5 = tpu.matmul %get3A_1, %get3A_4, %dot_general3A {dimension_numbers = #tpu.dot_dimension_numbers<[1], [0], [0], [1], [0, 0, 1, 1], [], []>, transpose_lhs_hint = false} : vector<800x128xf32>, vector<128x128xf32>, vector<800x128xf32> -> vector<800x128xf32>
    %get3A_6 = arith.constant 0 : index
    %get3A_7 = arith.constant 0 : index
    %get3A_8 = vector.load %arg2[%get3A_6, %get3A_7] : memref<800x128xf32, #tpu.memory_space<vmem>>, vector<800x128xf32>
    %get3A_9 = arith.constant 128 : index
    %get3A_10 = arith.constant 0 : index
    %get3A_11 = vector.load %arg4[%get3A_9, %get3A_10] : memref<384x128xf32, #tpu.memory_space<vmem>>, vector<128x128xf32>
    %dot_general3A_12 = arith.constant dense<0.000000e+00> : vector<800x128xf32>
    %dot_general3A_13 = tpu.matmul %get3A_8, %get3A_11, %dot_general3A_12 {dimension_numbers = #tpu.dot_dimension_numbers<[1], [0], [0], [1], [0, 0, 1, 1], [], []>, transpose_lhs_hint = false} : vector<800x128xf32>, vector<128x128xf32>, vector<800x128xf32> -> vector<800x128xf32>
    %add3A = arith.addf %dot_general3A_5, %dot_general3A_13 : vector<800x128xf32>
    %get3A_14 = arith.constant 0 : index
    %get3A_15 = arith.constant 0 : index
    %get3A_16 = vector.load %arg3[%get3A_14, %get3A_15] : memref<800x128xf32, #tpu.memory_space<vmem>>, vector<800x128xf32>
    %get3A_17 = arith.constant 256 : index
    %get3A_18 = arith.constant 0 : index
    %get3A_19 = vector.load %arg4[%get3A_17, %get3A_18] : memref<384x128xf32, #tpu.memory_space<vmem>>, vector<128x128xf32>
    %dot_general3A_20 = arith.constant dense<0.000000e+00> : vector<800x128xf32>
    %dot_general3A_21 = tpu.matmul %get3A_16, %get3A_19, %dot_general3A_20 {dimension_numbers = #tpu.dot_dimension_numbers<[1], [0], [0], [1], [0, 0, 1, 1], [], []>, transpose_lhs_hint = false} : vector<800x128xf32>, vector<128x128xf32>, vector<800x128xf32> -> vector<800x128xf32>
    %add3A_22 = arith.addf %add3A, %dot_general3A_21 : vector<800x128xf32>
    %max3A = arith.constant 0.000000e+00 : f32
    %max3A_23 = vector.broadcast %max3A : f32 to vector<800x128xf32>
    %max3A_24 = arith.maximumf %add3A_22, %max3A_23 : vector<800x128xf32>
    %swap3A = arith.constant 0 : index
    %swap3A_25 = arith.constant 0 : index
    %swap3A_26 = vector.load %arg6[%swap3A, %swap3A_25] : memref<800x128xf32, #tpu.memory_space<vmem>>, vector<800x128xf32>
    tpu.vector_store %arg6[%swap3A, %swap3A_25], %max3A_24 {strides = array<i32>} : memref<800x128xf32, #tpu.memory_space<vmem>>, vector<800x128xf32>,
    return
  }
  func.func @transform_0(%arg0: i32) -> (i32, i32) {
    %add3A = arith.constant 64 : i32
    %add3A_0 = arith.addi %arg0, %add3A : i32
    %c0_i32 = arith.constant 0 : i32
    %c0_i32_1 = arith.constant 0 : i32
    return %add3A_0, %c0_i32 : i32, i32
  }
  func.func @transform_1(%arg0: i32) -> (i32, i32) {
    %c0_i32 = arith.constant 0 : i32
    %c0_i32_0 = arith.constant 0 : i32
    return %arg0, %c0_i32 : i32, i32
  }
  func.func @transform_2(%arg0: i32) -> (i32, i32) {
    %c0_i32 = arith.constant 0 : i32
    %c0_i32_0 = arith.constant 0 : i32
    return %arg0, %c0_i32 : i32, i32
  }
  func.func @transform_3(%arg0: i32) -> (i32, i32) {
    %c0_i32 = arith.constant 0 : i32
    %c0_i32_0 = arith.constant 0 : i32
    %c0_i32_1 = arith.constant 0 : i32
    return %c0_i32, %c0_i32_0 : i32, i32
  }
  func.func @transform_5(%arg0: i32) -> (i32, i32) {
    %add3A = arith.constant 64 : i32
    %add3A_0 = arith.addi %arg0, %add3A : i32
    %c0_i32 = arith.constant 0 : i32
    %c0_i32_1 = arith.constant 0 : i32
    return %add3A_0, %c0_i32 : i32, i32
  }
}

</mosaic_0001>

<sc_bundles>
// kernel: kernel.6.cloned.1.call-start
scs
__scs_entry_jumppad:
0x0: {  	(pc) =	sbr.rel $0x88, $3  }
0x1: {  	(tag) =	ssettag $0x0;
	lr =	simm.s32 $0x1  }
0x2: {  	[smem:$0x3F9B] =	sst lr;
	_ =	strace $0xD0000000  }
0x3: {  	_ = 	snop  }
0x4: {  	_ = 	snop  }
0x5: {  	_ = 	snop  }
0x6: {  	_ = 	snop  }
0x7: {  	_ = 	snop  }
__scs_overlays_trampoline_lowered:
0x8: {  	[smem:$0x3FAA] =	sst s0  }
0x9: {  	[smem:$0x3FAB] =	sst s1  }
0xa: {  	[smem:$0x3FAC] =	sst s2  }
0xb: {  	[smem:$0x3FAD] =	sst s3  }
0xc: {  	[smem:$0x3FAE] =	sst s4  }
0xd: {  	[smem:$0x3FAF] =	sst s5  }
0xe: {  	[smem:$0x3FB0] =	sst s6  }
0xf: {  	[smem:$0x3FB1] =	sst s7  }
0x10: {  	[smem:$0x3FB2] =	sst s8  }
0x11: {  	[smem:$0x3FB3] =	sst s9;
	s0 =	simm.s32 @!p0 $0x0  }
0x12: {  	s1 =	sld [smem:$0x3F99];
	s0 =	simm.s32 @p0 $0x1  }
0x13: {  	[smem:$0x3FB4] =	sst s0;
	s0 =	simm.s32 @!p1 $0x0  }
0x14: {  	s2 =	sld [smem:$0x3F98];
	s0 =	simm.s32 @p1 $0x1  }
0x15: {  	[smem:$0x3FB5] =	sst s0;
	s0 =	simm.s32 @!p2 $0x0  }
0x16: {  	s3 =	sld [smem:$0x3FDB];
	s0 =	simm.s32 @p2 $0x1  }
0x17: {  	s4 =	simm.s32 $0x1BF5;
	[smem:$0x3FB7] =	sst s0  }
0x18: {  	s0 =	sld [smem:$0x3F9A];
	_ =	swait.ge [sflag:s4], $0x0  }
0x19: {  	s7 =	sld [smem:$0x3F9B]  }
0x1a: {  	s8 =	sadd.s32 $0xFFFFE003, lr  }
0x1b: {  	s9 =	sadd.s32 $0xFFFFFEF7, lr;
	s5 =	simm.s32 $0xFFFFFFFF;
	p2 =	slt.u32 s8, $0xFFFFF086  }
0x1c: {  	p1 =	slt.u32 s9, $0xF7A;
	s5 =	simm.s32 @!p2 $0x0  }
0x1d: {  	s5 =	simm.s32 @p1 $0x1;
	p0 =	seq.s32 s7, s2  }
0x1e: {  	s7 =	smul.u32 @!p0 $0xF7A, s2;
	p2 =	seq.s32 @!p0 s5, $0x0  }
0x1f: {  	s9 =	smul.u32 $0xF7A, s1;
	s8 =	simm.s32 @!p0 $0x1BF5;
	p2 =	por !p2, p0  }
0x20: {  	[sflag:s8] =	ssyncset.s32 @!p0 $0xFFFFF086;
	s6 =	sadd.s32 @!p0 s3, s7;
	s7 =	simm.s32 @!p0 $0x108  }
0x21: {  	s3 =	sadd.s32 s3, s9;
	s6 =	sadd.s32 @!p0 $0x88, s6;
	s7 =	simm.s32 @p2 $0x1082  }
0x22: {  	[simem:s7], [sflag:s8] =	dma.local @!p0 [hbm:s6], $0xF7A  }
0x23: {  	s9 =	sor.u32 $0xD0000000, s2;
	s6 =	simm.s32 $0x108;
	_ =	swait.ge @!p0 [sflag:s8], $0x0  }
0x24: {  	s3 =	sadd.s32 $0x88, s3;
	s6 =	simm.s32 @!p1 $0x1082;
	[sflag:s4] =	ssyncset.s32 $0xFFFFF086  }
0x25: {  	[simem:s6], [sflag:s4] =	dma.local [hbm:s3], $0xF7A  }
0x26: {  	[smem:$0x3F9B] =	sst s1;
	(tag) =	ssettag s2;
	_ =	strace s9  }
0x27: {  	s1 =	sld [smem:$0x3FAB]  }
0x28: {  	s2 =	sld [smem:$0x3FAC]  }
0x29: {  	s4 =	sld [smem:$0x3FAE]  }
0x2a: {  	p0 =	seq.s32 s5, $0x0;
	s5 =	sld [smem:$0x3FAF]  }
0x2b: {  	s6 =	sld [smem:$0x3FB0]  }
0x2c: {  	s7 =	sld [smem:$0x3FB1]  }
0x2d: {  	s3 =	simm.s32 $0x108;
	s8 =	sld [smem:$0x3FB2]  }
0x2e: {  	s3 =	simm.s32 @!p0 $0x1082;
	s9 =	sld [smem:$0x3FB3]  }
0x2f: {  	lr =	sadd.s32 s0, s3;
	s0 =	sld [smem:$0x3FAA]  }
0x30: {  	s3 =	sld [smem:$0x3FAD]  }
0x31: {  	[smem:$0x3FB6] =	sst s10  }
0x32: {  	s10 =	sld [smem:$0x3FB4];
	_ =	sdelay $0x3  }
0x33: {  	p0 =	seq.s32 s10, $0x1;
	s10 =	sld [smem:$0x3FB6];
	_ =	sdelay $0x3  }
0x34: {  	[smem:$0x3FB6] =	sst s10  }
0x35: {  	s10 =	sld [smem:$0x3FB5];
	_ =	sdelay $0x3  }
0x36: {  	p1 =	seq.s32 s10, $0x1;
	s10 =	sld [smem:$0x3FB6];
	_ =	sdelay $0x3  }
0x37: {  	[smem:$0x3FB6] =	sst s10  }
0x38: {  	s10 =	sld [smem:$0x3FB7]  }
0x39: {  	_ = 	snop;
	(pc) =	sbr.ind lr, $3  }
0x3a: {  	_ = 	snop  }
0x3b: {  	_ = 	snop  }
0x3c: {  	p2 =	seq.s32 s10, $0x1;
	s10 =	sld [smem:$0x3FB6]  }
0x3d: {  	_ =	shalt  }
0x3e: {  	_ =	shalt  }
0x3f: {  	_ =	shalt  }
0x40: {  	_ =	shalt  }
0x41: {  	_ =	shalt  }
0x42: {  	_ =	shalt  }
0x43: {  	_ =	shalt  }
0x44: {  	_ =	shalt  }
0x45: {  	_ =	shalt  }
0x46: {  	_ =	shalt  }
0x47: {  	_ =	shalt  }
0x48: {  	_ =	shalt  }
0x49: {  	_ =	shalt  }
0x4a: {  	_ =	shalt  }
0x4b: {  	_ =	shalt  }
0x4c: {  	_ =	shalt  }
0x4d: {  	_ =	shalt  }
0x4e: {  	_ =	shalt  }
0x4f: {  	_ =	shalt  }
0x50: {  	_ =	shalt  }
0x51: {  	_ =	shalt  }
0x52: {  	_ =	shalt  }
0x53: {  	_ =	shalt  }
0x54: {  	_ =	shalt  }
0x55: {  	_ =	shalt  }
0x56: {  	_ =	shalt  }
0x57: {  	_ =	shalt  }
0x58: {  	_ =	shalt  }
0x59: {  	_ =	shalt  }
0x5a: {  	_ =	shalt  }
0x5b: {  	_ =	shalt  }
0x5c: {  	_ =	shalt  }
0x5d: {  	_ =	shalt  }
0x5e: {  	_ =	shalt  }
0x5f: {  	_ =	shalt  }
0x60: {  	_ =	shalt  }
0x61: {  	_ =	shalt  }
0x62: {  	_ =	shalt  }
0x63: {  	_ =	shalt  }
0x64: {  	_ =	shalt  }
0x65: {  	_ =	shalt  }
0x66: {  	_ =	shalt  }
0x67: {  	_ =	shalt  }
0x68: {  	_ =	shalt  }
0x69: {  	_ =	shalt  }
0x6a: {  	_ =	shalt  }
0x6b: {  	_ =	shalt  }
0x6c: {  	_ =	shalt  }
0x6d: {  	_ =	shalt  }
0x6e: {  	_ =	shalt  }
0x6f: {  	_ =	shalt  }
0x70: {  	_ =	shalt  }
0x71: {  	_ =	shalt  }
0x72: {  	_ =	shalt  }
0x73: {  	_ =	shalt  }
0x74: {  	_ =	shalt  }
0x75: {  	_ =	shalt  }
0x76: {  	_ =	shalt  }
0x77: {  	_ =	shalt  }
0x78: {  	_ =	shalt  }
0x79: {  	_ =	shalt  }
0x7a: {  	_ =	shalt  }
0x7b: {  	_ =	shalt  }
0x7c: {  	_ =	shalt  }
0x7d: {  	_ =	shalt  }
0x7e: {  	_ =	shalt  }
0x7f: {  	_ =	shalt  }
0x80: {  	_ =	shalt  }
0x81: {  	_ =	shalt  }
0x82: {  	_ =	shalt  }
0x83: {  	_ =	shalt  }
0x84: {  	_ =	shalt  }
0x85: {  	_ =	shalt  }
0x86: {  	_ =	shalt  }
0x87: {  	_ =	shalt  }
.Lfunc_end0:
.L_simem_size_0:
called_computation_lowered:
.L_overlay_start_0:
0x88: {  	s2 =	sld [smem:$0x3FD9]  }
0x89: {  	s3 =	sld [smem:$0x3FFE];
	_ =	sdelay $0x1  }
0x8a: {  	s1 =	srdreg.scid  }
0x8b: {  	s0 =	sand.u32 $0x1, s1  }
0x8c: {  	s17 =	sshll.u32 s0, $0xA;
	s2 =	sadd.s32 s3, s2  }
0x8d: {  	s2 =	sadd.s32 s2, s17  }
0x8e: {  	[smem:$0x3FC2] =	sst s2  }
0x8f: {  	_ = 	snop  }
0x90: {  	s18 =	sld [smem:$0x3FC8]  }
0x91: {  	s4 =	sld [smem:$0x3FC7];
	(tm) =	ssettm $0x1  }
0x92: {  	s19 =	sld [smem:$0x3FFB];
	_ =	sdelay $0x3  }
0x93: {  	_ =	strace s19  }
0x94: {  	s2 =	sld [smem:$0x3FFC];
	_ =	sdelay $0x3  }
0x95: {  	_ =	strace s2  }
0x96: {  	s2 =	sld [smem:$0x3FFD];
	_ =	sdelay $0x3  }
0x97: {  	_ =	strace s2  }
0x98: {  	_ =	strace $0x8FFFFFFF  }
0x99: {  	s20 =	sld [smem:$0x3FDB];
	_ =	sdelay $0x1  }
0x9a: {  	s5 =	simm.s32 $_scs_section_size  }
0x9b: {  	s6 =	simm.s32 $_size__tile_overlayer_lowered;
	s7 =	simm.s32 $_tile_overlayer_lowered  }
0x9c: {  	s8 =	simm.s32 $0x1BFF;
	s21 =	sshll.u32 s7, $0x1;
	s5 =	sadd.s32 s5, s20  }
0x9d: {  	s22 =	simm.s32 $0x0;
	s6 =	sshll.u32 s6, $0x1;
	s7 =	sadd.s32 s21, s5  }
0x9e: {  	[timem:s22], [sflag:s8] =	dma.local [hbm:s7], s6  }
0x9f: {  	_ =	swait.ge [sflag:s8], s6  }
0xa0: {  	s6 =	ssub.s32 $0x0, s6;
	[sflag:s8] =	ssyncset.done $0x0  }
0xa1: {  	[sflag:s8] =	ssyncadd.s32 s6;
	_ =	sdelay $0x1  }
0xa2: {  	s23 =	simm.s32 $0x1B8B  }
0xa3: {  	_ =	swait.ge [sflag:s23], $0x1  }
0xa4: {  	[sflag:s23] =	ssyncset.done $0x0  }
0xa5: {  	[sflag:s23] =	ssyncadd.s32 $0xFFFFFFFF  }
0xa6: {  	s6 =	sld [smem:$0x0]  }
0xa7: {  	s7 =	sand.u32 $0xFFFFFFFE, s1  }
0xa8: {  	p0 =	sne.s32 s1, s7  }
0xa9: {  	s7 =	sshll.u32 @p0 s7, $0xE  }
0xaa: {  	s7 =	sadd.s32 @p0 $0x11B8D, s7;
	s8 =	sshll.u32 @p0 s6, $0x11  }
0xab: {  	s7 =	sor.u32 @p0 s8, s7  }
0xac: {  	[sflag:s7] =	ssyncadd.remote.s32 @p0 $0x1;
	_ =	sdelay $0x1  }
0xad: {  	s7 =	simm.s32 @p0 $0x1B8D  }
0xae: {  	_ =	swait.eq @p0 [sflag:s7], $0x1  }
0xaf: {  	[sflag:s7] =	ssyncadd.s32 @p0 $0xFFFFFFFF  }
0xb0: {  	s8 =	sshll.u32 @!p0 s1, $0xE  }
0xb1: {  	s8 =	sor.u32 @!p0 $0x4000, s8;
	s7 =	simm.s32 @!p0 $0x1B8D  }
0xb2: {  	s6 =	sshll.u32 @!p0 s6, $0x11;
	s8 =	sadd.s32 @!p0 $0x11B8D, s8;
	_ =	swait.eq @!p0 [sflag:s7], $0x1  }
0xb3: {  	s6 =	sor.u32 @!p0 s6, s8;
	[sflag:s7] =	ssyncadd.s32 @!p0 $0xFFFFFFFF  }
0xb4: {  	s25 =	simm.s32 $0x1B8E;
	s24 =	sld [smem:$0x3FFE];
	[sflag:s6] =	ssyncadd.remote.s32 @!p0 $0x1  }
0xb5: {  	s26 =	simm.s32 $execute0_lowered;
	[smem:$0x3FD2] =	sst s25  }
0xb6: {  	s7 =	sshll.u32 s26, $0x1;
	_ =	strace $0x80000049;
	[dreg:$0x1] =	wrdreg $0xFFFFFFFF  }
0xb7: {  	s28 =	simm.s32 $_size_execute0_lowered;
	s5 =	sadd.s32 s5, s7;
	[dreg:$0x0] =	wrdreg $0x0  }
0xb8: {  	s7 =	sshll.u32 s28, $0x1;
	[dreg:$0x2] =	wrdreg s5  }
0xb9: {  	[dreg:$0x3] =	wrdreg s7  }
0xba: {  	[dreg:$0x4] =	wrdreg $0xC0  }
0xbb: {  	_ =	task [dreg:s22], $0x5FFFF  }
0xbc: {  	[dreg:$0x1] =	wrdreg $0xFFFFFFFF  }
0xbd: {  	[dreg:$0x0] =	wrdreg $0x60  }
0xbe: {  	[dreg:$0x2] =	wrdreg s18  }
0xbf: {  	[dreg:$0x3] =	wrdreg s4  }
0xc0: {  	[dreg:$0x4] =	wrdreg s24  }
0xc1: {  	[dreg:$0x5] =	wrdreg $0x9  }
0xc2: {  	_ =	task.clear_ibuf [dreg:s22], $0x6FFFF;
	_ =	strace $0x90000049  }
0xc3: {  	s29 =	simm.s32 $0x9;
	_ =	strace $0x8000004B  }
0xc4: {  	_ =	swait.ge [sflag:s29], $0x1  }
0xc5: {  	[sflag:s29] =	ssyncadd.s32 $0xFFFFFFFF  }
0xc6: {  	_ =	strace $0x9000004B  }
0xc7: {  	_ =	sfence  }
0xc8: {  	s30 =	sld [smem:$0x0];
	_ =	sdelay $0x2  }
0xc9: {  	s31 =	sshll.u32 s1, $0xD;
	s1 =	sshrl.u32 s1, $0x2  }
0xca: {  	s4 =	sand.u32 $0x4000, s31;
	s1 =	sadd.s32 s1, s30  }
0xcb: {  	s0 =	sor.u32 s4, s0;
	s1 =	sshll.u32 s1, $0x11  }
0xcc: {  	s0 =	sor.u32 s1, s0  }
0xcd: {  	s0 =	sadd.s32 $0x8F2B, s0  }
0xce: {  	[sflag:s0] =	ssyncadd.remote.s32 $0x1  }
0xcf: {  	_ =	sfence.sel $0xFFFF  }
0xd0: {  	[dreg:$0x0] =	wrdreg $0xFFFFFFFF;
	(pc) =	sbr.abs _section_cstart, $3  }
0xd1: {  	[dreg:$0x1] =	wrdreg $0xFFFFFFFF  }
0xd2: {  	_ =	task.clear_ibuf [dreg:s22], $0x2FFFF;
	_ =	strace $0x9FFFFFFF  }
0xd3: {  	(tm) =	ssettm $0x7FFFFFFF  }
tec
execute0_lowered:
.L_overlay_start_1:
0x0: {  	(tag) =	ssettag $0x1  }
0x1: {  	s0 =	srdreg.scid  }
0x2: {  	s10 =	stileid.u32;
	s2 =	rddreg [dreg:$0x2];
	s1 =	simm.s32 $0x0  }
0x3: {  	s5 =	sand.u32 $0x1, s0;
	[smem:$0x7FF] =	sst s1;
	s7 =	smul.u32 $0x9000, s10  }
0x4: {  	s3 =	sadd.s32 $0x199000, s2;
	s9 =	smul.u32 $0x48000, s10;
	s0 =	sshll.u32 s5, $0x4  }
0x5: {  	s4 =	sadd.s32 $0x261000, s2;
	s0 =	sor.u32 s10, s0;
	s11 =	sor.u32 $0x800, s7  }
0x6: {  	s6 =	ssub.s32 $0x2, s5;
	s0 =	smul.u32 $0x180, s0;
	s12 =	sadd.s32 s3, s11  }
0x7: {  	p0 =	seq.s32 s5, $0x1;
	s5 =	sadd.s32 s4, s11;
	[dreg:$0x6] =	wrdreg s12  }
0x8: {  	s8 =	sshrl.u32 s6, $0x1;
	[dreg:$0x7] =	wrdreg s5;
	s0 =	sadd.s32 s0, s2  }
0x9: {  	s2 =	ssub.s32 s6, s8;
	s8 =	sadd.s32 s3, s7;
	s6 =	sshrl.u32 s9, $0x3  }
0xa: {  	s7 =	sadd.s32 s4, s7;
	[dreg:$0x4] =	wrdreg s8;
	s13 =	sadd.s32 $0x1000, s6  }
0xb: {  	[dreg:$0x5] =	wrdreg s7;
	s14 =	sadd.s32 s3, s13  }
0xc: {  	s15 =	sadd.s32 $0x1800, s6;
	s7 =	sadd.s32 s4, s13;
	[dreg:$0x8] =	wrdreg s14  }
0xd: {  	s16 =	sadd.s32 s3, s15;
	[dreg:$0x9] =	wrdreg s7  }
0xe: {  	s17 =	sadd.s32 $0x2000, s6;
	s5 =	sadd.s32 s4, s15;
	[dreg:$0xa] =	wrdreg s16  }
0xf: {  	s19 =	sadd.s32 $0x2800, s6;
	s18 =	sadd.s32 s3, s17;
	[dreg:$0xb] =	wrdreg s5  }
0x10: {  	s21 =	sadd.s32 $0x3000, s6;
	s20 =	sadd.s32 s3, s19;
	[dreg:$0xc] =	wrdreg s18  }
0x11: {  	s23 =	sadd.s32 $0x3800, s6;
	s22 =	sadd.s32 s3, s21;
	[dreg:$0xe] =	wrdreg s20  }
0x12: {  	s25 =	sadd.s32 $0x4000, s6;
	s24 =	sadd.s32 s3, s23;
	[dreg:$0x10] =	wrdreg s22  }
0x13: {  	s8 =	sadd.s32 $0x4800, s6;
	s26 =	sadd.s32 s3, s25;
	[dreg:$0x12] =	wrdreg s24  }
0x14: {  	s11 =	sadd.s32 $0x5000, s6;
	s9 =	sadd.s32 s3, s8;
	[dreg:$0x14] =	wrdreg s26  }
0x15: {  	s12 =	sadd.s32 s3, s11;
	[dreg:$0x16] =	wrdreg s9  }
0x16: {  	s7 =	sadd.s32 s4, s17;
	[dreg:$0x18] =	wrdreg s12  }
0x17: {  	s13 =	sadd.s32 $0x5800, s6;
	s5 =	sadd.s32 s4, s19;
	[dreg:$0xd] =	wrdreg s7  }
0x18: {  	s15 =	sadd.s32 $0x6000, s6;
	s14 =	sadd.s32 s3, s13;
	[dreg:$0xf] =	wrdreg s5  }
0x19: {  	s16 =	sadd.s32 s3, s15;
	[dreg:$0x1a] =	wrdreg s14  }
0x1a: {  	s7 =	sadd.s32 s4, s21;
	[dreg:$0x1c] =	wrdreg s16  }
0x1b: {  	s17 =	sadd.s32 $0x6800, s6;
	s5 =	sadd.s32 s4, s23;
	[dreg:$0x11] =	wrdreg s7  }
0x1c: {  	s19 =	sadd.s32 $0x7000, s6;
	s18 =	sadd.s32 s3, s17;
	[dreg:$0x13] =	wrdreg s5  }
0x1d: {  	s24 =	sadd.s32 $0x8000, s6;
	s20 =	sadd.s32 s3, s19;
	[dreg:$0x1e] =	wrdreg s18  }
0x1e: {  	s26 =	sadd.s32 s3, s24;
	[smem:$0x7E8] =	sst s20  }
0x1f: {  	s7 =	sadd.s32 s4, s25;
	[smem:$0x7EC] =	sst s26  }
0x20: {  	s21 =	sadd.s32 $0x7800, s6;
	s5 =	sadd.s32 s4, s8;
	[dreg:$0x15] =	wrdreg s7  }
0x21: {  	s23 =	smul.u32 $0x3800, s10;
	s22 =	sadd.s32 s3, s21;
	[dreg:$0x17] =	wrdreg s5  }
0x22: {  	s25 =	smul.u32 $0x1C000, s10;
	s7 =	sadd.s32 s4, s11;
	[smem:$0x7EA] =	sst s22  }
0x23: {  	s10 =	sadd.s32 $0x8800, s6;
	s5 =	sadd.s32 s4, s13;
	[dreg:$0x19] =	wrdreg s7  }
0x24: {  	s28 =	simm.s32 $0xF;
	s13 =	sadd.s32 s3, s10;
	[dreg:$0x1b] =	wrdreg s5  }
0x25: {  	s29 =	simm.s32 $0xC00;
	s7 =	sadd.s32 s4, s15;
	[smem:$0x7EE] =	sst s13  }
0x26: {  	s11 =	sadd.s32 $0x90000, s23;
	s5 =	sadd.s32 s4, s17;
	[dreg:$0x1d] =	wrdreg s7  }
0x27: {  	s30 =	simm.s32 $0x80;
	s14 =	sadd.s32 s3, s11;
	[dreg:$0x1f] =	wrdreg s5  }
0x28: {  	s31 =	simm.s32 $0x1800;
	s6 =	sadd.s32 s4, s11;
	[smem:$0x7F0] =	sst s14  }
0x29: {  	s9 =	simm.s32 $0x1;
	s7 =	sadd.s32 s4, s19;
	[smem:$0x7F1] =	sst s6  }
0x2a: {  	s12 =	sshrl.u32 s25, $0x3;
	s5 =	sadd.s32 s4, s21;
	[smem:$0x7E9] =	sst s7  }
0x2b: {  	s15 =	sadd.s32 $0x90800, s12;
	[smem:$0x7EB] =	sst s5;
	s5 =	sadd.s32 s4, s24  }
0x2c: {  	s17 =	sadd.s32 $0x91000, s12;
	s16 =	sadd.s32 s3, s15;
	[smem:$0x7ED] =	sst s5  }
0x2d: {  	s8 =	simm.s32 $0x15800;
	s18 =	sadd.s32 s3, s17;
	[smem:$0x7F2] =	sst s16  }
0x2e: {  	s19 =	sadd.s32 $0x91800, s12;
	s6 =	sadd.s32 s4, s17;
	[smem:$0x7F4] =	sst s18  }
0x2f: {  	s21 =	sadd.s32 $0x92000, s12;
	s20 =	sadd.s32 s3, s19;
	[smem:$0x7F5] =	sst s6  }
0x30: {  	s11 =	simm.s32 $0x19800;
	s22 =	sadd.s32 s3, s21;
	[smem:$0x7F6] =	sst s20  }
0x31: {  	s23 =	sadd.s32 $0x92800, s12;
	s25 =	sadd.s32 $0x93000, s12;
	[smem:$0x7F8] =	sst s22  }
0x32: {  	s12 =	simm.s32 $0x2;
	s24 =	sadd.s32 s3, s23;
	s18 =	rddreg [dreg:$0x0]  }
0x33: {  	s14 =	simm.s32 $0x3;
	s3 =	sadd.s32 s3, s25;
	[smem:$0x7FA] =	sst s24  }
0x34: {  	s26 =	sadd.s32 s4, s25;
	s6 =	sadd.s32 s4, s21;
	s21 =	rddreg [dreg:$0x1]  }
0x35: {  	s25 =	sadd.s32 $0x193000, s0;
	s5 =	sadd.s32 s4, s10;
	[smem:$0x7FC] =	sst s3  }
0x36: {  	[smem:$0x7FD] =	sst s26;
	s24 =	sadd.s32 $0x196000, s0;
	s26 =	smax.u32 s2, $0x1  }
0x37: {  	s0 =	simm.s32 $0x5800;
	s2 =	simm.s32 $0x9800;
	[smem:$0x7EF] =	sst s5  }
.Ltmp0:
0x38: {  	s5 =	sadd.s32 s4, s15;
	[smem:$0x7F9] =	sst s6;
	(pc) =	sbr.rel .LBB2_1-.Ltmp0, $4  }
0x39: {  	s16 =	simm.s32 $0x4;
	[smem:$0x7F3] =	sst s5;
	s5 =	sadd.s32 s4, s19  }
0x3a: {  	s3 =	simm.s32 $0x6;
	[smem:$0x7F7] =	sst s5;
	s5 =	sadd.s32 s4, s23  }
0x3b: {  	s6 =	simm.s32 $0x11800;
	s19 =	simm.s32 $0x5;
	[smem:$0x7FB] =	sst s5  }
0x3c: {  	s4 =	simm.s32 $0xD800;
	s5 =	simm.s32 $0x7;
	_ =	strace $0x8000004A  }
.LBB2_3:
0x3d: {  	s7 =	sld [smem:$0x7F0];
	_ =	sdelay $0x2  }
0x3e: {  	[hbm4b:s7+s1] =	stream.linear.scatter [tilespmem:s31], [sflag:$0x8], $0x4000, $0x38;
	[tilespmem:$0x1D800] =	vst v63  }
0x3f: {  	s13 =	simm.s32 $0x180  }
0x40: {  	[tilespmem:s11], [sflag:$0x7] =	stream.indirect.gather [hbm4b:s18+s30], $0x80, s13, s30, $0xb8;
	[tilespmem:$0x1D800] =	vst v63  }
0x41: {  	_ =	swait.ge [sflag:s12], $0x4000  }
0x42: {  	s15 =	sld [smem:$0x7F1]  }
0x43: {  	[sflag:s12] =	ssyncset.done $0x0  }
0x44: {  	s10 =	simm.s32 $0x8;
	[sflag:s12] =	ssyncadd.s32 $0xFFFFC000  }
0x45: {  	[hbm4b:s15+s1] =	stream.linear.scatter [tilespmem:s0], [sflag:$0x9], $0x4000, $0x38;
	[tilespmem:$0x1D800] =	vst v63  }
0x46: {  	_ =	swait.ge [sflag:s10], $0x4000  }
0x47: {  	[sflag:s10] =	ssyncset.done $0x0  }
0x48: {  	s17 =	simm.s32 $0xD80;
	[sflag:s10] =	ssyncadd.s32 $0xFFFFC000  }
0x49: {  	[tilespmem:s31], [sflag:$0x1] =	stream.indirect.gather [hbm4b:s21+s30], $0x80, s17, s30, $0xb8;
	[tilespmem:$0x1D800] =	vst v63  }
0x4a: {  	_ =	swait.ge [sflag:s14], $0x4000  }
0x4b: {  	s20 =	sld [smem:$0x7F2]  }
0x4c: {  	[sflag:s14] =	ssyncset.done $0x0  }
0x4d: {  	s13 =	simm.s32 $0x9;
	[sflag:s14] =	ssyncadd.s32 $0xFFFFC000  }
0x4e: {  	[hbm4b:s20+s1] =	stream.linear.scatter [tilespmem:s2], [sflag:$0xA], $0x4000, $0x38;
	[tilespmem:$0x1D800] =	vst v63  }
0x4f: {  	_ =	swait.ge [sflag:s13], $0x4000  }
0x50: {  	[sflag:s13] =	ssyncset.done $0x0  }
0x51: {  	s22 =	simm.s32 $0x200;
	[sflag:s13] =	ssyncadd.s32 $0xFFFFC000  }
0x52: {  	[tilespmem:s0], [sflag:$0x2] =	stream.indirect.gather [hbm4b:s18+s30], $0x80, s22, s30, $0xb8;
	[tilespmem:$0x1D800] =	vst v63  }
0x53: {  	_ =	swait.ge [sflag:s16], $0x4000  }
0x54: {  	s23 =	sld [smem:$0x7F3]  }
0x55: {  	[sflag:s16] =	ssyncset.done $0x0  }
0x56: {  	s17 =	simm.s32 $0xA;
	[sflag:s16] =	ssyncadd.s32 $0xFFFFC000  }
0x57: {  	[hbm4b:s23+s1] =	stream.linear.scatter [tilespmem:s4], [sflag:$0xB], $0x4000, $0x38;
	[tilespmem:$0x1D800] =	vst v63  }
0x58: {  	_ =	swait.ge [sflag:s17], $0x4000  }
0x59: {  	[sflag:s17] =	ssyncset.done $0x0  }
0x5a: {  	s15 =	simm.s32 $0xE00;
	[sflag:s17] =	ssyncadd.s32 $0xFFFFC000  }
0x5b: {  	[tilespmem:s2], [sflag:$0x3] =	stream.indirect.gather [hbm4b:s21+s30], $0x80, s15, s30, $0xb8;
	[tilespmem:$0x1D800] =	vst v63  }
0x5c: {  	_ =	swait.ge [sflag:s19], $0x4000  }
0x5d: {  	s20 =	sld [smem:$0x7F4]  }
0x5e: {  	[sflag:s19] =	ssyncset.done $0x0  }
0x5f: {  	[sflag:s19] =	ssyncadd.s32 $0xFFFFC000  }
0x60: {  	[hbm4b:s20+s1] =	stream.linear.scatter [tilespmem:s6], [sflag:$0xC], $0x4000, $0x38;
	[tilespmem:$0x1D800] =	vst v63  }
0x61: {  	s20 =	simm.s32 $0xB  }
0x62: {  	_ =	swait.ge [sflag:s20], $0x4000  }
0x63: {  	[sflag:s20] =	ssyncset.done $0x0  }
0x64: {  	s22 =	simm.s32 $0x280;
	[sflag:s20] =	ssyncadd.s32 $0xFFFFC000  }
0x65: {  	[tilespmem:s4], [sflag:$0x4] =	stream.indirect.gather [hbm4b:s18+s30], $0x80, s22, s30, $0xb8;
	[tilespmem:$0x1D800] =	vst v63  }
0x66: {  	_ =	swait.ge [sflag:s3], $0x4000  }
0x67: {  	s23 =	sld [smem:$0x7F5]  }
0x68: {  	[sflag:s3] =	ssyncset.done $0x0  }
0x69: {  	s22 =	simm.s32 $0xC;
	[sflag:s3] =	ssyncadd.s32 $0xFFFFC000  }
0x6a: {  	[hbm4b:s23+s1] =	stream.linear.scatter [tilespmem:s8], [sflag:$0xD], $0x4000, $0x38;
	[tilespmem:$0x1D800] =	vst v63  }
0x6b: {  	_ =	swait.ge [sflag:s22], $0x4000  }
0x6c: {  	[sflag:s22] =	ssyncset.done $0x0  }
0x6d: {  	s15 =	simm.s32 $0xE80;
	[sflag:s22] =	ssyncadd.s32 $0xFFFFC000  }
0x6e: {  	[tilespmem:s6], [sflag:$0x5] =	stream.indirect.gather [hbm4b:s21+s30], $0x80, s15, s30, $0xb8;
	[tilespmem:$0x1D800] =	vst v63  }
0x6f: {  	_ =	swait.ge [sflag:s5], $0x4000  }
0x70: {  	s23 =	sld [smem:$0x7F6]  }
0x71: {  	[sflag:s5] =	ssyncset.done $0x0  }
0x72: {  	[sflag:s5] =	ssyncadd.s32 $0xFFFFC000  }
0x73: {  	[hbm4b:s23+s1] =	stream.linear.scatter [tilespmem:s11], [sflag:$0xE], $0x4000, $0x38;
	[tilespmem:$0x1D800] =	vst v63  }
0x74: {  	s23 =	simm.s32 $0xD  }
0x75: {  	_ =	swait.ge [sflag:s23], $0x4000  }
0x76: {  	[sflag:s23] =	ssyncset.done $0x0  }
0x77: {  	s15 =	simm.s32 $0x300;
	[sflag:s23] =	ssyncadd.s32 $0xFFFFC000  }
0x78: {  	[tilespmem:s8], [sflag:$0x6] =	stream.indirect.gather [hbm4b:s18+s30], $0x80, s15, s30, $0xb8;
	[tilespmem:$0x1D800] =	vst v63  }
0x79: {  	_ =	swait.ge [sflag:s9], $0x4000  }
0x7a: {  	s15 =	sld [smem:$0x7F7]  }
0x7b: {  	[sflag:s9] =	ssyncset.done $0x0  }
0x7c: {  	[sflag:s9] =	ssyncadd.s32 $0xFFFFC000  }
0x7d: {  	[hbm4b:s15+s1] =	stream.linear.scatter [tilespmem:s31], [sflag:$0x8], $0x4000, $0x38;
	[tilespmem:$0x1D800] =	vst v63  }
0x7e: {  	s15 =	simm.s32 $0xE  }
0x7f: {  	_ =	swait.ge [sflag:s15], $0x4000  }
0x80: {  	[sflag:s15] =	ssyncset.done $0x0  }
0x81: {  	s7 =	simm.s32 $0xF00;
	[sflag:s15] =	ssyncadd.s32 $0xFFFFC000  }
0x82: {  	[tilespmem:s11], [sflag:$0x7] =	stream.indirect.gather [hbm4b:s21+s30], $0x80, s7, s30, $0xb8;
	[tilespmem:$0x1D800] =	vst v63  }
0x83: {  	_ =	swait.ge [sflag:s12], $0x4000  }
0x84: {  	s7 =	sld [smem:$0x7F8]  }
0x85: {  	[sflag:s12] =	ssyncset.done $0x0  }
0x86: {  	[sflag:s12] =	ssyncadd.s32 $0xFFFFC000  }
0x87: {  	[hbm4b:s7+s1] =	stream.linear.scatter [tilespmem:s0], [sflag:$0x9], $0x4000, $0x38;
	[tilespmem:$0x1D800] =	vst v63  }
0x88: {  	_ =	swait.ge [sflag:s14], $0x4000  }
0x89: {  	s7 =	sld [smem:$0x7F9]  }
0x8a: {  	[sflag:s14] =	ssyncset.done $0x0  }
0x8b: {  	[sflag:s14] =	ssyncadd.s32 $0xFFFFC000  }
0x8c: {  	[hbm4b:s7+s1] =	stream.linear.scatter [tilespmem:s2], [sflag:$0xA], $0x4000, $0x38;
	[tilespmem:$0x1D800] =	vst v63  }
0x8d: {  	_ =	swait.ge [sflag:s16], $0x4000  }
0x8e: {  	s7 =	sld [smem:$0x7FA]  }
0x8f: {  	[sflag:s16] =	ssyncset.done $0x0  }
0x90: {  	[sflag:s16] =	ssyncadd.s32 $0xFFFFC000  }
0x91: {  	[hbm4b:s7+s1] =	stream.linear.scatter [tilespmem:s4], [sflag:$0xB], $0x4000, $0x38;
	[tilespmem:$0x1D800] =	vst v63  }
0x92: {  	_ =	swait.ge [sflag:s19], $0x4000  }
0x93: {  	s7 =	sld [smem:$0x7FB]  }
0x94: {  	[sflag:s19] =	ssyncset.done $0x0  }
0x95: {  	[sflag:s19] =	ssyncadd.s32 $0xFFFFC000  }
0x96: {  	[hbm4b:s7+s1] =	stream.linear.scatter [tilespmem:s6], [sflag:$0xC], $0x4000, $0x38;
	[tilespmem:$0x1D800] =	vst v63  }
0x97: {  	_ =	swait.ge [sflag:s3], $0x4000  }
0x98: {  	s7 =	sld [smem:$0x7FC]  }
0x99: {  	[sflag:s3] =	ssyncset.done $0x0  }
0x9a: {  	[sflag:s3] =	ssyncadd.s32 $0xFFFFC000  }
0x9b: {  	[hbm4b:s7+s1] =	stream.linear.scatter [tilespmem:s8], [sflag:$0xD], $0x4000, $0x38;
	[tilespmem:$0x1D800] =	vst v63  }
0x9c: {  	_ =	swait.ge [sflag:s5], $0x4000  }
0x9d: {  	s7 =	sld [smem:$0x7FD]  }
0x9e: {  	[sflag:s5] =	ssyncset.done $0x0  }
0x9f: {  	[sflag:s5] =	ssyncadd.s32 $0xFFFFC000  }
0xa0: {  	[hbm4b:s7+s1] =	stream.linear.scatter [tilespmem:s11], [sflag:$0xE], $0x4000, $0x38;
	[tilespmem:$0x1D800] =	vst v63  }
.LBB2_4:
0xa1: {  	_ =	swait.ge [sflag:s10], $0x4000  }
0xa2: {  	[sflag:s10] =	ssyncset.done $0x0  }
0xa3: {  	[sflag:s10] =	ssyncadd.s32 $0xFFFFC000  }
0xa4: {  	_ =	swait.ge [sflag:s13], $0x4000  }
0xa5: {  	[sflag:s13] =	ssyncset.done $0x0  }
0xa6: {  	[sflag:s13] =	ssyncadd.s32 $0xFFFFC000  }
0xa7: {  	_ =	swait.ge [sflag:s17], $0x4000  }
0xa8: {  	[sflag:s17] =	ssyncset.done $0x0  }
0xa9: {  	[sflag:s17] =	ssyncadd.s32 $0xFFFFC000  }
0xaa: {  	_ =	swait.ge [sflag:s20], $0x4000  }
0xab: {  	[sflag:s20] =	ssyncset.done $0x0  }
0xac: {  	[sflag:s20] =	ssyncadd.s32 $0xFFFFC000  }
0xad: {  	_ =	swait.ge [sflag:s22], $0x4000  }
0xae: {  	[sflag:s22] =	ssyncset.done $0x0  }
0xaf: {  	s26 =	sadd.s32 $0xFFFFFFFF, s26;
	[sflag:s22] =	ssyncadd.s32 $0xFFFFC000  }
0xb0: {  	p1 =	sne.s32 s26, $0x0;
	_ =	swait.ge [sflag:s23], $0x4000  }
.Ltmp1:
0xb1: {  	[sflag:s23] =	ssyncset.done $0x0;
	(pc) =	sbr.rel @!p1 .LBB2_5-.Ltmp1, $4  }
0xb2: {  	[sflag:s23] =	ssyncadd.s32 $0xFFFFC000  }
0xb3: {  	_ =	swait.ge [sflag:s15], $0x4000  }
0xb4: {  	[sflag:s15] =	ssyncset.done $0x0  }
0xb5: {  	[sflag:s15] =	ssyncadd.s32 $0xFFFFC000  }
.LBB2_1:
0xb6: {  	[tilespmem:s1], [sflag:$0xF] =	stream.linear.gather [hbm4b:s24+s1], $0x900, $0x38;
	[tilespmem:$0x1D800] =	vst v63  }
0xb7: {  	_ =	swait.ge [sflag:s28], $0x900  }
0xb8: {  	[sflag:s28] =	ssyncset.done $0x0  }
0xb9: {  	[sflag:s28] =	ssyncadd.s32 $0xFFFFF700  }
0xba: {  	[tilespmem:s29], [sflag:$0xF] =	stream.linear.gather [hbm4b:s25+s1], $0x900, $0x38;
	[tilespmem:$0x1D800] =	vst v63  }
0xbb: {  	_ =	swait.ge [sflag:s28], $0x900  }
0xbc: {  	[sflag:s28] =	ssyncset.done $0x0  }
0xbd: {  	[sflag:s28] =	ssyncadd.s32 $0xFFFFF700  }
0xbe: {  	[tilespmem:s31], [sflag:$0x1] =	stream.indirect.gather [hbm4b:s18+s30], $0x80, s1, s30, $0xb8;
	[tilespmem:$0x1D800] =	vst v63  }
0xbf: {  	_ = 	snop  }
0xc0: {  	[tilespmem:s0], [sflag:$0x2] =	stream.indirect.gather [hbm4b:s21+s30], $0x80, s29, s30, $0xb8;
	[tilespmem:$0x1D800] =	vst v63  }
0xc1: {  	_ = 	snop  }
0xc2: {  	[tilespmem:s2], [sflag:$0x3] =	stream.indirect.gather [hbm4b:s18+s30], $0x80, s30, s30, $0xb8;
	[tilespmem:$0x1D800] =	vst v63  }
0xc3: {  	s7 =	simm.s32 $0xC80  }
0xc4: {  	[tilespmem:s4], [sflag:$0x4] =	stream.indirect.gather [hbm4b:s21+s30], $0x80, s7, s30, $0xb8;
	[tilespmem:$0x1D800] =	vst v63  }
0xc5: {  	s22 =	simm.s32 $0x100  }
0xc6: {  	[tilespmem:s6], [sflag:$0x5] =	stream.indirect.gather [hbm4b:s18+s30], $0x80, s22, s30, $0xb8;
	[tilespmem:$0x1D800] =	vst v63  }
.Ltmp2:
0xc7: {  	s23 =	simm.s32 $0xD00;
	(pc) =	sbr.rel @p0 .LBB2_3-.Ltmp2, $4  }
0xc8: {  	[tilespmem:s8], [sflag:$0x6] =	stream.indirect.gather [hbm4b:s21+s30], $0x80, s23, s30, $0xb8;
	[tilespmem:$0x1D800] =	vst v63  }
0xc9: {  	_ =	swait.ge [sflag:s9], $0x4000  }
0xca: {  	[sflag:s9] =	ssyncset.done $0x0  }
0xcb: {  	[sflag:s9] =	ssyncadd.s32 $0xFFFFC000  }
0xcc: {  	s10 =	rddreg [dreg:$0x4]  }
0xcd: {  	[hbm4b:s10+s1] =	stream.linear.scatter [tilespmem:s31], [sflag:$0x8], $0x4000, $0x38;
	[tilespmem:$0x1D800] =	vst v63  }
0xce: {  	s7 =	simm.s32 $0x180  }
0xcf: {  	[tilespmem:s11], [sflag:$0x7] =	stream.indirect.gather [hbm4b:s18+s30], $0x80, s7, s30, $0xb8;
	[tilespmem:$0x1D800] =	vst v63  }
0xd0: {  	_ =	swait.ge [sflag:s12], $0x4000  }
0xd1: {  	[sflag:s12] =	ssyncset.done $0x0  }
0xd2: {  	s15 =	simm.s32 $0x8;
	s22 =	rddreg [dreg:$0x5];
	[sflag:s12] =	ssyncadd.s32 $0xFFFFC000  }
0xd3: {  	[hbm4b:s22+s1] =	stream.linear.scatter [tilespmem:s0], [sflag:$0x9], $0x4000, $0x38;
	[tilespmem:$0x1D800] =	vst v63  }
0xd4: {  	_ =	swait.ge [sflag:s15], $0x4000  }
0xd5: {  	[sflag:s15] =	ssyncset.done $0x0  }
0xd6: {  	s23 =	simm.s32 $0xD80;
	[sflag:s15] =	ssyncadd.s32 $0xFFFFC000  }
0xd7: {  	[tilespmem:s31], [sflag:$0x1] =	stream.indirect.gather [hbm4b:s21+s30], $0x80, s23, s30, $0xb8;
	[tilespmem:$0x1D800] =	vst v63  }
0xd8: {  	_ =	swait.ge [sflag:s14], $0x4000  }
0xd9: {  	[sflag:s14] =	ssyncset.done $0x0  }
0xda: {  	s10 =	simm.s32 $0x9;
	s7 =	rddreg [dreg:$0x6];
	[sflag:s14] =	ssyncadd.s32 $0xFFFFC000  }
0xdb: {  	[hbm4b:s7+s1] =	stream.linear.scatter [tilespmem:s2], [sflag:$0xA], $0x4000, $0x38;
	[tilespmem:$0x1D800] =	vst v63  }
0xdc: {  	_ =	swait.ge [sflag:s10], $0x4000  }
0xdd: {  	[sflag:s10] =	ssyncset.done $0x0  }
0xde: {  	s13 =	simm.s32 $0x200;
	[sflag:s10] =	ssyncadd.s32 $0xFFFFC000  }
0xdf: {  	[tilespmem:s0], [sflag:$0x2] =	stream.indirect.gather [hbm4b:s18+s30], $0x80, s13, s30, $0xb8;
	[tilespmem:$0x1D800] =	vst v63  }
0xe0: {  	_ =	swait.ge [sflag:s16], $0x4000  }
0xe1: {  	[sflag:s16] =	ssyncset.done $0x0  }
0xe2: {  	s13 =	rddreg [dreg:$0x7];
	[sflag:s16] =	ssyncadd.s32 $0xFFFFC000  }
0xe3: {  	[hbm4b:s13+s1] =	stream.linear.scatter [tilespmem:s4], [sflag:$0xB], $0x4000, $0x38;
	[tilespmem:$0x1D800] =	vst v63  }
0xe4: {  	s13 =	simm.s32 $0xA  }
0xe5: {  	_ =	swait.ge [sflag:s13], $0x4000  }
0xe6: {  	[sflag:s13] =	ssyncset.done $0x0  }
0xe7: {  	s17 =	simm.s32 $0xE00;
	[sflag:s13] =	ssyncadd.s32 $0xFFFFC000  }
0xe8: {  	[tilespmem:s2], [sflag:$0x3] =	stream.indirect.gather [hbm4b:s21+s30], $0x80, s17, s30, $0xb8;
	[tilespmem:$0x1D800] =	vst v63  }
0xe9: {  	_ =	swait.ge [sflag:s19], $0x4000  }
0xea: {  	[sflag:s19] =	ssyncset.done $0x0  }
0xeb: {  	s17 =	rddreg [dreg:$0x8];
	[sflag:s19] =	ssyncadd.s32 $0xFFFFC000  }
0xec: {  	[hbm4b:s17+s1] =	stream.linear.scatter [tilespmem:s6], [sflag:$0xC], $0x4000, $0x38;
	[tilespmem:$0x1D800] =	vst v63  }
0xed: {  	s17 =	simm.s32 $0xB  }
0xee: {  	_ =	swait.ge [sflag:s17], $0x4000  }
0xef: {  	[sflag:s17] =	ssyncset.done $0x0  }
0xf0: {  	s20 =	simm.s32 $0x280;
	[sflag:s17] =	ssyncadd.s32 $0xFFFFC000  }
0xf1: {  	[tilespmem:s4], [sflag:$0x4] =	stream.indirect.gather [hbm4b:s18+s30], $0x80, s20, s30, $0xb8;
	[tilespmem:$0x1D800] =	vst v63  }
0xf2: {  	_ =	swait.ge [sflag:s3], $0x4000  }
0xf3: {  	[sflag:s3] =	ssyncset.done $0x0  }
0xf4: {  	s20 =	rddreg [dreg:$0x9];
	[sflag:s3] =	ssyncadd.s32 $0xFFFFC000  }
0xf5: {  	[hbm4b:s20+s1] =	stream.linear.scatter [tilespmem:s8], [sflag:$0xD], $0x4000, $0x38;
	[tilespmem:$0x1D800] =	vst v63  }
0xf6: {  	s20 =	simm.s32 $0xC  }
0xf7: {  	_ =	swait.ge [sflag:s20], $0x4000  }
0xf8: {  	[sflag:s20] =	ssyncset.done $0x0  }
0xf9: {  	s22 =	simm.s32 $0xE80;
	[sflag:s20] =	ssyncadd.s32 $0xFFFFC000  }
0xfa: {  	[tilespmem:s6], [sflag:$0x5] =	stream.indirect.gather [hbm4b:s21+s30], $0x80, s22, s30, $0xb8;
	[tilespmem:$0x1D800] =	vst v63  }
0xfb: {  	_ =	swait.ge [sflag:s5], $0x4000  }
0xfc: {  	[sflag:s5] =	ssyncset.done $0x0  }
0xfd: {  	s22 =	rddreg [dreg:$0xa];
	[sflag:s5] =	ssyncadd.s32 $0xFFFFC000  }
0xfe: {  	[hbm4b:s22+s1] =	stream.linear.scatter [tilespmem:s11], [sflag:$0xE], $0x4000, $0x38;
	[tilespmem:$0x1D800] =	vst v63  }
0xff: {  	s22 =	simm.s32 $0xD  }
0x100: {  	_ =	swait.ge [sflag:s22], $0x4000  }
0x101: {  	[sflag:s22] =	ssyncset.done $0x0  }
0x102: {  	s23 =	simm.s32 $0x300;
	[sflag:s22] =	ssyncadd.s32 $0xFFFFC000  }
0x103: {  	[tilespmem:s8], [sflag:$0x6] =	stream.indirect.gather [hbm4b:s18+s30], $0x80, s23, s30, $0xb8;
	[tilespmem:$0x1D800] =	vst v63  }
0x104: {  	_ =	swait.ge [sflag:s9], $0x4000  }
0x105: {  	[sflag:s9] =	ssyncset.done $0x0  }
0x106: {  	s23 =	rddreg [dreg:$0xb];
	[sflag:s9] =	ssyncadd.s32 $0xFFFFC000  }
0x107: {  	[hbm4b:s23+s1] =	stream.linear.scatter [tilespmem:s31], [sflag:$0x8], $0x4000, $0x38;
	[tilespmem:$0x1D800] =	vst v63  }
0x108: {  	s23 =	simm.s32 $0xE  }
0x109: {  	_ =	swait.ge [sflag:s23], $0x4000  }
0x10a: {  	[sflag:s23] =	ssyncset.done $0x0  }
0x10b: {  	s7 =	simm.s32 $0xF00;
	[sflag:s23] =	ssyncadd.s32 $0xFFFFC000  }
0x10c: {  	[tilespmem:s11], [sflag:$0x7] =	stream.indirect.gather [hbm4b:s21+s30], $0x80, s7, s30, $0xb8;
	[tilespmem:$0x1D800] =	vst v63  }
0x10d: {  	_ =	swait.ge [sflag:s12], $0x4000  }
0x10e: {  	[sflag:s12] =	ssyncset.done $0x0  }
0x10f: {  	s7 =	rddreg [dreg:$0xc];
	[sflag:s12] =	ssyncadd.s32 $0xFFFFC000  }
0x110: {  	[hbm4b:s7+s1] =	stream.linear.scatter [tilespmem:s0], [sflag:$0x9], $0x4000, $0x38;
	[tilespmem:$0x1D800] =	vst v63  }
0x111: {  	_ =	swait.ge [sflag:s15], $0x4000  }
0x112: {  	[sflag:s15] =	ssyncset.done $0x0  }
0x113: {  	s7 =	simm.s32 $0x380;
	[sflag:s15] =	ssyncadd.s32 $0xFFFFC000  }
0x114: {  	[tilespmem:s31], [sflag:$0x1] =	stream.indirect.gather [hbm4b:s18+s30], $0x80, s7, s30, $0xb8;
	[tilespmem:$0x1D800] =	vst v63  }
0x115: {  	_ =	swait.ge [sflag:s14], $0x4000  }
0x116: {  	[sflag:s14] =	ssyncset.done $0x0  }
0x117: {  	s7 =	rddreg [dreg:$0xd];
	[sflag:s14] =	ssyncadd.s32 $0xFFFFC000  }
0x118: {  	[hbm4b:s7+s1] =	stream.linear.scatter [tilespmem:s2], [sflag:$0xA], $0x4000, $0x38;
	[tilespmem:$0x1D800] =	vst v63  }
0x119: {  	_ =	swait.ge [sflag:s10], $0x4000  }
0x11a: {  	[sflag:s10] =	ssyncset.done $0x0  }
0x11b: {  	s7 =	simm.s32 $0xF80;
	[sflag:s10] =	ssyncadd.s32 $0xFFFFC000  }
0x11c: {  	[tilespmem:s0], [sflag:$0x2] =	stream.indirect.gather [hbm4b:s21+s30], $0x80, s7, s30, $0xb8;
	[tilespmem:$0x1D800] =	vst v63  }
0x11d: {  	_ =	swait.ge [sflag:s16], $0x4000  }
0x11e: {  	[sflag:s16] =	ssyncset.done $0x0  }
0x11f: {  	s7 =	rddreg [dreg:$0xe];
	[sflag:s16] =	ssyncadd.s32 $0xFFFFC000  }
0x120: {  	[hbm4b:s7+s1] =	stream.linear.scatter [tilespmem:s4], [sflag:$0xB], $0x4000, $0x38;
	[tilespmem:$0x1D800] =	vst v63  }
0x121: {  	_ =	swait.ge [sflag:s13], $0x4000  }
0x122: {  	[sflag:s13] =	ssyncset.done $0x0  }
0x123: {  	s7 =	simm.s32 $0x400;
	[sflag:s13] =	ssyncadd.s32 $0xFFFFC000  }
0x124: {  	[tilespmem:s2], [sflag:$0x3] =	stream.indirect.gather [hbm4b:s18+s30], $0x80, s7, s30, $0xb8;
	[tilespmem:$0x1D800] =	vst v63  }
0x125: {  	_ =	swait.ge [sflag:s19], $0x4000  }
0x126: {  	[sflag:s19] =	ssyncset.done $0x0  }
0x127: {  	s7 =	rddreg [dreg:$0xf];
	[sflag:s19] =	ssyncadd.s32 $0xFFFFC000  }
0x128: {  	[hbm4b:s7+s1] =	stream.linear.scatter [tilespmem:s6], [sflag:$0xC], $0x4000, $0x38;
	[tilespmem:$0x1D800] =	vst v63  }
0x129: {  	_ =	swait.ge [sflag:s17], $0x4000  }
0x12a: {  	[sflag:s17] =	ssyncset.done $0x0  }
0x12b: {  	s7 =	simm.s32 $0x1000;
	[sflag:s17] =	ssyncadd.s32 $0xFFFFC000  }
0x12c: {  	[tilespmem:s4], [sflag:$0x4] =	stream.indirect.gather [hbm4b:s21+s30], $0x80, s7, s30, $0xb8;
	[tilespmem:$0x1D800] =	vst v63  }
0x12d: {  	_ =	swait.ge [sflag:s3], $0x4000  }
0x12e: {  	[sflag:s3] =	ssyncset.done $0x0  }
0x12f: {  	s7 =	rddreg [dreg:$0x10];
	[sflag:s3] =	ssyncadd.s32 $0xFFFFC000  }
0x130: {  	[hbm4b:s7+s1] =	stream.linear.scatter [tilespmem:s8], [sflag:$0xD], $0x4000, $0x38;
	[tilespmem:$0x1D800] =	vst v63  }
0x131: {  	_ =	swait.ge [sflag:s20], $0x4000  }
0x132: {  	[sflag:s20] =	ssyncset.done $0x0  }
0x133: {  	s7 =	simm.s32 $0x480;
	[sflag:s20] =	ssyncadd.s32 $0xFFFFC000  }
0x134: {  	[tilespmem:s6], [sflag:$0x5] =	stream.indirect.gather [hbm4b:s18+s30], $0x80, s7, s30, $0xb8;
	[tilespmem:$0x1D800] =	vst v63  }
0x135: {  	_ =	swait.ge [sflag:s5], $0x4000  }
0x136: {  	[sflag:s5] =	ssyncset.done $0x0  }
0x137: {  	s7 =	rddreg [dreg:$0x11];
	[sflag:s5] =	ssyncadd.s32 $0xFFFFC000  }
0x138: {  	[hbm4b:s7+s1] =	stream.linear.scatter [tilespmem:s11], [sflag:$0xE], $0x4000, $0x38;
	[tilespmem:$0x1D800] =	vst v63  }
0x139: {  	_ =	swait.ge [sflag:s22], $0x4000  }
0x13a: {  	[sflag:s22] =	ssyncset.done $0x0  }
0x13b: {  	s7 =	simm.s32 $0x1080;
	[sflag:s22] =	ssyncadd.s32 $0xFFFFC000  }
0x13c: {  	[tilespmem:s8], [sflag:$0x6] =	stream.indirect.gather [hbm4b:s21+s30], $0x80, s7, s30, $0xb8;
	[tilespmem:$0x1D800] =	vst v63  }
0x13d: {  	_ =	swait.ge [sflag:s9], $0x4000  }
0x13e: {  	[sflag:s9] =	ssyncset.done $0x0  }
0x13f: {  	s7 =	rddreg [dreg:$0x12];
	[sflag:s9] =	ssyncadd.s32 $0xFFFFC000  }
0x140: {  	[hbm4b:s7+s1] =	stream.linear.scatter [tilespmem:s31], [sflag:$0x8], $0x4000, $0x38;
	[tilespmem:$0x1D800] =	vst v63  }
0x141: {  	_ =	swait.ge [sflag:s23], $0x4000  }
0x142: {  	[sflag:s23] =	ssyncset.done $0x0  }
0x143: {  	s7 =	simm.s32 $0x500;
	[sflag:s23] =	ssyncadd.s32 $0xFFFFC000  }
0x144: {  	[tilespmem:s11], [sflag:$0x7] =	stream.indirect.gather [hbm4b:s18+s30], $0x80, s7, s30, $0xb8;
	[tilespmem:$0x1D800] =	vst v63  }
0x145: {  	_ =	swait.ge [sflag:s12], $0x4000  }
0x146: {  	[sflag:s12] =	ssyncset.done $0x0  }
0x147: {  	s7 =	rddreg [dreg:$0x13];
	[sflag:s12] =	ssyncadd.s32 $0xFFFFC000  }
0x148: {  	[hbm4b:s7+s1] =	stream.linear.scatter [tilespmem:s0], [sflag:$0x9], $0x4000, $0x38;
	[tilespmem:$0x1D800] =	vst v63  }
0x149: {  	_ =	swait.ge [sflag:s15], $0x4000  }
0x14a: {  	[sflag:s15] =	ssyncset.done $0x0  }
0x14b: {  	s7 =	simm.s32 $0x1100;
	[sflag:s15] =	ssyncadd.s32 $0xFFFFC000  }
0x14c: {  	[tilespmem:s31], [sflag:$0x1] =	stream.indirect.gather [hbm4b:s21+s30], $0x80, s7, s30, $0xb8;
	[tilespmem:$0x1D800] =	vst v63  }
0x14d: {  	_ =	swait.ge [sflag:s14], $0x4000  }
0x14e: {  	[sflag:s14] =	ssyncset.done $0x0  }
0x14f: {  	s7 =	rddreg [dreg:$0x14];
	[sflag:s14] =	ssyncadd.s32 $0xFFFFC000  }
0x150: {  	[hbm4b:s7+s1] =	stream.linear.scatter [tilespmem:s2], [sflag:$0xA], $0x4000, $0x38;
	[tilespmem:$0x1D800] =	vst v63  }
0x151: {  	_ =	swait.ge [sflag:s10], $0x4000  }
0x152: {  	[sflag:s10] =	ssyncset.done $0x0  }
0x153: {  	s7 =	simm.s32 $0x580;
	[sflag:s10] =	ssyncadd.s32 $0xFFFFC000  }
0x154: {  	[tilespmem:s0], [sflag:$0x2] =	stream.indirect.gather [hbm4b:s18+s30], $0x80, s7, s30, $0xb8;
	[tilespmem:$0x1D800] =	vst v63  }
0x155: {  	_ =	swait.ge [sflag:s16], $0x4000  }
0x156: {  	[sflag:s16] =	ssyncset.done $0x0  }
0x157: {  	s7 =	rddreg [dreg:$0x15];
	[sflag:s16] =	ssyncadd.s32 $0xFFFFC000  }
0x158: {  	[hbm4b:s7+s1] =	stream.linear.scatter [tilespmem:s4], [sflag:$0xB], $0x4000, $0x38;
	[tilespmem:$0x1D800] =	vst v63  }
0x159: {  	_ =	swait.ge [sflag:s13], $0x4000  }
0x15a: {  	[sflag:s13] =	ssyncset.done $0x0  }
0x15b: {  	s7 =	simm.s32 $0x1180;
	[sflag:s13] =	ssyncadd.s32 $0xFFFFC000  }
0x15c: {  	[tilespmem:s2], [sflag:$0x3] =	stream.indirect.gather [hbm4b:s21+s30], $0x80, s7, s30, $0xb8;
	[tilespmem:$0x1D800] =	vst v63  }
0x15d: {  	_ =	swait.ge [sflag:s19], $0x4000  }
0x15e: {  	[sflag:s19] =	ssyncset.done $0x0  }
0x15f: {  	s7 =	rddreg [dreg:$0x16];
	[sflag:s19] =	ssyncadd.s32 $0xFFFFC000  }
0x160: {  	[hbm4b:s7+s1] =	stream.linear.scatter [tilespmem:s6], [sflag:$0xC], $0x4000, $0x38;
	[tilespmem:$0x1D800] =	vst v63  }
0x161: {  	_ =	swait.ge [sflag:s17], $0x4000  }
0x162: {  	[sflag:s17] =	ssyncset.done $0x0  }
0x163: {  	s7 =	simm.s32 $0x600;
	[sflag:s17] =	ssyncadd.s32 $0xFFFFC000  }
0x164: {  	[tilespmem:s4], [sflag:$0x4] =	stream.indirect.gather [hbm4b:s18+s30], $0x80, s7, s30, $0xb8;
	[tilespmem:$0x1D800] =	vst v63  }
0x165: {  	_ =	swait.ge [sflag:s3], $0x4000  }
0x166: {  	[sflag:s3] =	ssyncset.done $0x0  }
0x167: {  	s7 =	rddreg [dreg:$0x17];
	[sflag:s3] =	ssyncadd.s32 $0xFFFFC000  }
0x168: {  	[hbm4b:s7+s1] =	stream.linear.scatter [tilespmem:s8], [sflag:$0xD], $0x4000, $0x38;
	[tilespmem:$0x1D800] =	vst v63  }
0x169: {  	_ =	swait.ge [sflag:s20], $0x4000  }
0x16a: {  	[sflag:s20] =	ssyncset.done $0x0  }
0x16b: {  	s7 =	simm.s32 $0x1200;
	[sflag:s20] =	ssyncadd.s32 $0xFFFFC000  }
0x16c: {  	[tilespmem:s6], [sflag:$0x5] =	stream.indirect.gather [hbm4b:s21+s30], $0x80, s7, s30, $0xb8;
	[tilespmem:$0x1D800] =	vst v63  }
0x16d: {  	_ =	swait.ge [sflag:s5], $0x4000  }
0x16e: {  	[sflag:s5] =	ssyncset.done $0x0  }
0x16f: {  	s7 =	rddreg [dreg:$0x18];
	[sflag:s5] =	ssyncadd.s32 $0xFFFFC000  }
0x170: {  	[hbm4b:s7+s1] =	stream.linear.scatter [tilespmem:s11], [sflag:$0xE], $0x4000, $0x38;
	[tilespmem:$0x1D800] =	vst v63  }
0x171: {  	_ =	swait.ge [sflag:s22], $0x4000  }
0x172: {  	[sflag:s22] =	ssyncset.done $0x0  }
0x173: {  	s7 =	simm.s32 $0x680;
	[sflag:s22] =	ssyncadd.s32 $0xFFFFC000  }
0x174: {  	[tilespmem:s8], [sflag:$0x6] =	stream.indirect.gather [hbm4b:s18+s30], $0x80, s7, s30, $0xb8;
	[tilespmem:$0x1D800] =	vst v63  }
0x175: {  	_ =	swait.ge [sflag:s9], $0x4000  }
0x176: {  	[sflag:s9] =	ssyncset.done $0x0  }
0x177: {  	s7 =	rddreg [dreg:$0x19];
	[sflag:s9] =	ssyncadd.s32 $0xFFFFC000  }
0x178: {  	[hbm4b:s7+s1] =	stream.linear.scatter [tilespmem:s31], [sflag:$0x8], $0x4000, $0x38;
	[tilespmem:$0x1D800] =	vst v63  }
0x179: {  	_ =	swait.ge [sflag:s23], $0x4000  }
0x17a: {  	[sflag:s23] =	ssyncset.done $0x0  }
0x17b: {  	s7 =	simm.s32 $0x1280;
	[sflag:s23] =	ssyncadd.s32 $0xFFFFC000  }
0x17c: {  	[tilespmem:s11], [sflag:$0x7] =	stream.indirect.gather [hbm4b:s21+s30], $0x80, s7, s30, $0xb8;
	[tilespmem:$0x1D800] =	vst v63  }
0x17d: {  	_ =	swait.ge [sflag:s12], $0x4000  }
0x17e: {  	[sflag:s12] =	ssyncset.done $0x0  }
0x17f: {  	s7 =	rddreg [dreg:$0x1a];
	[sflag:s12] =	ssyncadd.s32 $0xFFFFC000  }
0x180: {  	[hbm4b:s7+s1] =	stream.linear.scatter [tilespmem:s0], [sflag:$0x9], $0x4000, $0x38;
	[tilespmem:$0x1D800] =	vst v63  }
0x181: {  	_ =	swait.ge [sflag:s15], $0x4000  }
0x182: {  	[sflag:s15] =	ssyncset.done $0x0  }
0x183: {  	s7 =	simm.s32 $0x700;
	[sflag:s15] =	ssyncadd.s32 $0xFFFFC000  }
0x184: {  	[tilespmem:s31], [sflag:$0x1] =	stream.indirect.gather [hbm4b:s18+s30], $0x80, s7, s30, $0xb8;
	[tilespmem:$0x1D800] =	vst v63  }
0x185: {  	_ =	swait.ge [sflag:s14], $0x4000  }
0x186: {  	[sflag:s14] =	ssyncset.done $0x0  }
0x187: {  	s7 =	rddreg [dreg:$0x1b];
	[sflag:s14] =	ssyncadd.s32 $0xFFFFC000  }
0x188: {  	[hbm4b:s7+s1] =	stream.linear.scatter [tilespmem:s2], [sflag:$0xA], $0x4000, $0x38;
	[tilespmem:$0x1D800] =	vst v63  }
0x189: {  	_ =	swait.ge [sflag:s10], $0x4000  }
0x18a: {  	[sflag:s10] =	ssyncset.done $0x0  }
0x18b: {  	s7 =	simm.s32 $0x1300;
	[sflag:s10] =	ssyncadd.s32 $0xFFFFC000  }
0x18c: {  	[tilespmem:s0], [sflag:$0x2] =	stream.indirect.gather [hbm4b:s21+s30], $0x80, s7, s30, $0xb8;
	[tilespmem:$0x1D800] =	vst v63  }
0x18d: {  	_ =	swait.ge [sflag:s16], $0x4000  }
0x18e: {  	[sflag:s16] =	ssyncset.done $0x0  }
0x18f: {  	s7 =	rddreg [dreg:$0x1c];
	[sflag:s16] =	ssyncadd.s32 $0xFFFFC000  }
0x190: {  	[hbm4b:s7+s1] =	stream.linear.scatter [tilespmem:s4], [sflag:$0xB], $0x4000, $0x38;
	[tilespmem:$0x1D800] =	vst v63  }
0x191: {  	_ =	swait.ge [sflag:s13], $0x4000  }
0x192: {  	[sflag:s13] =	ssyncset.done $0x0  }
0x193: {  	s7 =	simm.s32 $0x780;
	[sflag:s13] =	ssyncadd.s32 $0xFFFFC000  }
0x194: {  	[tilespmem:s2], [sflag:$0x3] =	stream.indirect.gather [hbm4b:s18+s30], $0x80, s7, s30, $0xb8;
	[tilespmem:$0x1D800] =	vst v63  }
0x195: {  	_ =	swait.ge [sflag:s19], $0x4000  }
0x196: {  	[sflag:s19] =	ssyncset.done $0x0  }
0x197: {  	s7 =	rddreg [dreg:$0x1d];
	[sflag:s19] =	ssyncadd.s32 $0xFFFFC000  }
0x198: {  	[hbm4b:s7+s1] =	stream.linear.scatter [tilespmem:s6], [sflag:$0xC], $0x4000, $0x38;
	[tilespmem:$0x1D800] =	vst v63  }
0x199: {  	_ =	swait.ge [sflag:s17], $0x4000  }
0x19a: {  	[sflag:s17] =	ssyncset.done $0x0  }
0x19b: {  	s7 =	simm.s32 $0x1380;
	[sflag:s17] =	ssyncadd.s32 $0xFFFFC000  }
0x19c: {  	[tilespmem:s4], [sflag:$0x4] =	stream.indirect.gather [hbm4b:s21+s30], $0x80, s7, s30, $0xb8;
	[tilespmem:$0x1D800] =	vst v63  }
0x19d: {  	_ =	swait.ge [sflag:s3], $0x4000  }
0x19e: {  	[sflag:s3] =	ssyncset.done $0x0  }
0x19f: {  	s7 =	rddreg [dreg:$0x1e];
	[sflag:s3] =	ssyncadd.s32 $0xFFFFC000  }
0x1a0: {  	[hbm4b:s7+s1] =	stream.linear.scatter [tilespmem:s8], [sflag:$0xD], $0x4000, $0x38;
	[tilespmem:$0x1D800] =	vst v63  }
0x1a1: {  	_ =	swait.ge [sflag:s20], $0x4000  }
0x1a2: {  	[sflag:s20] =	ssyncset.done $0x0  }
0x1a3: {  	s7 =	simm.s32 $0x800;
	[sflag:s20] =	ssyncadd.s32 $0xFFFFC000  }
0x1a4: {  	[tilespmem:s6], [sflag:$0x5] =	stream.indirect.gather [hbm4b:s18+s30], $0x80, s7, s30, $0xb8;
	[tilespmem:$0x1D800] =	vst v63  }
0x1a5: {  	_ =	swait.ge [sflag:s5], $0x4000  }
0x1a6: {  	[sflag:s5] =	ssyncset.done $0x0  }
0x1a7: {  	s7 =	rddreg [dreg:$0x1f];
	[sflag:s5] =	ssyncadd.s32 $0xFFFFC000  }
0x1a8: {  	[hbm4b:s7+s1] =	stream.linear.scatter [tilespmem:s11], [sflag:$0xE], $0x4000, $0x38;
	[tilespmem:$0x1D800] =	vst v63  }
0x1a9: {  	_ =	swait.ge [sflag:s22], $0x4000  }
0x1aa: {  	[sflag:s22] =	ssyncset.done $0x0  }
0x1ab: {  	s7 =	simm.s32 $0x1400;
	[sflag:s22] =	ssyncadd.s32 $0xFFFFC000  }
0x1ac: {  	[tilespmem:s8], [sflag:$0x6] =	stream.indirect.gather [hbm4b:s21+s30], $0x80, s7, s30, $0xb8;
	[tilespmem:$0x1D800] =	vst v63  }
0x1ad: {  	_ =	swait.ge [sflag:s9], $0x4000  }
0x1ae: {  	s7 =	sld [smem:$0x7E8]  }
0x1af: {  	[sflag:s9] =	ssyncset.done $0x0  }
0x1b0: {  	[sflag:s9] =	ssyncadd.s32 $0xFFFFC000  }
0x1b1: {  	[hbm4b:s7+s1] =	stream.linear.scatter [tilespmem:s31], [sflag:$0x8], $0x4000, $0x38;
	[tilespmem:$0x1D800] =	vst v63  }
0x1b2: {  	_ =	swait.ge [sflag:s23], $0x4000  }
0x1b3: {  	[sflag:s23] =	ssyncset.done $0x0  }
0x1b4: {  	s7 =	simm.s32 $0x880;
	[sflag:s23] =	ssyncadd.s32 $0xFFFFC000  }
0x1b5: {  	[tilespmem:s11], [sflag:$0x7] =	stream.indirect.gather [hbm4b:s18+s30], $0x80, s7, s30, $0xb8;
	[tilespmem:$0x1D800] =	vst v63  }
0x1b6: {  	_ =	swait.ge [sflag:s12], $0x4000  }
0x1b7: {  	s7 =	sld [smem:$0x7E9]  }
0x1b8: {  	[sflag:s12] =	ssyncset.done $0x0  }
0x1b9: {  	[sflag:s12] =	ssyncadd.s32 $0xFFFFC000  }
0x1ba: {  	[hbm4b:s7+s1] =	stream.linear.scatter [tilespmem:s0], [sflag:$0x9], $0x4000, $0x38;
	[tilespmem:$0x1D800] =	vst v63  }
0x1bb: {  	_ =	swait.ge [sflag:s15], $0x4000  }
0x1bc: {  	[sflag:s15] =	ssyncset.done $0x0  }
0x1bd: {  	s7 =	simm.s32 $0x1480;
	[sflag:s15] =	ssyncadd.s32 $0xFFFFC000  }
0x1be: {  	[tilespmem:s31], [sflag:$0x1] =	stream.indirect.gather [hbm4b:s21+s30], $0x80, s7, s30, $0xb8;
	[tilespmem:$0x1D800] =	vst v63  }
0x1bf: {  	_ =	swait.ge [sflag:s14], $0x4000  }
0x1c0: {  	s7 =	sld [smem:$0x7EA]  }
0x1c1: {  	[sflag:s14] =	ssyncset.done $0x0  }
0x1c2: {  	[sflag:s14] =	ssyncadd.s32 $0xFFFFC000  }
0x1c3: {  	[hbm4b:s7+s1] =	stream.linear.scatter [tilespmem:s2], [sflag:$0xA], $0x4000, $0x38;
	[tilespmem:$0x1D800] =	vst v63  }
0x1c4: {  	_ =	swait.ge [sflag:s16], $0x4000  }
0x1c5: {  	s7 =	sld [smem:$0x7EB]  }
0x1c6: {  	[sflag:s16] =	ssyncset.done $0x0  }
0x1c7: {  	[sflag:s16] =	ssyncadd.s32 $0xFFFFC000  }
0x1c8: {  	[hbm4b:s7+s1] =	stream.linear.scatter [tilespmem:s4], [sflag:$0xB], $0x4000, $0x38;
	[tilespmem:$0x1D800] =	vst v63  }
0x1c9: {  	_ =	swait.ge [sflag:s19], $0x4000  }
0x1ca: {  	s7 =	sld [smem:$0x7EC]  }
0x1cb: {  	[sflag:s19] =	ssyncset.done $0x0  }
0x1cc: {  	[sflag:s19] =	ssyncadd.s32 $0xFFFFC000  }
0x1cd: {  	[hbm4b:s7+s1] =	stream.linear.scatter [tilespmem:s6], [sflag:$0xC], $0x4000, $0x38;
	[tilespmem:$0x1D800] =	vst v63  }
0x1ce: {  	_ =	swait.ge [sflag:s3], $0x4000  }
0x1cf: {  	s7 =	sld [smem:$0x7ED]  }
0x1d0: {  	[sflag:s3] =	ssyncset.done $0x0  }
0x1d1: {  	[sflag:s3] =	ssyncadd.s32 $0xFFFFC000  }
0x1d2: {  	[hbm4b:s7+s1] =	stream.linear.scatter [tilespmem:s8], [sflag:$0xD], $0x4000, $0x38;
	[tilespmem:$0x1D800] =	vst v63  }
0x1d3: {  	_ =	swait.ge [sflag:s5], $0x4000  }
0x1d4: {  	s7 =	sld [smem:$0x7EE]  }
0x1d5: {  	[sflag:s5] =	ssyncset.done $0x0  }
0x1d6: {  	[sflag:s5] =	ssyncadd.s32 $0xFFFFC000  }
0x1d7: {  	[hbm4b:s7+s1] =	stream.linear.scatter [tilespmem:s11], [sflag:$0xE], $0x4000, $0x38;
	[tilespmem:$0x1D800] =	vst v63  }
.Ltmp3:
0x1d8: {  	_ =	swait.ge [sflag:s9], $0x4000;
	(pc) =	sbr.rel .LBB2_4-.Ltmp3, $4  }
0x1d9: {  	s7 =	sld [smem:$0x7EF]  }
0x1da: {  	[sflag:s9] =	ssyncset.done $0x0  }
0x1db: {  	[sflag:s9] =	ssyncadd.s32 $0xFFFFC000  }
0x1dc: {  	[hbm4b:s7+s1] =	stream.linear.scatter [tilespmem:s31], [sflag:$0x8], $0x4000, $0x38;
	[tilespmem:$0x1D800] =	vst v63  }
.LBB2_5:
0x1dd: {  	_ =	sfence.sel $0x180000  }
0x1de: {  	[bflag:$0x0] =	sbarrier.arrive $0xFFFF  }
0x1df: {  	_ =	strace $0x9000004A  }
0x1e0: {  	s0 =	stileid.u32;
	[bflag:$0x2] =	sbarrier.arrive $0xFFFF  }
0x1e1: {  	p0 =	sne.s32 s0, $0x0;
	s0 =	rddreg [dreg:$0x3]  }
0x1e2: {  	s0 =	sadd.s32 @!p0 $0x100000, s0  }
0x1e3: {  	[sflag:s0] =	ssyncadd.tile.s32 @!p0 $0x1;
	_ =	shalt  }
.Lfunc_end2:
_tile_overlayer_lowered:
.L_overlay_start_2:
0x1e4: {  	(tag) =	ssettag $0x2  }
0x1e5: {  	s0 =	rddreg [dreg:$0x0];
	s2 =	stileid.u32  }
0x1e6: {  	s1 =	rddreg [dreg:$0x1];
	p0 =	sne.s32 s2, $0x0  }
0x1e7: {  	s3 =	rddreg [dreg:$0x2];
	[bflag:$0x3] =	sbarrier.arrive $0xFFFF;
	s2 =	simm.s32 @!p0 $0x1C0F  }
0x1e8: {  	[timem:s3], [sflag:s2] =	dma.local @!p0 [hbm:s0], s1  }
0x1e9: {  	s0 =	simm.s32 @!p0 $0xF  }
0x1ea: {  	_ =	swait.ge @!p0 [sflag:s0], s1  }
0x1eb: {  	s1 =	ssub.s32 @!p0 $0x0, s1;
	[sflag:s0] =	ssyncset.done @!p0 $0x0  }
0x1ec: {  	[sflag:s0] =	ssyncadd.s32 @!p0 s1  }
0x1ed: {  	[bflag:$0x3] =	sbarrier.arrive $0xFFFF  }
0x1ee: {  	_ =	shalt  }

// kernel: kernel.9.cloned.1.call-start
scs
__scs_entry_jumppad:
0x0: {  	(pc) =	sbr.rel $0x88, $3  }
0x1: {  	(tag) =	ssettag $0x0;
	lr =	simm.s32 $0x1  }
0x2: {  	[smem:$0x3F9B] =	sst lr;
	_ =	strace $0xD0000000  }
0x3: {  	_ = 	snop  }
0x4: {  	_ = 	snop  }
0x5: {  	_ = 	snop  }
0x6: {  	_ = 	snop  }
0x7: {  	_ = 	snop  }
__scs_overlays_trampoline_lowered:
0x8: {  	[smem:$0x3FAA] =	sst s0  }
0x9: {  	[smem:$0x3FAB] =	sst s1  }
0xa: {  	[smem:$0x3FAC] =	sst s2  }
0xb: {  	[smem:$0x3FAD] =	sst s3  }
0xc: {  	[smem:$0x3FAE] =	sst s4  }
0xd: {  	[smem:$0x3FAF] =	sst s5  }
0xe: {  	[smem:$0x3FB0] =	sst s6  }
0xf: {  	[smem:$0x3FB1] =	sst s7  }
0x10: {  	[smem:$0x3FB2] =	sst s8  }
0x11: {  	[smem:$0x3FB3] =	sst s9;
	s0 =	simm.s32 @!p0 $0x0  }
0x12: {  	s1 =	sld [smem:$0x3F99];
	s0 =	simm.s32 @p0 $0x1  }
0x13: {  	[smem:$0x3FB4] =	sst s0;
	s0 =	simm.s32 @!p1 $0x0  }
0x14: {  	s2 =	sld [smem:$0x3F98];
	s0 =	simm.s32 @p1 $0x1  }
0x15: {  	[smem:$0x3FB5] =	sst s0;
	s0 =	simm.s32 @!p2 $0x0  }
0x16: {  	s3 =	sld [smem:$0x3FDB];
	s0 =	simm.s32 @p2 $0x1  }
0x17: {  	s4 =	simm.s32 $0x1BF5;
	[smem:$0x3FB7] =	sst s0  }
0x18: {  	s0 =	sld [smem:$0x3F9A];
	_ =	swait.ge [sflag:s4], $0x0  }
0x19: {  	s7 =	sld [smem:$0x3F9B]  }
0x1a: {  	s8 =	sadd.s32 $0xFFFFE003, lr  }
0x1b: {  	s9 =	sadd.s32 $0xFFFFFEF7, lr;
	s5 =	simm.s32 $0xFFFFFFFF;
	p2 =	slt.u32 s8, $0xFFFFF086  }
0x1c: {  	p1 =	slt.u32 s9, $0xF7A;
	s5 =	simm.s32 @!p2 $0x0  }
0x1d: {  	s5 =	simm.s32 @p1 $0x1;
	p0 =	seq.s32 s7, s2  }
0x1e: {  	s7 =	smul.u32 @!p0 $0xF7A, s2;
	p2 =	seq.s32 @!p0 s5, $0x0  }
0x1f: {  	s9 =	smul.u32 $0xF7A, s1;
	s8 =	simm.s32 @!p0 $0x1BF5;
	p2 =	por !p2, p0  }
0x20: {  	[sflag:s8] =	ssyncset.s32 @!p0 $0xFFFFF086;
	s6 =	sadd.s32 @!p0 s3, s7;
	s7 =	simm.s32 @!p0 $0x108  }
0x21: {  	s3 =	sadd.s32 s3, s9;
	s6 =	sadd.s32 @!p0 $0x88, s6;
	s7 =	simm.s32 @p2 $0x1082  }
0x22: {  	[simem:s7], [sflag:s8] =	dma.local @!p0 [hbm:s6], $0xF7A  }
0x23: {  	s9 =	sor.u32 $0xD0000000, s2;
	s6 =	simm.s32 $0x108;
	_ =	swait.ge @!p0 [sflag:s8], $0x0  }
0x24: {  	s3 =	sadd.s32 $0x88, s3;
	s6 =	simm.s32 @!p1 $0x1082;
	[sflag:s4] =	ssyncset.s32 $0xFFFFF086  }
0x25: {  	[simem:s6], [sflag:s4] =	dma.local [hbm:s3], $0xF7A  }
0x26: {  	[smem:$0x3F9B] =	sst s1;
	(tag) =	ssettag s2;
	_ =	strace s9  }
0x27: {  	s1 =	sld [smem:$0x3FAB]  }
0x28: {  	s2 =	sld [smem:$0x3FAC]  }
0x29: {  	s4 =	sld [smem:$0x3FAE]  }
0x2a: {  	p0 =	seq.s32 s5, $0x0;
	s5 =	sld [smem:$0x3FAF]  }
0x2b: {  	s6 =	sld [smem:$0x3FB0]  }
0x2c: {  	s7 =	sld [smem:$0x3FB1]  }
0x2d: {  	s3 =	simm.s32 $0x108;
	s8 =	sld [smem:$0x3FB2]  }
0x2e: {  	s3 =	simm.s32 @!p0 $0x1082;
	s9 =	sld [smem:$0x3FB3]  }
0x2f: {  	lr =	sadd.s32 s0, s3;
	s0 =	sld [smem:$0x3FAA]  }
0x30: {  	s3 =	sld [smem:$0x3FAD]  }
0x31: {  	[smem:$0x3FB6] =	sst s10  }
0x32: {  	s10 =	sld [smem:$0x3FB4];
	_ =	sdelay $0x3  }
0x33: {  	p0 =	seq.s32 s10, $0x1;
	s10 =	sld [smem:$0x3FB6];
	_ =	sdelay $0x3  }
0x34: {  	[smem:$0x3FB6] =	sst s10  }
0x35: {  	s10 =	sld [smem:$0x3FB5];
	_ =	sdelay $0x3  }
0x36: {  	p1 =	seq.s32 s10, $0x1;
	s10 =	sld [smem:$0x3FB6];
	_ =	sdelay $0x3  }
0x37: {  	[smem:$0x3FB6] =	sst s10  }
0x38: {  	s10 =	sld [smem:$0x3FB7]  }
0x39: {  	_ = 	snop;
	(pc) =	sbr.ind lr, $3  }
0x3a: {  	_ = 	snop  }
0x3b: {  	_ = 	snop  }
0x3c: {  	p2 =	seq.s32 s10, $0x1;
	s10 =	sld [smem:$0x3FB6]  }
0x3d: {  	_ =	shalt  }
0x3e: {  	_ =	shalt  }
0x3f: {  	_ =	shalt  }
0x40: {  	_ =	shalt  }
0x41: {  	_ =	shalt  }
0x42: {  	_ =	shalt  }
0x43: {  	_ =	shalt  }
0x44: {  	_ =	shalt  }
0x45: {  	_ =	shalt  }
0x46: {  	_ =	shalt  }
0x47: {  	_ =	shalt  }
0x48: {  	_ =	shalt  }
0x49: {  	_ =	shalt  }
0x4a: {  	_ =	shalt  }
0x4b: {  	_ =	shalt  }
0x4c: {  	_ =	shalt  }
0x4d: {  	_ =	shalt  }
0x4e: {  	_ =	shalt  }
0x4f: {  	_ =	shalt  }
0x50: {  	_ =	shalt  }
0x51: {  	_ =	shalt  }
0x52: {  	_ =	shalt  }
0x53: {  	_ =	shalt  }
0x54: {  	_ =	shalt  }
0x55: {  	_ =	shalt  }
0x56: {  	_ =	shalt  }
0x57: {  	_ =	shalt  }
0x58: {  	_ =	shalt  }
0x59: {  	_ =	shalt  }
0x5a: {  	_ =	shalt  }
0x5b: {  	_ =	shalt  }
0x5c: {  	_ =	shalt  }
0x5d: {  	_ =	shalt  }
0x5e: {  	_ =	shalt  }
0x5f: {  	_ =	shalt  }
0x60: {  	_ =	shalt  }
0x61: {  	_ =	shalt  }
0x62: {  	_ =	shalt  }
0x63: {  	_ =	shalt  }
0x64: {  	_ =	shalt  }
0x65: {  	_ =	shalt  }
0x66: {  	_ =	shalt  }
0x67: {  	_ =	shalt  }
0x68: {  	_ =	shalt  }
0x69: {  	_ =	shalt  }
0x6a: {  	_ =	shalt  }
0x6b: {  	_ =	shalt  }
0x6c: {  	_ =	shalt  }
0x6d: {  	_ =	shalt  }
0x6e: {  	_ =	shalt  }
0x6f: {  	_ =	shalt  }
0x70: {  	_ =	shalt  }
0x71: {  	_ =	shalt  }
0x72: {  	_ =	shalt  }
0x73: {  	_ =	shalt  }
0x74: {  	_ =	shalt  }
0x75: {  	_ =	shalt  }
0x76: {  	_ =	shalt  }
0x77: {  	_ =	shalt  }
0x78: {  	_ =	shalt  }
0x79: {  	_ =	shalt  }
0x7a: {  	_ =	shalt  }
0x7b: {  	_ =	shalt  }
0x7c: {  	_ =	shalt  }
0x7d: {  	_ =	shalt  }
0x7e: {  	_ =	shalt  }
0x7f: {  	_ =	shalt  }
0x80: {  	_ =	shalt  }
0x81: {  	_ =	shalt  }
0x82: {  	_ =	shalt  }
0x83: {  	_ =	shalt  }
0x84: {  	_ =	shalt  }
0x85: {  	_ =	shalt  }
0x86: {  	_ =	shalt  }
0x87: {  	_ =	shalt  }
.Lfunc_end0:
.L_simem_size_0:
called_computation.1_lowered:
.L_overlay_start_0:
0x88: {  	s2 =	sld [smem:$0x3FD9]  }
0x89: {  	s3 =	sld [smem:$0x3FFE];
	_ =	sdelay $0x1  }
0x8a: {  	s1 =	srdreg.scid  }
0x8b: {  	s0 =	sand.u32 $0x1, s1  }
0x8c: {  	s17 =	sshll.u32 s0, $0xA;
	s2 =	sadd.s32 s3, s2  }
0x8d: {  	s2 =	sadd.s32 s2, s17  }
0x8e: {  	[smem:$0x3FC2] =	sst s2  }
0x8f: {  	_ = 	snop  }
0x90: {  	s2 =	sld [smem:$0x3FC8]  }
0x91: {  	s18 =	sld [smem:$0x3FC7]  }
0x92: {  	s4 =	sld [smem:$0x3FD0];
	(tm) =	ssettm $0x1  }
0x93: {  	s5 =	sld [smem:$0x3FFB];
	_ =	sdelay $0x3  }
0x94: {  	_ =	strace s5  }
0x95: {  	s5 =	sld [smem:$0x3FFC];
	_ =	sdelay $0x3  }
0x96: {  	_ =	strace s5  }
0x97: {  	s5 =	sld [smem:$0x3FFD];
	_ =	sdelay $0x3  }
0x98: {  	_ =	strace s5  }
0x99: {  	_ =	strace $0x8FFFFFFF  }
0x9a: {  	s19 =	sld [smem:$0x3FDB];
	_ =	sdelay $0x1  }
0x9b: {  	s6 =	simm.s32 $_scs_section_size  }
0x9c: {  	s7 =	simm.s32 $_size__tile_overlayer_lowered;
	s8 =	simm.s32 $_tile_overlayer_lowered  }
0x9d: {  	s22 =	simm.s32 $0x1BFF;
	s21 =	sshll.u32 s8, $0x1;
	s5 =	sadd.s32 s6, s19  }
0x9e: {  	s9 =	simm.s32 $0x0;
	s20 =	sshll.u32 s7, $0x1;
	s7 =	sadd.s32 s21, s5  }
0x9f: {  	[timem:s9], [sflag:s22] =	dma.local [hbm:s7], s20  }
0xa0: {  	_ =	swait.ge [sflag:s22], s20  }
0xa1: {  	s6 =	ssub.s32 $0x0, s20;
	[sflag:s22] =	ssyncset.done $0x0  }
0xa2: {  	[sflag:s22] =	ssyncadd.s32 s6;
	_ =	sdelay $0x1  }
0xa3: {  	s23 =	simm.s32 $0x1B8B  }
0xa4: {  	_ =	swait.ge [sflag:s23], $0x1  }
0xa5: {  	[sflag:s23] =	ssyncset.done $0x0  }
0xa6: {  	s25 =	simm.s32 $0x1B8E;
	s24 =	sld [smem:$0x3FFE];
	[sflag:s23] =	ssyncadd.s32 $0xFFFFFFFF  }
0xa7: {  	s26 =	simm.s32 $execute0_lowered;
	[smem:$0x3FD2] =	sst s25  }
0xa8: {  	s7 =	sshll.u32 s26, $0x1;
	_ =	strace $0x80000046;
	[dreg:$0x1] =	wrdreg $0xFFFFFFFF  }
0xa9: {  	s28 =	simm.s32 $_size_execute0_lowered;
	s5 =	sadd.s32 s5, s7;
	[dreg:$0x0] =	wrdreg $0x0  }
0xaa: {  	s7 =	sshll.u32 s28, $0x1;
	[dreg:$0x2] =	wrdreg s5  }
0xab: {  	[dreg:$0x3] =	wrdreg s7  }
0xac: {  	[dreg:$0x4] =	wrdreg $0xC0  }
0xad: {  	_ =	task [dreg:s9], $0x5FFFF  }
0xae: {  	[dreg:$0x1] =	wrdreg $0xFFFFFFFF  }
0xaf: {  	[dreg:$0x0] =	wrdreg $0x60  }
0xb0: {  	[dreg:$0x2] =	wrdreg s2  }
0xb1: {  	[dreg:$0x3] =	wrdreg s18  }
0xb2: {  	[dreg:$0x4] =	wrdreg s4  }
0xb3: {  	[dreg:$0x5] =	wrdreg s24  }
0xb4: {  	[dreg:$0x6] =	wrdreg $0xA  }
0xb5: {  	_ =	task.clear_ibuf [dreg:s9], $0x7FFFF;
	_ =	strace $0x90000046  }
0xb6: {  	s29 =	simm.s32 $0xA;
	_ =	strace $0x80000048  }
0xb7: {  	_ =	swait.ge [sflag:s29], $0x1  }
0xb8: {  	[sflag:s29] =	ssyncadd.s32 $0xFFFFFFFF  }
0xb9: {  	_ =	strace $0x90000048  }
0xba: {  	_ =	sfence  }
0xbb: {  	s30 =	sld [smem:$0x0];
	_ =	sdelay $0x2  }
0xbc: {  	s31 =	sshll.u32 s1, $0xD;
	s1 =	sshrl.u32 s1, $0x2  }
0xbd: {  	s3 =	sand.u32 $0x4000, s31;
	s1 =	sadd.s32 s1, s30  }
0xbe: {  	s0 =	sor.u32 s3, s0;
	s1 =	sshll.u32 s1, $0x11  }
0xbf: {  	s0 =	sor.u32 s1, s0  }
0xc0: {  	s0 =	sadd.s32 $0x8F2B, s0  }
0xc1: {  	[sflag:s0] =	ssyncadd.remote.s32 $0x1  }
0xc2: {  	_ =	sfence.sel $0xFFFF  }
0xc3: {  	[dreg:$0x0] =	wrdreg $0xFFFFFFFF;
	(pc) =	sbr.abs _section_cstart, $3  }
0xc4: {  	[dreg:$0x1] =	wrdreg $0xFFFFFFFF  }
0xc5: {  	_ =	task.clear_ibuf [dreg:s9], $0x2FFFF;
	_ =	strace $0x9FFFFFFF  }
0xc6: {  	(tm) =	ssettm $0x7FFFFFFF  }
0xc7: {  	_ =	shalt  }
tec
execute0_lowered:
.L_overlay_start_1:
0x0: {  	(tag) =	ssettag $0x1  }
0x1: {  	s2 =	rddreg [dreg:$0x2];
	s0 =	srdreg.scid  }
0x2: {  	s3 =	rddreg [dreg:$0x3];
	s10 =	stileid.u32  }
0x3: {  	s1 =	simm.s32 $0x0;
	s6 =	sand.u32 $0x1, s0;
	s9 =	smul.u32 $0x9000, s10  }
0x4: {  	[smem:$0x7FF] =	sst s1;
	s28 =	smul.u32 $0x48000, s10;
	s0 =	sshll.u32 s6, $0x4  }
0x5: {  	s4 =	sor.u32 s10, s0;
	s0 =	sadd.s32 $0x3000, s3;
	s12 =	sor.u32 $0x800, s9  }
0x6: {  	s5 =	ssub.s32 $0x2, s6;
	s7 =	smul.u32 $0x180, s4;
	s13 =	sadd.s32 s0, s12  }
0x7: {  	p0 =	seq.s32 s6, $0x1;
	s4 =	sadd.s32 $0xCB000, s3;
	[dreg:$0x7] =	wrdreg s13  }
0x8: {  	s2 =	sadd.s32 s2, s7;
	s3 =	sadd.s32 s3, s7;
	s7 =	sadd.s32 s0, s9  }
0x9: {  	s11 =	sadd.s32 s4, s9;
	[dreg:$0x5] =	wrdreg s7;
	s7 =	sshrl.u32 s28, $0x3  }
0xa: {  	s6 =	sadd.s32 s4, s12;
	[dreg:$0x6] =	wrdreg s11;
	s14 =	sadd.s32 $0x1000, s7  }
0xb: {  	[dreg:$0x8] =	wrdreg s6;
	s15 =	sadd.s32 s0, s14  }
0xc: {  	s16 =	sadd.s32 $0x1800, s7;
	s6 =	sadd.s32 s4, s14;
	[dreg:$0x9] =	wrdreg s15  }
0xd: {  	s18 =	sadd.s32 $0x2000, s7;
	s17 =	sadd.s32 s0, s16;
	[dreg:$0xa] =	wrdreg s6  }
0xe: {  	s20 =	sadd.s32 $0x2800, s7;
	s19 =	sadd.s32 s0, s18;
	[dreg:$0xb] =	wrdreg s17  }
0xf: {  	s22 =	sadd.s32 $0x3000, s7;
	s21 =	sadd.s32 s0, s20;
	[dreg:$0xd] =	wrdreg s19  }
0x10: {  	s24 =	sadd.s32 $0x3800, s7;
	s23 =	sadd.s32 s0, s22;
	[dreg:$0xf] =	wrdreg s21  }
0x11: {  	s26 =	sadd.s32 $0x4000, s7;
	s25 =	sadd.s32 s0, s24;
	[dreg:$0x11] =	wrdreg s23  }
0x12: {  	s9 =	sadd.s32 $0x4800, s7;
	s28 =	sadd.s32 s0, s26;
	[dreg:$0x13] =	wrdreg s25  }
0x13: {  	s12 =	sadd.s32 $0x5000, s7;
	s11 =	sadd.s32 s0, s9;
	[dreg:$0x15] =	wrdreg s28  }
0x14: {  	s13 =	sadd.s32 s0, s12;
	[dreg:$0x17] =	wrdreg s11  }
0x15: {  	s14 =	sadd.s32 $0x5800, s7;
	s6 =	sadd.s32 s4, s16;
	[dreg:$0x19] =	wrdreg s13  }
0x16: {  	s15 =	sadd.s32 s0, s14;
	[dreg:$0xc] =	wrdreg s6  }
0x17: {  	s16 =	sadd.s32 $0x6000, s7;
	s6 =	sadd.s32 s4, s18;
	[dreg:$0x1b] =	wrdreg s15  }
0x18: {  	s25 =	sadd.s32 $0x8000, s7;
	s17 =	sadd.s32 s0, s16;
	[dreg:$0xe] =	wrdreg s6  }
0x19: {  	s8 =	sshrl.u32 s5, $0x1;
	s28 =	sadd.s32 s0, s25;
	[dreg:$0x1d] =	wrdreg s17  }
0x1a: {  	s5 =	ssub.s32 s5, s8;
	s8 =	sadd.s32 s4, s25;
	[smem:$0x7EC] =	sst s28  }
0x1b: {  	s18 =	sadd.s32 $0x6800, s7;
	s6 =	sadd.s32 s4, s20;
	[smem:$0x7ED] =	sst s8  }
0x1c: {  	s19 =	sadd.s32 s0, s18;
	[dreg:$0x10] =	wrdreg s6  }
0x1d: {  	s20 =	sadd.s32 $0x7000, s7;
	s6 =	sadd.s32 s4, s22;
	[dreg:$0x1f] =	wrdreg s19  }
0x1e: {  	s21 =	sadd.s32 s0, s20;
	[dreg:$0x12] =	wrdreg s6  }
0x1f: {  	s22 =	sadd.s32 $0x7800, s7;
	s6 =	sadd.s32 s4, s24;
	[smem:$0x7E8] =	sst s21  }
0x20: {  	s23 =	sadd.s32 s0, s22;
	[dreg:$0x14] =	wrdreg s6  }
0x21: {  	s7 =	sadd.s32 $0x8800, s7;
	[smem:$0x7EA] =	sst s23  }
0x22: {  	s24 =	smul.u32 $0x3800, s10;
	s6 =	sadd.s32 s4, s26;
	s23 =	rddreg [dreg:$0x1]  }
0x23: {  	s26 =	smul.u32 $0x1C000, s10;
	s10 =	sadd.s32 s0, s7;
	[dreg:$0x16] =	wrdreg s6  }
0x24: {  	s7 =	sadd.s32 s4, s7;
	[smem:$0x7EE] =	sst s10  }
0x25: {  	s30 =	simm.s32 $0xF;
	s6 =	sadd.s32 s4, s9;
	[smem:$0x7EF] =	sst s7  }
0x26: {  	s31 =	simm.s32 $0xC00;
	[dreg:$0x18] =	wrdreg s6;
	s6 =	sadd.s32 s4, s12  }
0x27: {  	s11 =	sshrl.u32 s26, $0x3;
	[dreg:$0x1a] =	wrdreg s6;
	s6 =	sadd.s32 s4, s14  }
0x28: {  	s13 =	sadd.s32 $0x90800, s11;
	[dreg:$0x1c] =	wrdreg s6;
	s6 =	sadd.s32 s4, s16  }
0x29: {  	s15 =	sadd.s32 $0x91000, s11;
	s14 =	sadd.s32 s0, s13;
	[dreg:$0x1e] =	wrdreg s6  }
0x2a: {  	s19 =	sadd.s32 $0x92000, s11;
	s16 =	sadd.s32 s0, s15;
	[smem:$0x7F2] =	sst s14  }
0x2b: {  	s26 =	sadd.s32 $0x93000, s11;
	s21 =	sadd.s32 s0, s19;
	[smem:$0x7F4] =	sst s16  }
0x2c: {  	s29 =	smax.u32 s5, $0x1;
	s28 =	sadd.s32 s4, s26;
	[smem:$0x7F8] =	sst s21  }
0x2d: {  	s17 =	sadd.s32 $0x91800, s11;
	s6 =	sadd.s32 s4, s18;
	[smem:$0x7FD] =	sst s28  }
0x2e: {  	s5 =	simm.s32 $0x5800;
	s18 =	sadd.s32 s0, s17;
	[smem:$0x7E7] =	sst s6  }
0x2f: {  	s8 =	simm.s32 $0xD800;
	s10 =	simm.s32 $0x11800;
	[smem:$0x7F6] =	sst s18  }
0x30: {  	s7 =	simm.s32 $0x5;
	s6 =	sadd.s32 s4, s20;
	s20 =	rddreg [dreg:$0x0]  }
0x31: {  	[smem:$0x7E9] =	sst s6;
	s6 =	sadd.s32 s4, s22;
	s22 =	sadd.s32 $0x92800, s11  }
0x32: {  	[smem:$0x7EB] =	sst s6;
	s6 =	sadd.s32 $0x90000, s24;
	s24 =	sadd.s32 s0, s22  }
0x33: {  	s16 =	simm.s32 $0x2;
	s25 =	sadd.s32 s4, s22;
	[smem:$0x7FA] =	sst s24  }
0x34: {  	s21 =	simm.s32 $0x4;
	s12 =	sadd.s32 s0, s6;
	[smem:$0x7FB] =	sst s25  }
0x35: {  	s18 =	simm.s32 $0x3;
	s6 =	sadd.s32 s4, s6;
	[smem:$0x7F0] =	sst s12  }
0x36: {  	s11 =	simm.s32 $0x7;
	s0 =	sadd.s32 s0, s26;
	[smem:$0x7F1] =	sst s6  }
0x37: {  	s25 =	simm.s32 $0x6;
	s6 =	sadd.s32 s4, s13;
	[smem:$0x7FC] =	sst s0  }
.Ltmp0:
0x38: {  	[smem:$0x7F3] =	sst s6;
	s6 =	sadd.s32 s4, s15;
	(pc) =	sbr.rel .LBB2_1-.Ltmp0, $4  }
0x39: {  	s0 =	simm.s32 $0x80;
	[smem:$0x7F5] =	sst s6;
	s6 =	sadd.s32 s4, s17  }
0x3a: {  	s12 =	simm.s32 $0x15800;
	[smem:$0x7F7] =	sst s6;
	s6 =	sadd.s32 s4, s19  }
0x3b: {  	s13 =	simm.s32 $0x1;
	s15 =	simm.s32 $0x19800;
	[smem:$0x7F9] =	sst s6  }
0x3c: {  	s4 =	simm.s32 $0x1800;
	s6 =	simm.s32 $0x9800;
	_ =	strace $0x80000047  }
.LBB2_3:
0x3d: {  	s9 =	sld [smem:$0x7F0];
	_ =	sdelay $0x2  }
0x3e: {  	[hbm4b:s9+s1] =	stream.linear.scatter [tilespmem:s4], [sflag:$0x8], $0x4000, $0x38;
	[tilespmem:$0x1D800] =	vst v63  }
0x3f: {  	s24 =	simm.s32 $0x180  }
0x40: {  	[tilespmem:s15], [sflag:$0x7] =	stream.indirect.gather [hbm4b:s20+s0], $0x80, s24, s0, $0xb8;
	[tilespmem:$0x1D800] =	vst v63  }
0x41: {  	_ =	swait.ge [sflag:s16], $0x4000  }
0x42: {  	s26 =	sld [smem:$0x7F1]  }
0x43: {  	[sflag:s16] =	ssyncset.done $0x0  }
0x44: {  	s14 =	simm.s32 $0x8;
	[sflag:s16] =	ssyncadd.s32 $0xFFFFC000  }
0x45: {  	[hbm4b:s26+s1] =	stream.linear.scatter [tilespmem:s5], [sflag:$0x9], $0x4000, $0x38;
	[tilespmem:$0x1D800] =	vst v63  }
0x46: {  	_ =	swait.ge [sflag:s14], $0x4000  }
0x47: {  	[sflag:s14] =	ssyncset.done $0x0  }
0x48: {  	s28 =	simm.s32 $0xD80;
	[sflag:s14] =	ssyncadd.s32 $0xFFFFC000  }
0x49: {  	[tilespmem:s4], [sflag:$0x1] =	stream.indirect.gather [hbm4b:s23+s0], $0x80, s28, s0, $0xb8;
	[tilespmem:$0x1D800] =	vst v63  }
0x4a: {  	_ =	swait.ge [sflag:s18], $0x4000  }
0x4b: {  	s17 =	sld [smem:$0x7F2]  }
0x4c: {  	[sflag:s18] =	ssyncset.done $0x0  }
0x4d: {  	[sflag:s18] =	ssyncadd.s32 $0xFFFFC000  }
0x4e: {  	[hbm4b:s17+s1] =	stream.linear.scatter [tilespmem:s6], [sflag:$0xA], $0x4000, $0x38;
	[tilespmem:$0x1D800] =	vst v63  }
0x4f: {  	s17 =	simm.s32 $0x9  }
0x50: {  	_ =	swait.ge [sflag:s17], $0x4000  }
0x51: {  	[sflag:s17] =	ssyncset.done $0x0  }
0x52: {  	s19 =	simm.s32 $0x200;
	[sflag:s17] =	ssyncadd.s32 $0xFFFFC000  }
0x53: {  	[tilespmem:s5], [sflag:$0x2] =	stream.indirect.gather [hbm4b:s20+s0], $0x80, s19, s0, $0xb8;
	[tilespmem:$0x1D800] =	vst v63  }
0x54: {  	_ =	swait.ge [sflag:s21], $0x4000  }
0x55: {  	s22 =	sld [smem:$0x7F3]  }
0x56: {  	[sflag:s21] =	ssyncset.done $0x0  }
0x57: {  	[sflag:s21] =	ssyncadd.s32 $0xFFFFC000  }
0x58: {  	[hbm4b:s22+s1] =	stream.linear.scatter [tilespmem:s8], [sflag:$0xB], $0x4000, $0x38;
	[tilespmem:$0x1D800] =	vst v63  }
0x59: {  	s22 =	simm.s32 $0xA  }
0x5a: {  	_ =	swait.ge [sflag:s22], $0x4000  }
0x5b: {  	[sflag:s22] =	ssyncset.done $0x0  }
0x5c: {  	s24 =	simm.s32 $0xE00;
	[sflag:s22] =	ssyncadd.s32 $0xFFFFC000  }
0x5d: {  	[tilespmem:s6], [sflag:$0x3] =	stream.indirect.gather [hbm4b:s23+s0], $0x80, s24, s0, $0xb8;
	[tilespmem:$0x1D800] =	vst v63  }
0x5e: {  	_ =	swait.ge [sflag:s7], $0x4000  }
0x5f: {  	s26 =	sld [smem:$0x7F4]  }
0x60: {  	[sflag:s7] =	ssyncset.done $0x0  }
0x61: {  	s24 =	simm.s32 $0xB;
	[sflag:s7] =	ssyncadd.s32 $0xFFFFC000  }
0x62: {  	[hbm4b:s26+s1] =	stream.linear.scatter [tilespmem:s10], [sflag:$0xC], $0x4000, $0x38;
	[tilespmem:$0x1D800] =	vst v63  }
0x63: {  	_ =	swait.ge [sflag:s24], $0x4000  }
0x64: {  	[sflag:s24] =	ssyncset.done $0x0  }
0x65: {  	s28 =	simm.s32 $0x280;
	[sflag:s24] =	ssyncadd.s32 $0xFFFFC000  }
0x66: {  	[tilespmem:s8], [sflag:$0x4] =	stream.indirect.gather [hbm4b:s20+s0], $0x80, s28, s0, $0xb8;
	[tilespmem:$0x1D800] =	vst v63  }
0x67: {  	_ =	swait.ge [sflag:s25], $0x4000  }
0x68: {  	s19 =	sld [smem:$0x7F5]  }
0x69: {  	[sflag:s25] =	ssyncset.done $0x0  }
0x6a: {  	s9 =	simm.s32 $0xC;
	[sflag:s25] =	ssyncadd.s32 $0xFFFFC000  }
0x6b: {  	[hbm4b:s19+s1] =	stream.linear.scatter [tilespmem:s12], [sflag:$0xD], $0x4000, $0x38;
	[tilespmem:$0x1D800] =	vst v63  }
0x6c: {  	_ =	swait.ge [sflag:s9], $0x4000  }
0x6d: {  	[sflag:s9] =	ssyncset.done $0x0  }
0x6e: {  	s19 =	simm.s32 $0xE80;
	[sflag:s9] =	ssyncadd.s32 $0xFFFFC000  }
0x6f: {  	[tilespmem:s10], [sflag:$0x5] =	stream.indirect.gather [hbm4b:s23+s0], $0x80, s19, s0, $0xb8;
	[tilespmem:$0x1D800] =	vst v63  }
0x70: {  	_ =	swait.ge [sflag:s11], $0x4000  }
0x71: {  	s26 =	sld [smem:$0x7F6]  }
0x72: {  	[sflag:s11] =	ssyncset.done $0x0  }
0x73: {  	[sflag:s11] =	ssyncadd.s32 $0xFFFFC000  }
0x74: {  	[hbm4b:s26+s1] =	stream.linear.scatter [tilespmem:s15], [sflag:$0xE], $0x4000, $0x38;
	[tilespmem:$0x1D800] =	vst v63  }
0x75: {  	s26 =	simm.s32 $0xD  }
0x76: {  	_ =	swait.ge [sflag:s26], $0x4000  }
0x77: {  	[sflag:s26] =	ssyncset.done $0x0  }
0x78: {  	s28 =	simm.s32 $0x300;
	[sflag:s26] =	ssyncadd.s32 $0xFFFFC000  }
0x79: {  	[tilespmem:s12], [sflag:$0x6] =	stream.indirect.gather [hbm4b:s20+s0], $0x80, s28, s0, $0xb8;
	[tilespmem:$0x1D800] =	vst v63  }
0x7a: {  	_ =	swait.ge [sflag:s13], $0x4000  }
0x7b: {  	s28 =	sld [smem:$0x7F7]  }
0x7c: {  	[sflag:s13] =	ssyncset.done $0x0  }
0x7d: {  	s19 =	simm.s32 $0xE;
	[sflag:s13] =	ssyncadd.s32 $0xFFFFC000  }
0x7e: {  	[hbm4b:s28+s1] =	stream.linear.scatter [tilespmem:s4], [sflag:$0x8], $0x4000, $0x38;
	[tilespmem:$0x1D800] =	vst v63  }
0x7f: {  	_ =	swait.ge [sflag:s19], $0x4000  }
0x80: {  	[sflag:s19] =	ssyncset.done $0x0  }
0x81: {  	s28 =	simm.s32 $0xF00;
	[sflag:s19] =	ssyncadd.s32 $0xFFFFC000  }
0x82: {  	[tilespmem:s15], [sflag:$0x7] =	stream.indirect.gather [hbm4b:s23+s0], $0x80, s28, s0, $0xb8;
	[tilespmem:$0x1D800] =	vst v63  }
0x83: {  	_ =	swait.ge [sflag:s16], $0x4000  }
0x84: {  	s28 =	sld [smem:$0x7F8]  }
0x85: {  	[sflag:s16] =	ssyncset.done $0x0  }
0x86: {  	[sflag:s16] =	ssyncadd.s32 $0xFFFFC000  }
0x87: {  	[hbm4b:s28+s1] =	stream.linear.scatter [tilespmem:s5], [sflag:$0x9], $0x4000, $0x38;
	[tilespmem:$0x1D800] =	vst v63  }
0x88: {  	_ =	swait.ge [sflag:s18], $0x4000  }
0x89: {  	s28 =	sld [smem:$0x7F9]  }
0x8a: {  	[sflag:s18] =	ssyncset.done $0x0  }
0x8b: {  	[sflag:s18] =	ssyncadd.s32 $0xFFFFC000  }
0x8c: {  	[hbm4b:s28+s1] =	stream.linear.scatter [tilespmem:s6], [sflag:$0xA], $0x4000, $0x38;
	[tilespmem:$0x1D800] =	vst v63  }
0x8d: {  	_ =	swait.ge [sflag:s21], $0x4000  }
0x8e: {  	s28 =	sld [smem:$0x7FA]  }
0x8f: {  	[sflag:s21] =	ssyncset.done $0x0  }
0x90: {  	[sflag:s21] =	ssyncadd.s32 $0xFFFFC000  }
0x91: {  	[hbm4b:s28+s1] =	stream.linear.scatter [tilespmem:s8], [sflag:$0xB], $0x4000, $0x38;
	[tilespmem:$0x1D800] =	vst v63  }
0x92: {  	_ =	swait.ge [sflag:s7], $0x4000  }
0x93: {  	s28 =	sld [smem:$0x7FB]  }
0x94: {  	[sflag:s7] =	ssyncset.done $0x0  }
0x95: {  	[sflag:s7] =	ssyncadd.s32 $0xFFFFC000  }
0x96: {  	[hbm4b:s28+s1] =	stream.linear.scatter [tilespmem:s10], [sflag:$0xC], $0x4000, $0x38;
	[tilespmem:$0x1D800] =	vst v63  }
0x97: {  	_ =	swait.ge [sflag:s25], $0x4000  }
0x98: {  	s28 =	sld [smem:$0x7FC]  }
0x99: {  	[sflag:s25] =	ssyncset.done $0x0  }
0x9a: {  	[sflag:s25] =	ssyncadd.s32 $0xFFFFC000  }
0x9b: {  	[hbm4b:s28+s1] =	stream.linear.scatter [tilespmem:s12], [sflag:$0xD], $0x4000, $0x38;
	[tilespmem:$0x1D800] =	vst v63  }
0x9c: {  	_ =	swait.ge [sflag:s11], $0x4000  }
0x9d: {  	s28 =	sld [smem:$0x7FD]  }
0x9e: {  	[sflag:s11] =	ssyncset.done $0x0  }
0x9f: {  	[sflag:s11] =	ssyncadd.s32 $0xFFFFC000  }
0xa0: {  	[hbm4b:s28+s1] =	stream.linear.scatter [tilespmem:s15], [sflag:$0xE], $0x4000, $0x38;
	[tilespmem:$0x1D800] =	vst v63  }
.LBB2_4:
0xa1: {  	_ =	swait.ge [sflag:s14], $0x4000  }
0xa2: {  	[sflag:s14] =	ssyncset.done $0x0  }
0xa3: {  	[sflag:s14] =	ssyncadd.s32 $0xFFFFC000  }
0xa4: {  	_ =	swait.ge [sflag:s17], $0x4000  }
0xa5: {  	[sflag:s17] =	ssyncset.done $0x0  }
0xa6: {  	[sflag:s17] =	ssyncadd.s32 $0xFFFFC000  }
0xa7: {  	_ =	swait.ge [sflag:s22], $0x4000  }
0xa8: {  	[sflag:s22] =	ssyncset.done $0x0  }
0xa9: {  	[sflag:s22] =	ssyncadd.s32 $0xFFFFC000  }
0xaa: {  	_ =	swait.ge [sflag:s24], $0x4000  }
0xab: {  	[sflag:s24] =	ssyncset.done $0x0  }
0xac: {  	[sflag:s24] =	ssyncadd.s32 $0xFFFFC000  }
0xad: {  	_ =	swait.ge [sflag:s9], $0x4000  }
0xae: {  	[sflag:s9] =	ssyncset.done $0x0  }
0xaf: {  	s29 =	sadd.s32 $0xFFFFFFFF, s29;
	[sflag:s9] =	ssyncadd.s32 $0xFFFFC000  }
0xb0: {  	p1 =	sne.s32 s29, $0x0;
	_ =	swait.ge [sflag:s26], $0x4000  }
.Ltmp1:
0xb1: {  	[sflag:s26] =	ssyncset.done $0x0;
	(pc) =	sbr.rel @!p1 .LBB2_5-.Ltmp1, $4  }
0xb2: {  	[sflag:s26] =	ssyncadd.s32 $0xFFFFC000  }
0xb3: {  	_ =	swait.ge [sflag:s19], $0x4000  }
0xb4: {  	[sflag:s19] =	ssyncset.done $0x0  }
0xb5: {  	[sflag:s19] =	ssyncadd.s32 $0xFFFFC000  }
.LBB2_1:
0xb6: {  	[tilespmem:s1], [sflag:$0xF] =	stream.linear.gather [hbm4b:s2+s1], $0x900, $0x38;
	[tilespmem:$0x1D800] =	vst v63  }
0xb7: {  	_ =	swait.ge [sflag:s30], $0x900  }
0xb8: {  	[sflag:s30] =	ssyncset.done $0x0  }
0xb9: {  	[sflag:s30] =	ssyncadd.s32 $0xFFFFF700  }
0xba: {  	[tilespmem:s31], [sflag:$0xF] =	stream.linear.gather [hbm4b:s3+s1], $0x900, $0x38;
	[tilespmem:$0x1D800] =	vst v63  }
0xbb: {  	_ =	swait.ge [sflag:s30], $0x900  }
0xbc: {  	[sflag:s30] =	ssyncset.done $0x0  }
0xbd: {  	[sflag:s30] =	ssyncadd.s32 $0xFFFFF700  }
0xbe: {  	[tilespmem:s4], [sflag:$0x1] =	stream.indirect.gather [hbm4b:s20+s0], $0x80, s1, s0, $0xb8;
	[tilespmem:$0x1D800] =	vst v63  }
0xbf: {  	_ = 	snop  }
0xc0: {  	[tilespmem:s5], [sflag:$0x2] =	stream.indirect.gather [hbm4b:s23+s0], $0x80, s31, s0, $0xb8;
	[tilespmem:$0x1D800] =	vst v63  }
0xc1: {  	_ = 	snop  }
0xc2: {  	[tilespmem:s6], [sflag:$0x3] =	stream.indirect.gather [hbm4b:s20+s0], $0x80, s0, s0, $0xb8;
	[tilespmem:$0x1D800] =	vst v63  }
0xc3: {  	s9 =	simm.s32 $0xC80  }
0xc4: {  	[tilespmem:s8], [sflag:$0x4] =	stream.indirect.gather [hbm4b:s23+s0], $0x80, s9, s0, $0xb8;
	[tilespmem:$0x1D800] =	vst v63  }
0xc5: {  	s26 =	simm.s32 $0x100  }
0xc6: {  	[tilespmem:s10], [sflag:$0x5] =	stream.indirect.gather [hbm4b:s20+s0], $0x80, s26, s0, $0xb8;
	[tilespmem:$0x1D800] =	vst v63  }
.Ltmp2:
0xc7: {  	s28 =	simm.s32 $0xD00;
	(pc) =	sbr.rel @p0 .LBB2_3-.Ltmp2, $4  }
0xc8: {  	[tilespmem:s12], [sflag:$0x6] =	stream.indirect.gather [hbm4b:s23+s0], $0x80, s28, s0, $0xb8;
	[tilespmem:$0x1D800] =	vst v63  }
0xc9: {  	_ =	swait.ge [sflag:s13], $0x4000  }
0xca: {  	[sflag:s13] =	ssyncset.done $0x0  }
0xcb: {  	[sflag:s13] =	ssyncadd.s32 $0xFFFFC000  }
0xcc: {  	s9 =	rddreg [dreg:$0x5]  }
0xcd: {  	[hbm4b:s9+s1] =	stream.linear.scatter [tilespmem:s4], [sflag:$0x8], $0x4000, $0x38;
	[tilespmem:$0x1D800] =	vst v63  }
0xce: {  	s28 =	simm.s32 $0x180  }
0xcf: {  	[tilespmem:s15], [sflag:$0x7] =	stream.indirect.gather [hbm4b:s20+s0], $0x80, s28, s0, $0xb8;
	[tilespmem:$0x1D800] =	vst v63  }
0xd0: {  	_ =	swait.ge [sflag:s16], $0x4000  }
0xd1: {  	[sflag:s16] =	ssyncset.done $0x0  }
0xd2: {  	s19 =	simm.s32 $0x8;
	s14 =	rddreg [dreg:$0x6];
	[sflag:s16] =	ssyncadd.s32 $0xFFFFC000  }
0xd3: {  	[hbm4b:s14+s1] =	stream.linear.scatter [tilespmem:s5], [sflag:$0x9], $0x4000, $0x38;
	[tilespmem:$0x1D800] =	vst v63  }
0xd4: {  	_ =	swait.ge [sflag:s19], $0x4000  }
0xd5: {  	[sflag:s19] =	ssyncset.done $0x0  }
0xd6: {  	s17 =	simm.s32 $0xD80;
	[sflag:s19] =	ssyncadd.s32 $0xFFFFC000  }
0xd7: {  	[tilespmem:s4], [sflag:$0x1] =	stream.indirect.gather [hbm4b:s23+s0], $0x80, s17, s0, $0xb8;
	[tilespmem:$0x1D800] =	vst v63  }
0xd8: {  	_ =	swait.ge [sflag:s18], $0x4000  }
0xd9: {  	[sflag:s18] =	ssyncset.done $0x0  }
0xda: {  	s14 =	simm.s32 $0x9;
	s22 =	rddreg [dreg:$0x7];
	[sflag:s18] =	ssyncadd.s32 $0xFFFFC000  }
0xdb: {  	[hbm4b:s22+s1] =	stream.linear.scatter [tilespmem:s6], [sflag:$0xA], $0x4000, $0x38;
	[tilespmem:$0x1D800] =	vst v63  }
0xdc: {  	_ =	swait.ge [sflag:s14], $0x4000  }
0xdd: {  	[sflag:s14] =	ssyncset.done $0x0  }
0xde: {  	s24 =	simm.s32 $0x200;
	[sflag:s14] =	ssyncadd.s32 $0xFFFFC000  }
0xdf: {  	[tilespmem:s5], [sflag:$0x2] =	stream.indirect.gather [hbm4b:s20+s0], $0x80, s24, s0, $0xb8;
	[tilespmem:$0x1D800] =	vst v63  }
0xe0: {  	_ =	swait.ge [sflag:s21], $0x4000  }
0xe1: {  	[sflag:s21] =	ssyncset.done $0x0  }
0xe2: {  	s17 =	simm.s32 $0xA;
	s26 =	rddreg [dreg:$0x8];
	[sflag:s21] =	ssyncadd.s32 $0xFFFFC000  }
0xe3: {  	[hbm4b:s26+s1] =	stream.linear.scatter [tilespmem:s8], [sflag:$0xB], $0x4000, $0x38;
	[tilespmem:$0x1D800] =	vst v63  }
0xe4: {  	_ =	swait.ge [sflag:s17], $0x4000  }
0xe5: {  	[sflag:s17] =	ssyncset.done $0x0  }
0xe6: {  	s28 =	simm.s32 $0xE00;
	[sflag:s17] =	ssyncadd.s32 $0xFFFFC000  }
0xe7: {  	[tilespmem:s6], [sflag:$0x3] =	stream.indirect.gather [hbm4b:s23+s0], $0x80, s28, s0, $0xb8;
	[tilespmem:$0x1D800] =	vst v63  }
0xe8: {  	_ =	swait.ge [sflag:s7], $0x4000  }
0xe9: {  	[sflag:s7] =	ssyncset.done $0x0  }
0xea: {  	s22 =	rddreg [dreg:$0x9];
	[sflag:s7] =	ssyncadd.s32 $0xFFFFC000  }
0xeb: {  	[hbm4b:s22+s1] =	stream.linear.scatter [tilespmem:s10], [sflag:$0xC], $0x4000, $0x38;
	[tilespmem:$0x1D800] =	vst v63  }
0xec: {  	s22 =	simm.s32 $0xB  }
0xed: {  	_ =	swait.ge [sflag:s22], $0x4000  }
0xee: {  	[sflag:s22] =	ssyncset.done $0x0  }
0xef: {  	s24 =	simm.s32 $0x280;
	[sflag:s22] =	ssyncadd.s32 $0xFFFFC000  }
0xf0: {  	[tilespmem:s8], [sflag:$0x4] =	stream.indirect.gather [hbm4b:s20+s0], $0x80, s24, s0, $0xb8;
	[tilespmem:$0x1D800] =	vst v63  }
0xf1: {  	_ =	swait.ge [sflag:s25], $0x4000  }
0xf2: {  	[sflag:s25] =	ssyncset.done $0x0  }
0xf3: {  	s24 =	simm.s32 $0xC;
	s26 =	rddreg [dreg:$0xa];
	[sflag:s25] =	ssyncadd.s32 $0xFFFFC000  }
0xf4: {  	[hbm4b:s26+s1] =	stream.linear.scatter [tilespmem:s12], [sflag:$0xD], $0x4000, $0x38;
	[tilespmem:$0x1D800] =	vst v63  }
0xf5: {  	_ =	swait.ge [sflag:s24], $0x4000  }
0xf6: {  	[sflag:s24] =	ssyncset.done $0x0  }
0xf7: {  	s28 =	simm.s32 $0xE80;
	[sflag:s24] =	ssyncadd.s32 $0xFFFFC000  }
0xf8: {  	[tilespmem:s10], [sflag:$0x5] =	stream.indirect.gather [hbm4b:s23+s0], $0x80, s28, s0, $0xb8;
	[tilespmem:$0x1D800] =	vst v63  }
0xf9: {  	_ =	swait.ge [sflag:s11], $0x4000  }
0xfa: {  	[sflag:s11] =	ssyncset.done $0x0  }
0xfb: {  	s9 =	simm.s32 $0xD;
	s26 =	rddreg [dreg:$0xb];
	[sflag:s11] =	ssyncadd.s32 $0xFFFFC000  }
0xfc: {  	[hbm4b:s26+s1] =	stream.linear.scatter [tilespmem:s15], [sflag:$0xE], $0x4000, $0x38;
	[tilespmem:$0x1D800] =	vst v63  }
0xfd: {  	_ =	swait.ge [sflag:s9], $0x4000  }
0xfe: {  	[sflag:s9] =	ssyncset.done $0x0  }
0xff: {  	s26 =	simm.s32 $0x300;
	[sflag:s9] =	ssyncadd.s32 $0xFFFFC000  }
0x100: {  	[tilespmem:s12], [sflag:$0x6] =	stream.indirect.gather [hbm4b:s20+s0], $0x80, s26, s0, $0xb8;
	[tilespmem:$0x1D800] =	vst v63  }
0x101: {  	_ =	swait.ge [sflag:s13], $0x4000  }
0x102: {  	[sflag:s13] =	ssyncset.done $0x0  }
0x103: {  	s26 =	simm.s32 $0xE;
	s28 =	rddreg [dreg:$0xc];
	[sflag:s13] =	ssyncadd.s32 $0xFFFFC000  }
0x104: {  	[hbm4b:s28+s1] =	stream.linear.scatter [tilespmem:s4], [sflag:$0x8], $0x4000, $0x38;
	[tilespmem:$0x1D800] =	vst v63  }
0x105: {  	_ =	swait.ge [sflag:s26], $0x4000  }
0x106: {  	[sflag:s26] =	ssyncset.done $0x0  }
0x107: {  	s28 =	simm.s32 $0xF00;
	[sflag:s26] =	ssyncadd.s32 $0xFFFFC000  }
0x108: {  	[tilespmem:s15], [sflag:$0x7] =	stream.indirect.gather [hbm4b:s23+s0], $0x80, s28, s0, $0xb8;
	[tilespmem:$0x1D800] =	vst v63  }
0x109: {  	_ =	swait.ge [sflag:s16], $0x4000  }
0x10a: {  	[sflag:s16] =	ssyncset.done $0x0  }
0x10b: {  	s28 =	rddreg [dreg:$0xd];
	[sflag:s16] =	ssyncadd.s32 $0xFFFFC000  }
0x10c: {  	[hbm4b:s28+s1] =	stream.linear.scatter [tilespmem:s5], [sflag:$0x9], $0x4000, $0x38;
	[tilespmem:$0x1D800] =	vst v63  }
0x10d: {  	_ =	swait.ge [sflag:s19], $0x4000  }
0x10e: {  	[sflag:s19] =	ssyncset.done $0x0  }
0x10f: {  	s28 =	simm.s32 $0x380;
	[sflag:s19] =	ssyncadd.s32 $0xFFFFC000  }
0x110: {  	[tilespmem:s4], [sflag:$0x1] =	stream.indirect.gather [hbm4b:s20+s0], $0x80, s28, s0, $0xb8;
	[tilespmem:$0x1D800] =	vst v63  }
0x111: {  	_ =	swait.ge [sflag:s18], $0x4000  }
0x112: {  	[sflag:s18] =	ssyncset.done $0x0  }
0x113: {  	s28 =	rddreg [dreg:$0xe];
	[sflag:s18] =	ssyncadd.s32 $0xFFFFC000  }
0x114: {  	[hbm4b:s28+s1] =	stream.linear.scatter [tilespmem:s6], [sflag:$0xA], $0x4000, $0x38;
	[tilespmem:$0x1D800] =	vst v63  }
0x115: {  	_ =	swait.ge [sflag:s14], $0x4000  }
0x116: {  	[sflag:s14] =	ssyncset.done $0x0  }
0x117: {  	s28 =	simm.s32 $0xF80;
	[sflag:s14] =	ssyncadd.s32 $0xFFFFC000  }
0x118: {  	[tilespmem:s5], [sflag:$0x2] =	stream.indirect.gather [hbm4b:s23+s0], $0x80, s28, s0, $0xb8;
	[tilespmem:$0x1D800] =	vst v63  }
0x119: {  	_ =	swait.ge [sflag:s21], $0x4000  }
0x11a: {  	[sflag:s21] =	ssyncset.done $0x0  }
0x11b: {  	s28 =	rddreg [dreg:$0xf];
	[sflag:s21] =	ssyncadd.s32 $0xFFFFC000  }
0x11c: {  	[hbm4b:s28+s1] =	stream.linear.scatter [tilespmem:s8], [sflag:$0xB], $0x4000, $0x38;
	[tilespmem:$0x1D800] =	vst v63  }
0x11d: {  	_ =	swait.ge [sflag:s17], $0x4000  }
0x11e: {  	[sflag:s17] =	ssyncset.done $0x0  }
0x11f: {  	s28 =	simm.s32 $0x400;
	[sflag:s17] =	ssyncadd.s32 $0xFFFFC000  }
0x120: {  	[tilespmem:s6], [sflag:$0x3] =	stream.indirect.gather [hbm4b:s20+s0], $0x80, s28, s0, $0xb8;
	[tilespmem:$0x1D800] =	vst v63  }
0x121: {  	_ =	swait.ge [sflag:s7], $0x4000  }
0x122: {  	[sflag:s7] =	ssyncset.done $0x0  }
0x123: {  	s28 =	rddreg [dreg:$0x10];
	[sflag:s7] =	ssyncadd.s32 $0xFFFFC000  }
0x124: {  	[hbm4b:s28+s1] =	stream.linear.scatter [tilespmem:s10], [sflag:$0xC], $0x4000, $0x38;
	[tilespmem:$0x1D800] =	vst v63  }
0x125: {  	_ =	swait.ge [sflag:s22], $0x4000  }
0x126: {  	[sflag:s22] =	ssyncset.done $0x0  }
0x127: {  	s28 =	simm.s32 $0x1000;
	[sflag:s22] =	ssyncadd.s32 $0xFFFFC000  }
0x128: {  	[tilespmem:s8], [sflag:$0x4] =	stream.indirect.gather [hbm4b:s23+s0], $0x80, s28, s0, $0xb8;
	[tilespmem:$0x1D800] =	vst v63  }
0x129: {  	_ =	swait.ge [sflag:s25], $0x4000  }
0x12a: {  	[sflag:s25] =	ssyncset.done $0x0  }
0x12b: {  	s28 =	rddreg [dreg:$0x11];
	[sflag:s25] =	ssyncadd.s32 $0xFFFFC000  }
0x12c: {  	[hbm4b:s28+s1] =	stream.linear.scatter [tilespmem:s12], [sflag:$0xD], $0x4000, $0x38;
	[tilespmem:$0x1D800] =	vst v63  }
0x12d: {  	_ =	swait.ge [sflag:s24], $0x4000  }
0x12e: {  	[sflag:s24] =	ssyncset.done $0x0  }
0x12f: {  	s28 =	simm.s32 $0x480;
	[sflag:s24] =	ssyncadd.s32 $0xFFFFC000  }
0x130: {  	[tilespmem:s10], [sflag:$0x5] =	stream.indirect.gather [hbm4b:s20+s0], $0x80, s28, s0, $0xb8;
	[tilespmem:$0x1D800] =	vst v63  }
0x131: {  	_ =	swait.ge [sflag:s11], $0x4000  }
0x132: {  	[sflag:s11] =	ssyncset.done $0x0  }
0x133: {  	s28 =	rddreg [dreg:$0x12];
	[sflag:s11] =	ssyncadd.s32 $0xFFFFC000  }
0x134: {  	[hbm4b:s28+s1] =	stream.linear.scatter [tilespmem:s15], [sflag:$0xE], $0x4000, $0x38;
	[tilespmem:$0x1D800] =	vst v63  }
0x135: {  	_ =	swait.ge [sflag:s9], $0x4000  }
0x136: {  	[sflag:s9] =	ssyncset.done $0x0  }
0x137: {  	s28 =	simm.s32 $0x1080;
	[sflag:s9] =	ssyncadd.s32 $0xFFFFC000  }
0x138: {  	[tilespmem:s12], [sflag:$0x6] =	stream.indirect.gather [hbm4b:s23+s0], $0x80, s28, s0, $0xb8;
	[tilespmem:$0x1D800] =	vst v63  }
0x139: {  	_ =	swait.ge [sflag:s13], $0x4000  }
0x13a: {  	[sflag:s13] =	ssyncset.done $0x0  }
0x13b: {  	s28 =	rddreg [dreg:$0x13];
	[sflag:s13] =	ssyncadd.s32 $0xFFFFC000  }
0x13c: {  	[hbm4b:s28+s1] =	stream.linear.scatter [tilespmem:s4], [sflag:$0x8], $0x4000, $0x38;
	[tilespmem:$0x1D800] =	vst v63  }
0x13d: {  	_ =	swait.ge [sflag:s26], $0x4000  }
0x13e: {  	[sflag:s26] =	ssyncset.done $0x0  }
0x13f: {  	s28 =	simm.s32 $0x500;
	[sflag:s26] =	ssyncadd.s32 $0xFFFFC000  }
0x140: {  	[tilespmem:s15], [sflag:$0x7] =	stream.indirect.gather [hbm4b:s20+s0], $0x80, s28, s0, $0xb8;
	[tilespmem:$0x1D800] =	vst v63  }
0x141: {  	_ =	swait.ge [sflag:s16], $0x4000  }
0x142: {  	[sflag:s16] =	ssyncset.done $0x0  }
0x143: {  	s28 =	rddreg [dreg:$0x14];
	[sflag:s16] =	ssyncadd.s32 $0xFFFFC000  }
0x144: {  	[hbm4b:s28+s1] =	stream.linear.scatter [tilespmem:s5], [sflag:$0x9], $0x4000, $0x38;
	[tilespmem:$0x1D800] =	vst v63  }
0x145: {  	_ =	swait.ge [sflag:s19], $0x4000  }
0x146: {  	[sflag:s19] =	ssyncset.done $0x0  }
0x147: {  	s28 =	simm.s32 $0x1100;
	[sflag:s19] =	ssyncadd.s32 $0xFFFFC000  }
0x148: {  	[tilespmem:s4], [sflag:$0x1] =	stream.indirect.gather [hbm4b:s23+s0], $0x80, s28, s0, $0xb8;
	[tilespmem:$0x1D800] =	vst v63  }
0x149: {  	_ =	swait.ge [sflag:s18], $0x4000  }
0x14a: {  	[sflag:s18] =	ssyncset.done $0x0  }
0x14b: {  	s28 =	rddreg [dreg:$0x15];
	[sflag:s18] =	ssyncadd.s32 $0xFFFFC000  }
0x14c: {  	[hbm4b:s28+s1] =	stream.linear.scatter [tilespmem:s6], [sflag:$0xA], $0x4000, $0x38;
	[tilespmem:$0x1D800] =	vst v63  }
0x14d: {  	_ =	swait.ge [sflag:s14], $0x4000  }
0x14e: {  	[sflag:s14] =	ssyncset.done $0x0  }
0x14f: {  	s28 =	simm.s32 $0x580;
	[sflag:s14] =	ssyncadd.s32 $0xFFFFC000  }
0x150: {  	[tilespmem:s5], [sflag:$0x2] =	stream.indirect.gather [hbm4b:s20+s0], $0x80, s28, s0, $0xb8;
	[tilespmem:$0x1D800] =	vst v63  }
0x151: {  	_ =	swait.ge [sflag:s21], $0x4000  }
0x152: {  	[sflag:s21] =	ssyncset.done $0x0  }
0x153: {  	s28 =	rddreg [dreg:$0x16];
	[sflag:s21] =	ssyncadd.s32 $0xFFFFC000  }
0x154: {  	[hbm4b:s28+s1] =	stream.linear.scatter [tilespmem:s8], [sflag:$0xB], $0x4000, $0x38;
	[tilespmem:$0x1D800] =	vst v63  }
0x155: {  	_ =	swait.ge [sflag:s17], $0x4000  }
0x156: {  	[sflag:s17] =	ssyncset.done $0x0  }
0x157: {  	s28 =	simm.s32 $0x1180;
	[sflag:s17] =	ssyncadd.s32 $0xFFFFC000  }
0x158: {  	[tilespmem:s6], [sflag:$0x3] =	stream.indirect.gather [hbm4b:s23+s0], $0x80, s28, s0, $0xb8;
	[tilespmem:$0x1D800] =	vst v63  }
0x159: {  	_ =	swait.ge [sflag:s7], $0x4000  }
0x15a: {  	[sflag:s7] =	ssyncset.done $0x0  }
0x15b: {  	s28 =	rddreg [dreg:$0x17];
	[sflag:s7] =	ssyncadd.s32 $0xFFFFC000  }
0x15c: {  	[hbm4b:s28+s1] =	stream.linear.scatter [tilespmem:s10], [sflag:$0xC], $0x4000, $0x38;
	[tilespmem:$0x1D800] =	vst v63  }
0x15d: {  	_ =	swait.ge [sflag:s22], $0x4000  }
0x15e: {  	[sflag:s22] =	ssyncset.done $0x0  }
0x15f: {  	s28 =	simm.s32 $0x600;
	[sflag:s22] =	ssyncadd.s32 $0xFFFFC000  }
0x160: {  	[tilespmem:s8], [sflag:$0x4] =	stream.indirect.gather [hbm4b:s20+s0], $0x80, s28, s0, $0xb8;
	[tilespmem:$0x1D800] =	vst v63  }
0x161: {  	_ =	swait.ge [sflag:s25], $0x4000  }
0x162: {  	[sflag:s25] =	ssyncset.done $0x0  }
0x163: {  	s28 =	rddreg [dreg:$0x18];
	[sflag:s25] =	ssyncadd.s32 $0xFFFFC000  }
0x164: {  	[hbm4b:s28+s1] =	stream.linear.scatter [tilespmem:s12], [sflag:$0xD], $0x4000, $0x38;
	[tilespmem:$0x1D800] =	vst v63  }
0x165: {  	_ =	swait.ge [sflag:s24], $0x4000  }
0x166: {  	[sflag:s24] =	ssyncset.done $0x0  }
0x167: {  	s28 =	simm.s32 $0x1200;
	[sflag:s24] =	ssyncadd.s32 $0xFFFFC000  }
0x168: {  	[tilespmem:s10], [sflag:$0x5] =	stream.indirect.gather [hbm4b:s23+s0], $0x80, s28, s0, $0xb8;
	[tilespmem:$0x1D800] =	vst v63  }
0x169: {  	_ =	swait.ge [sflag:s11], $0x4000  }
0x16a: {  	[sflag:s11] =	ssyncset.done $0x0  }
0x16b: {  	s28 =	rddreg [dreg:$0x19];
	[sflag:s11] =	ssyncadd.s32 $0xFFFFC000  }
0x16c: {  	[hbm4b:s28+s1] =	stream.linear.scatter [tilespmem:s15], [sflag:$0xE], $0x4000, $0x38;
	[tilespmem:$0x1D800] =	vst v63  }
0x16d: {  	_ =	swait.ge [sflag:s9], $0x4000  }
0x16e: {  	[sflag:s9] =	ssyncset.done $0x0  }
0x16f: {  	s28 =	simm.s32 $0x680;
	[sflag:s9] =	ssyncadd.s32 $0xFFFFC000  }
0x170: {  	[tilespmem:s12], [sflag:$0x6] =	stream.indirect.gather [hbm4b:s20+s0], $0x80, s28, s0, $0xb8;
	[tilespmem:$0x1D800] =	vst v63  }
0x171: {  	_ =	swait.ge [sflag:s13], $0x4000  }
0x172: {  	[sflag:s13] =	ssyncset.done $0x0  }
0x173: {  	s28 =	rddreg [dreg:$0x1a];
	[sflag:s13] =	ssyncadd.s32 $0xFFFFC000  }
0x174: {  	[hbm4b:s28+s1] =	stream.linear.scatter [tilespmem:s4], [sflag:$0x8], $0x4000, $0x38;
	[tilespmem:$0x1D800] =	vst v63  }
0x175: {  	_ =	swait.ge [sflag:s26], $0x4000  }
0x176: {  	[sflag:s26] =	ssyncset.done $0x0  }
0x177: {  	s28 =	simm.s32 $0x1280;
	[sflag:s26] =	ssyncadd.s32 $0xFFFFC000  }
0x178: {  	[tilespmem:s15], [sflag:$0x7] =	stream.indirect.gather [hbm4b:s23+s0], $0x80, s28, s0, $0xb8;
	[tilespmem:$0x1D800] =	vst v63  }
0x179: {  	_ =	swait.ge [sflag:s16], $0x4000  }
0x17a: {  	[sflag:s16] =	ssyncset.done $0x0  }
0x17b: {  	s28 =	rddreg [dreg:$0x1b];
	[sflag:s16] =	ssyncadd.s32 $0xFFFFC000  }
0x17c: {  	[hbm4b:s28+s1] =	stream.linear.scatter [tilespmem:s5], [sflag:$0x9], $0x4000, $0x38;
	[tilespmem:$0x1D800] =	vst v63  }
0x17d: {  	_ =	swait.ge [sflag:s19], $0x4000  }
0x17e: {  	[sflag:s19] =	ssyncset.done $0x0  }
0x17f: {  	s28 =	simm.s32 $0x700;
	[sflag:s19] =	ssyncadd.s32 $0xFFFFC000  }
0x180: {  	[tilespmem:s4], [sflag:$0x1] =	stream.indirect.gather [hbm4b:s20+s0], $0x80, s28, s0, $0xb8;
	[tilespmem:$0x1D800] =	vst v63  }
0x181: {  	_ =	swait.ge [sflag:s18], $0x4000  }
0x182: {  	[sflag:s18] =	ssyncset.done $0x0  }
0x183: {  	s28 =	rddreg [dreg:$0x1c];
	[sflag:s18] =	ssyncadd.s32 $0xFFFFC000  }
0x184: {  	[hbm4b:s28+s1] =	stream.linear.scatter [tilespmem:s6], [sflag:$0xA], $0x4000, $0x38;
	[tilespmem:$0x1D800] =	vst v63  }
0x185: {  	_ =	swait.ge [sflag:s14], $0x4000  }
0x186: {  	[sflag:s14] =	ssyncset.done $0x0  }
0x187: {  	s28 =	simm.s32 $0x1300;
	[sflag:s14] =	ssyncadd.s32 $0xFFFFC000  }
0x188: {  	[tilespmem:s5], [sflag:$0x2] =	stream.indirect.gather [hbm4b:s23+s0], $0x80, s28, s0, $0xb8;
	[tilespmem:$0x1D800] =	vst v63  }
0x189: {  	_ =	swait.ge [sflag:s21], $0x4000  }
0x18a: {  	[sflag:s21] =	ssyncset.done $0x0  }
0x18b: {  	s28 =	rddreg [dreg:$0x1d];
	[sflag:s21] =	ssyncadd.s32 $0xFFFFC000  }
0x18c: {  	[hbm4b:s28+s1] =	stream.linear.scatter [tilespmem:s8], [sflag:$0xB], $0x4000, $0x38;
	[tilespmem:$0x1D800] =	vst v63  }
0x18d: {  	_ =	swait.ge [sflag:s17], $0x4000  }
0x18e: {  	[sflag:s17] =	ssyncset.done $0x0  }
0x18f: {  	s28 =	simm.s32 $0x780;
	[sflag:s17] =	ssyncadd.s32 $0xFFFFC000  }
0x190: {  	[tilespmem:s6], [sflag:$0x3] =	stream.indirect.gather [hbm4b:s20+s0], $0x80, s28, s0, $0xb8;
	[tilespmem:$0x1D800] =	vst v63  }
0x191: {  	_ =	swait.ge [sflag:s7], $0x4000  }
0x192: {  	[sflag:s7] =	ssyncset.done $0x0  }
0x193: {  	s28 =	rddreg [dreg:$0x1e];
	[sflag:s7] =	ssyncadd.s32 $0xFFFFC000  }
0x194: {  	[hbm4b:s28+s1] =	stream.linear.scatter [tilespmem:s10], [sflag:$0xC], $0x4000, $0x38;
	[tilespmem:$0x1D800] =	vst v63  }
0x195: {  	_ =	swait.ge [sflag:s22], $0x4000  }
0x196: {  	[sflag:s22] =	ssyncset.done $0x0  }
0x197: {  	s28 =	simm.s32 $0x1380;
	[sflag:s22] =	ssyncadd.s32 $0xFFFFC000  }
0x198: {  	[tilespmem:s8], [sflag:$0x4] =	stream.indirect.gather [hbm4b:s23+s0], $0x80, s28, s0, $0xb8;
	[tilespmem:$0x1D800] =	vst v63  }
0x199: {  	_ =	swait.ge [sflag:s25], $0x4000  }
0x19a: {  	[sflag:s25] =	ssyncset.done $0x0  }
0x19b: {  	s28 =	rddreg [dreg:$0x1f];
	[sflag:s25] =	ssyncadd.s32 $0xFFFFC000  }
0x19c: {  	[hbm4b:s28+s1] =	stream.linear.scatter [tilespmem:s12], [sflag:$0xD], $0x4000, $0x38;
	[tilespmem:$0x1D800] =	vst v63  }
0x19d: {  	_ =	swait.ge [sflag:s24], $0x4000  }
0x19e: {  	[sflag:s24] =	ssyncset.done $0x0  }
0x19f: {  	s28 =	simm.s32 $0x800;
	[sflag:s24] =	ssyncadd.s32 $0xFFFFC000  }
0x1a0: {  	[tilespmem:s10], [sflag:$0x5] =	stream.indirect.gather [hbm4b:s20+s0], $0x80, s28, s0, $0xb8;
	[tilespmem:$0x1D800] =	vst v63  }
0x1a1: {  	_ =	swait.ge [sflag:s11], $0x4000  }
0x1a2: {  	s28 =	sld [smem:$0x7E7]  }
0x1a3: {  	[sflag:s11] =	ssyncset.done $0x0  }
0x1a4: {  	[sflag:s11] =	ssyncadd.s32 $0xFFFFC000  }
0x1a5: {  	[hbm4b:s28+s1] =	stream.linear.scatter [tilespmem:s15], [sflag:$0xE], $0x4000, $0x38;
	[tilespmem:$0x1D800] =	vst v63  }
0x1a6: {  	_ =	swait.ge [sflag:s9], $0x4000  }
0x1a7: {  	[sflag:s9] =	ssyncset.done $0x0  }
0x1a8: {  	s28 =	simm.s32 $0x1400;
	[sflag:s9] =	ssyncadd.s32 $0xFFFFC000  }
0x1a9: {  	[tilespmem:s12], [sflag:$0x6] =	stream.indirect.gather [hbm4b:s23+s0], $0x80, s28, s0, $0xb8;
	[tilespmem:$0x1D800] =	vst v63  }
0x1aa: {  	_ =	swait.ge [sflag:s13], $0x4000  }
0x1ab: {  	s28 =	sld [smem:$0x7E8]  }
0x1ac: {  	[sflag:s13] =	ssyncset.done $0x0  }
0x1ad: {  	[sflag:s13] =	ssyncadd.s32 $0xFFFFC000  }
0x1ae: {  	[hbm4b:s28+s1] =	stream.linear.scatter [tilespmem:s4], [sflag:$0x8], $0x4000, $0x38;
	[tilespmem:$0x1D800] =	vst v63  }
0x1af: {  	_ =	swait.ge [sflag:s26], $0x4000  }
0x1b0: {  	[sflag:s26] =	ssyncset.done $0x0  }
0x1b1: {  	s28 =	simm.s32 $0x880;
	[sflag:s26] =	ssyncadd.s32 $0xFFFFC000  }
0x1b2: {  	[tilespmem:s15], [sflag:$0x7] =	stream.indirect.gather [hbm4b:s20+s0], $0x80, s28, s0, $0xb8;
	[tilespmem:$0x1D800] =	vst v63  }
0x1b3: {  	_ =	swait.ge [sflag:s16], $0x4000  }
0x1b4: {  	s28 =	sld [smem:$0x7E9]  }
0x1b5: {  	[sflag:s16] =	ssyncset.done $0x0  }
0x1b6: {  	[sflag:s16] =	ssyncadd.s32 $0xFFFFC000  }
0x1b7: {  	[hbm4b:s28+s1] =	stream.linear.scatter [tilespmem:s5], [sflag:$0x9], $0x4000, $0x38;
	[tilespmem:$0x1D800] =	vst v63  }
0x1b8: {  	_ =	swait.ge [sflag:s19], $0x4000  }
0x1b9: {  	[sflag:s19] =	ssyncset.done $0x0  }
0x1ba: {  	s28 =	simm.s32 $0x1480;
	[sflag:s19] =	ssyncadd.s32 $0xFFFFC000  }
0x1bb: {  	[tilespmem:s4], [sflag:$0x1] =	stream.indirect.gather [hbm4b:s23+s0], $0x80, s28, s0, $0xb8;
	[tilespmem:$0x1D800] =	vst v63  }
0x1bc: {  	_ =	swait.ge [sflag:s18], $0x4000  }
0x1bd: {  	s28 =	sld [smem:$0x7EA]  }
0x1be: {  	[sflag:s18] =	ssyncset.done $0x0  }
0x1bf: {  	[sflag:s18] =	ssyncadd.s32 $0xFFFFC000  }
0x1c0: {  	[hbm4b:s28+s1] =	stream.linear.scatter [tilespmem:s6], [sflag:$0xA], $0x4000, $0x38;
	[tilespmem:$0x1D800] =	vst v63  }
0x1c1: {  	_ =	swait.ge [sflag:s21], $0x4000  }
0x1c2: {  	s28 =	sld [smem:$0x7EB]  }
0x1c3: {  	[sflag:s21] =	ssyncset.done $0x0  }
0x1c4: {  	[sflag:s21] =	ssyncadd.s32 $0xFFFFC000  }
0x1c5: {  	[hbm4b:s28+s1] =	stream.linear.scatter [tilespmem:s8], [sflag:$0xB], $0x4000, $0x38;
	[tilespmem:$0x1D800] =	vst v63  }
0x1c6: {  	_ =	swait.ge [sflag:s7], $0x4000  }
0x1c7: {  	s28 =	sld [smem:$0x7EC]  }
0x1c8: {  	[sflag:s7] =	ssyncset.done $0x0  }
0x1c9: {  	[sflag:s7] =	ssyncadd.s32 $0xFFFFC000  }
0x1ca: {  	[hbm4b:s28+s1] =	stream.linear.scatter [tilespmem:s10], [sflag:$0xC], $0x4000, $0x38;
	[tilespmem:$0x1D800] =	vst v63  }
0x1cb: {  	_ =	swait.ge [sflag:s25], $0x4000  }
0x1cc: {  	s28 =	sld [smem:$0x7ED]  }
0x1cd: {  	[sflag:s25] =	ssyncset.done $0x0  }
0x1ce: {  	[sflag:s25] =	ssyncadd.s32 $0xFFFFC000  }
0x1cf: {  	[hbm4b:s28+s1] =	stream.linear.scatter [tilespmem:s12], [sflag:$0xD], $0x4000, $0x38;
	[tilespmem:$0x1D800] =	vst v63  }
0x1d0: {  	_ =	swait.ge [sflag:s11], $0x4000  }
0x1d1: {  	s28 =	sld [smem:$0x7EE]  }
0x1d2: {  	[sflag:s11] =	ssyncset.done $0x0  }
0x1d3: {  	[sflag:s11] =	ssyncadd.s32 $0xFFFFC000  }
0x1d4: {  	[hbm4b:s28+s1] =	stream.linear.scatter [tilespmem:s15], [sflag:$0xE], $0x4000, $0x38;
	[tilespmem:$0x1D800] =	vst v63  }
.Ltmp3:
0x1d5: {  	_ =	swait.ge [sflag:s13], $0x4000;
	(pc) =	sbr.rel .LBB2_4-.Ltmp3, $4  }
0x1d6: {  	s28 =	sld [smem:$0x7EF]  }
0x1d7: {  	[sflag:s13] =	ssyncset.done $0x0  }
0x1d8: {  	[sflag:s13] =	ssyncadd.s32 $0xFFFFC000  }
0x1d9: {  	[hbm4b:s28+s1] =	stream.linear.scatter [tilespmem:s4], [sflag:$0x8], $0x4000, $0x38;
	[tilespmem:$0x1D800] =	vst v63  }
.LBB2_5:
0x1da: {  	_ =	sfence.sel $0x180000  }
0x1db: {  	[bflag:$0x0] =	sbarrier.arrive $0xFFFF  }
0x1dc: {  	_ =	strace $0x90000047  }
0x1dd: {  	s0 =	stileid.u32;
	[bflag:$0x2] =	sbarrier.arrive $0xFFFF  }
0x1de: {  	p0 =	sne.s32 s0, $0x0;
	s0 =	rddreg [dreg:$0x4]  }
0x1df: {  	s0 =	sadd.s32 @!p0 $0x100000, s0  }
0x1e0: {  	[sflag:s0] =	ssyncadd.tile.s32 @!p0 $0x1;
	_ =	shalt  }
.Lfunc_end2:
_tile_overlayer_lowered:
.L_overlay_start_2:
0x1e1: {  	(tag) =	ssettag $0x2  }
0x1e2: {  	s0 =	rddreg [dreg:$0x0];
	s2 =	stileid.u32  }
0x1e3: {  	s1 =	rddreg [dreg:$0x1];
	p0 =	sne.s32 s2, $0x0  }
0x1e4: {  	s3 =	rddreg [dreg:$0x2];
	[bflag:$0x3] =	sbarrier.arrive $0xFFFF;
	s2 =	simm.s32 @!p0 $0x1C0F  }
0x1e5: {  	[timem:s3], [sflag:s2] =	dma.local @!p0 [hbm:s0], s1  }
0x1e6: {  	s0 =	simm.s32 @!p0 $0xF  }
0x1e7: {  	_ =	swait.ge @!p0 [sflag:s0], s1  }
0x1e8: {  	s1 =	ssub.s32 @!p0 $0x0, s1;
	[sflag:s0] =	ssyncset.done @!p0 $0x0  }
0x1e9: {  	[sflag:s0] =	ssyncadd.s32 @!p0 s1  }
0x1ea: {  	[bflag:$0x3] =	sbarrier.arrive $0xFFFF  }
0x1eb: {  	_ =	shalt  }

</sc_bundles>
